<compile_context>
chip_gen: v7x
topology: tpu7x:2x2x1
jax: 0.10.2.dev20260603
libtpu: 0.0.44.dev20260713+nightly
codegen_flags: <defaults>
</compile_context>

<pallas_src>
import functools

import jax
import jax.numpy as jnp
from jax import lax
from jax.experimental import pallas as pl
from jax.experimental.pallas import tpu as pltpu
from jax.experimental.pallas import tpu_sc as plsc

NC = 2
NS = 16
CH = 128


def _tc_edge_t(w2, xs_t, bias_t, n_edges, d, block):
    grid = n_edges // block
    d2 = d * d

    def body(w_ref, xs_ref, b_ref, o_ref):
        w3 = w_ref[...].reshape(d, d, block)
        xs = xs_ref[...]
        o_ref[...] = (w3 * xs[None, :, :]).sum(axis=1) + b_ref[...]

    return pl.pallas_call(
        body,
        grid=(grid,),
        in_specs=[
            pl.BlockSpec((d2, block), lambda i: (0, i)),
            pl.BlockSpec((d, block), lambda i: (0, i)),
            pl.BlockSpec((d, block), lambda i: (0, i)),
        ],
        out_specs=pl.BlockSpec((d, block), lambda i: (0, i)),
        out_shape=jax.ShapeDtypeStruct((d, n_edges), jnp.float32),
    )(w2, xs_t, bias_t)


def _tc_self_t(w2, x_t, bias_t, n_nodes, d):
    d2 = d * d

    def body(w_ref, x_ref, b_ref, o_ref):
        w3 = w_ref[...].reshape(d, d, n_nodes)
        x = x_ref[...]
        o_ref[...] = (w3 * x[None, :, :]).sum(axis=1) + b_ref[...]

    return pl.pallas_call(
        body,
        grid=(1,),
        in_specs=[
            pl.BlockSpec((d2, n_nodes), lambda i: (0, 0)),
            pl.BlockSpec((d, n_nodes), lambda i: (0, 0)),
            pl.BlockSpec((d, n_nodes), lambda i: (0, 0)),
        ],
        out_specs=pl.BlockSpec((d, n_nodes), lambda i: (0, 0)),
        out_shape=jax.ShapeDtypeStruct((d, n_nodes), jnp.float32),
    )(w2, x_t, bias_t)


def _sc_gather(x_flat, src_idx, n_nodes, n_edges, d):
    nchunk = n_edges // CH
    nw = NC * NS
    jmax = -(-nchunk // nw)
    mesh = plsc.VectorSubcoreMesh(
        core_axis_name="c", subcore_axis_name="s",
        num_cores=NC, num_subcores=NS)

    @functools.partial(
        pl.kernel,
        mesh=mesh,
        out_type=jax.ShapeDtypeStruct((d * n_edges,), jnp.float32),
        scratch_types=(
            [pltpu.VMEM((CH,), jnp.int32)]
            + [pltpu.VMEM((CH,), jnp.int32) for _ in range(d)]
            + [pltpu.VMEM((CH,), jnp.float32) for _ in range(d)]
            + [pltpu.SemaphoreType.DMA, pltpu.SemaphoreType.DMA]
        ),
    )
    def k(x_hbm, src_hbm, out_hbm, *sc):
        sidx = sc[0]
        fidx = sc[1:1 + d]
        rows = sc[1 + d:1 + 2 * d]
        sem_g, sem_o = sc[1 + 2 * d], sc[2 + 2 * d]
        wid = lax.axis_index("s") * NC + lax.axis_index("c")

        def body(j, carry):
            cid = j * nw + wid

            @pl.when(cid < nchunk)
            def _():
                base = cid * CH
                pltpu.sync_copy(src_hbm.at[pl.ds(base, CH)], sidx)
                for k8 in range(CH // 16):
                    sv = sidx[pl.ds(k8 * 16, 16)]
                    for i in range(d):
                        fidx[i][pl.ds(k8 * 16, 16)] = sv + (i * n_nodes)
                gs = [
                    pltpu.async_copy(x_hbm.at[fidx[i]], rows[i], sem_g)
                    for i in range(d)
                ]
                for g in gs:
                    g.wait()
                os_ = [
                    pltpu.async_copy(
                        rows[i],
                        out_hbm.at[pl.ds(i * n_edges + base, CH)],
                        sem_o,
                    )
                    for i in range(d)
                ]
                for o in os_:
                    o.wait()

            return carry

        lax.fori_loop(0, jmax, body, 0)

    return k(x_flat, src_idx)


def _sc_scatter_combine(contrib_flat, dst_pad, self_flat,
                        n_nodes, n_edges_pad, d):
    nchunk = n_edges_pad // CH
    jmax = -(-nchunk // NS)
    words_per_tile = (n_nodes * d) // NS
    mesh = plsc.VectorSubcoreMesh(
        core_axis_name="c", subcore_axis_name="s",
        num_cores=1, num_subcores=NS)

    @functools.partial(
        pl.kernel,
        mesh=mesh,
        out_type=jax.ShapeDtypeStruct((d * n_nodes,), jnp.float32),
        scratch_types=(
            [pltpu.VMEM((CH,), jnp.int32)]
            + [pltpu.VMEM((CH,), jnp.int32) for _ in range(d)]
            + [pltpu.VMEM((CH,), jnp.float32) for _ in range(d)]
            + [pltpu.VMEM((words_per_tile,), jnp.float32),
               pltpu.VMEM((words_per_tile,), jnp.float32),
               pltpu.VMEM_SHARED((d * n_nodes,), jnp.float32),
               pltpu.SemaphoreType.DMA,
               pltpu.SemaphoreType.DMA]
        ),
    )
    def k(co_hbm, dst_hbm, self_hbm, out_hbm, *sc):
        sidx = sc[0]
        fidx = sc[1:1 + d]
        slab = sc[1 + d:1 + 2 * d]
        accv, selfv, acc = sc[1 + 2 * d], sc[2 + 2 * d], sc[3 + 2 * d]
        sem_r, sem_f = sc[4 + 2 * d], sc[5 + 2 * d]
        t = lax.axis_index("s")

        def zero_row(i, carry):
            accv[pl.ds(i * 16, 16)] = jnp.zeros((16,), jnp.float32)
            return carry

        lax.fori_loop(0, words_per_tile // 16, zero_row, 0)
        pltpu.sync_copy(accv, acc.at[pl.ds(t * words_per_tile,
                                           words_per_tile)])
        plsc.subcore_barrier()

        def body(j, carry):
            cid = j * NS + t

            @pl.when(cid < nchunk)
            def _():
                base = cid * CH
                rs = [
                    pltpu.async_copy(
                        co_hbm.at[pl.ds(i * n_edges_pad + base, CH)],
                        slab[i], sem_r)
                    for i in range(d)
                ]
                pltpu.sync_copy(dst_hbm.at[pl.ds(base, CH)], sidx)
                for k8 in range(CH // 16):
                    sv = sidx[pl.ds(k8 * 16, 16)]
                    for i in range(d):
                        fidx[i][pl.ds(k8 * 16, 16)] = sv + (i * n_nodes)
                for r in rs:
                    r.wait()
                ads = [
                    pltpu.async_copy(slab[i], acc.at[fidx[i]], sem_f,
                                     add=True)
                    for i in range(d)
                ]
                for a in ads:
                    a.wait()

            return carry

        lax.fori_loop(0, jmax, body, 0)
        plsc.subcore_barrier()

        w0 = t * words_per_tile
        pltpu.sync_copy(acc.at[pl.ds(w0, words_per_tile)], accv)
        pltpu.sync_copy(self_hbm.at[pl.ds(w0, words_per_tile)], selfv)

        def cg(g, carry):
            v = accv[pl.ds(g * 16, 16)] + selfv[pl.ds(g * 16, 16)]
            accv[pl.ds(g * 16, 16)] = jnp.maximum(v, 0.0)
            return carry

        lax.fori_loop(0, words_per_tile // 16, cg, 0)
        pltpu.sync_copy(accv, out_hbm.at[pl.ds(w0, words_per_tile)])

    return k(contrib_flat, dst_pad, self_flat)


def kernel(x, edge_index, weight_edge, weight_self, bias_edge, bias_self):
    n_nodes, d = x.shape
    n_edges = edge_index.shape[1]

    w2e = weight_edge.transpose(1, 2, 0).reshape(d * d, n_edges)
    w2s = weight_self.transpose(1, 2, 0).reshape(d * d, n_nodes)
    x_t = x.T
    be_t = bias_edge.T
    bs_t = bias_self.T

    src = edge_index[0]
    dst = edge_index[1]

    x_flat = x_t.reshape(d * n_nodes)
    self_t = _tc_self_t(w2s, x_t, bs_t, n_nodes, d)
    self_flat = self_t.reshape(d * n_nodes)

    xsrc_flat = _sc_gather(x_flat, src, n_nodes, n_edges, d)
    xs_t = xsrc_flat.reshape(d, n_edges)
    contrib_t = _tc_edge_t(w2e, xs_t, be_t, n_edges, d, block=6400)

    out_flat = _sc_scatter_combine(contrib_t.reshape(d * n_edges),
                                   dst, self_flat,
                                   n_nodes, n_edges, d)
    return out_flat.reshape(d, n_nodes).T

# --- scband reference (transcript-rebuilt; emitter-appended) ---
"""Pipeline reference for scband-sheaf-conv-layer-8924942041558 (READ-ONLY COPY).

The authoritative reference and input builder live on the scoring server;
editing this copy changes nothing except your own understanding.
"""

import jax, jax.numpy as jnp
import numpy as np

N = 10000
E = 160000
DIN = 16
DOUT = 16


def setup_inputs(seed: int = 0) -> dict:
    key = jax.random.key(seed)
    k1, k2, k3, k4 = jax.random.split(key, 4)
    x = jax.random.normal(k1, (N, DIN), dtype=jnp.float32)
    edge_index = jax.random.randint(k2, (2, E), 0, N, dtype=jnp.int32)
    # kaiming_uniform with a=1.0, mode='fan_in': gain = sqrt(2/(1+a^2)) = 1,
    # fan_in for a (X, out, in) tensor = out*in, bound = gain*sqrt(3/fan_in)
    fan_in = DOUT * DIN
    bound = float(np.sqrt(3.0 / fan_in))
    weight_edge = jax.random.uniform(k3, (E, DOUT, DIN), minval=-bound, maxval=bound, dtype=jnp.float32)
    weight_self = jax.random.uniform(k4, (N, DOUT, DIN), minval=-bound, maxval=bound, dtype=jnp.float32)
    bias_edge = jnp.zeros((E, DOUT), dtype=jnp.float32)
    bias_self = jnp.zeros((N, DOUT), dtype=jnp.float32)
    return {
        "x": x,
        "edge_index": edge_index,
        "weight_edge": weight_edge,
        "weight_self": weight_self,
        "bias_edge": bias_edge,
        "bias_self": bias_self,
    }


def reference(x, edge_index, weight_edge, weight_self, bias_edge, bias_self):
    # self-loop contribution: per-node restriction map on own features
    self_contrib = jnp.einsum('ni,noi->no', x, weight_self) + bias_self
    src = edge_index[0]
    dst = edge_index[1]
    # gather source node features, apply per-edge restriction maps
    x_src = jnp.take(x, src, axis=0)
    edge_contrib = jnp.einsum('ei,eoi->eo', x_src, weight_edge) + bias_edge
    # scatter-add messages to destination nodes
    out = self_contrib.at[dst].add(edge_contrib)
    return jax.nn.relu(out)

if __name__ == "__main__":
    import jax
    _d = setup_inputs()
    print(jax.jit(kernel)(*tuple(_d.values())))

</pallas_src>

<mosaic_0001>
#map = affine_map<(d0, d1) -> (0)>
module attributes {stable_mosaic.version = 14 : i64} {
  func.func @k(%arg0: i32, %arg1: i32, %arg2: memref<2560000xf32, #tpu.memory_space<hbm>>, %arg3: memref<160000xi32, #tpu.memory_space<hbm>>, %arg4: memref<160000xf32, #tpu.memory_space<hbm>>, %arg5: memref<160000xf32, #tpu.memory_space<hbm>>, %arg6: memref<128xi32, #tpu.memory_space<vmem>>, %arg7: memref<128xi32, #tpu.memory_space<vmem>>, %arg8: memref<128xi32, #tpu.memory_space<vmem>>, %arg9: memref<128xi32, #tpu.memory_space<vmem>>, %arg10: memref<128xi32, #tpu.memory_space<vmem>>, %arg11: memref<128xi32, #tpu.memory_space<vmem>>, %arg12: memref<128xi32, #tpu.memory_space<vmem>>, %arg13: memref<128xi32, #tpu.memory_space<vmem>>, %arg14: memref<128xi32, #tpu.memory_space<vmem>>, %arg15: memref<128xi32, #tpu.memory_space<vmem>>, %arg16: memref<128xi32, #tpu.memory_space<vmem>>, %arg17: memref<128xi32, #tpu.memory_space<vmem>>, %arg18: memref<128xi32, #tpu.memory_space<vmem>>, %arg19: memref<128xi32, #tpu.memory_space<vmem>>, %arg20: memref<128xi32, #tpu.memory_space<vmem>>, %arg21: memref<128xi32, #tpu.memory_space<vmem>>, %arg22: memref<128xi32, #tpu.memory_space<vmem>>, %arg23: memref<128xf32, #tpu.memory_space<vmem>>, %arg24: memref<128xf32, #tpu.memory_space<vmem>>, %arg25: memref<128xf32, #tpu.memory_space<vmem>>, %arg26: memref<128xf32, #tpu.memory_space<vmem>>, %arg27: memref<128xf32, #tpu.memory_space<vmem>>, %arg28: memref<128xf32, #tpu.memory_space<vmem>>, %arg29: memref<128xf32, #tpu.memory_space<vmem>>, %arg30: memref<128xf32, #tpu.memory_space<vmem>>, %arg31: memref<128xf32, #tpu.memory_space<vmem>>, %arg32: memref<128xf32, #tpu.memory_space<vmem>>, %arg33: memref<128xf32, #tpu.memory_space<vmem>>, %arg34: memref<128xf32, #tpu.memory_space<vmem>>, %arg35: memref<128xf32, #tpu.memory_space<vmem>>, %arg36: memref<128xf32, #tpu.memory_space<vmem>>, %arg37: memref<128xf32, #tpu.memory_space<vmem>>, %arg38: memref<128xf32, #tpu.memory_space<vmem>>, %arg39: memref<10000xf32, #tpu.memory_space<vmem>>, %arg40: memref<10000xf32, #tpu.memory_space<vmem>>, %arg41: memref<160000xf32, #tpu.memory_space<vmem_shared>>, %arg42: memref<!tpu.dma_semaphore, #tpu.memory_space<semaphore_mem>>, %arg43: memref<!tpu.dma_semaphore, #tpu.memory_space<semaphore_mem>>) attributes {dimension_semantics = [#tpu.dimension_semantics<core_parallel>, #tpu.dimension_semantics<subcore_parallel>], iteration_bounds = array<i64: 1, 16>, scalar_prefetch = 0 : i64, scratch_operands = 38 : i64, tpu.core_type = #tpu.core_type<sc_vector_subcore>, window_params = [{transform_indices = #map}, {transform_indices = #map}, {transform_indices = #map}, {transform_indices = #map}]} {
    %scan3A = arith.constant 0 : i32
    %scan3A_0 = arith.constant 0 : i32
    %scan3A_1 = arith.constant 625 : i32
    %scan3A_2 = arith.addi %scan3A_0, %scan3A_1 : i32
    %scan3A_3 = arith.constant 1 : i32
    scf.for %scan3A_21 = %scan3A_0 to %scan3A_2 step %scan3A_3  : i32 {
      %broadcast_in_dim3A = arith.constant 0.000000e+00 : f32
      %broadcast_in_dim3A_22 = vector.broadcast %broadcast_in_dim3A : f32 to vector<16xf32>
      %mul3A_23 = arith.constant 16 : i32
      %mul3A_24 = arith.muli %scan3A_21, %mul3A_23 : i32
      %swap3A = arith.index_cast %mul3A_24 : i32 to index
      %swap3A_25 = tpu.vector_load %arg39[%swap3A] {strides = array<i32>} : memref<10000xf32, #tpu.memory_space<vmem>>, vector<16xf32>,
      %swap3A_26 = vector.shape_cast %swap3A_25 : vector<16xf32> to vector<16xf32>
      %swap3A_27 = vector.shape_cast %broadcast_in_dim3A_22 : vector<16xf32> to vector<16xf32>
      tpu.vector_store %arg39[%swap3A], %swap3A_27 {strides = array<i32>} : memref<10000xf32, #tpu.memory_space<vmem>>, vector<16xf32>,
    }
    %scan3A_4 = arith.constant 625 : i32
    %mul3A = arith.constant 10000 : i32
    %mul3A_5 = arith.muli %arg1, %mul3A : i32
    "tpu.region"() ({
      %run_scoped3A = tpu.sem_alloc : memref<!tpu.dma_semaphore, #tpu.memory_space<semaphore_mem>>
      %dma_start3A = tpu.memref_slice %arg41[%mul3A_5] : memref<160000xf32, #tpu.memory_space<vmem_shared>> -> memref<10000xf32, #tpu.memory_space<vmem_shared>>
      %dma_start3A_21 = tpu.memref_slice %arg41[%mul3A_5] : memref<160000xf32, #tpu.memory_space<vmem_shared>> -> memref<10000xf32, #tpu.memory_space<vmem_shared>>
      tpu.enqueue_dma source(%arg39 : memref<10000xf32, #tpu.memory_space<vmem>>) target(%dma_start3A_21 : memref<10000xf32, #tpu.memory_space<vmem_shared>>) target_semaphore(%run_scoped3A : memref<!tpu.dma_semaphore, #tpu.memory_space<semaphore_mem>>)
      %dma_wait3A = tpu.memref_slice %arg41[%mul3A_5] : memref<160000xf32, #tpu.memory_space<vmem_shared>> -> memref<10000xf32, #tpu.memory_space<vmem_shared>>
      %dma_wait3A_22 = tpu.memref_slice %arg41[%mul3A_5] : memref<160000xf32, #tpu.memory_space<vmem_shared>> -> memref<10000xf32, #tpu.memory_space<vmem_shared>>
      tpu.wait_dma2 semaphore(%run_scoped3A : memref<!tpu.dma_semaphore, #tpu.memory_space<semaphore_mem>>) src(%arg39 : memref<10000xf32, #tpu.memory_space<vmem>>) dst(%dma_wait3A_22 : memref<10000xf32, #tpu.memory_space<vmem_shared>>)
      tpu.yield
    }) : () -> ()
    %barrier3A = arith.constant 0 : index
    tpu.barrier barrier_id(%barrier3A)
    %scan3A_6 = arith.constant 0 : i32
    %scan3A_7 = arith.constant 0 : i32
    %scan3A_8 = arith.constant 79 : i32
    %scan3A_9 = arith.addi %scan3A_7, %scan3A_8 : i32
    %scan3A_10 = arith.constant 1 : i32
    scf.for %scan3A_21 = %scan3A_7 to %scan3A_9 step %scan3A_10  : i32 {
      %mul3A_22 = arith.constant 16 : i32
      %mul3A_23 = arith.muli %scan3A_21, %mul3A_22 : i32
      %add3A = arith.addi %mul3A_23, %arg1 : i32
      %lt3A = arith.constant 1250 : i32
      %lt3A_24 = arith.cmpi slt, %add3A, %lt3A : i32
      %convert_element_type3A = arith.extui %lt3A_24 : i1 to i32
      %cond3A = arith.constant 0 : i32
      %cond3A_25 = arith.cmpi ne, %convert_element_type3A, %cond3A : i32
      scf.if %cond3A_25 {
        %mul3A_26 = arith.constant 128 : i32
        %mul3A_27 = arith.muli %add3A, %mul3A_26 : i32
        %add3A_28 = arith.constant 0 : i32
        %add3A_29 = arith.addi %add3A_28, %mul3A_27 : i32
        %dma_start3A = tpu.memref_slice %arg2[%add3A_29] : memref<2560000xf32, #tpu.memory_space<hbm>> -> memref<128xf32, #tpu.memory_space<hbm>>
        %dma_start3A_30 = tpu.memref_slice %arg2[%add3A_29] : memref<2560000xf32, #tpu.memory_space<hbm>> -> memref<128xf32, #tpu.memory_space<hbm>>
        tpu.enqueue_dma source(%dma_start3A_30 : memref<128xf32, #tpu.memory_space<hbm>>) target(%arg23 : memref<128xf32, #tpu.memory_space<vmem>>) target_semaphore(%arg42 : memref<!tpu.dma_semaphore, #tpu.memory_space<semaphore_mem>>)
        %add3A_31 = arith.constant 160000 : i32
        %add3A_32 = arith.addi %add3A_31, %mul3A_27 : i32
        %dma_start3A_33 = tpu.memref_slice %arg2[%add3A_32] : memref<2560000xf32, #tpu.memory_space<hbm>> -> memref<128xf32, #tpu.memory_space<hbm>>
        %dma_start3A_34 = tpu.memref_slice %arg2[%add3A_32] : memref<2560000xf32, #tpu.memory_space<hbm>> -> memref<128xf32, #tpu.memory_space<hbm>>
        tpu.enqueue_dma source(%dma_start3A_34 : memref<128xf32, #tpu.memory_space<hbm>>) target(%arg24 : memref<128xf32, #tpu.memory_space<vmem>>) target_semaphore(%arg42 : memref<!tpu.dma_semaphore, #tpu.memory_space<semaphore_mem>>)
        %add3A_35 = arith.constant 320000 : i32
        %add3A_36 = arith.addi %add3A_35, %mul3A_27 : i32
        %dma_start3A_37 = tpu.memref_slice %arg2[%add3A_36] : memref<2560000xf32, #tpu.memory_space<hbm>> -> memref<128xf32, #tpu.memory_space<hbm>>
        %dma_start3A_38 = tpu.memref_slice %arg2[%add3A_36] : memref<2560000xf32, #tpu.memory_space<hbm>> -> memref<128xf32, #tpu.memory_space<hbm>>
        tpu.enqueue_dma source(%dma_start3A_38 : memref<128xf32, #tpu.memory_space<hbm>>) target(%arg25 : memref<128xf32, #tpu.memory_space<vmem>>) target_semaphore(%arg42 : memref<!tpu.dma_semaphore, #tpu.memory_space<semaphore_mem>>)
        %add3A_39 = arith.constant 480000 : i32
        %add3A_40 = arith.addi %add3A_39, %mul3A_27 : i32
        %dma_start3A_41 = tpu.memref_slice %arg2[%add3A_40] : memref<2560000xf32, #tpu.memory_space<hbm>> -> memref<128xf32, #tpu.memory_space<hbm>>
        %dma_start3A_42 = tpu.memref_slice %arg2[%add3A_40] : memref<2560000xf32, #tpu.memory_space<hbm>> -> memref<128xf32, #tpu.memory_space<hbm>>
        tpu.enqueue_dma source(%dma_start3A_42 : memref<128xf32, #tpu.memory_space<hbm>>) target(%arg26 : memref<128xf32, #tpu.memory_space<vmem>>) target_semaphore(%arg42 : memref<!tpu.dma_semaphore, #tpu.memory_space<semaphore_mem>>)
        %add3A_43 = arith.constant 640000 : i32
        %add3A_44 = arith.addi %add3A_43, %mul3A_27 : i32
        %dma_start3A_45 = tpu.memref_slice %arg2[%add3A_44] : memref<2560000xf32, #tpu.memory_space<hbm>> -> memref<128xf32, #tpu.memory_space<hbm>>
        %dma_start3A_46 = tpu.memref_slice %arg2[%add3A_44] : memref<2560000xf32, #tpu.memory_space<hbm>> -> memref<128xf32, #tpu.memory_space<hbm>>
        tpu.enqueue_dma source(%dma_start3A_46 : memref<128xf32, #tpu.memory_space<hbm>>) target(%arg27 : memref<128xf32, #tpu.memory_space<vmem>>) target_semaphore(%arg42 : memref<!tpu.dma_semaphore, #tpu.memory_space<semaphore_mem>>)
        %add3A_47 = arith.constant 800000 : i32
        %add3A_48 = arith.addi %add3A_47, %mul3A_27 : i32
        %dma_start3A_49 = tpu.memref_slice %arg2[%add3A_48] : memref<2560000xf32, #tpu.memory_space<hbm>> -> memref<128xf32, #tpu.memory_space<hbm>>
        %dma_start3A_50 = tpu.memref_slice %arg2[%add3A_48] : memref<2560000xf32, #tpu.memory_space<hbm>> -> memref<128xf32, #tpu.memory_space<hbm>>
        tpu.enqueue_dma source(%dma_start3A_50 : memref<128xf32, #tpu.memory_space<hbm>>) target(%arg28 : memref<128xf32, #tpu.memory_space<vmem>>) target_semaphore(%arg42 : memref<!tpu.dma_semaphore, #tpu.memory_space<semaphore_mem>>)
        %add3A_51 = arith.constant 960000 : i32
        %add3A_52 = arith.addi %add3A_51, %mul3A_27 : i32
        %dma_start3A_53 = tpu.memref_slice %arg2[%add3A_52] : memref<2560000xf32, #tpu.memory_space<hbm>> -> memref<128xf32, #tpu.memory_space<hbm>>
        %dma_start3A_54 = tpu.memref_slice %arg2[%add3A_52] : memref<2560000xf32, #tpu.memory_space<hbm>> -> memref<128xf32, #tpu.memory_space<hbm>>
        tpu.enqueue_dma source(%dma_start3A_54 : memref<128xf32, #tpu.memory_space<hbm>>) target(%arg29 : memref<128xf32, #tpu.memory_space<vmem>>) target_semaphore(%arg42 : memref<!tpu.dma_semaphore, #tpu.memory_space<semaphore_mem>>)
        %add3A_55 = arith.constant 1120000 : i32
        %add3A_56 = arith.addi %add3A_55, %mul3A_27 : i32
        %dma_start3A_57 = tpu.memref_slice %arg2[%add3A_56] : memref<2560000xf32, #tpu.memory_space<hbm>> -> memref<128xf32, #tpu.memory_space<hbm>>
        %dma_start3A_58 = tpu.memref_slice %arg2[%add3A_56] : memref<2560000xf32, #tpu.memory_space<hbm>> -> memref<128xf32, #tpu.memory_space<hbm>>
        tpu.enqueue_dma source(%dma_start3A_58 : memref<128xf32, #tpu.memory_space<hbm>>) target(%arg30 : memref<128xf32, #tpu.memory_space<vmem>>) target_semaphore(%arg42 : memref<!tpu.dma_semaphore, #tpu.memory_space<semaphore_mem>>)
        %add3A_59 = arith.constant 1280000 : i32
        %add3A_60 = arith.addi %add3A_59, %mul3A_27 : i32
        %dma_start3A_61 = tpu.memref_slice %arg2[%add3A_60] : memref<2560000xf32, #tpu.memory_space<hbm>> -> memref<128xf32, #tpu.memory_space<hbm>>
        %dma_start3A_62 = tpu.memref_slice %arg2[%add3A_60] : memref<2560000xf32, #tpu.memory_space<hbm>> -> memref<128xf32, #tpu.memory_space<hbm>>
        tpu.enqueue_dma source(%dma_start3A_62 : memref<128xf32, #tpu.memory_space<hbm>>) target(%arg31 : memref<128xf32, #tpu.memory_space<vmem>>) target_semaphore(%arg42 : memref<!tpu.dma_semaphore, #tpu.memory_space<semaphore_mem>>)
        %add3A_63 = arith.constant 1440000 : i32
        %add3A_64 = arith.addi %add3A_63, %mul3A_27 : i32
        %dma_start3A_65 = tpu.memref_slice %arg2[%add3A_64] : memref<2560000xf32, #tpu.memory_space<hbm>> -> memref<128xf32, #tpu.memory_space<hbm>>
        %dma_start3A_66 = tpu.memref_slice %arg2[%add3A_64] : memref<2560000xf32, #tpu.memory_space<hbm>> -> memref<128xf32, #tpu.memory_space<hbm>>
        tpu.enqueue_dma source(%dma_start3A_66 : memref<128xf32, #tpu.memory_space<hbm>>) target(%arg32 : memref<128xf32, #tpu.memory_space<vmem>>) target_semaphore(%arg42 : memref<!tpu.dma_semaphore, #tpu.memory_space<semaphore_mem>>)
        %add3A_67 = arith.constant 1600000 : i32
        %add3A_68 = arith.addi %add3A_67, %mul3A_27 : i32
        %dma_start3A_69 = tpu.memref_slice %arg2[%add3A_68] : memref<2560000xf32, #tpu.memory_space<hbm>> -> memref<128xf32, #tpu.memory_space<hbm>>
        %dma_start3A_70 = tpu.memref_slice %arg2[%add3A_68] : memref<2560000xf32, #tpu.memory_space<hbm>> -> memref<128xf32, #tpu.memory_space<hbm>>
        tpu.enqueue_dma source(%dma_start3A_70 : memref<128xf32, #tpu.memory_space<hbm>>) target(%arg33 : memref<128xf32, #tpu.memory_space<vmem>>) target_semaphore(%arg42 : memref<!tpu.dma_semaphore, #tpu.memory_space<semaphore_mem>>)
        %add3A_71 = arith.constant 1760000 : i32
        %add3A_72 = arith.addi %add3A_71, %mul3A_27 : i32
        %dma_start3A_73 = tpu.memref_slice %arg2[%add3A_72] : memref<2560000xf32, #tpu.memory_space<hbm>> -> memref<128xf32, #tpu.memory_space<hbm>>
        %dma_start3A_74 = tpu.memref_slice %arg2[%add3A_72] : memref<2560000xf32, #tpu.memory_space<hbm>> -> memref<128xf32, #tpu.memory_space<hbm>>
        tpu.enqueue_dma source(%dma_start3A_74 : memref<128xf32, #tpu.memory_space<hbm>>) target(%arg34 : memref<128xf32, #tpu.memory_space<vmem>>) target_semaphore(%arg42 : memref<!tpu.dma_semaphore, #tpu.memory_space<semaphore_mem>>)
        %add3A_75 = arith.constant 1920000 : i32
        %add3A_76 = arith.addi %add3A_75, %mul3A_27 : i32
        %dma_start3A_77 = tpu.memref_slice %arg2[%add3A_76] : memref<2560000xf32, #tpu.memory_space<hbm>> -> memref<128xf32, #tpu.memory_space<hbm>>
        %dma_start3A_78 = tpu.memref_slice %arg2[%add3A_76] : memref<2560000xf32, #tpu.memory_space<hbm>> -> memref<128xf32, #tpu.memory_space<hbm>>
        tpu.enqueue_dma source(%dma_start3A_78 : memref<128xf32, #tpu.memory_space<hbm>>) target(%arg35 : memref<128xf32, #tpu.memory_space<vmem>>) target_semaphore(%arg42 : memref<!tpu.dma_semaphore, #tpu.memory_space<semaphore_mem>>)
        %add3A_79 = arith.constant 2080000 : i32
        %add3A_80 = arith.addi %add3A_79, %mul3A_27 : i32
        %dma_start3A_81 = tpu.memref_slice %arg2[%add3A_80] : memref<2560000xf32, #tpu.memory_space<hbm>> -> memref<128xf32, #tpu.memory_space<hbm>>
        %dma_start3A_82 = tpu.memref_slice %arg2[%add3A_80] : memref<2560000xf32, #tpu.memory_space<hbm>> -> memref<128xf32, #tpu.memory_space<hbm>>
        tpu.enqueue_dma source(%dma_start3A_82 : memref<128xf32, #tpu.memory_space<hbm>>) target(%arg36 : memref<128xf32, #tpu.memory_space<vmem>>) target_semaphore(%arg42 : memref<!tpu.dma_semaphore, #tpu.memory_space<semaphore_mem>>)
        %add3A_83 = arith.constant 2240000 : i32
        %add3A_84 = arith.addi %add3A_83, %mul3A_27 : i32
        %dma_start3A_85 = tpu.memref_slice %arg2[%add3A_84] : memref<2560000xf32, #tpu.memory_space<hbm>> -> memref<128xf32, #tpu.memory_space<hbm>>
        %dma_start3A_86 = tpu.memref_slice %arg2[%add3A_84] : memref<2560000xf32, #tpu.memory_space<hbm>> -> memref<128xf32, #tpu.memory_space<hbm>>
        tpu.enqueue_dma source(%dma_start3A_86 : memref<128xf32, #tpu.memory_space<hbm>>) target(%arg37 : memref<128xf32, #tpu.memory_space<vmem>>) target_semaphore(%arg42 : memref<!tpu.dma_semaphore, #tpu.memory_space<semaphore_mem>>)
        %add3A_87 = arith.constant 2400000 : i32
        %add3A_88 = arith.addi %add3A_87, %mul3A_27 : i32
        %dma_start3A_89 = tpu.memref_slice %arg2[%add3A_88] : memref<2560000xf32, #tpu.memory_space<hbm>> -> memref<128xf32, #tpu.memory_space<hbm>>
        %dma_start3A_90 = tpu.memref_slice %arg2[%add3A_88] : memref<2560000xf32, #tpu.memory_space<hbm>> -> memref<128xf32, #tpu.memory_space<hbm>>
        tpu.enqueue_dma source(%dma_start3A_90 : memref<128xf32, #tpu.memory_space<hbm>>) target(%arg38 : memref<128xf32, #tpu.memory_space<vmem>>) target_semaphore(%arg42 : memref<!tpu.dma_semaphore, #tpu.memory_space<semaphore_mem>>)
        "tpu.region"() ({
          %run_scoped3A = tpu.sem_alloc : memref<!tpu.dma_semaphore, #tpu.memory_space<semaphore_mem>>
          %dma_start3A_1104 = tpu.memref_slice %arg3[%mul3A_27] : memref<160000xi32, #tpu.memory_space<hbm>> -> memref<128xi32, #tpu.memory_space<hbm>>
          %dma_start3A_1105 = tpu.memref_slice %arg3[%mul3A_27] : memref<160000xi32, #tpu.memory_space<hbm>> -> memref<128xi32, #tpu.memory_space<hbm>>
          tpu.enqueue_dma source(%dma_start3A_1105 : memref<128xi32, #tpu.memory_space<hbm>>) target(%arg6 : memref<128xi32, #tpu.memory_space<vmem>>) target_semaphore(%run_scoped3A : memref<!tpu.dma_semaphore, #tpu.memory_space<semaphore_mem>>)
          %dma_wait3A_1106 = tpu.memref_slice %arg3[%mul3A_27] : memref<160000xi32, #tpu.memory_space<hbm>> -> memref<128xi32, #tpu.memory_space<hbm>>
          %dma_wait3A_1107 = tpu.memref_slice %arg3[%mul3A_27] : memref<160000xi32, #tpu.memory_space<hbm>> -> memref<128xi32, #tpu.memory_space<hbm>>
          tpu.wait_dma2 semaphore(%run_scoped3A : memref<!tpu.dma_semaphore, #tpu.memory_space<semaphore_mem>>) src(%dma_wait3A_1107 : memref<128xi32, #tpu.memory_space<hbm>>) dst(%arg6 : memref<128xi32, #tpu.memory_space<vmem>>)
          tpu.yield
        }) : () -> ()
        %get3A = arith.constant 0 : index
        %get3A_91 = tpu.vector_load %arg6[%get3A] {strides = array<i32>} : memref<128xi32, #tpu.memory_space<vmem>>, vector<16xi32>,
        %get3A_92 = vector.shape_cast %get3A_91 : vector<16xi32> to vector<16xi32>
        %add3A_93 = arith.constant 0 : i32
        %add3A_94 = vector.broadcast %add3A_93 : i32 to vector<16xi32>
        %add3A_95 = arith.addi %get3A_92, %add3A_94 : vector<16xi32>
        %swap3A = arith.constant 0 : index
        %swap3A_96 = tpu.vector_load %arg7[%swap3A] {strides = array<i32>} : memref<128xi32, #tpu.memory_space<vmem>>, vector<16xi32>,
        %swap3A_97 = vector.shape_cast %swap3A_96 : vector<16xi32> to vector<16xi32>
        %swap3A_98 = vector.shape_cast %add3A_95 : vector<16xi32> to vector<16xi32>
        tpu.vector_store %arg7[%swap3A], %swap3A_98 {strides = array<i32>} : memref<128xi32, #tpu.memory_space<vmem>>, vector<16xi32>,
        %add3A_99 = arith.constant 10000 : i32
        %add3A_100 = vector.broadcast %add3A_99 : i32 to vector<16xi32>
        %add3A_101 = arith.addi %get3A_92, %add3A_100 : vector<16xi32>
        %swap3A_102 = arith.constant 0 : index
        %swap3A_103 = tpu.vector_load %arg8[%swap3A_102] {strides = array<i32>} : memref<128xi32, #tpu.memory_space<vmem>>, vector<16xi32>,
        %swap3A_104 = vector.shape_cast %swap3A_103 : vector<16xi32> to vector<16xi32>
        %swap3A_105 = vector.shape_cast %add3A_101 : vector<16xi32> to vector<16xi32>
        tpu.vector_store %arg8[%swap3A_102], %swap3A_105 {strides = array<i32>} : memref<128xi32, #tpu.memory_space<vmem>>, vector<16xi32>,
        %add3A_106 = arith.constant 20000 : i32
        %add3A_107 = vector.broadcast %add3A_106 : i32 to vector<16xi32>
        %add3A_108 = arith.addi %get3A_92, %add3A_107 : vector<16xi32>
        %swap3A_109 = arith.constant 0 : index
        %swap3A_110 = tpu.vector_load %arg9[%swap3A_109] {strides = array<i32>} : memref<128xi32, #tpu.memory_space<vmem>>, vector<16xi32>,
        %swap3A_111 = vector.shape_cast %swap3A_110 : vector<16xi32> to vector<16xi32>
        %swap3A_112 = vector.shape_cast %add3A_108 : vector<16xi32> to vector<16xi32>
        tpu.vector_store %arg9[%swap3A_109], %swap3A_112 {strides = array<i32>} : memref<128xi32, #tpu.memory_space<vmem>>, vector<16xi32>,
        %add3A_113 = arith.constant 30000 : i32
        %add3A_114 = vector.broadcast %add3A_113 : i32 to vector<16xi32>
        %add3A_115 = arith.addi %get3A_92, %add3A_114 : vector<16xi32>
        %swap3A_116 = arith.constant 0 : index
        %swap3A_117 = tpu.vector_load %arg10[%swap3A_116] {strides = array<i32>} : memref<128xi32, #tpu.memory_space<vmem>>, vector<16xi32>,
        %swap3A_118 = vector.shape_cast %swap3A_117 : vector<16xi32> to vector<16xi32>
        %swap3A_119 = vector.shape_cast %add3A_115 : vector<16xi32> to vector<16xi32>
        tpu.vector_store %arg10[%swap3A_116], %swap3A_119 {strides = array<i32>} : memref<128xi32, #tpu.memory_space<vmem>>, vector<16xi32>,
        %add3A_120 = arith.constant 40000 : i32
        %add3A_121 = vector.broadcast %add3A_120 : i32 to vector<16xi32>
        %add3A_122 = arith.addi %get3A_92, %add3A_121 : vector<16xi32>
        %swap3A_123 = arith.constant 0 : index
        %swap3A_124 = tpu.vector_load %arg11[%swap3A_123] {strides = array<i32>} : memref<128xi32, #tpu.memory_space<vmem>>, vector<16xi32>,
        %swap3A_125 = vector.shape_cast %swap3A_124 : vector<16xi32> to vector<16xi32>
        %swap3A_126 = vector.shape_cast %add3A_122 : vector<16xi32> to vector<16xi32>
        tpu.vector_store %arg11[%swap3A_123], %swap3A_126 {strides = array<i32>} : memref<128xi32, #tpu.memory_space<vmem>>, vector<16xi32>,
        %add3A_127 = arith.constant 50000 : i32
        %add3A_128 = vector.broadcast %add3A_127 : i32 to vector<16xi32>
        %add3A_129 = arith.addi %get3A_92, %add3A_128 : vector<16xi32>
        %swap3A_130 = arith.constant 0 : index
        %swap3A_131 = tpu.vector_load %arg12[%swap3A_130] {strides = array<i32>} : memref<128xi32, #tpu.memory_space<vmem>>, vector<16xi32>,
        %swap3A_132 = vector.shape_cast %swap3A_131 : vector<16xi32> to vector<16xi32>
        %swap3A_133 = vector.shape_cast %add3A_129 : vector<16xi32> to vector<16xi32>
        tpu.vector_store %arg12[%swap3A_130], %swap3A_133 {strides = array<i32>} : memref<128xi32, #tpu.memory_space<vmem>>, vector<16xi32>,
        %add3A_134 = arith.constant 60000 : i32
        %add3A_135 = vector.broadcast %add3A_134 : i32 to vector<16xi32>
        %add3A_136 = arith.addi %get3A_92, %add3A_135 : vector<16xi32>
        %swap3A_137 = arith.constant 0 : index
        %swap3A_138 = tpu.vector_load %arg13[%swap3A_137] {strides = array<i32>} : memref<128xi32, #tpu.memory_space<vmem>>, vector<16xi32>,
        %swap3A_139 = vector.shape_cast %swap3A_138 : vector<16xi32> to vector<16xi32>
        %swap3A_140 = vector.shape_cast %add3A_136 : vector<16xi32> to vector<16xi32>
        tpu.vector_store %arg13[%swap3A_137], %swap3A_140 {strides = array<i32>} : memref<128xi32, #tpu.memory_space<vmem>>, vector<16xi32>,
        %add3A_141 = arith.constant 70000 : i32
        %add3A_142 = vector.broadcast %add3A_141 : i32 to vector<16xi32>
        %add3A_143 = arith.addi %get3A_92, %add3A_142 : vector<16xi32>
        %swap3A_144 = arith.constant 0 : index
        %swap3A_145 = tpu.vector_load %arg14[%swap3A_144] {strides = array<i32>} : memref<128xi32, #tpu.memory_space<vmem>>, vector<16xi32>,
        %swap3A_146 = vector.shape_cast %swap3A_145 : vector<16xi32> to vector<16xi32>
        %swap3A_147 = vector.shape_cast %add3A_143 : vector<16xi32> to vector<16xi32>
        tpu.vector_store %arg14[%swap3A_144], %swap3A_147 {strides = array<i32>} : memref<128xi32, #tpu.memory_space<vmem>>, vector<16xi32>,
        %add3A_148 = arith.constant 80000 : i32
        %add3A_149 = vector.broadcast %add3A_148 : i32 to vector<16xi32>
        %add3A_150 = arith.addi %get3A_92, %add3A_149 : vector<16xi32>
        %swap3A_151 = arith.constant 0 : index
        %swap3A_152 = tpu.vector_load %arg15[%swap3A_151] {strides = array<i32>} : memref<128xi32, #tpu.memory_space<vmem>>, vector<16xi32>,
        %swap3A_153 = vector.shape_cast %swap3A_152 : vector<16xi32> to vector<16xi32>
        %swap3A_154 = vector.shape_cast %add3A_150 : vector<16xi32> to vector<16xi32>
        tpu.vector_store %arg15[%swap3A_151], %swap3A_154 {strides = array<i32>} : memref<128xi32, #tpu.memory_space<vmem>>, vector<16xi32>,
        %add3A_155 = arith.constant 90000 : i32
        %add3A_156 = vector.broadcast %add3A_155 : i32 to vector<16xi32>
        %add3A_157 = arith.addi %get3A_92, %add3A_156 : vector<16xi32>
        %swap3A_158 = arith.constant 0 : index
        %swap3A_159 = tpu.vector_load %arg16[%swap3A_158] {strides = array<i32>} : memref<128xi32, #tpu.memory_space<vmem>>, vector<16xi32>,
        %swap3A_160 = vector.shape_cast %swap3A_159 : vector<16xi32> to vector<16xi32>
        %swap3A_161 = vector.shape_cast %add3A_157 : vector<16xi32> to vector<16xi32>
        tpu.vector_store %arg16[%swap3A_158], %swap3A_161 {strides = array<i32>} : memref<128xi32, #tpu.memory_space<vmem>>, vector<16xi32>,
        %add3A_162 = arith.constant 100000 : i32
        %add3A_163 = vector.broadcast %add3A_162 : i32 to vector<16xi32>
        %add3A_164 = arith.addi %get3A_92, %add3A_163 : vector<16xi32>
        %swap3A_165 = arith.constant 0 : index
        %swap3A_166 = tpu.vector_load %arg17[%swap3A_165] {strides = array<i32>} : memref<128xi32, #tpu.memory_space<vmem>>, vector<16xi32>,
        %swap3A_167 = vector.shape_cast %swap3A_166 : vector<16xi32> to vector<16xi32>
        %swap3A_168 = vector.shape_cast %add3A_164 : vector<16xi32> to vector<16xi32>
        tpu.vector_store %arg17[%swap3A_165], %swap3A_168 {strides = array<i32>} : memref<128xi32, #tpu.memory_space<vmem>>, vector<16xi32>,
        %add3A_169 = arith.constant 110000 : i32
        %add3A_170 = vector.broadcast %add3A_169 : i32 to vector<16xi32>
        %add3A_171 = arith.addi %get3A_92, %add3A_170 : vector<16xi32>
        %swap3A_172 = arith.constant 0 : index
        %swap3A_173 = tpu.vector_load %arg18[%swap3A_172] {strides = array<i32>} : memref<128xi32, #tpu.memory_space<vmem>>, vector<16xi32>,
        %swap3A_174 = vector.shape_cast %swap3A_173 : vector<16xi32> to vector<16xi32>
        %swap3A_175 = vector.shape_cast %add3A_171 : vector<16xi32> to vector<16xi32>
        tpu.vector_store %arg18[%swap3A_172], %swap3A_175 {strides = array<i32>} : memref<128xi32, #tpu.memory_space<vmem>>, vector<16xi32>,
        %add3A_176 = arith.constant 120000 : i32
        %add3A_177 = vector.broadcast %add3A_176 : i32 to vector<16xi32>
        %add3A_178 = arith.addi %get3A_92, %add3A_177 : vector<16xi32>
        %swap3A_179 = arith.constant 0 : index
        %swap3A_180 = tpu.vector_load %arg19[%swap3A_179] {strides = array<i32>} : memref<128xi32, #tpu.memory_space<vmem>>, vector<16xi32>,
        %swap3A_181 = vector.shape_cast %swap3A_180 : vector<16xi32> to vector<16xi32>
        %swap3A_182 = vector.shape_cast %add3A_178 : vector<16xi32> to vector<16xi32>
        tpu.vector_store %arg19[%swap3A_179], %swap3A_182 {strides = array<i32>} : memref<128xi32, #tpu.memory_space<vmem>>, vector<16xi32>,
        %add3A_183 = arith.constant 130000 : i32
        %add3A_184 = vector.broadcast %add3A_183 : i32 to vector<16xi32>
        %add3A_185 = arith.addi %get3A_92, %add3A_184 : vector<16xi32>
        %swap3A_186 = arith.constant 0 : index
        %swap3A_187 = tpu.vector_load %arg20[%swap3A_186] {strides = array<i32>} : memref<128xi32, #tpu.memory_space<vmem>>, vector<16xi32>,
        %swap3A_188 = vector.shape_cast %swap3A_187 : vector<16xi32> to vector<16xi32>
        %swap3A_189 = vector.shape_cast %add3A_185 : vector<16xi32> to vector<16xi32>
        tpu.vector_store %arg20[%swap3A_186], %swap3A_189 {strides = array<i32>} : memref<128xi32, #tpu.memory_space<vmem>>, vector<16xi32>,
        %add3A_190 = arith.constant 140000 : i32
        %add3A_191 = vector.broadcast %add3A_190 : i32 to vector<16xi32>
        %add3A_192 = arith.addi %get3A_92, %add3A_191 : vector<16xi32>
        %swap3A_193 = arith.constant 0 : index
        %swap3A_194 = tpu.vector_load %arg21[%swap3A_193] {strides = array<i32>} : memref<128xi32, #tpu.memory_space<vmem>>, vector<16xi32>,
        %swap3A_195 = vector.shape_cast %swap3A_194 : vector<16xi32> to vector<16xi32>
        %swap3A_196 = vector.shape_cast %add3A_192 : vector<16xi32> to vector<16xi32>
        tpu.vector_store %arg21[%swap3A_193], %swap3A_196 {strides = array<i32>} : memref<128xi32, #tpu.memory_space<vmem>>, vector<16xi32>,
        %add3A_197 = arith.constant 150000 : i32
        %add3A_198 = vector.broadcast %add3A_197 : i32 to vector<16xi32>
        %add3A_199 = arith.addi %get3A_92, %add3A_198 : vector<16xi32>
        %swap3A_200 = arith.constant 0 : index
        %swap3A_201 = tpu.vector_load %arg22[%swap3A_200] {strides = array<i32>} : memref<128xi32, #tpu.memory_space<vmem>>, vector<16xi32>,
        %swap3A_202 = vector.shape_cast %swap3A_201 : vector<16xi32> to vector<16xi32>
        %swap3A_203 = vector.shape_cast %add3A_199 : vector<16xi32> to vector<16xi32>
        tpu.vector_store %arg22[%swap3A_200], %swap3A_203 {strides = array<i32>} : memref<128xi32, #tpu.memory_space<vmem>>, vector<16xi32>,
        %get3A_204 = arith.constant 16 : index
        %get3A_205 = tpu.vector_load %arg6[%get3A_204] {strides = array<i32>} : memref<128xi32, #tpu.memory_space<vmem>>, vector<16xi32>,
        %get3A_206 = vector.shape_cast %get3A_205 : vector<16xi32> to vector<16xi32>
        %add3A_207 = arith.constant 0 : i32
        %add3A_208 = vector.broadcast %add3A_207 : i32 to vector<16xi32>
        %add3A_209 = arith.addi %get3A_206, %add3A_208 : vector<16xi32>
        %swap3A_210 = arith.constant 16 : index
        %swap3A_211 = tpu.vector_load %arg7[%swap3A_210] {strides = array<i32>} : memref<128xi32, #tpu.memory_space<vmem>>, vector<16xi32>,
        %swap3A_212 = vector.shape_cast %swap3A_211 : vector<16xi32> to vector<16xi32>
        %swap3A_213 = vector.shape_cast %add3A_209 : vector<16xi32> to vector<16xi32>
        tpu.vector_store %arg7[%swap3A_210], %swap3A_213 {strides = array<i32>} : memref<128xi32, #tpu.memory_space<vmem>>, vector<16xi32>,
        %add3A_214 = arith.constant 10000 : i32
        %add3A_215 = vector.broadcast %add3A_214 : i32 to vector<16xi32>
        %add3A_216 = arith.addi %get3A_206, %add3A_215 : vector<16xi32>
        %swap3A_217 = arith.constant 16 : index
        %swap3A_218 = tpu.vector_load %arg8[%swap3A_217] {strides = array<i32>} : memref<128xi32, #tpu.memory_space<vmem>>, vector<16xi32>,
        %swap3A_219 = vector.shape_cast %swap3A_218 : vector<16xi32> to vector<16xi32>
        %swap3A_220 = vector.shape_cast %add3A_216 : vector<16xi32> to vector<16xi32>
        tpu.vector_store %arg8[%swap3A_217], %swap3A_220 {strides = array<i32>} : memref<128xi32, #tpu.memory_space<vmem>>, vector<16xi32>,
        %add3A_221 = arith.constant 20000 : i32
        %add3A_222 = vector.broadcast %add3A_221 : i32 to vector<16xi32>
        %add3A_223 = arith.addi %get3A_206, %add3A_222 : vector<16xi32>
        %swap3A_224 = arith.constant 16 : index
        %swap3A_225 = tpu.vector_load %arg9[%swap3A_224] {strides = array<i32>} : memref<128xi32, #tpu.memory_space<vmem>>, vector<16xi32>,
        %swap3A_226 = vector.shape_cast %swap3A_225 : vector<16xi32> to vector<16xi32>
        %swap3A_227 = vector.shape_cast %add3A_223 : vector<16xi32> to vector<16xi32>
        tpu.vector_store %arg9[%swap3A_224], %swap3A_227 {strides = array<i32>} : memref<128xi32, #tpu.memory_space<vmem>>, vector<16xi32>,
        %add3A_228 = arith.constant 30000 : i32
        %add3A_229 = vector.broadcast %add3A_228 : i32 to vector<16xi32>
        %add3A_230 = arith.addi %get3A_206, %add3A_229 : vector<16xi32>
        %swap3A_231 = arith.constant 16 : index
        %swap3A_232 = tpu.vector_load %arg10[%swap3A_231] {strides = array<i32>} : memref<128xi32, #tpu.memory_space<vmem>>, vector<16xi32>,
        %swap3A_233 = vector.shape_cast %swap3A_232 : vector<16xi32> to vector<16xi32>
        %swap3A_234 = vector.shape_cast %add3A_230 : vector<16xi32> to vector<16xi32>
        tpu.vector_store %arg10[%swap3A_231], %swap3A_234 {strides = array<i32>} : memref<128xi32, #tpu.memory_space<vmem>>, vector<16xi32>,
        %add3A_235 = arith.constant 40000 : i32
        %add3A_236 = vector.broadcast %add3A_235 : i32 to vector<16xi32>
        %add3A_237 = arith.addi %get3A_206, %add3A_236 : vector<16xi32>
        %swap3A_238 = arith.constant 16 : index
        %swap3A_239 = tpu.vector_load %arg11[%swap3A_238] {strides = array<i32>} : memref<128xi32, #tpu.memory_space<vmem>>, vector<16xi32>,
        %swap3A_240 = vector.shape_cast %swap3A_239 : vector<16xi32> to vector<16xi32>
        %swap3A_241 = vector.shape_cast %add3A_237 : vector<16xi32> to vector<16xi32>
        tpu.vector_store %arg11[%swap3A_238], %swap3A_241 {strides = array<i32>} : memref<128xi32, #tpu.memory_space<vmem>>, vector<16xi32>,
        %add3A_242 = arith.constant 50000 : i32
        %add3A_243 = vector.broadcast %add3A_242 : i32 to vector<16xi32>
        %add3A_244 = arith.addi %get3A_206, %add3A_243 : vector<16xi32>
        %swap3A_245 = arith.constant 16 : index
        %swap3A_246 = tpu.vector_load %arg12[%swap3A_245] {strides = array<i32>} : memref<128xi32, #tpu.memory_space<vmem>>, vector<16xi32>,
        %swap3A_247 = vector.shape_cast %swap3A_246 : vector<16xi32> to vector<16xi32>
        %swap3A_248 = vector.shape_cast %add3A_244 : vector<16xi32> to vector<16xi32>
        tpu.vector_store %arg12[%swap3A_245], %swap3A_248 {strides = array<i32>} : memref<128xi32, #tpu.memory_space<vmem>>, vector<16xi32>,
        %add3A_249 = arith.constant 60000 : i32
        %add3A_250 = vector.broadcast %add3A_249 : i32 to vector<16xi32>
        %add3A_251 = arith.addi %get3A_206, %add3A_250 : vector<16xi32>
        %swap3A_252 = arith.constant 16 : index
        %swap3A_253 = tpu.vector_load %arg13[%swap3A_252] {strides = array<i32>} : memref<128xi32, #tpu.memory_space<vmem>>, vector<16xi32>,
        %swap3A_254 = vector.shape_cast %swap3A_253 : vector<16xi32> to vector<16xi32>
        %swap3A_255 = vector.shape_cast %add3A_251 : vector<16xi32> to vector<16xi32>
        tpu.vector_store %arg13[%swap3A_252], %swap3A_255 {strides = array<i32>} : memref<128xi32, #tpu.memory_space<vmem>>, vector<16xi32>,
        %add3A_256 = arith.constant 70000 : i32
        %add3A_257 = vector.broadcast %add3A_256 : i32 to vector<16xi32>
        %add3A_258 = arith.addi %get3A_206, %add3A_257 : vector<16xi32>
        %swap3A_259 = arith.constant 16 : index
        %swap3A_260 = tpu.vector_load %arg14[%swap3A_259] {strides = array<i32>} : memref<128xi32, #tpu.memory_space<vmem>>, vector<16xi32>,
        %swap3A_261 = vector.shape_cast %swap3A_260 : vector<16xi32> to vector<16xi32>
        %swap3A_262 = vector.shape_cast %add3A_258 : vector<16xi32> to vector<16xi32>
        tpu.vector_store %arg14[%swap3A_259], %swap3A_262 {strides = array<i32>} : memref<128xi32, #tpu.memory_space<vmem>>, vector<16xi32>,
        %add3A_263 = arith.constant 80000 : i32
        %add3A_264 = vector.broadcast %add3A_263 : i32 to vector<16xi32>
        %add3A_265 = arith.addi %get3A_206, %add3A_264 : vector<16xi32>
        %swap3A_266 = arith.constant 16 : index
        %swap3A_267 = tpu.vector_load %arg15[%swap3A_266] {strides = array<i32>} : memref<128xi32, #tpu.memory_space<vmem>>, vector<16xi32>,
        %swap3A_268 = vector.shape_cast %swap3A_267 : vector<16xi32> to vector<16xi32>
        %swap3A_269 = vector.shape_cast %add3A_265 : vector<16xi32> to vector<16xi32>
        tpu.vector_store %arg15[%swap3A_266], %swap3A_269 {strides = array<i32>} : memref<128xi32, #tpu.memory_space<vmem>>, vector<16xi32>,
        %add3A_270 = arith.constant 90000 : i32
        %add3A_271 = vector.broadcast %add3A_270 : i32 to vector<16xi32>
        %add3A_272 = arith.addi %get3A_206, %add3A_271 : vector<16xi32>
        %swap3A_273 = arith.constant 16 : index
        %swap3A_274 = tpu.vector_load %arg16[%swap3A_273] {strides = array<i32>} : memref<128xi32, #tpu.memory_space<vmem>>, vector<16xi32>,
        %swap3A_275 = vector.shape_cast %swap3A_274 : vector<16xi32> to vector<16xi32>
        %swap3A_276 = vector.shape_cast %add3A_272 : vector<16xi32> to vector<16xi32>
        tpu.vector_store %arg16[%swap3A_273], %swap3A_276 {strides = array<i32>} : memref<128xi32, #tpu.memory_space<vmem>>, vector<16xi32>,
        %add3A_277 = arith.constant 100000 : i32
        %add3A_278 = vector.broadcast %add3A_277 : i32 to vector<16xi32>
        %add3A_279 = arith.addi %get3A_206, %add3A_278 : vector<16xi32>
        %swap3A_280 = arith.constant 16 : index
        %swap3A_281 = tpu.vector_load %arg17[%swap3A_280] {strides = array<i32>} : memref<128xi32, #tpu.memory_space<vmem>>, vector<16xi32>,
        %swap3A_282 = vector.shape_cast %swap3A_281 : vector<16xi32> to vector<16xi32>
        %swap3A_283 = vector.shape_cast %add3A_279 : vector<16xi32> to vector<16xi32>
        tpu.vector_store %arg17[%swap3A_280], %swap3A_283 {strides = array<i32>} : memref<128xi32, #tpu.memory_space<vmem>>, vector<16xi32>,
        %add3A_284 = arith.constant 110000 : i32
        %add3A_285 = vector.broadcast %add3A_284 : i32 to vector<16xi32>
        %add3A_286 = arith.addi %get3A_206, %add3A_285 : vector<16xi32>
        %swap3A_287 = arith.constant 16 : index
        %swap3A_288 = tpu.vector_load %arg18[%swap3A_287] {strides = array<i32>} : memref<128xi32, #tpu.memory_space<vmem>>, vector<16xi32>,
        %swap3A_289 = vector.shape_cast %swap3A_288 : vector<16xi32> to vector<16xi32>
        %swap3A_290 = vector.shape_cast %add3A_286 : vector<16xi32> to vector<16xi32>
        tpu.vector_store %arg18[%swap3A_287], %swap3A_290 {strides = array<i32>} : memref<128xi32, #tpu.memory_space<vmem>>, vector<16xi32>,
        %add3A_291 = arith.constant 120000 : i32
        %add3A_292 = vector.broadcast %add3A_291 : i32 to vector<16xi32>
        %add3A_293 = arith.addi %get3A_206, %add3A_292 : vector<16xi32>
        %swap3A_294 = arith.constant 16 : index
        %swap3A_295 = tpu.vector_load %arg19[%swap3A_294] {strides = array<i32>} : memref<128xi32, #tpu.memory_space<vmem>>, vector<16xi32>,
        %swap3A_296 = vector.shape_cast %swap3A_295 : vector<16xi32> to vector<16xi32>
        %swap3A_297 = vector.shape_cast %add3A_293 : vector<16xi32> to vector<16xi32>
        tpu.vector_store %arg19[%swap3A_294], %swap3A_297 {strides = array<i32>} : memref<128xi32, #tpu.memory_space<vmem>>, vector<16xi32>,
        %add3A_298 = arith.constant 130000 : i32
        %add3A_299 = vector.broadcast %add3A_298 : i32 to vector<16xi32>
        %add3A_300 = arith.addi %get3A_206, %add3A_299 : vector<16xi32>
        %swap3A_301 = arith.constant 16 : index
        %swap3A_302 = tpu.vector_load %arg20[%swap3A_301] {strides = array<i32>} : memref<128xi32, #tpu.memory_space<vmem>>, vector<16xi32>,
        %swap3A_303 = vector.shape_cast %swap3A_302 : vector<16xi32> to vector<16xi32>
        %swap3A_304 = vector.shape_cast %add3A_300 : vector<16xi32> to vector<16xi32>
        tpu.vector_store %arg20[%swap3A_301], %swap3A_304 {strides = array<i32>} : memref<128xi32, #tpu.memory_space<vmem>>, vector<16xi32>,
        %add3A_305 = arith.constant 140000 : i32
        %add3A_306 = vector.broadcast %add3A_305 : i32 to vector<16xi32>
        %add3A_307 = arith.addi %get3A_206, %add3A_306 : vector<16xi32>
        %swap3A_308 = arith.constant 16 : index
        %swap3A_309 = tpu.vector_load %arg21[%swap3A_308] {strides = array<i32>} : memref<128xi32, #tpu.memory_space<vmem>>, vector<16xi32>,
        %swap3A_310 = vector.shape_cast %swap3A_309 : vector<16xi32> to vector<16xi32>
        %swap3A_311 = vector.shape_cast %add3A_307 : vector<16xi32> to vector<16xi32>
        tpu.vector_store %arg21[%swap3A_308], %swap3A_311 {strides = array<i32>} : memref<128xi32, #tpu.memory_space<vmem>>, vector<16xi32>,
        %add3A_312 = arith.constant 150000 : i32
        %add3A_313 = vector.broadcast %add3A_312 : i32 to vector<16xi32>
        %add3A_314 = arith.addi %get3A_206, %add3A_313 : vector<16xi32>
        %swap3A_315 = arith.constant 16 : index
        %swap3A_316 = tpu.vector_load %arg22[%swap3A_315] {strides = array<i32>} : memref<128xi32, #tpu.memory_space<vmem>>, vector<16xi32>,
        %swap3A_317 = vector.shape_cast %swap3A_316 : vector<16xi32> to vector<16xi32>
        %swap3A_318 = vector.shape_cast %add3A_314 : vector<16xi32> to vector<16xi32>
        tpu.vector_store %arg22[%swap3A_315], %swap3A_318 {strides = array<i32>} : memref<128xi32, #tpu.memory_space<vmem>>, vector<16xi32>,
        %get3A_319 = arith.constant 32 : index
        %get3A_320 = tpu.vector_load %arg6[%get3A_319] {strides = array<i32>} : memref<128xi32, #tpu.memory_space<vmem>>, vector<16xi32>,
        %get3A_321 = vector.shape_cast %get3A_320 : vector<16xi32> to vector<16xi32>
        %add3A_322 = arith.constant 0 : i32
        %add3A_323 = vector.broadcast %add3A_322 : i32 to vector<16xi32>
        %add3A_324 = arith.addi %get3A_321, %add3A_323 : vector<16xi32>
        %swap3A_325 = arith.constant 32 : index
        %swap3A_326 = tpu.vector_load %arg7[%swap3A_325] {strides = array<i32>} : memref<128xi32, #tpu.memory_space<vmem>>, vector<16xi32>,
        %swap3A_327 = vector.shape_cast %swap3A_326 : vector<16xi32> to vector<16xi32>
        %swap3A_328 = vector.shape_cast %add3A_324 : vector<16xi32> to vector<16xi32>
        tpu.vector_store %arg7[%swap3A_325], %swap3A_328 {strides = array<i32>} : memref<128xi32, #tpu.memory_space<vmem>>, vector<16xi32>,
        %add3A_329 = arith.constant 10000 : i32
        %add3A_330 = vector.broadcast %add3A_329 : i32 to vector<16xi32>
        %add3A_331 = arith.addi %get3A_321, %add3A_330 : vector<16xi32>
        %swap3A_332 = arith.constant 32 : index
        %swap3A_333 = tpu.vector_load %arg8[%swap3A_332] {strides = array<i32>} : memref<128xi32, #tpu.memory_space<vmem>>, vector<16xi32>,
        %swap3A_334 = vector.shape_cast %swap3A_333 : vector<16xi32> to vector<16xi32>
        %swap3A_335 = vector.shape_cast %add3A_331 : vector<16xi32> to vector<16xi32>
        tpu.vector_store %arg8[%swap3A_332], %swap3A_335 {strides = array<i32>} : memref<128xi32, #tpu.memory_space<vmem>>, vector<16xi32>,
        %add3A_336 = arith.constant 20000 : i32
        %add3A_337 = vector.broadcast %add3A_336 : i32 to vector<16xi32>
        %add3A_338 = arith.addi %get3A_321, %add3A_337 : vector<16xi32>
        %swap3A_339 = arith.constant 32 : index
        %swap3A_340 = tpu.vector_load %arg9[%swap3A_339] {strides = array<i32>} : memref<128xi32, #tpu.memory_space<vmem>>, vector<16xi32>,
        %swap3A_341 = vector.shape_cast %swap3A_340 : vector<16xi32> to vector<16xi32>
        %swap3A_342 = vector.shape_cast %add3A_338 : vector<16xi32> to vector<16xi32>
        tpu.vector_store %arg9[%swap3A_339], %swap3A_342 {strides = array<i32>} : memref<128xi32, #tpu.memory_space<vmem>>, vector<16xi32>,
        %add3A_343 = arith.constant 30000 : i32
        %add3A_344 = vector.broadcast %add3A_343 : i32 to vector<16xi32>
        %add3A_345 = arith.addi %get3A_321, %add3A_344 : vector<16xi32>
        %swap3A_346 = arith.constant 32 : index
        %swap3A_347 = tpu.vector_load %arg10[%swap3A_346] {strides = array<i32>} : memref<128xi32, #tpu.memory_space<vmem>>, vector<16xi32>,
        %swap3A_348 = vector.shape_cast %swap3A_347 : vector<16xi32> to vector<16xi32>
        %swap3A_349 = vector.shape_cast %add3A_345 : vector<16xi32> to vector<16xi32>
        tpu.vector_store %arg10[%swap3A_346], %swap3A_349 {strides = array<i32>} : memref<128xi32, #tpu.memory_space<vmem>>, vector<16xi32>,
        %add3A_350 = arith.constant 40000 : i32
        %add3A_351 = vector.broadcast %add3A_350 : i32 to vector<16xi32>
        %add3A_352 = arith.addi %get3A_321, %add3A_351 : vector<16xi32>
        %swap3A_353 = arith.constant 32 : index
        %swap3A_354 = tpu.vector_load %arg11[%swap3A_353] {strides = array<i32>} : memref<128xi32, #tpu.memory_space<vmem>>, vector<16xi32>,
        %swap3A_355 = vector.shape_cast %swap3A_354 : vector<16xi32> to vector<16xi32>
        %swap3A_356 = vector.shape_cast %add3A_352 : vector<16xi32> to vector<16xi32>
        tpu.vector_store %arg11[%swap3A_353], %swap3A_356 {strides = array<i32>} : memref<128xi32, #tpu.memory_space<vmem>>, vector<16xi32>,
        %add3A_357 = arith.constant 50000 : i32
        %add3A_358 = vector.broadcast %add3A_357 : i32 to vector<16xi32>
        %add3A_359 = arith.addi %get3A_321, %add3A_358 : vector<16xi32>
        %swap3A_360 = arith.constant 32 : index
        %swap3A_361 = tpu.vector_load %arg12[%swap3A_360] {strides = array<i32>} : memref<128xi32, #tpu.memory_space<vmem>>, vector<16xi32>,
        %swap3A_362 = vector.shape_cast %swap3A_361 : vector<16xi32> to vector<16xi32>
        %swap3A_363 = vector.shape_cast %add3A_359 : vector<16xi32> to vector<16xi32>
        tpu.vector_store %arg12[%swap3A_360], %swap3A_363 {strides = array<i32>} : memref<128xi32, #tpu.memory_space<vmem>>, vector<16xi32>,
        %add3A_364 = arith.constant 60000 : i32
        %add3A_365 = vector.broadcast %add3A_364 : i32 to vector<16xi32>
        %add3A_366 = arith.addi %get3A_321, %add3A_365 : vector<16xi32>
        %swap3A_367 = arith.constant 32 : index
        %swap3A_368 = tpu.vector_load %arg13[%swap3A_367] {strides = array<i32>} : memref<128xi32, #tpu.memory_space<vmem>>, vector<16xi32>,
        %swap3A_369 = vector.shape_cast %swap3A_368 : vector<16xi32> to vector<16xi32>
        %swap3A_370 = vector.shape_cast %add3A_366 : vector<16xi32> to vector<16xi32>
        tpu.vector_store %arg13[%swap3A_367], %swap3A_370 {strides = array<i32>} : memref<128xi32, #tpu.memory_space<vmem>>, vector<16xi32>,
        %add3A_371 = arith.constant 70000 : i32
        %add3A_372 = vector.broadcast %add3A_371 : i32 to vector<16xi32>
        %add3A_373 = arith.addi %get3A_321, %add3A_372 : vector<16xi32>
        %swap3A_374 = arith.constant 32 : index
        %swap3A_375 = tpu.vector_load %arg14[%swap3A_374] {strides = array<i32>} : memref<128xi32, #tpu.memory_space<vmem>>, vector<16xi32>,
        %swap3A_376 = vector.shape_cast %swap3A_375 : vector<16xi32> to vector<16xi32>
        %swap3A_377 = vector.shape_cast %add3A_373 : vector<16xi32> to vector<16xi32>
        tpu.vector_store %arg14[%swap3A_374], %swap3A_377 {strides = array<i32>} : memref<128xi32, #tpu.memory_space<vmem>>, vector<16xi32>,
        %add3A_378 = arith.constant 80000 : i32
        %add3A_379 = vector.broadcast %add3A_378 : i32 to vector<16xi32>
        %add3A_380 = arith.addi %get3A_321, %add3A_379 : vector<16xi32>
        %swap3A_381 = arith.constant 32 : index
        %swap3A_382 = tpu.vector_load %arg15[%swap3A_381] {strides = array<i32>} : memref<128xi32, #tpu.memory_space<vmem>>, vector<16xi32>,
        %swap3A_383 = vector.shape_cast %swap3A_382 : vector<16xi32> to vector<16xi32>
        %swap3A_384 = vector.shape_cast %add3A_380 : vector<16xi32> to vector<16xi32>
        tpu.vector_store %arg15[%swap3A_381], %swap3A_384 {strides = array<i32>} : memref<128xi32, #tpu.memory_space<vmem>>, vector<16xi32>,
        %add3A_385 = arith.constant 90000 : i32
        %add3A_386 = vector.broadcast %add3A_385 : i32 to vector<16xi32>
        %add3A_387 = arith.addi %get3A_321, %add3A_386 : vector<16xi32>
        %swap3A_388 = arith.constant 32 : index
        %swap3A_389 = tpu.vector_load %arg16[%swap3A_388] {strides = array<i32>} : memref<128xi32, #tpu.memory_space<vmem>>, vector<16xi32>,
        %swap3A_390 = vector.shape_cast %swap3A_389 : vector<16xi32> to vector<16xi32>
        %swap3A_391 = vector.shape_cast %add3A_387 : vector<16xi32> to vector<16xi32>
        tpu.vector_store %arg16[%swap3A_388], %swap3A_391 {strides = array<i32>} : memref<128xi32, #tpu.memory_space<vmem>>, vector<16xi32>,
        %add3A_392 = arith.constant 100000 : i32
        %add3A_393 = vector.broadcast %add3A_392 : i32 to vector<16xi32>
        %add3A_394 = arith.addi %get3A_321, %add3A_393 : vector<16xi32>
        %swap3A_395 = arith.constant 32 : index
        %swap3A_396 = tpu.vector_load %arg17[%swap3A_395] {strides = array<i32>} : memref<128xi32, #tpu.memory_space<vmem>>, vector<16xi32>,
        %swap3A_397 = vector.shape_cast %swap3A_396 : vector<16xi32> to vector<16xi32>
        %swap3A_398 = vector.shape_cast %add3A_394 : vector<16xi32> to vector<16xi32>
        tpu.vector_store %arg17[%swap3A_395], %swap3A_398 {strides = array<i32>} : memref<128xi32, #tpu.memory_space<vmem>>, vector<16xi32>,
        %add3A_399 = arith.constant 110000 : i32
        %add3A_400 = vector.broadcast %add3A_399 : i32 to vector<16xi32>
        %add3A_401 = arith.addi %get3A_321, %add3A_400 : vector<16xi32>
        %swap3A_402 = arith.constant 32 : index
        %swap3A_403 = tpu.vector_load %arg18[%swap3A_402] {strides = array<i32>} : memref<128xi32, #tpu.memory_space<vmem>>, vector<16xi32>,
        %swap3A_404 = vector.shape_cast %swap3A_403 : vector<16xi32> to vector<16xi32>
        %swap3A_405 = vector.shape_cast %add3A_401 : vector<16xi32> to vector<16xi32>
        tpu.vector_store %arg18[%swap3A_402], %swap3A_405 {strides = array<i32>} : memref<128xi32, #tpu.memory_space<vmem>>, vector<16xi32>,
        %add3A_406 = arith.constant 120000 : i32
        %add3A_407 = vector.broadcast %add3A_406 : i32 to vector<16xi32>
        %add3A_408 = arith.addi %get3A_321, %add3A_407 : vector<16xi32>
        %swap3A_409 = arith.constant 32 : index
        %swap3A_410 = tpu.vector_load %arg19[%swap3A_409] {strides = array<i32>} : memref<128xi32, #tpu.memory_space<vmem>>, vector<16xi32>,
        %swap3A_411 = vector.shape_cast %swap3A_410 : vector<16xi32> to vector<16xi32>
        %swap3A_412 = vector.shape_cast %add3A_408 : vector<16xi32> to vector<16xi32>
        tpu.vector_store %arg19[%swap3A_409], %swap3A_412 {strides = array<i32>} : memref<128xi32, #tpu.memory_space<vmem>>, vector<16xi32>,
        %add3A_413 = arith.constant 130000 : i32
        %add3A_414 = vector.broadcast %add3A_413 : i32 to vector<16xi32>
        %add3A_415 = arith.addi %get3A_321, %add3A_414 : vector<16xi32>
        %swap3A_416 = arith.constant 32 : index
        %swap3A_417 = tpu.vector_load %arg20[%swap3A_416] {strides = array<i32>} : memref<128xi32, #tpu.memory_space<vmem>>, vector<16xi32>,
        %swap3A_418 = vector.shape_cast %swap3A_417 : vector<16xi32> to vector<16xi32>
        %swap3A_419 = vector.shape_cast %add3A_415 : vector<16xi32> to vector<16xi32>
        tpu.vector_store %arg20[%swap3A_416], %swap3A_419 {strides = array<i32>} : memref<128xi32, #tpu.memory_space<vmem>>, vector<16xi32>,
        %add3A_420 = arith.constant 140000 : i32
        %add3A_421 = vector.broadcast %add3A_420 : i32 to vector<16xi32>
        %add3A_422 = arith.addi %get3A_321, %add3A_421 : vector<16xi32>
        %swap3A_423 = arith.constant 32 : index
        %swap3A_424 = tpu.vector_load %arg21[%swap3A_423] {strides = array<i32>} : memref<128xi32, #tpu.memory_space<vmem>>, vector<16xi32>,
        %swap3A_425 = vector.shape_cast %swap3A_424 : vector<16xi32> to vector<16xi32>
        %swap3A_426 = vector.shape_cast %add3A_422 : vector<16xi32> to vector<16xi32>
        tpu.vector_store %arg21[%swap3A_423], %swap3A_426 {strides = array<i32>} : memref<128xi32, #tpu.memory_space<vmem>>, vector<16xi32>,
        %add3A_427 = arith.constant 150000 : i32
        %add3A_428 = vector.broadcast %add3A_427 : i32 to vector<16xi32>
        %add3A_429 = arith.addi %get3A_321, %add3A_428 : vector<16xi32>
        %swap3A_430 = arith.constant 32 : index
        %swap3A_431 = tpu.vector_load %arg22[%swap3A_430] {strides = array<i32>} : memref<128xi32, #tpu.memory_space<vmem>>, vector<16xi32>,
        %swap3A_432 = vector.shape_cast %swap3A_431 : vector<16xi32> to vector<16xi32>
        %swap3A_433 = vector.shape_cast %add3A_429 : vector<16xi32> to vector<16xi32>
        tpu.vector_store %arg22[%swap3A_430], %swap3A_433 {strides = array<i32>} : memref<128xi32, #tpu.memory_space<vmem>>, vector<16xi32>,
        %get3A_434 = arith.constant 48 : index
        %get3A_435 = tpu.vector_load %arg6[%get3A_434] {strides = array<i32>} : memref<128xi32, #tpu.memory_space<vmem>>, vector<16xi32>,
        %get3A_436 = vector.shape_cast %get3A_435 : vector<16xi32> to vector<16xi32>
        %add3A_437 = arith.constant 0 : i32
        %add3A_438 = vector.broadcast %add3A_437 : i32 to vector<16xi32>
        %add3A_439 = arith.addi %get3A_436, %add3A_438 : vector<16xi32>
        %swap3A_440 = arith.constant 48 : index
        %swap3A_441 = tpu.vector_load %arg7[%swap3A_440] {strides = array<i32>} : memref<128xi32, #tpu.memory_space<vmem>>, vector<16xi32>,
        %swap3A_442 = vector.shape_cast %swap3A_441 : vector<16xi32> to vector<16xi32>
        %swap3A_443 = vector.shape_cast %add3A_439 : vector<16xi32> to vector<16xi32>
        tpu.vector_store %arg7[%swap3A_440], %swap3A_443 {strides = array<i32>} : memref<128xi32, #tpu.memory_space<vmem>>, vector<16xi32>,
        %add3A_444 = arith.constant 10000 : i32
        %add3A_445 = vector.broadcast %add3A_444 : i32 to vector<16xi32>
        %add3A_446 = arith.addi %get3A_436, %add3A_445 : vector<16xi32>
        %swap3A_447 = arith.constant 48 : index
        %swap3A_448 = tpu.vector_load %arg8[%swap3A_447] {strides = array<i32>} : memref<128xi32, #tpu.memory_space<vmem>>, vector<16xi32>,
        %swap3A_449 = vector.shape_cast %swap3A_448 : vector<16xi32> to vector<16xi32>
        %swap3A_450 = vector.shape_cast %add3A_446 : vector<16xi32> to vector<16xi32>
        tpu.vector_store %arg8[%swap3A_447], %swap3A_450 {strides = array<i32>} : memref<128xi32, #tpu.memory_space<vmem>>, vector<16xi32>,
        %add3A_451 = arith.constant 20000 : i32
        %add3A_452 = vector.broadcast %add3A_451 : i32 to vector<16xi32>
        %add3A_453 = arith.addi %get3A_436, %add3A_452 : vector<16xi32>
        %swap3A_454 = arith.constant 48 : index
        %swap3A_455 = tpu.vector_load %arg9[%swap3A_454] {strides = array<i32>} : memref<128xi32, #tpu.memory_space<vmem>>, vector<16xi32>,
        %swap3A_456 = vector.shape_cast %swap3A_455 : vector<16xi32> to vector<16xi32>
        %swap3A_457 = vector.shape_cast %add3A_453 : vector<16xi32> to vector<16xi32>
        tpu.vector_store %arg9[%swap3A_454], %swap3A_457 {strides = array<i32>} : memref<128xi32, #tpu.memory_space<vmem>>, vector<16xi32>,
        %add3A_458 = arith.constant 30000 : i32
        %add3A_459 = vector.broadcast %add3A_458 : i32 to vector<16xi32>
        %add3A_460 = arith.addi %get3A_436, %add3A_459 : vector<16xi32>
        %swap3A_461 = arith.constant 48 : index
        %swap3A_462 = tpu.vector_load %arg10[%swap3A_461] {strides = array<i32>} : memref<128xi32, #tpu.memory_space<vmem>>, vector<16xi32>,
        %swap3A_463 = vector.shape_cast %swap3A_462 : vector<16xi32> to vector<16xi32>
        %swap3A_464 = vector.shape_cast %add3A_460 : vector<16xi32> to vector<16xi32>
        tpu.vector_store %arg10[%swap3A_461], %swap3A_464 {strides = array<i32>} : memref<128xi32, #tpu.memory_space<vmem>>, vector<16xi32>,
        %add3A_465 = arith.constant 40000 : i32
        %add3A_466 = vector.broadcast %add3A_465 : i32 to vector<16xi32>
        %add3A_467 = arith.addi %get3A_436, %add3A_466 : vector<16xi32>
        %swap3A_468 = arith.constant 48 : index
        %swap3A_469 = tpu.vector_load %arg11[%swap3A_468] {strides = array<i32>} : memref<128xi32, #tpu.memory_space<vmem>>, vector<16xi32>,
        %swap3A_470 = vector.shape_cast %swap3A_469 : vector<16xi32> to vector<16xi32>
        %swap3A_471 = vector.shape_cast %add3A_467 : vector<16xi32> to vector<16xi32>
        tpu.vector_store %arg11[%swap3A_468], %swap3A_471 {strides = array<i32>} : memref<128xi32, #tpu.memory_space<vmem>>, vector<16xi32>,
        %add3A_472 = arith.constant 50000 : i32
        %add3A_473 = vector.broadcast %add3A_472 : i32 to vector<16xi32>
        %add3A_474 = arith.addi %get3A_436, %add3A_473 : vector<16xi32>
        %swap3A_475 = arith.constant 48 : index
        %swap3A_476 = tpu.vector_load %arg12[%swap3A_475] {strides = array<i32>} : memref<128xi32, #tpu.memory_space<vmem>>, vector<16xi32>,
        %swap3A_477 = vector.shape_cast %swap3A_476 : vector<16xi32> to vector<16xi32>
        %swap3A_478 = vector.shape_cast %add3A_474 : vector<16xi32> to vector<16xi32>
        tpu.vector_store %arg12[%swap3A_475], %swap3A_478 {strides = array<i32>} : memref<128xi32, #tpu.memory_space<vmem>>, vector<16xi32>,
        %add3A_479 = arith.constant 60000 : i32
        %add3A_480 = vector.broadcast %add3A_479 : i32 to vector<16xi32>
        %add3A_481 = arith.addi %get3A_436, %add3A_480 : vector<16xi32>
        %swap3A_482 = arith.constant 48 : index
        %swap3A_483 = tpu.vector_load %arg13[%swap3A_482] {strides = array<i32>} : memref<128xi32, #tpu.memory_space<vmem>>, vector<16xi32>,
        %swap3A_484 = vector.shape_cast %swap3A_483 : vector<16xi32> to vector<16xi32>
        %swap3A_485 = vector.shape_cast %add3A_481 : vector<16xi32> to vector<16xi32>
        tpu.vector_store %arg13[%swap3A_482], %swap3A_485 {strides = array<i32>} : memref<128xi32, #tpu.memory_space<vmem>>, vector<16xi32>,
        %add3A_486 = arith.constant 70000 : i32
        %add3A_487 = vector.broadcast %add3A_486 : i32 to vector<16xi32>
        %add3A_488 = arith.addi %get3A_436, %add3A_487 : vector<16xi32>
        %swap3A_489 = arith.constant 48 : index
        %swap3A_490 = tpu.vector_load %arg14[%swap3A_489] {strides = array<i32>} : memref<128xi32, #tpu.memory_space<vmem>>, vector<16xi32>,
        %swap3A_491 = vector.shape_cast %swap3A_490 : vector<16xi32> to vector<16xi32>
        %swap3A_492 = vector.shape_cast %add3A_488 : vector<16xi32> to vector<16xi32>
        tpu.vector_store %arg14[%swap3A_489], %swap3A_492 {strides = array<i32>} : memref<128xi32, #tpu.memory_space<vmem>>, vector<16xi32>,
        %add3A_493 = arith.constant 80000 : i32
        %add3A_494 = vector.broadcast %add3A_493 : i32 to vector<16xi32>
        %add3A_495 = arith.addi %get3A_436, %add3A_494 : vector<16xi32>
        %swap3A_496 = arith.constant 48 : index
        %swap3A_497 = tpu.vector_load %arg15[%swap3A_496] {strides = array<i32>} : memref<128xi32, #tpu.memory_space<vmem>>, vector<16xi32>,
        %swap3A_498 = vector.shape_cast %swap3A_497 : vector<16xi32> to vector<16xi32>
        %swap3A_499 = vector.shape_cast %add3A_495 : vector<16xi32> to vector<16xi32>
        tpu.vector_store %arg15[%swap3A_496], %swap3A_499 {strides = array<i32>} : memref<128xi32, #tpu.memory_space<vmem>>, vector<16xi32>,
        %add3A_500 = arith.constant 90000 : i32
        %add3A_501 = vector.broadcast %add3A_500 : i32 to vector<16xi32>
        %add3A_502 = arith.addi %get3A_436, %add3A_501 : vector<16xi32>
        %swap3A_503 = arith.constant 48 : index
        %swap3A_504 = tpu.vector_load %arg16[%swap3A_503] {strides = array<i32>} : memref<128xi32, #tpu.memory_space<vmem>>, vector<16xi32>,
        %swap3A_505 = vector.shape_cast %swap3A_504 : vector<16xi32> to vector<16xi32>
        %swap3A_506 = vector.shape_cast %add3A_502 : vector<16xi32> to vector<16xi32>
        tpu.vector_store %arg16[%swap3A_503], %swap3A_506 {strides = array<i32>} : memref<128xi32, #tpu.memory_space<vmem>>, vector<16xi32>,
        %add3A_507 = arith.constant 100000 : i32
        %add3A_508 = vector.broadcast %add3A_507 : i32 to vector<16xi32>
        %add3A_509 = arith.addi %get3A_436, %add3A_508 : vector<16xi32>
        %swap3A_510 = arith.constant 48 : index
        %swap3A_511 = tpu.vector_load %arg17[%swap3A_510] {strides = array<i32>} : memref<128xi32, #tpu.memory_space<vmem>>, vector<16xi32>,
        %swap3A_512 = vector.shape_cast %swap3A_511 : vector<16xi32> to vector<16xi32>
        %swap3A_513 = vector.shape_cast %add3A_509 : vector<16xi32> to vector<16xi32>
        tpu.vector_store %arg17[%swap3A_510], %swap3A_513 {strides = array<i32>} : memref<128xi32, #tpu.memory_space<vmem>>, vector<16xi32>,
        %add3A_514 = arith.constant 110000 : i32
        %add3A_515 = vector.broadcast %add3A_514 : i32 to vector<16xi32>
        %add3A_516 = arith.addi %get3A_436, %add3A_515 : vector<16xi32>
        %swap3A_517 = arith.constant 48 : index
        %swap3A_518 = tpu.vector_load %arg18[%swap3A_517] {strides = array<i32>} : memref<128xi32, #tpu.memory_space<vmem>>, vector<16xi32>,
        %swap3A_519 = vector.shape_cast %swap3A_518 : vector<16xi32> to vector<16xi32>
        %swap3A_520 = vector.shape_cast %add3A_516 : vector<16xi32> to vector<16xi32>
        tpu.vector_store %arg18[%swap3A_517], %swap3A_520 {strides = array<i32>} : memref<128xi32, #tpu.memory_space<vmem>>, vector<16xi32>,
        %add3A_521 = arith.constant 120000 : i32
        %add3A_522 = vector.broadcast %add3A_521 : i32 to vector<16xi32>
        %add3A_523 = arith.addi %get3A_436, %add3A_522 : vector<16xi32>
        %swap3A_524 = arith.constant 48 : index
        %swap3A_525 = tpu.vector_load %arg19[%swap3A_524] {strides = array<i32>} : memref<128xi32, #tpu.memory_space<vmem>>, vector<16xi32>,
        %swap3A_526 = vector.shape_cast %swap3A_525 : vector<16xi32> to vector<16xi32>
        %swap3A_527 = vector.shape_cast %add3A_523 : vector<16xi32> to vector<16xi32>
        tpu.vector_store %arg19[%swap3A_524], %swap3A_527 {strides = array<i32>} : memref<128xi32, #tpu.memory_space<vmem>>, vector<16xi32>,
        %add3A_528 = arith.constant 130000 : i32
        %add3A_529 = vector.broadcast %add3A_528 : i32 to vector<16xi32>
        %add3A_530 = arith.addi %get3A_436, %add3A_529 : vector<16xi32>
        %swap3A_531 = arith.constant 48 : index
        %swap3A_532 = tpu.vector_load %arg20[%swap3A_531] {strides = array<i32>} : memref<128xi32, #tpu.memory_space<vmem>>, vector<16xi32>,
        %swap3A_533 = vector.shape_cast %swap3A_532 : vector<16xi32> to vector<16xi32>
        %swap3A_534 = vector.shape_cast %add3A_530 : vector<16xi32> to vector<16xi32>
        tpu.vector_store %arg20[%swap3A_531], %swap3A_534 {strides = array<i32>} : memref<128xi32, #tpu.memory_space<vmem>>, vector<16xi32>,
        %add3A_535 = arith.constant 140000 : i32
        %add3A_536 = vector.broadcast %add3A_535 : i32 to vector<16xi32>
        %add3A_537 = arith.addi %get3A_436, %add3A_536 : vector<16xi32>
        %swap3A_538 = arith.constant 48 : index
        %swap3A_539 = tpu.vector_load %arg21[%swap3A_538] {strides = array<i32>} : memref<128xi32, #tpu.memory_space<vmem>>, vector<16xi32>,
        %swap3A_540 = vector.shape_cast %swap3A_539 : vector<16xi32> to vector<16xi32>
        %swap3A_541 = vector.shape_cast %add3A_537 : vector<16xi32> to vector<16xi32>
        tpu.vector_store %arg21[%swap3A_538], %swap3A_541 {strides = array<i32>} : memref<128xi32, #tpu.memory_space<vmem>>, vector<16xi32>,
        %add3A_542 = arith.constant 150000 : i32
        %add3A_543 = vector.broadcast %add3A_542 : i32 to vector<16xi32>
        %add3A_544 = arith.addi %get3A_436, %add3A_543 : vector<16xi32>
        %swap3A_545 = arith.constant 48 : index
        %swap3A_546 = tpu.vector_load %arg22[%swap3A_545] {strides = array<i32>} : memref<128xi32, #tpu.memory_space<vmem>>, vector<16xi32>,
        %swap3A_547 = vector.shape_cast %swap3A_546 : vector<16xi32> to vector<16xi32>
        %swap3A_548 = vector.shape_cast %add3A_544 : vector<16xi32> to vector<16xi32>
        tpu.vector_store %arg22[%swap3A_545], %swap3A_548 {strides = array<i32>} : memref<128xi32, #tpu.memory_space<vmem>>, vector<16xi32>,
        %get3A_549 = arith.constant 64 : index
        %get3A_550 = tpu.vector_load %arg6[%get3A_549] {strides = array<i32>} : memref<128xi32, #tpu.memory_space<vmem>>, vector<16xi32>,
        %get3A_551 = vector.shape_cast %get3A_550 : vector<16xi32> to vector<16xi32>
        %add3A_552 = arith.constant 0 : i32
        %add3A_553 = vector.broadcast %add3A_552 : i32 to vector<16xi32>
        %add3A_554 = arith.addi %get3A_551, %add3A_553 : vector<16xi32>
        %swap3A_555 = arith.constant 64 : index
        %swap3A_556 = tpu.vector_load %arg7[%swap3A_555] {strides = array<i32>} : memref<128xi32, #tpu.memory_space<vmem>>, vector<16xi32>,
        %swap3A_557 = vector.shape_cast %swap3A_556 : vector<16xi32> to vector<16xi32>
        %swap3A_558 = vector.shape_cast %add3A_554 : vector<16xi32> to vector<16xi32>
        tpu.vector_store %arg7[%swap3A_555], %swap3A_558 {strides = array<i32>} : memref<128xi32, #tpu.memory_space<vmem>>, vector<16xi32>,
        %add3A_559 = arith.constant 10000 : i32
        %add3A_560 = vector.broadcast %add3A_559 : i32 to vector<16xi32>
        %add3A_561 = arith.addi %get3A_551, %add3A_560 : vector<16xi32>
        %swap3A_562 = arith.constant 64 : index
        %swap3A_563 = tpu.vector_load %arg8[%swap3A_562] {strides = array<i32>} : memref<128xi32, #tpu.memory_space<vmem>>, vector<16xi32>,
        %swap3A_564 = vector.shape_cast %swap3A_563 : vector<16xi32> to vector<16xi32>
        %swap3A_565 = vector.shape_cast %add3A_561 : vector<16xi32> to vector<16xi32>
        tpu.vector_store %arg8[%swap3A_562], %swap3A_565 {strides = array<i32>} : memref<128xi32, #tpu.memory_space<vmem>>, vector<16xi32>,
        %add3A_566 = arith.constant 20000 : i32
        %add3A_567 = vector.broadcast %add3A_566 : i32 to vector<16xi32>
        %add3A_568 = arith.addi %get3A_551, %add3A_567 : vector<16xi32>
        %swap3A_569 = arith.constant 64 : index
        %swap3A_570 = tpu.vector_load %arg9[%swap3A_569] {strides = array<i32>} : memref<128xi32, #tpu.memory_space<vmem>>, vector<16xi32>,
        %swap3A_571 = vector.shape_cast %swap3A_570 : vector<16xi32> to vector<16xi32>
        %swap3A_572 = vector.shape_cast %add3A_568 : vector<16xi32> to vector<16xi32>
        tpu.vector_store %arg9[%swap3A_569], %swap3A_572 {strides = array<i32>} : memref<128xi32, #tpu.memory_space<vmem>>, vector<16xi32>,
        %add3A_573 = arith.constant 30000 : i32
        %add3A_574 = vector.broadcast %add3A_573 : i32 to vector<16xi32>
        %add3A_575 = arith.addi %get3A_551, %add3A_574 : vector<16xi32>
        %swap3A_576 = arith.constant 64 : index
        %swap3A_577 = tpu.vector_load %arg10[%swap3A_576] {strides = array<i32>} : memref<128xi32, #tpu.memory_space<vmem>>, vector<16xi32>,
        %swap3A_578 = vector.shape_cast %swap3A_577 : vector<16xi32> to vector<16xi32>
        %swap3A_579 = vector.shape_cast %add3A_575 : vector<16xi32> to vector<16xi32>
        tpu.vector_store %arg10[%swap3A_576], %swap3A_579 {strides = array<i32>} : memref<128xi32, #tpu.memory_space<vmem>>, vector<16xi32>,
        %add3A_580 = arith.constant 40000 : i32
        %add3A_581 = vector.broadcast %add3A_580 : i32 to vector<16xi32>
        %add3A_582 = arith.addi %get3A_551, %add3A_581 : vector<16xi32>
        %swap3A_583 = arith.constant 64 : index
        %swap3A_584 = tpu.vector_load %arg11[%swap3A_583] {strides = array<i32>} : memref<128xi32, #tpu.memory_space<vmem>>, vector<16xi32>,
        %swap3A_585 = vector.shape_cast %swap3A_584 : vector<16xi32> to vector<16xi32>
        %swap3A_586 = vector.shape_cast %add3A_582 : vector<16xi32> to vector<16xi32>
        tpu.vector_store %arg11[%swap3A_583], %swap3A_586 {strides = array<i32>} : memref<128xi32, #tpu.memory_space<vmem>>, vector<16xi32>,
        %add3A_587 = arith.constant 50000 : i32
        %add3A_588 = vector.broadcast %add3A_587 : i32 to vector<16xi32>
        %add3A_589 = arith.addi %get3A_551, %add3A_588 : vector<16xi32>
        %swap3A_590 = arith.constant 64 : index
        %swap3A_591 = tpu.vector_load %arg12[%swap3A_590] {strides = array<i32>} : memref<128xi32, #tpu.memory_space<vmem>>, vector<16xi32>,
        %swap3A_592 = vector.shape_cast %swap3A_591 : vector<16xi32> to vector<16xi32>
        %swap3A_593 = vector.shape_cast %add3A_589 : vector<16xi32> to vector<16xi32>
        tpu.vector_store %arg12[%swap3A_590], %swap3A_593 {strides = array<i32>} : memref<128xi32, #tpu.memory_space<vmem>>, vector<16xi32>,
        %add3A_594 = arith.constant 60000 : i32
        %add3A_595 = vector.broadcast %add3A_594 : i32 to vector<16xi32>
        %add3A_596 = arith.addi %get3A_551, %add3A_595 : vector<16xi32>
        %swap3A_597 = arith.constant 64 : index
        %swap3A_598 = tpu.vector_load %arg13[%swap3A_597] {strides = array<i32>} : memref<128xi32, #tpu.memory_space<vmem>>, vector<16xi32>,
        %swap3A_599 = vector.shape_cast %swap3A_598 : vector<16xi32> to vector<16xi32>
        %swap3A_600 = vector.shape_cast %add3A_596 : vector<16xi32> to vector<16xi32>
        tpu.vector_store %arg13[%swap3A_597], %swap3A_600 {strides = array<i32>} : memref<128xi32, #tpu.memory_space<vmem>>, vector<16xi32>,
        %add3A_601 = arith.constant 70000 : i32
        %add3A_602 = vector.broadcast %add3A_601 : i32 to vector<16xi32>
        %add3A_603 = arith.addi %get3A_551, %add3A_602 : vector<16xi32>
        %swap3A_604 = arith.constant 64 : index
        %swap3A_605 = tpu.vector_load %arg14[%swap3A_604] {strides = array<i32>} : memref<128xi32, #tpu.memory_space<vmem>>, vector<16xi32>,
        %swap3A_606 = vector.shape_cast %swap3A_605 : vector<16xi32> to vector<16xi32>
        %swap3A_607 = vector.shape_cast %add3A_603 : vector<16xi32> to vector<16xi32>
        tpu.vector_store %arg14[%swap3A_604], %swap3A_607 {strides = array<i32>} : memref<128xi32, #tpu.memory_space<vmem>>, vector<16xi32>,
        %add3A_608 = arith.constant 80000 : i32
        %add3A_609 = vector.broadcast %add3A_608 : i32 to vector<16xi32>
        %add3A_610 = arith.addi %get3A_551, %add3A_609 : vector<16xi32>
        %swap3A_611 = arith.constant 64 : index
        %swap3A_612 = tpu.vector_load %arg15[%swap3A_611] {strides = array<i32>} : memref<128xi32, #tpu.memory_space<vmem>>, vector<16xi32>,
        %swap3A_613 = vector.shape_cast %swap3A_612 : vector<16xi32> to vector<16xi32>
        %swap3A_614 = vector.shape_cast %add3A_610 : vector<16xi32> to vector<16xi32>
        tpu.vector_store %arg15[%swap3A_611], %swap3A_614 {strides = array<i32>} : memref<128xi32, #tpu.memory_space<vmem>>, vector<16xi32>,
        %add3A_615 = arith.constant 90000 : i32
        %add3A_616 = vector.broadcast %add3A_615 : i32 to vector<16xi32>
        %add3A_617 = arith.addi %get3A_551, %add3A_616 : vector<16xi32>
        %swap3A_618 = arith.constant 64 : index
        %swap3A_619 = tpu.vector_load %arg16[%swap3A_618] {strides = array<i32>} : memref<128xi32, #tpu.memory_space<vmem>>, vector<16xi32>,
        %swap3A_620 = vector.shape_cast %swap3A_619 : vector<16xi32> to vector<16xi32>
        %swap3A_621 = vector.shape_cast %add3A_617 : vector<16xi32> to vector<16xi32>
        tpu.vector_store %arg16[%swap3A_618], %swap3A_621 {strides = array<i32>} : memref<128xi32, #tpu.memory_space<vmem>>, vector<16xi32>,
        %add3A_622 = arith.constant 100000 : i32
        %add3A_623 = vector.broadcast %add3A_622 : i32 to vector<16xi32>
        %add3A_624 = arith.addi %get3A_551, %add3A_623 : vector<16xi32>
        %swap3A_625 = arith.constant 64 : index
        %swap3A_626 = tpu.vector_load %arg17[%swap3A_625] {strides = array<i32>} : memref<128xi32, #tpu.memory_space<vmem>>, vector<16xi32>,
        %swap3A_627 = vector.shape_cast %swap3A_626 : vector<16xi32> to vector<16xi32>
        %swap3A_628 = vector.shape_cast %add3A_624 : vector<16xi32> to vector<16xi32>
        tpu.vector_store %arg17[%swap3A_625], %swap3A_628 {strides = array<i32>} : memref<128xi32, #tpu.memory_space<vmem>>, vector<16xi32>,
        %add3A_629 = arith.constant 110000 : i32
        %add3A_630 = vector.broadcast %add3A_629 : i32 to vector<16xi32>
        %add3A_631 = arith.addi %get3A_551, %add3A_630 : vector<16xi32>
        %swap3A_632 = arith.constant 64 : index
        %swap3A_633 = tpu.vector_load %arg18[%swap3A_632] {strides = array<i32>} : memref<128xi32, #tpu.memory_space<vmem>>, vector<16xi32>,
        %swap3A_634 = vector.shape_cast %swap3A_633 : vector<16xi32> to vector<16xi32>
        %swap3A_635 = vector.shape_cast %add3A_631 : vector<16xi32> to vector<16xi32>
        tpu.vector_store %arg18[%swap3A_632], %swap3A_635 {strides = array<i32>} : memref<128xi32, #tpu.memory_space<vmem>>, vector<16xi32>,
        %add3A_636 = arith.constant 120000 : i32
        %add3A_637 = vector.broadcast %add3A_636 : i32 to vector<16xi32>
        %add3A_638 = arith.addi %get3A_551, %add3A_637 : vector<16xi32>
        %swap3A_639 = arith.constant 64 : index
        %swap3A_640 = tpu.vector_load %arg19[%swap3A_639] {strides = array<i32>} : memref<128xi32, #tpu.memory_space<vmem>>, vector<16xi32>,
        %swap3A_641 = vector.shape_cast %swap3A_640 : vector<16xi32> to vector<16xi32>
        %swap3A_642 = vector.shape_cast %add3A_638 : vector<16xi32> to vector<16xi32>
        tpu.vector_store %arg19[%swap3A_639], %swap3A_642 {strides = array<i32>} : memref<128xi32, #tpu.memory_space<vmem>>, vector<16xi32>,
        %add3A_643 = arith.constant 130000 : i32
        %add3A_644 = vector.broadcast %add3A_643 : i32 to vector<16xi32>
        %add3A_645 = arith.addi %get3A_551, %add3A_644 : vector<16xi32>
        %swap3A_646 = arith.constant 64 : index
        %swap3A_647 = tpu.vector_load %arg20[%swap3A_646] {strides = array<i32>} : memref<128xi32, #tpu.memory_space<vmem>>, vector<16xi32>,
        %swap3A_648 = vector.shape_cast %swap3A_647 : vector<16xi32> to vector<16xi32>
        %swap3A_649 = vector.shape_cast %add3A_645 : vector<16xi32> to vector<16xi32>
        tpu.vector_store %arg20[%swap3A_646], %swap3A_649 {strides = array<i32>} : memref<128xi32, #tpu.memory_space<vmem>>, vector<16xi32>,
        %add3A_650 = arith.constant 140000 : i32
        %add3A_651 = vector.broadcast %add3A_650 : i32 to vector<16xi32>
        %add3A_652 = arith.addi %get3A_551, %add3A_651 : vector<16xi32>
        %swap3A_653 = arith.constant 64 : index
        %swap3A_654 = tpu.vector_load %arg21[%swap3A_653] {strides = array<i32>} : memref<128xi32, #tpu.memory_space<vmem>>, vector<16xi32>,
        %swap3A_655 = vector.shape_cast %swap3A_654 : vector<16xi32> to vector<16xi32>
        %swap3A_656 = vector.shape_cast %add3A_652 : vector<16xi32> to vector<16xi32>
        tpu.vector_store %arg21[%swap3A_653], %swap3A_656 {strides = array<i32>} : memref<128xi32, #tpu.memory_space<vmem>>, vector<16xi32>,
        %add3A_657 = arith.constant 150000 : i32
        %add3A_658 = vector.broadcast %add3A_657 : i32 to vector<16xi32>
        %add3A_659 = arith.addi %get3A_551, %add3A_658 : vector<16xi32>
        %swap3A_660 = arith.constant 64 : index
        %swap3A_661 = tpu.vector_load %arg22[%swap3A_660] {strides = array<i32>} : memref<128xi32, #tpu.memory_space<vmem>>, vector<16xi32>,
        %swap3A_662 = vector.shape_cast %swap3A_661 : vector<16xi32> to vector<16xi32>
        %swap3A_663 = vector.shape_cast %add3A_659 : vector<16xi32> to vector<16xi32>
        tpu.vector_store %arg22[%swap3A_660], %swap3A_663 {strides = array<i32>} : memref<128xi32, #tpu.memory_space<vmem>>, vector<16xi32>,
        %get3A_664 = arith.constant 80 : index
        %get3A_665 = tpu.vector_load %arg6[%get3A_664] {strides = array<i32>} : memref<128xi32, #tpu.memory_space<vmem>>, vector<16xi32>,
        %get3A_666 = vector.shape_cast %get3A_665 : vector<16xi32> to vector<16xi32>
        %add3A_667 = arith.constant 0 : i32
        %add3A_668 = vector.broadcast %add3A_667 : i32 to vector<16xi32>
        %add3A_669 = arith.addi %get3A_666, %add3A_668 : vector<16xi32>
        %swap3A_670 = arith.constant 80 : index
        %swap3A_671 = tpu.vector_load %arg7[%swap3A_670] {strides = array<i32>} : memref<128xi32, #tpu.memory_space<vmem>>, vector<16xi32>,
        %swap3A_672 = vector.shape_cast %swap3A_671 : vector<16xi32> to vector<16xi32>
        %swap3A_673 = vector.shape_cast %add3A_669 : vector<16xi32> to vector<16xi32>
        tpu.vector_store %arg7[%swap3A_670], %swap3A_673 {strides = array<i32>} : memref<128xi32, #tpu.memory_space<vmem>>, vector<16xi32>,
        %add3A_674 = arith.constant 10000 : i32
        %add3A_675 = vector.broadcast %add3A_674 : i32 to vector<16xi32>
        %add3A_676 = arith.addi %get3A_666, %add3A_675 : vector<16xi32>
        %swap3A_677 = arith.constant 80 : index
        %swap3A_678 = tpu.vector_load %arg8[%swap3A_677] {strides = array<i32>} : memref<128xi32, #tpu.memory_space<vmem>>, vector<16xi32>,
        %swap3A_679 = vector.shape_cast %swap3A_678 : vector<16xi32> to vector<16xi32>
        %swap3A_680 = vector.shape_cast %add3A_676 : vector<16xi32> to vector<16xi32>
        tpu.vector_store %arg8[%swap3A_677], %swap3A_680 {strides = array<i32>} : memref<128xi32, #tpu.memory_space<vmem>>, vector<16xi32>,
        %add3A_681 = arith.constant 20000 : i32
        %add3A_682 = vector.broadcast %add3A_681 : i32 to vector<16xi32>
        %add3A_683 = arith.addi %get3A_666, %add3A_682 : vector<16xi32>
        %swap3A_684 = arith.constant 80 : index
        %swap3A_685 = tpu.vector_load %arg9[%swap3A_684] {strides = array<i32>} : memref<128xi32, #tpu.memory_space<vmem>>, vector<16xi32>,
        %swap3A_686 = vector.shape_cast %swap3A_685 : vector<16xi32> to vector<16xi32>
        %swap3A_687 = vector.shape_cast %add3A_683 : vector<16xi32> to vector<16xi32>
        tpu.vector_store %arg9[%swap3A_684], %swap3A_687 {strides = array<i32>} : memref<128xi32, #tpu.memory_space<vmem>>, vector<16xi32>,
        %add3A_688 = arith.constant 30000 : i32
        %add3A_689 = vector.broadcast %add3A_688 : i32 to vector<16xi32>
        %add3A_690 = arith.addi %get3A_666, %add3A_689 : vector<16xi32>
        %swap3A_691 = arith.constant 80 : index
        %swap3A_692 = tpu.vector_load %arg10[%swap3A_691] {strides = array<i32>} : memref<128xi32, #tpu.memory_space<vmem>>, vector<16xi32>,
        %swap3A_693 = vector.shape_cast %swap3A_692 : vector<16xi32> to vector<16xi32>
        %swap3A_694 = vector.shape_cast %add3A_690 : vector<16xi32> to vector<16xi32>
        tpu.vector_store %arg10[%swap3A_691], %swap3A_694 {strides = array<i32>} : memref<128xi32, #tpu.memory_space<vmem>>, vector<16xi32>,
        %add3A_695 = arith.constant 40000 : i32
        %add3A_696 = vector.broadcast %add3A_695 : i32 to vector<16xi32>
        %add3A_697 = arith.addi %get3A_666, %add3A_696 : vector<16xi32>
        %swap3A_698 = arith.constant 80 : index
        %swap3A_699 = tpu.vector_load %arg11[%swap3A_698] {strides = array<i32>} : memref<128xi32, #tpu.memory_space<vmem>>, vector<16xi32>,
        %swap3A_700 = vector.shape_cast %swap3A_699 : vector<16xi32> to vector<16xi32>
        %swap3A_701 = vector.shape_cast %add3A_697 : vector<16xi32> to vector<16xi32>
        tpu.vector_store %arg11[%swap3A_698], %swap3A_701 {strides = array<i32>} : memref<128xi32, #tpu.memory_space<vmem>>, vector<16xi32>,
        %add3A_702 = arith.constant 50000 : i32
        %add3A_703 = vector.broadcast %add3A_702 : i32 to vector<16xi32>
        %add3A_704 = arith.addi %get3A_666, %add3A_703 : vector<16xi32>
        %swap3A_705 = arith.constant 80 : index
        %swap3A_706 = tpu.vector_load %arg12[%swap3A_705] {strides = array<i32>} : memref<128xi32, #tpu.memory_space<vmem>>, vector<16xi32>,
        %swap3A_707 = vector.shape_cast %swap3A_706 : vector<16xi32> to vector<16xi32>
        %swap3A_708 = vector.shape_cast %add3A_704 : vector<16xi32> to vector<16xi32>
        tpu.vector_store %arg12[%swap3A_705], %swap3A_708 {strides = array<i32>} : memref<128xi32, #tpu.memory_space<vmem>>, vector<16xi32>,
        %add3A_709 = arith.constant 60000 : i32
        %add3A_710 = vector.broadcast %add3A_709 : i32 to vector<16xi32>
        %add3A_711 = arith.addi %get3A_666, %add3A_710 : vector<16xi32>
        %swap3A_712 = arith.constant 80 : index
        %swap3A_713 = tpu.vector_load %arg13[%swap3A_712] {strides = array<i32>} : memref<128xi32, #tpu.memory_space<vmem>>, vector<16xi32>,
        %swap3A_714 = vector.shape_cast %swap3A_713 : vector<16xi32> to vector<16xi32>
        %swap3A_715 = vector.shape_cast %add3A_711 : vector<16xi32> to vector<16xi32>
        tpu.vector_store %arg13[%swap3A_712], %swap3A_715 {strides = array<i32>} : memref<128xi32, #tpu.memory_space<vmem>>, vector<16xi32>,
        %add3A_716 = arith.constant 70000 : i32
        %add3A_717 = vector.broadcast %add3A_716 : i32 to vector<16xi32>
        %add3A_718 = arith.addi %get3A_666, %add3A_717 : vector<16xi32>
        %swap3A_719 = arith.constant 80 : index
        %swap3A_720 = tpu.vector_load %arg14[%swap3A_719] {strides = array<i32>} : memref<128xi32, #tpu.memory_space<vmem>>, vector<16xi32>,
        %swap3A_721 = vector.shape_cast %swap3A_720 : vector<16xi32> to vector<16xi32>
        %swap3A_722 = vector.shape_cast %add3A_718 : vector<16xi32> to vector<16xi32>
        tpu.vector_store %arg14[%swap3A_719], %swap3A_722 {strides = array<i32>} : memref<128xi32, #tpu.memory_space<vmem>>, vector<16xi32>,
        %add3A_723 = arith.constant 80000 : i32
        %add3A_724 = vector.broadcast %add3A_723 : i32 to vector<16xi32>
        %add3A_725 = arith.addi %get3A_666, %add3A_724 : vector<16xi32>
        %swap3A_726 = arith.constant 80 : index
        %swap3A_727 = tpu.vector_load %arg15[%swap3A_726] {strides = array<i32>} : memref<128xi32, #tpu.memory_space<vmem>>, vector<16xi32>,
        %swap3A_728 = vector.shape_cast %swap3A_727 : vector<16xi32> to vector<16xi32>
        %swap3A_729 = vector.shape_cast %add3A_725 : vector<16xi32> to vector<16xi32>
        tpu.vector_store %arg15[%swap3A_726], %swap3A_729 {strides = array<i32>} : memref<128xi32, #tpu.memory_space<vmem>>, vector<16xi32>,
        %add3A_730 = arith.constant 90000 : i32
        %add3A_731 = vector.broadcast %add3A_730 : i32 to vector<16xi32>
        %add3A_732 = arith.addi %get3A_666, %add3A_731 : vector<16xi32>
        %swap3A_733 = arith.constant 80 : index
        %swap3A_734 = tpu.vector_load %arg16[%swap3A_733] {strides = array<i32>} : memref<128xi32, #tpu.memory_space<vmem>>, vector<16xi32>,
        %swap3A_735 = vector.shape_cast %swap3A_734 : vector<16xi32> to vector<16xi32>
        %swap3A_736 = vector.shape_cast %add3A_732 : vector<16xi32> to vector<16xi32>
        tpu.vector_store %arg16[%swap3A_733], %swap3A_736 {strides = array<i32>} : memref<128xi32, #tpu.memory_space<vmem>>, vector<16xi32>,
        %add3A_737 = arith.constant 100000 : i32
        %add3A_738 = vector.broadcast %add3A_737 : i32 to vector<16xi32>
        %add3A_739 = arith.addi %get3A_666, %add3A_738 : vector<16xi32>
        %swap3A_740 = arith.constant 80 : index
        %swap3A_741 = tpu.vector_load %arg17[%swap3A_740] {strides = array<i32>} : memref<128xi32, #tpu.memory_space<vmem>>, vector<16xi32>,
        %swap3A_742 = vector.shape_cast %swap3A_741 : vector<16xi32> to vector<16xi32>
        %swap3A_743 = vector.shape_cast %add3A_739 : vector<16xi32> to vector<16xi32>
        tpu.vector_store %arg17[%swap3A_740], %swap3A_743 {strides = array<i32>} : memref<128xi32, #tpu.memory_space<vmem>>, vector<16xi32>,
        %add3A_744 = arith.constant 110000 : i32
        %add3A_745 = vector.broadcast %add3A_744 : i32 to vector<16xi32>
        %add3A_746 = arith.addi %get3A_666, %add3A_745 : vector<16xi32>
        %swap3A_747 = arith.constant 80 : index
        %swap3A_748 = tpu.vector_load %arg18[%swap3A_747] {strides = array<i32>} : memref<128xi32, #tpu.memory_space<vmem>>, vector<16xi32>,
        %swap3A_749 = vector.shape_cast %swap3A_748 : vector<16xi32> to vector<16xi32>
        %swap3A_750 = vector.shape_cast %add3A_746 : vector<16xi32> to vector<16xi32>
        tpu.vector_store %arg18[%swap3A_747], %swap3A_750 {strides = array<i32>} : memref<128xi32, #tpu.memory_space<vmem>>, vector<16xi32>,
        %add3A_751 = arith.constant 120000 : i32
        %add3A_752 = vector.broadcast %add3A_751 : i32 to vector<16xi32>
        %add3A_753 = arith.addi %get3A_666, %add3A_752 : vector<16xi32>
        %swap3A_754 = arith.constant 80 : index
        %swap3A_755 = tpu.vector_load %arg19[%swap3A_754] {strides = array<i32>} : memref<128xi32, #tpu.memory_space<vmem>>, vector<16xi32>,
        %swap3A_756 = vector.shape_cast %swap3A_755 : vector<16xi32> to vector<16xi32>
        %swap3A_757 = vector.shape_cast %add3A_753 : vector<16xi32> to vector<16xi32>
        tpu.vector_store %arg19[%swap3A_754], %swap3A_757 {strides = array<i32>} : memref<128xi32, #tpu.memory_space<vmem>>, vector<16xi32>,
        %add3A_758 = arith.constant 130000 : i32
        %add3A_759 = vector.broadcast %add3A_758 : i32 to vector<16xi32>
        %add3A_760 = arith.addi %get3A_666, %add3A_759 : vector<16xi32>
        %swap3A_761 = arith.constant 80 : index
        %swap3A_762 = tpu.vector_load %arg20[%swap3A_761] {strides = array<i32>} : memref<128xi32, #tpu.memory_space<vmem>>, vector<16xi32>,
        %swap3A_763 = vector.shape_cast %swap3A_762 : vector<16xi32> to vector<16xi32>
        %swap3A_764 = vector.shape_cast %add3A_760 : vector<16xi32> to vector<16xi32>
        tpu.vector_store %arg20[%swap3A_761], %swap3A_764 {strides = array<i32>} : memref<128xi32, #tpu.memory_space<vmem>>, vector<16xi32>,
        %add3A_765 = arith.constant 140000 : i32
        %add3A_766 = vector.broadcast %add3A_765 : i32 to vector<16xi32>
        %add3A_767 = arith.addi %get3A_666, %add3A_766 : vector<16xi32>
        %swap3A_768 = arith.constant 80 : index
        %swap3A_769 = tpu.vector_load %arg21[%swap3A_768] {strides = array<i32>} : memref<128xi32, #tpu.memory_space<vmem>>, vector<16xi32>,
        %swap3A_770 = vector.shape_cast %swap3A_769 : vector<16xi32> to vector<16xi32>
        %swap3A_771 = vector.shape_cast %add3A_767 : vector<16xi32> to vector<16xi32>
        tpu.vector_store %arg21[%swap3A_768], %swap3A_771 {strides = array<i32>} : memref<128xi32, #tpu.memory_space<vmem>>, vector<16xi32>,
        %add3A_772 = arith.constant 150000 : i32
        %add3A_773 = vector.broadcast %add3A_772 : i32 to vector<16xi32>
        %add3A_774 = arith.addi %get3A_666, %add3A_773 : vector<16xi32>
        %swap3A_775 = arith.constant 80 : index
        %swap3A_776 = tpu.vector_load %arg22[%swap3A_775] {strides = array<i32>} : memref<128xi32, #tpu.memory_space<vmem>>, vector<16xi32>,
        %swap3A_777 = vector.shape_cast %swap3A_776 : vector<16xi32> to vector<16xi32>
        %swap3A_778 = vector.shape_cast %add3A_774 : vector<16xi32> to vector<16xi32>
        tpu.vector_store %arg22[%swap3A_775], %swap3A_778 {strides = array<i32>} : memref<128xi32, #tpu.memory_space<vmem>>, vector<16xi32>,
        %get3A_779 = arith.constant 96 : index
        %get3A_780 = tpu.vector_load %arg6[%get3A_779] {strides = array<i32>} : memref<128xi32, #tpu.memory_space<vmem>>, vector<16xi32>,
        %get3A_781 = vector.shape_cast %get3A_780 : vector<16xi32> to vector<16xi32>
        %add3A_782 = arith.constant 0 : i32
        %add3A_783 = vector.broadcast %add3A_782 : i32 to vector<16xi32>
        %add3A_784 = arith.addi %get3A_781, %add3A_783 : vector<16xi32>
        %swap3A_785 = arith.constant 96 : index
        %swap3A_786 = tpu.vector_load %arg7[%swap3A_785] {strides = array<i32>} : memref<128xi32, #tpu.memory_space<vmem>>, vector<16xi32>,
        %swap3A_787 = vector.shape_cast %swap3A_786 : vector<16xi32> to vector<16xi32>
        %swap3A_788 = vector.shape_cast %add3A_784 : vector<16xi32> to vector<16xi32>
        tpu.vector_store %arg7[%swap3A_785], %swap3A_788 {strides = array<i32>} : memref<128xi32, #tpu.memory_space<vmem>>, vector<16xi32>,
        %add3A_789 = arith.constant 10000 : i32
        %add3A_790 = vector.broadcast %add3A_789 : i32 to vector<16xi32>
        %add3A_791 = arith.addi %get3A_781, %add3A_790 : vector<16xi32>
        %swap3A_792 = arith.constant 96 : index
        %swap3A_793 = tpu.vector_load %arg8[%swap3A_792] {strides = array<i32>} : memref<128xi32, #tpu.memory_space<vmem>>, vector<16xi32>,
        %swap3A_794 = vector.shape_cast %swap3A_793 : vector<16xi32> to vector<16xi32>
        %swap3A_795 = vector.shape_cast %add3A_791 : vector<16xi32> to vector<16xi32>
        tpu.vector_store %arg8[%swap3A_792], %swap3A_795 {strides = array<i32>} : memref<128xi32, #tpu.memory_space<vmem>>, vector<16xi32>,
        %add3A_796 = arith.constant 20000 : i32
        %add3A_797 = vector.broadcast %add3A_796 : i32 to vector<16xi32>
        %add3A_798 = arith.addi %get3A_781, %add3A_797 : vector<16xi32>
        %swap3A_799 = arith.constant 96 : index
        %swap3A_800 = tpu.vector_load %arg9[%swap3A_799] {strides = array<i32>} : memref<128xi32, #tpu.memory_space<vmem>>, vector<16xi32>,
        %swap3A_801 = vector.shape_cast %swap3A_800 : vector<16xi32> to vector<16xi32>
        %swap3A_802 = vector.shape_cast %add3A_798 : vector<16xi32> to vector<16xi32>
        tpu.vector_store %arg9[%swap3A_799], %swap3A_802 {strides = array<i32>} : memref<128xi32, #tpu.memory_space<vmem>>, vector<16xi32>,
        %add3A_803 = arith.constant 30000 : i32
        %add3A_804 = vector.broadcast %add3A_803 : i32 to vector<16xi32>
        %add3A_805 = arith.addi %get3A_781, %add3A_804 : vector<16xi32>
        %swap3A_806 = arith.constant 96 : index
        %swap3A_807 = tpu.vector_load %arg10[%swap3A_806] {strides = array<i32>} : memref<128xi32, #tpu.memory_space<vmem>>, vector<16xi32>,
        %swap3A_808 = vector.shape_cast %swap3A_807 : vector<16xi32> to vector<16xi32>
        %swap3A_809 = vector.shape_cast %add3A_805 : vector<16xi32> to vector<16xi32>
        tpu.vector_store %arg10[%swap3A_806], %swap3A_809 {strides = array<i32>} : memref<128xi32, #tpu.memory_space<vmem>>, vector<16xi32>,
        %add3A_810 = arith.constant 40000 : i32
        %add3A_811 = vector.broadcast %add3A_810 : i32 to vector<16xi32>
        %add3A_812 = arith.addi %get3A_781, %add3A_811 : vector<16xi32>
        %swap3A_813 = arith.constant 96 : index
        %swap3A_814 = tpu.vector_load %arg11[%swap3A_813] {strides = array<i32>} : memref<128xi32, #tpu.memory_space<vmem>>, vector<16xi32>,
        %swap3A_815 = vector.shape_cast %swap3A_814 : vector<16xi32> to vector<16xi32>
        %swap3A_816 = vector.shape_cast %add3A_812 : vector<16xi32> to vector<16xi32>
        tpu.vector_store %arg11[%swap3A_813], %swap3A_816 {strides = array<i32>} : memref<128xi32, #tpu.memory_space<vmem>>, vector<16xi32>,
        %add3A_817 = arith.constant 50000 : i32
        %add3A_818 = vector.broadcast %add3A_817 : i32 to vector<16xi32>
        %add3A_819 = arith.addi %get3A_781, %add3A_818 : vector<16xi32>
        %swap3A_820 = arith.constant 96 : index
        %swap3A_821 = tpu.vector_load %arg12[%swap3A_820] {strides = array<i32>} : memref<128xi32, #tpu.memory_space<vmem>>, vector<16xi32>,
        %swap3A_822 = vector.shape_cast %swap3A_821 : vector<16xi32> to vector<16xi32>
        %swap3A_823 = vector.shape_cast %add3A_819 : vector<16xi32> to vector<16xi32>
        tpu.vector_store %arg12[%swap3A_820], %swap3A_823 {strides = array<i32>} : memref<128xi32, #tpu.memory_space<vmem>>, vector<16xi32>,
        %add3A_824 = arith.constant 60000 : i32
        %add3A_825 = vector.broadcast %add3A_824 : i32 to vector<16xi32>
        %add3A_826 = arith.addi %get3A_781, %add3A_825 : vector<16xi32>
        %swap3A_827 = arith.constant 96 : index
        %swap3A_828 = tpu.vector_load %arg13[%swap3A_827] {strides = array<i32>} : memref<128xi32, #tpu.memory_space<vmem>>, vector<16xi32>,
        %swap3A_829 = vector.shape_cast %swap3A_828 : vector<16xi32> to vector<16xi32>
        %swap3A_830 = vector.shape_cast %add3A_826 : vector<16xi32> to vector<16xi32>
        tpu.vector_store %arg13[%swap3A_827], %swap3A_830 {strides = array<i32>} : memref<128xi32, #tpu.memory_space<vmem>>, vector<16xi32>,
        %add3A_831 = arith.constant 70000 : i32
        %add3A_832 = vector.broadcast %add3A_831 : i32 to vector<16xi32>
        %add3A_833 = arith.addi %get3A_781, %add3A_832 : vector<16xi32>
        %swap3A_834 = arith.constant 96 : index
        %swap3A_835 = tpu.vector_load %arg14[%swap3A_834] {strides = array<i32>} : memref<128xi32, #tpu.memory_space<vmem>>, vector<16xi32>,
        %swap3A_836 = vector.shape_cast %swap3A_835 : vector<16xi32> to vector<16xi32>
        %swap3A_837 = vector.shape_cast %add3A_833 : vector<16xi32> to vector<16xi32>
        tpu.vector_store %arg14[%swap3A_834], %swap3A_837 {strides = array<i32>} : memref<128xi32, #tpu.memory_space<vmem>>, vector<16xi32>,
        %add3A_838 = arith.constant 80000 : i32
        %add3A_839 = vector.broadcast %add3A_838 : i32 to vector<16xi32>
        %add3A_840 = arith.addi %get3A_781, %add3A_839 : vector<16xi32>
        %swap3A_841 = arith.constant 96 : index
        %swap3A_842 = tpu.vector_load %arg15[%swap3A_841] {strides = array<i32>} : memref<128xi32, #tpu.memory_space<vmem>>, vector<16xi32>,
        %swap3A_843 = vector.shape_cast %swap3A_842 : vector<16xi32> to vector<16xi32>
        %swap3A_844 = vector.shape_cast %add3A_840 : vector<16xi32> to vector<16xi32>
        tpu.vector_store %arg15[%swap3A_841], %swap3A_844 {strides = array<i32>} : memref<128xi32, #tpu.memory_space<vmem>>, vector<16xi32>,
        %add3A_845 = arith.constant 90000 : i32
        %add3A_846 = vector.broadcast %add3A_845 : i32 to vector<16xi32>
        %add3A_847 = arith.addi %get3A_781, %add3A_846 : vector<16xi32>
        %swap3A_848 = arith.constant 96 : index
        %swap3A_849 = tpu.vector_load %arg16[%swap3A_848] {strides = array<i32>} : memref<128xi32, #tpu.memory_space<vmem>>, vector<16xi32>,
        %swap3A_850 = vector.shape_cast %swap3A_849 : vector<16xi32> to vector<16xi32>
        %swap3A_851 = vector.shape_cast %add3A_847 : vector<16xi32> to vector<16xi32>
        tpu.vector_store %arg16[%swap3A_848], %swap3A_851 {strides = array<i32>} : memref<128xi32, #tpu.memory_space<vmem>>, vector<16xi32>,
        %add3A_852 = arith.constant 100000 : i32
        %add3A_853 = vector.broadcast %add3A_852 : i32 to vector<16xi32>
        %add3A_854 = arith.addi %get3A_781, %add3A_853 : vector<16xi32>
        %swap3A_855 = arith.constant 96 : index
        %swap3A_856 = tpu.vector_load %arg17[%swap3A_855] {strides = array<i32>} : memref<128xi32, #tpu.memory_space<vmem>>, vector<16xi32>,
        %swap3A_857 = vector.shape_cast %swap3A_856 : vector<16xi32> to vector<16xi32>
        %swap3A_858 = vector.shape_cast %add3A_854 : vector<16xi32> to vector<16xi32>
        tpu.vector_store %arg17[%swap3A_855], %swap3A_858 {strides = array<i32>} : memref<128xi32, #tpu.memory_space<vmem>>, vector<16xi32>,
        %add3A_859 = arith.constant 110000 : i32
        %add3A_860 = vector.broadcast %add3A_859 : i32 to vector<16xi32>
        %add3A_861 = arith.addi %get3A_781, %add3A_860 : vector<16xi32>
        %swap3A_862 = arith.constant 96 : index
        %swap3A_863 = tpu.vector_load %arg18[%swap3A_862] {strides = array<i32>} : memref<128xi32, #tpu.memory_space<vmem>>, vector<16xi32>,
        %swap3A_864 = vector.shape_cast %swap3A_863 : vector<16xi32> to vector<16xi32>
        %swap3A_865 = vector.shape_cast %add3A_861 : vector<16xi32> to vector<16xi32>
        tpu.vector_store %arg18[%swap3A_862], %swap3A_865 {strides = array<i32>} : memref<128xi32, #tpu.memory_space<vmem>>, vector<16xi32>,
        %add3A_866 = arith.constant 120000 : i32
        %add3A_867 = vector.broadcast %add3A_866 : i32 to vector<16xi32>
        %add3A_868 = arith.addi %get3A_781, %add3A_867 : vector<16xi32>
        %swap3A_869 = arith.constant 96 : index
        %swap3A_870 = tpu.vector_load %arg19[%swap3A_869] {strides = array<i32>} : memref<128xi32, #tpu.memory_space<vmem>>, vector<16xi32>,
        %swap3A_871 = vector.shape_cast %swap3A_870 : vector<16xi32> to vector<16xi32>
        %swap3A_872 = vector.shape_cast %add3A_868 : vector<16xi32> to vector<16xi32>
        tpu.vector_store %arg19[%swap3A_869], %swap3A_872 {strides = array<i32>} : memref<128xi32, #tpu.memory_space<vmem>>, vector<16xi32>,
        %add3A_873 = arith.constant 130000 : i32
        %add3A_874 = vector.broadcast %add3A_873 : i32 to vector<16xi32>
        %add3A_875 = arith.addi %get3A_781, %add3A_874 : vector<16xi32>
        %swap3A_876 = arith.constant 96 : index
        %swap3A_877 = tpu.vector_load %arg20[%swap3A_876] {strides = array<i32>} : memref<128xi32, #tpu.memory_space<vmem>>, vector<16xi32>,
        %swap3A_878 = vector.shape_cast %swap3A_877 : vector<16xi32> to vector<16xi32>
        %swap3A_879 = vector.shape_cast %add3A_875 : vector<16xi32> to vector<16xi32>
        tpu.vector_store %arg20[%swap3A_876], %swap3A_879 {strides = array<i32>} : memref<128xi32, #tpu.memory_space<vmem>>, vector<16xi32>,
        %add3A_880 = arith.constant 140000 : i32
        %add3A_881 = vector.broadcast %add3A_880 : i32 to vector<16xi32>
        %add3A_882 = arith.addi %get3A_781, %add3A_881 : vector<16xi32>
        %swap3A_883 = arith.constant 96 : index
        %swap3A_884 = tpu.vector_load %arg21[%swap3A_883] {strides = array<i32>} : memref<128xi32, #tpu.memory_space<vmem>>, vector<16xi32>,
        %swap3A_885 = vector.shape_cast %swap3A_884 : vector<16xi32> to vector<16xi32>
        %swap3A_886 = vector.shape_cast %add3A_882 : vector<16xi32> to vector<16xi32>
        tpu.vector_store %arg21[%swap3A_883], %swap3A_886 {strides = array<i32>} : memref<128xi32, #tpu.memory_space<vmem>>, vector<16xi32>,
        %add3A_887 = arith.constant 150000 : i32
        %add3A_888 = vector.broadcast %add3A_887 : i32 to vector<16xi32>
        %add3A_889 = arith.addi %get3A_781, %add3A_888 : vector<16xi32>
        %swap3A_890 = arith.constant 96 : index
        %swap3A_891 = tpu.vector_load %arg22[%swap3A_890] {strides = array<i32>} : memref<128xi32, #tpu.memory_space<vmem>>, vector<16xi32>,
        %swap3A_892 = vector.shape_cast %swap3A_891 : vector<16xi32> to vector<16xi32>
        %swap3A_893 = vector.shape_cast %add3A_889 : vector<16xi32> to vector<16xi32>
        tpu.vector_store %arg22[%swap3A_890], %swap3A_893 {strides = array<i32>} : memref<128xi32, #tpu.memory_space<vmem>>, vector<16xi32>,
        %get3A_894 = arith.constant 112 : index
        %get3A_895 = tpu.vector_load %arg6[%get3A_894] {strides = array<i32>} : memref<128xi32, #tpu.memory_space<vmem>>, vector<16xi32>,
        %get3A_896 = vector.shape_cast %get3A_895 : vector<16xi32> to vector<16xi32>
        %add3A_897 = arith.constant 0 : i32
        %add3A_898 = vector.broadcast %add3A_897 : i32 to vector<16xi32>
        %add3A_899 = arith.addi %get3A_896, %add3A_898 : vector<16xi32>
        %swap3A_900 = arith.constant 112 : index
        %swap3A_901 = tpu.vector_load %arg7[%swap3A_900] {strides = array<i32>} : memref<128xi32, #tpu.memory_space<vmem>>, vector<16xi32>,
        %swap3A_902 = vector.shape_cast %swap3A_901 : vector<16xi32> to vector<16xi32>
        %swap3A_903 = vector.shape_cast %add3A_899 : vector<16xi32> to vector<16xi32>
        tpu.vector_store %arg7[%swap3A_900], %swap3A_903 {strides = array<i32>} : memref<128xi32, #tpu.memory_space<vmem>>, vector<16xi32>,
        %add3A_904 = arith.constant 10000 : i32
        %add3A_905 = vector.broadcast %add3A_904 : i32 to vector<16xi32>
        %add3A_906 = arith.addi %get3A_896, %add3A_905 : vector<16xi32>
        %swap3A_907 = arith.constant 112 : index
        %swap3A_908 = tpu.vector_load %arg8[%swap3A_907] {strides = array<i32>} : memref<128xi32, #tpu.memory_space<vmem>>, vector<16xi32>,
        %swap3A_909 = vector.shape_cast %swap3A_908 : vector<16xi32> to vector<16xi32>
        %swap3A_910 = vector.shape_cast %add3A_906 : vector<16xi32> to vector<16xi32>
        tpu.vector_store %arg8[%swap3A_907], %swap3A_910 {strides = array<i32>} : memref<128xi32, #tpu.memory_space<vmem>>, vector<16xi32>,
        %add3A_911 = arith.constant 20000 : i32
        %add3A_912 = vector.broadcast %add3A_911 : i32 to vector<16xi32>
        %add3A_913 = arith.addi %get3A_896, %add3A_912 : vector<16xi32>
        %swap3A_914 = arith.constant 112 : index
        %swap3A_915 = tpu.vector_load %arg9[%swap3A_914] {strides = array<i32>} : memref<128xi32, #tpu.memory_space<vmem>>, vector<16xi32>,
        %swap3A_916 = vector.shape_cast %swap3A_915 : vector<16xi32> to vector<16xi32>
        %swap3A_917 = vector.shape_cast %add3A_913 : vector<16xi32> to vector<16xi32>
        tpu.vector_store %arg9[%swap3A_914], %swap3A_917 {strides = array<i32>} : memref<128xi32, #tpu.memory_space<vmem>>, vector<16xi32>,
        %add3A_918 = arith.constant 30000 : i32
        %add3A_919 = vector.broadcast %add3A_918 : i32 to vector<16xi32>
        %add3A_920 = arith.addi %get3A_896, %add3A_919 : vector<16xi32>
        %swap3A_921 = arith.constant 112 : index
        %swap3A_922 = tpu.vector_load %arg10[%swap3A_921] {strides = array<i32>} : memref<128xi32, #tpu.memory_space<vmem>>, vector<16xi32>,
        %swap3A_923 = vector.shape_cast %swap3A_922 : vector<16xi32> to vector<16xi32>
        %swap3A_924 = vector.shape_cast %add3A_920 : vector<16xi32> to vector<16xi32>
        tpu.vector_store %arg10[%swap3A_921], %swap3A_924 {strides = array<i32>} : memref<128xi32, #tpu.memory_space<vmem>>, vector<16xi32>,
        %add3A_925 = arith.constant 40000 : i32
        %add3A_926 = vector.broadcast %add3A_925 : i32 to vector<16xi32>
        %add3A_927 = arith.addi %get3A_896, %add3A_926 : vector<16xi32>
        %swap3A_928 = arith.constant 112 : index
        %swap3A_929 = tpu.vector_load %arg11[%swap3A_928] {strides = array<i32>} : memref<128xi32, #tpu.memory_space<vmem>>, vector<16xi32>,
        %swap3A_930 = vector.shape_cast %swap3A_929 : vector<16xi32> to vector<16xi32>
        %swap3A_931 = vector.shape_cast %add3A_927 : vector<16xi32> to vector<16xi32>
        tpu.vector_store %arg11[%swap3A_928], %swap3A_931 {strides = array<i32>} : memref<128xi32, #tpu.memory_space<vmem>>, vector<16xi32>,
        %add3A_932 = arith.constant 50000 : i32
        %add3A_933 = vector.broadcast %add3A_932 : i32 to vector<16xi32>
        %add3A_934 = arith.addi %get3A_896, %add3A_933 : vector<16xi32>
        %swap3A_935 = arith.constant 112 : index
        %swap3A_936 = tpu.vector_load %arg12[%swap3A_935] {strides = array<i32>} : memref<128xi32, #tpu.memory_space<vmem>>, vector<16xi32>,
        %swap3A_937 = vector.shape_cast %swap3A_936 : vector<16xi32> to vector<16xi32>
        %swap3A_938 = vector.shape_cast %add3A_934 : vector<16xi32> to vector<16xi32>
        tpu.vector_store %arg12[%swap3A_935], %swap3A_938 {strides = array<i32>} : memref<128xi32, #tpu.memory_space<vmem>>, vector<16xi32>,
        %add3A_939 = arith.constant 60000 : i32
        %add3A_940 = vector.broadcast %add3A_939 : i32 to vector<16xi32>
        %add3A_941 = arith.addi %get3A_896, %add3A_940 : vector<16xi32>
        %swap3A_942 = arith.constant 112 : index
        %swap3A_943 = tpu.vector_load %arg13[%swap3A_942] {strides = array<i32>} : memref<128xi32, #tpu.memory_space<vmem>>, vector<16xi32>,
        %swap3A_944 = vector.shape_cast %swap3A_943 : vector<16xi32> to vector<16xi32>
        %swap3A_945 = vector.shape_cast %add3A_941 : vector<16xi32> to vector<16xi32>
        tpu.vector_store %arg13[%swap3A_942], %swap3A_945 {strides = array<i32>} : memref<128xi32, #tpu.memory_space<vmem>>, vector<16xi32>,
        %add3A_946 = arith.constant 70000 : i32
        %add3A_947 = vector.broadcast %add3A_946 : i32 to vector<16xi32>
        %add3A_948 = arith.addi %get3A_896, %add3A_947 : vector<16xi32>
        %swap3A_949 = arith.constant 112 : index
        %swap3A_950 = tpu.vector_load %arg14[%swap3A_949] {strides = array<i32>} : memref<128xi32, #tpu.memory_space<vmem>>, vector<16xi32>,
        %swap3A_951 = vector.shape_cast %swap3A_950 : vector<16xi32> to vector<16xi32>
        %swap3A_952 = vector.shape_cast %add3A_948 : vector<16xi32> to vector<16xi32>
        tpu.vector_store %arg14[%swap3A_949], %swap3A_952 {strides = array<i32>} : memref<128xi32, #tpu.memory_space<vmem>>, vector<16xi32>,
        %add3A_953 = arith.constant 80000 : i32
        %add3A_954 = vector.broadcast %add3A_953 : i32 to vector<16xi32>
        %add3A_955 = arith.addi %get3A_896, %add3A_954 : vector<16xi32>
        %swap3A_956 = arith.constant 112 : index
        %swap3A_957 = tpu.vector_load %arg15[%swap3A_956] {strides = array<i32>} : memref<128xi32, #tpu.memory_space<vmem>>, vector<16xi32>,
        %swap3A_958 = vector.shape_cast %swap3A_957 : vector<16xi32> to vector<16xi32>
        %swap3A_959 = vector.shape_cast %add3A_955 : vector<16xi32> to vector<16xi32>
        tpu.vector_store %arg15[%swap3A_956], %swap3A_959 {strides = array<i32>} : memref<128xi32, #tpu.memory_space<vmem>>, vector<16xi32>,
        %add3A_960 = arith.constant 90000 : i32
        %add3A_961 = vector.broadcast %add3A_960 : i32 to vector<16xi32>
        %add3A_962 = arith.addi %get3A_896, %add3A_961 : vector<16xi32>
        %swap3A_963 = arith.constant 112 : index
        %swap3A_964 = tpu.vector_load %arg16[%swap3A_963] {strides = array<i32>} : memref<128xi32, #tpu.memory_space<vmem>>, vector<16xi32>,
        %swap3A_965 = vector.shape_cast %swap3A_964 : vector<16xi32> to vector<16xi32>
        %swap3A_966 = vector.shape_cast %add3A_962 : vector<16xi32> to vector<16xi32>
        tpu.vector_store %arg16[%swap3A_963], %swap3A_966 {strides = array<i32>} : memref<128xi32, #tpu.memory_space<vmem>>, vector<16xi32>,
        %add3A_967 = arith.constant 100000 : i32
        %add3A_968 = vector.broadcast %add3A_967 : i32 to vector<16xi32>
        %add3A_969 = arith.addi %get3A_896, %add3A_968 : vector<16xi32>
        %swap3A_970 = arith.constant 112 : index
        %swap3A_971 = tpu.vector_load %arg17[%swap3A_970] {strides = array<i32>} : memref<128xi32, #tpu.memory_space<vmem>>, vector<16xi32>,
        %swap3A_972 = vector.shape_cast %swap3A_971 : vector<16xi32> to vector<16xi32>
        %swap3A_973 = vector.shape_cast %add3A_969 : vector<16xi32> to vector<16xi32>
        tpu.vector_store %arg17[%swap3A_970], %swap3A_973 {strides = array<i32>} : memref<128xi32, #tpu.memory_space<vmem>>, vector<16xi32>,
        %add3A_974 = arith.constant 110000 : i32
        %add3A_975 = vector.broadcast %add3A_974 : i32 to vector<16xi32>
        %add3A_976 = arith.addi %get3A_896, %add3A_975 : vector<16xi32>
        %swap3A_977 = arith.constant 112 : index
        %swap3A_978 = tpu.vector_load %arg18[%swap3A_977] {strides = array<i32>} : memref<128xi32, #tpu.memory_space<vmem>>, vector<16xi32>,
        %swap3A_979 = vector.shape_cast %swap3A_978 : vector<16xi32> to vector<16xi32>
        %swap3A_980 = vector.shape_cast %add3A_976 : vector<16xi32> to vector<16xi32>
        tpu.vector_store %arg18[%swap3A_977], %swap3A_980 {strides = array<i32>} : memref<128xi32, #tpu.memory_space<vmem>>, vector<16xi32>,
        %add3A_981 = arith.constant 120000 : i32
        %add3A_982 = vector.broadcast %add3A_981 : i32 to vector<16xi32>
        %add3A_983 = arith.addi %get3A_896, %add3A_982 : vector<16xi32>
        %swap3A_984 = arith.constant 112 : index
        %swap3A_985 = tpu.vector_load %arg19[%swap3A_984] {strides = array<i32>} : memref<128xi32, #tpu.memory_space<vmem>>, vector<16xi32>,
        %swap3A_986 = vector.shape_cast %swap3A_985 : vector<16xi32> to vector<16xi32>
        %swap3A_987 = vector.shape_cast %add3A_983 : vector<16xi32> to vector<16xi32>
        tpu.vector_store %arg19[%swap3A_984], %swap3A_987 {strides = array<i32>} : memref<128xi32, #tpu.memory_space<vmem>>, vector<16xi32>,
        %add3A_988 = arith.constant 130000 : i32
        %add3A_989 = vector.broadcast %add3A_988 : i32 to vector<16xi32>
        %add3A_990 = arith.addi %get3A_896, %add3A_989 : vector<16xi32>
        %swap3A_991 = arith.constant 112 : index
        %swap3A_992 = tpu.vector_load %arg20[%swap3A_991] {strides = array<i32>} : memref<128xi32, #tpu.memory_space<vmem>>, vector<16xi32>,
        %swap3A_993 = vector.shape_cast %swap3A_992 : vector<16xi32> to vector<16xi32>
        %swap3A_994 = vector.shape_cast %add3A_990 : vector<16xi32> to vector<16xi32>
        tpu.vector_store %arg20[%swap3A_991], %swap3A_994 {strides = array<i32>} : memref<128xi32, #tpu.memory_space<vmem>>, vector<16xi32>,
        %add3A_995 = arith.constant 140000 : i32
        %add3A_996 = vector.broadcast %add3A_995 : i32 to vector<16xi32>
        %add3A_997 = arith.addi %get3A_896, %add3A_996 : vector<16xi32>
        %swap3A_998 = arith.constant 112 : index
        %swap3A_999 = tpu.vector_load %arg21[%swap3A_998] {strides = array<i32>} : memref<128xi32, #tpu.memory_space<vmem>>, vector<16xi32>,
        %swap3A_1000 = vector.shape_cast %swap3A_999 : vector<16xi32> to vector<16xi32>
        %swap3A_1001 = vector.shape_cast %add3A_997 : vector<16xi32> to vector<16xi32>
        tpu.vector_store %arg21[%swap3A_998], %swap3A_1001 {strides = array<i32>} : memref<128xi32, #tpu.memory_space<vmem>>, vector<16xi32>,
        %add3A_1002 = arith.constant 150000 : i32
        %add3A_1003 = vector.broadcast %add3A_1002 : i32 to vector<16xi32>
        %add3A_1004 = arith.addi %get3A_896, %add3A_1003 : vector<16xi32>
        %swap3A_1005 = arith.constant 112 : index
        %swap3A_1006 = tpu.vector_load %arg22[%swap3A_1005] {strides = array<i32>} : memref<128xi32, #tpu.memory_space<vmem>>, vector<16xi32>,
        %swap3A_1007 = vector.shape_cast %swap3A_1006 : vector<16xi32> to vector<16xi32>
        %swap3A_1008 = vector.shape_cast %add3A_1004 : vector<16xi32> to vector<16xi32>
        tpu.vector_store %arg22[%swap3A_1005], %swap3A_1008 {strides = array<i32>} : memref<128xi32, #tpu.memory_space<vmem>>, vector<16xi32>,
        %dma_wait3A = tpu.memref_slice %arg2[%add3A_29] : memref<2560000xf32, #tpu.memory_space<hbm>> -> memref<128xf32, #tpu.memory_space<hbm>>
        %dma_wait3A_1009 = tpu.memref_slice %arg2[%add3A_29] : memref<2560000xf32, #tpu.memory_space<hbm>> -> memref<128xf32, #tpu.memory_space<hbm>>
        tpu.wait_dma2 semaphore(%arg42 : memref<!tpu.dma_semaphore, #tpu.memory_space<semaphore_mem>>) src(%dma_wait3A_1009 : memref<128xf32, #tpu.memory_space<hbm>>) dst(%arg23 : memref<128xf32, #tpu.memory_space<vmem>>)
        %dma_wait3A_1010 = tpu.memref_slice %arg2[%add3A_32] : memref<2560000xf32, #tpu.memory_space<hbm>> -> memref<128xf32, #tpu.memory_space<hbm>>
        %dma_wait3A_1011 = tpu.memref_slice %arg2[%add3A_32] : memref<2560000xf32, #tpu.memory_space<hbm>> -> memref<128xf32, #tpu.memory_space<hbm>>
        tpu.wait_dma2 semaphore(%arg42 : memref<!tpu.dma_semaphore, #tpu.memory_space<semaphore_mem>>) src(%dma_wait3A_1011 : memref<128xf32, #tpu.memory_space<hbm>>) dst(%arg24 : memref<128xf32, #tpu.memory_space<vmem>>)
        %dma_wait3A_1012 = tpu.memref_slice %arg2[%add3A_36] : memref<2560000xf32, #tpu.memory_space<hbm>> -> memref<128xf32, #tpu.memory_space<hbm>>
        %dma_wait3A_1013 = tpu.memref_slice %arg2[%add3A_36] : memref<2560000xf32, #tpu.memory_space<hbm>> -> memref<128xf32, #tpu.memory_space<hbm>>
        tpu.wait_dma2 semaphore(%arg42 : memref<!tpu.dma_semaphore, #tpu.memory_space<semaphore_mem>>) src(%dma_wait3A_1013 : memref<128xf32, #tpu.memory_space<hbm>>) dst(%arg25 : memref<128xf32, #tpu.memory_space<vmem>>)
        %dma_wait3A_1014 = tpu.memref_slice %arg2[%add3A_40] : memref<2560000xf32, #tpu.memory_space<hbm>> -> memref<128xf32, #tpu.memory_space<hbm>>
        %dma_wait3A_1015 = tpu.memref_slice %arg2[%add3A_40] : memref<2560000xf32, #tpu.memory_space<hbm>> -> memref<128xf32, #tpu.memory_space<hbm>>
        tpu.wait_dma2 semaphore(%arg42 : memref<!tpu.dma_semaphore, #tpu.memory_space<semaphore_mem>>) src(%dma_wait3A_1015 : memref<128xf32, #tpu.memory_space<hbm>>) dst(%arg26 : memref<128xf32, #tpu.memory_space<vmem>>)
        %dma_wait3A_1016 = tpu.memref_slice %arg2[%add3A_44] : memref<2560000xf32, #tpu.memory_space<hbm>> -> memref<128xf32, #tpu.memory_space<hbm>>
        %dma_wait3A_1017 = tpu.memref_slice %arg2[%add3A_44] : memref<2560000xf32, #tpu.memory_space<hbm>> -> memref<128xf32, #tpu.memory_space<hbm>>
        tpu.wait_dma2 semaphore(%arg42 : memref<!tpu.dma_semaphore, #tpu.memory_space<semaphore_mem>>) src(%dma_wait3A_1017 : memref<128xf32, #tpu.memory_space<hbm>>) dst(%arg27 : memref<128xf32, #tpu.memory_space<vmem>>)
        %dma_wait3A_1018 = tpu.memref_slice %arg2[%add3A_48] : memref<2560000xf32, #tpu.memory_space<hbm>> -> memref<128xf32, #tpu.memory_space<hbm>>
        %dma_wait3A_1019 = tpu.memref_slice %arg2[%add3A_48] : memref<2560000xf32, #tpu.memory_space<hbm>> -> memref<128xf32, #tpu.memory_space<hbm>>
        tpu.wait_dma2 semaphore(%arg42 : memref<!tpu.dma_semaphore, #tpu.memory_space<semaphore_mem>>) src(%dma_wait3A_1019 : memref<128xf32, #tpu.memory_space<hbm>>) dst(%arg28 : memref<128xf32, #tpu.memory_space<vmem>>)
        %dma_wait3A_1020 = tpu.memref_slice %arg2[%add3A_52] : memref<2560000xf32, #tpu.memory_space<hbm>> -> memref<128xf32, #tpu.memory_space<hbm>>
        %dma_wait3A_1021 = tpu.memref_slice %arg2[%add3A_52] : memref<2560000xf32, #tpu.memory_space<hbm>> -> memref<128xf32, #tpu.memory_space<hbm>>
        tpu.wait_dma2 semaphore(%arg42 : memref<!tpu.dma_semaphore, #tpu.memory_space<semaphore_mem>>) src(%dma_wait3A_1021 : memref<128xf32, #tpu.memory_space<hbm>>) dst(%arg29 : memref<128xf32, #tpu.memory_space<vmem>>)
        %dma_wait3A_1022 = tpu.memref_slice %arg2[%add3A_56] : memref<2560000xf32, #tpu.memory_space<hbm>> -> memref<128xf32, #tpu.memory_space<hbm>>
        %dma_wait3A_1023 = tpu.memref_slice %arg2[%add3A_56] : memref<2560000xf32, #tpu.memory_space<hbm>> -> memref<128xf32, #tpu.memory_space<hbm>>
        tpu.wait_dma2 semaphore(%arg42 : memref<!tpu.dma_semaphore, #tpu.memory_space<semaphore_mem>>) src(%dma_wait3A_1023 : memref<128xf32, #tpu.memory_space<hbm>>) dst(%arg30 : memref<128xf32, #tpu.memory_space<vmem>>)
        %dma_wait3A_1024 = tpu.memref_slice %arg2[%add3A_60] : memref<2560000xf32, #tpu.memory_space<hbm>> -> memref<128xf32, #tpu.memory_space<hbm>>
        %dma_wait3A_1025 = tpu.memref_slice %arg2[%add3A_60] : memref<2560000xf32, #tpu.memory_space<hbm>> -> memref<128xf32, #tpu.memory_space<hbm>>
        tpu.wait_dma2 semaphore(%arg42 : memref<!tpu.dma_semaphore, #tpu.memory_space<semaphore_mem>>) src(%dma_wait3A_1025 : memref<128xf32, #tpu.memory_space<hbm>>) dst(%arg31 : memref<128xf32, #tpu.memory_space<vmem>>)
        %dma_wait3A_1026 = tpu.memref_slice %arg2[%add3A_64] : memref<2560000xf32, #tpu.memory_space<hbm>> -> memref<128xf32, #tpu.memory_space<hbm>>
        %dma_wait3A_1027 = tpu.memref_slice %arg2[%add3A_64] : memref<2560000xf32, #tpu.memory_space<hbm>> -> memref<128xf32, #tpu.memory_space<hbm>>
        tpu.wait_dma2 semaphore(%arg42 : memref<!tpu.dma_semaphore, #tpu.memory_space<semaphore_mem>>) src(%dma_wait3A_1027 : memref<128xf32, #tpu.memory_space<hbm>>) dst(%arg32 : memref<128xf32, #tpu.memory_space<vmem>>)
        %dma_wait3A_1028 = tpu.memref_slice %arg2[%add3A_68] : memref<2560000xf32, #tpu.memory_space<hbm>> -> memref<128xf32, #tpu.memory_space<hbm>>
        %dma_wait3A_1029 = tpu.memref_slice %arg2[%add3A_68] : memref<2560000xf32, #tpu.memory_space<hbm>> -> memref<128xf32, #tpu.memory_space<hbm>>
        tpu.wait_dma2 semaphore(%arg42 : memref<!tpu.dma_semaphore, #tpu.memory_space<semaphore_mem>>) src(%dma_wait3A_1029 : memref<128xf32, #tpu.memory_space<hbm>>) dst(%arg33 : memref<128xf32, #tpu.memory_space<vmem>>)
        %dma_wait3A_1030 = tpu.memref_slice %arg2[%add3A_72] : memref<2560000xf32, #tpu.memory_space<hbm>> -> memref<128xf32, #tpu.memory_space<hbm>>
        %dma_wait3A_1031 = tpu.memref_slice %arg2[%add3A_72] : memref<2560000xf32, #tpu.memory_space<hbm>> -> memref<128xf32, #tpu.memory_space<hbm>>
        tpu.wait_dma2 semaphore(%arg42 : memref<!tpu.dma_semaphore, #tpu.memory_space<semaphore_mem>>) src(%dma_wait3A_1031 : memref<128xf32, #tpu.memory_space<hbm>>) dst(%arg34 : memref<128xf32, #tpu.memory_space<vmem>>)
        %dma_wait3A_1032 = tpu.memref_slice %arg2[%add3A_76] : memref<2560000xf32, #tpu.memory_space<hbm>> -> memref<128xf32, #tpu.memory_space<hbm>>
        %dma_wait3A_1033 = tpu.memref_slice %arg2[%add3A_76] : memref<2560000xf32, #tpu.memory_space<hbm>> -> memref<128xf32, #tpu.memory_space<hbm>>
        tpu.wait_dma2 semaphore(%arg42 : memref<!tpu.dma_semaphore, #tpu.memory_space<semaphore_mem>>) src(%dma_wait3A_1033 : memref<128xf32, #tpu.memory_space<hbm>>) dst(%arg35 : memref<128xf32, #tpu.memory_space<vmem>>)
        %dma_wait3A_1034 = tpu.memref_slice %arg2[%add3A_80] : memref<2560000xf32, #tpu.memory_space<hbm>> -> memref<128xf32, #tpu.memory_space<hbm>>
        %dma_wait3A_1035 = tpu.memref_slice %arg2[%add3A_80] : memref<2560000xf32, #tpu.memory_space<hbm>> -> memref<128xf32, #tpu.memory_space<hbm>>
        tpu.wait_dma2 semaphore(%arg42 : memref<!tpu.dma_semaphore, #tpu.memory_space<semaphore_mem>>) src(%dma_wait3A_1035 : memref<128xf32, #tpu.memory_space<hbm>>) dst(%arg36 : memref<128xf32, #tpu.memory_space<vmem>>)
        %dma_wait3A_1036 = tpu.memref_slice %arg2[%add3A_84] : memref<2560000xf32, #tpu.memory_space<hbm>> -> memref<128xf32, #tpu.memory_space<hbm>>
        %dma_wait3A_1037 = tpu.memref_slice %arg2[%add3A_84] : memref<2560000xf32, #tpu.memory_space<hbm>> -> memref<128xf32, #tpu.memory_space<hbm>>
        tpu.wait_dma2 semaphore(%arg42 : memref<!tpu.dma_semaphore, #tpu.memory_space<semaphore_mem>>) src(%dma_wait3A_1037 : memref<128xf32, #tpu.memory_space<hbm>>) dst(%arg37 : memref<128xf32, #tpu.memory_space<vmem>>)
        %dma_wait3A_1038 = tpu.memref_slice %arg2[%add3A_88] : memref<2560000xf32, #tpu.memory_space<hbm>> -> memref<128xf32, #tpu.memory_space<hbm>>
        %dma_wait3A_1039 = tpu.memref_slice %arg2[%add3A_88] : memref<2560000xf32, #tpu.memory_space<hbm>> -> memref<128xf32, #tpu.memory_space<hbm>>
        tpu.wait_dma2 semaphore(%arg42 : memref<!tpu.dma_semaphore, #tpu.memory_space<semaphore_mem>>) src(%dma_wait3A_1039 : memref<128xf32, #tpu.memory_space<hbm>>) dst(%arg38 : memref<128xf32, #tpu.memory_space<vmem>>)
        %dma_start3A_1040 = arith.constant 0 : i32
        %dma_start3A_1041 = tpu.memref_slice %arg41[%dma_start3A_1040] : memref<160000xf32, #tpu.memory_space<vmem_shared>> -> memref<160000xf32, #tpu.memory_space<vmem_shared>>
        tpu.enqueue_indirect_dma source(%arg23 : memref<128xf32, #tpu.memory_space<vmem>>) target(%dma_start3A_1041 : memref<160000xf32, #tpu.memory_space<vmem_shared>>) offsets(%arg7 : memref<128xi32, #tpu.memory_space<vmem>>) semaphore(%arg43 : memref<!tpu.dma_semaphore, #tpu.memory_space<semaphore_mem>>) {add = true}
        %dma_start3A_1042 = arith.constant 0 : i32
        %dma_start3A_1043 = tpu.memref_slice %arg41[%dma_start3A_1042] : memref<160000xf32, #tpu.memory_space<vmem_shared>> -> memref<160000xf32, #tpu.memory_space<vmem_shared>>
        tpu.enqueue_indirect_dma source(%arg24 : memref<128xf32, #tpu.memory_space<vmem>>) target(%dma_start3A_1043 : memref<160000xf32, #tpu.memory_space<vmem_shared>>) offsets(%arg8 : memref<128xi32, #tpu.memory_space<vmem>>) semaphore(%arg43 : memref<!tpu.dma_semaphore, #tpu.memory_space<semaphore_mem>>) {add = true}
        %dma_start3A_1044 = arith.constant 0 : i32
        %dma_start3A_1045 = tpu.memref_slice %arg41[%dma_start3A_1044] : memref<160000xf32, #tpu.memory_space<vmem_shared>> -> memref<160000xf32, #tpu.memory_space<vmem_shared>>
        tpu.enqueue_indirect_dma source(%arg25 : memref<128xf32, #tpu.memory_space<vmem>>) target(%dma_start3A_1045 : memref<160000xf32, #tpu.memory_space<vmem_shared>>) offsets(%arg9 : memref<128xi32, #tpu.memory_space<vmem>>) semaphore(%arg43 : memref<!tpu.dma_semaphore, #tpu.memory_space<semaphore_mem>>) {add = true}
        %dma_start3A_1046 = arith.constant 0 : i32
        %dma_start3A_1047 = tpu.memref_slice %arg41[%dma_start3A_1046] : memref<160000xf32, #tpu.memory_space<vmem_shared>> -> memref<160000xf32, #tpu.memory_space<vmem_shared>>
        tpu.enqueue_indirect_dma source(%arg26 : memref<128xf32, #tpu.memory_space<vmem>>) target(%dma_start3A_1047 : memref<160000xf32, #tpu.memory_space<vmem_shared>>) offsets(%arg10 : memref<128xi32, #tpu.memory_space<vmem>>) semaphore(%arg43 : memref<!tpu.dma_semaphore, #tpu.memory_space<semaphore_mem>>) {add = true}
        %dma_start3A_1048 = arith.constant 0 : i32
        %dma_start3A_1049 = tpu.memref_slice %arg41[%dma_start3A_1048] : memref<160000xf32, #tpu.memory_space<vmem_shared>> -> memref<160000xf32, #tpu.memory_space<vmem_shared>>
        tpu.enqueue_indirect_dma source(%arg27 : memref<128xf32, #tpu.memory_space<vmem>>) target(%dma_start3A_1049 : memref<160000xf32, #tpu.memory_space<vmem_shared>>) offsets(%arg11 : memref<128xi32, #tpu.memory_space<vmem>>) semaphore(%arg43 : memref<!tpu.dma_semaphore, #tpu.memory_space<semaphore_mem>>) {add = true}
        %dma_start3A_1050 = arith.constant 0 : i32
        %dma_start3A_1051 = tpu.memref_slice %arg41[%dma_start3A_1050] : memref<160000xf32, #tpu.memory_space<vmem_shared>> -> memref<160000xf32, #tpu.memory_space<vmem_shared>>
        tpu.enqueue_indirect_dma source(%arg28 : memref<128xf32, #tpu.memory_space<vmem>>) target(%dma_start3A_1051 : memref<160000xf32, #tpu.memory_space<vmem_shared>>) offsets(%arg12 : memref<128xi32, #tpu.memory_space<vmem>>) semaphore(%arg43 : memref<!tpu.dma_semaphore, #tpu.memory_space<semaphore_mem>>) {add = true}
        %dma_start3A_1052 = arith.constant 0 : i32
        %dma_start3A_1053 = tpu.memref_slice %arg41[%dma_start3A_1052] : memref<160000xf32, #tpu.memory_space<vmem_shared>> -> memref<160000xf32, #tpu.memory_space<vmem_shared>>
        tpu.enqueue_indirect_dma source(%arg29 : memref<128xf32, #tpu.memory_space<vmem>>) target(%dma_start3A_1053 : memref<160000xf32, #tpu.memory_space<vmem_shared>>) offsets(%arg13 : memref<128xi32, #tpu.memory_space<vmem>>) semaphore(%arg43 : memref<!tpu.dma_semaphore, #tpu.memory_space<semaphore_mem>>) {add = true}
        %dma_start3A_1054 = arith.constant 0 : i32
        %dma_start3A_1055 = tpu.memref_slice %arg41[%dma_start3A_1054] : memref<160000xf32, #tpu.memory_space<vmem_shared>> -> memref<160000xf32, #tpu.memory_space<vmem_shared>>
        tpu.enqueue_indirect_dma source(%arg30 : memref<128xf32, #tpu.memory_space<vmem>>) target(%dma_start3A_1055 : memref<160000xf32, #tpu.memory_space<vmem_shared>>) offsets(%arg14 : memref<128xi32, #tpu.memory_space<vmem>>) semaphore(%arg43 : memref<!tpu.dma_semaphore, #tpu.memory_space<semaphore_mem>>) {add = true}
        %dma_start3A_1056 = arith.constant 0 : i32
        %dma_start3A_1057 = tpu.memref_slice %arg41[%dma_start3A_1056] : memref<160000xf32, #tpu.memory_space<vmem_shared>> -> memref<160000xf32, #tpu.memory_space<vmem_shared>>
        tpu.enqueue_indirect_dma source(%arg31 : memref<128xf32, #tpu.memory_space<vmem>>) target(%dma_start3A_1057 : memref<160000xf32, #tpu.memory_space<vmem_shared>>) offsets(%arg15 : memref<128xi32, #tpu.memory_space<vmem>>) semaphore(%arg43 : memref<!tpu.dma_semaphore, #tpu.memory_space<semaphore_mem>>) {add = true}
        %dma_start3A_1058 = arith.constant 0 : i32
        %dma_start3A_1059 = tpu.memref_slice %arg41[%dma_start3A_1058] : memref<160000xf32, #tpu.memory_space<vmem_shared>> -> memref<160000xf32, #tpu.memory_space<vmem_shared>>
        tpu.enqueue_indirect_dma source(%arg32 : memref<128xf32, #tpu.memory_space<vmem>>) target(%dma_start3A_1059 : memref<160000xf32, #tpu.memory_space<vmem_shared>>) offsets(%arg16 : memref<128xi32, #tpu.memory_space<vmem>>) semaphore(%arg43 : memref<!tpu.dma_semaphore, #tpu.memory_space<semaphore_mem>>) {add = true}
        %dma_start3A_1060 = arith.constant 0 : i32
        %dma_start3A_1061 = tpu.memref_slice %arg41[%dma_start3A_1060] : memref<160000xf32, #tpu.memory_space<vmem_shared>> -> memref<160000xf32, #tpu.memory_space<vmem_shared>>
        tpu.enqueue_indirect_dma source(%arg33 : memref<128xf32, #tpu.memory_space<vmem>>) target(%dma_start3A_1061 : memref<160000xf32, #tpu.memory_space<vmem_shared>>) offsets(%arg17 : memref<128xi32, #tpu.memory_space<vmem>>) semaphore(%arg43 : memref<!tpu.dma_semaphore, #tpu.memory_space<semaphore_mem>>) {add = true}
        %dma_start3A_1062 = arith.constant 0 : i32
        %dma_start3A_1063 = tpu.memref_slice %arg41[%dma_start3A_1062] : memref<160000xf32, #tpu.memory_space<vmem_shared>> -> memref<160000xf32, #tpu.memory_space<vmem_shared>>
        tpu.enqueue_indirect_dma source(%arg34 : memref<128xf32, #tpu.memory_space<vmem>>) target(%dma_start3A_1063 : memref<160000xf32, #tpu.memory_space<vmem_shared>>) offsets(%arg18 : memref<128xi32, #tpu.memory_space<vmem>>) semaphore(%arg43 : memref<!tpu.dma_semaphore, #tpu.memory_space<semaphore_mem>>) {add = true}
        %dma_start3A_1064 = arith.constant 0 : i32
        %dma_start3A_1065 = tpu.memref_slice %arg41[%dma_start3A_1064] : memref<160000xf32, #tpu.memory_space<vmem_shared>> -> memref<160000xf32, #tpu.memory_space<vmem_shared>>
        tpu.enqueue_indirect_dma source(%arg35 : memref<128xf32, #tpu.memory_space<vmem>>) target(%dma_start3A_1065 : memref<160000xf32, #tpu.memory_space<vmem_shared>>) offsets(%arg19 : memref<128xi32, #tpu.memory_space<vmem>>) semaphore(%arg43 : memref<!tpu.dma_semaphore, #tpu.memory_space<semaphore_mem>>) {add = true}
        %dma_start3A_1066 = arith.constant 0 : i32
        %dma_start3A_1067 = tpu.memref_slice %arg41[%dma_start3A_1066] : memref<160000xf32, #tpu.memory_space<vmem_shared>> -> memref<160000xf32, #tpu.memory_space<vmem_shared>>
        tpu.enqueue_indirect_dma source(%arg36 : memref<128xf32, #tpu.memory_space<vmem>>) target(%dma_start3A_1067 : memref<160000xf32, #tpu.memory_space<vmem_shared>>) offsets(%arg20 : memref<128xi32, #tpu.memory_space<vmem>>) semaphore(%arg43 : memref<!tpu.dma_semaphore, #tpu.memory_space<semaphore_mem>>) {add = true}
        %dma_start3A_1068 = arith.constant 0 : i32
        %dma_start3A_1069 = tpu.memref_slice %arg41[%dma_start3A_1068] : memref<160000xf32, #tpu.memory_space<vmem_shared>> -> memref<160000xf32, #tpu.memory_space<vmem_shared>>
        tpu.enqueue_indirect_dma source(%arg37 : memref<128xf32, #tpu.memory_space<vmem>>) target(%dma_start3A_1069 : memref<160000xf32, #tpu.memory_space<vmem_shared>>) offsets(%arg21 : memref<128xi32, #tpu.memory_space<vmem>>) semaphore(%arg43 : memref<!tpu.dma_semaphore, #tpu.memory_space<semaphore_mem>>) {add = true}
        %dma_start3A_1070 = arith.constant 0 : i32
        %dma_start3A_1071 = tpu.memref_slice %arg41[%dma_start3A_1070] : memref<160000xf32, #tpu.memory_space<vmem_shared>> -> memref<160000xf32, #tpu.memory_space<vmem_shared>>
        tpu.enqueue_indirect_dma source(%arg38 : memref<128xf32, #tpu.memory_space<vmem>>) target(%dma_start3A_1071 : memref<160000xf32, #tpu.memory_space<vmem_shared>>) offsets(%arg22 : memref<128xi32, #tpu.memory_space<vmem>>) semaphore(%arg43 : memref<!tpu.dma_semaphore, #tpu.memory_space<semaphore_mem>>) {add = true}
        %dma_wait3A_1072 = arith.constant 0 : i32
        %dma_wait3A_1073 = tpu.memref_slice %arg41[%dma_wait3A_1072] : memref<160000xf32, #tpu.memory_space<vmem_shared>> -> memref<160000xf32, #tpu.memory_space<vmem_shared>>
        tpu.wait_indirect_dma semaphore(%arg43 : memref<!tpu.dma_semaphore, #tpu.memory_space<semaphore_mem>>) src(%arg23 : memref<128xf32, #tpu.memory_space<vmem>>) dst(%dma_wait3A_1073 : memref<160000xf32, #tpu.memory_space<vmem_shared>>)
        %dma_wait3A_1074 = arith.constant 0 : i32
        %dma_wait3A_1075 = tpu.memref_slice %arg41[%dma_wait3A_1074] : memref<160000xf32, #tpu.memory_space<vmem_shared>> -> memref<160000xf32, #tpu.memory_space<vmem_shared>>
        tpu.wait_indirect_dma semaphore(%arg43 : memref<!tpu.dma_semaphore, #tpu.memory_space<semaphore_mem>>) src(%arg24 : memref<128xf32, #tpu.memory_space<vmem>>) dst(%dma_wait3A_1075 : memref<160000xf32, #tpu.memory_space<vmem_shared>>)
        %dma_wait3A_1076 = arith.constant 0 : i32
        %dma_wait3A_1077 = tpu.memref_slice %arg41[%dma_wait3A_1076] : memref<160000xf32, #tpu.memory_space<vmem_shared>> -> memref<160000xf32, #tpu.memory_space<vmem_shared>>
        tpu.wait_indirect_dma semaphore(%arg43 : memref<!tpu.dma_semaphore, #tpu.memory_space<semaphore_mem>>) src(%arg25 : memref<128xf32, #tpu.memory_space<vmem>>) dst(%dma_wait3A_1077 : memref<160000xf32, #tpu.memory_space<vmem_shared>>)
        %dma_wait3A_1078 = arith.constant 0 : i32
        %dma_wait3A_1079 = tpu.memref_slice %arg41[%dma_wait3A_1078] : memref<160000xf32, #tpu.memory_space<vmem_shared>> -> memref<160000xf32, #tpu.memory_space<vmem_shared>>
        tpu.wait_indirect_dma semaphore(%arg43 : memref<!tpu.dma_semaphore, #tpu.memory_space<semaphore_mem>>) src(%arg26 : memref<128xf32, #tpu.memory_space<vmem>>) dst(%dma_wait3A_1079 : memref<160000xf32, #tpu.memory_space<vmem_shared>>)
        %dma_wait3A_1080 = arith.constant 0 : i32
        %dma_wait3A_1081 = tpu.memref_slice %arg41[%dma_wait3A_1080] : memref<160000xf32, #tpu.memory_space<vmem_shared>> -> memref<160000xf32, #tpu.memory_space<vmem_shared>>
        tpu.wait_indirect_dma semaphore(%arg43 : memref<!tpu.dma_semaphore, #tpu.memory_space<semaphore_mem>>) src(%arg27 : memref<128xf32, #tpu.memory_space<vmem>>) dst(%dma_wait3A_1081 : memref<160000xf32, #tpu.memory_space<vmem_shared>>)
        %dma_wait3A_1082 = arith.constant 0 : i32
        %dma_wait3A_1083 = tpu.memref_slice %arg41[%dma_wait3A_1082] : memref<160000xf32, #tpu.memory_space<vmem_shared>> -> memref<160000xf32, #tpu.memory_space<vmem_shared>>
        tpu.wait_indirect_dma semaphore(%arg43 : memref<!tpu.dma_semaphore, #tpu.memory_space<semaphore_mem>>) src(%arg28 : memref<128xf32, #tpu.memory_space<vmem>>) dst(%dma_wait3A_1083 : memref<160000xf32, #tpu.memory_space<vmem_shared>>)
        %dma_wait3A_1084 = arith.constant 0 : i32
        %dma_wait3A_1085 = tpu.memref_slice %arg41[%dma_wait3A_1084] : memref<160000xf32, #tpu.memory_space<vmem_shared>> -> memref<160000xf32, #tpu.memory_space<vmem_shared>>
        tpu.wait_indirect_dma semaphore(%arg43 : memref<!tpu.dma_semaphore, #tpu.memory_space<semaphore_mem>>) src(%arg29 : memref<128xf32, #tpu.memory_space<vmem>>) dst(%dma_wait3A_1085 : memref<160000xf32, #tpu.memory_space<vmem_shared>>)
        %dma_wait3A_1086 = arith.constant 0 : i32
        %dma_wait3A_1087 = tpu.memref_slice %arg41[%dma_wait3A_1086] : memref<160000xf32, #tpu.memory_space<vmem_shared>> -> memref<160000xf32, #tpu.memory_space<vmem_shared>>
        tpu.wait_indirect_dma semaphore(%arg43 : memref<!tpu.dma_semaphore, #tpu.memory_space<semaphore_mem>>) src(%arg30 : memref<128xf32, #tpu.memory_space<vmem>>) dst(%dma_wait3A_1087 : memref<160000xf32, #tpu.memory_space<vmem_shared>>)
        %dma_wait3A_1088 = arith.constant 0 : i32
        %dma_wait3A_1089 = tpu.memref_slice %arg41[%dma_wait3A_1088] : memref<160000xf32, #tpu.memory_space<vmem_shared>> -> memref<160000xf32, #tpu.memory_space<vmem_shared>>
        tpu.wait_indirect_dma semaphore(%arg43 : memref<!tpu.dma_semaphore, #tpu.memory_space<semaphore_mem>>) src(%arg31 : memref<128xf32, #tpu.memory_space<vmem>>) dst(%dma_wait3A_1089 : memref<160000xf32, #tpu.memory_space<vmem_shared>>)
        %dma_wait3A_1090 = arith.constant 0 : i32
        %dma_wait3A_1091 = tpu.memref_slice %arg41[%dma_wait3A_1090] : memref<160000xf32, #tpu.memory_space<vmem_shared>> -> memref<160000xf32, #tpu.memory_space<vmem_shared>>
        tpu.wait_indirect_dma semaphore(%arg43 : memref<!tpu.dma_semaphore, #tpu.memory_space<semaphore_mem>>) src(%arg32 : memref<128xf32, #tpu.memory_space<vmem>>) dst(%dma_wait3A_1091 : memref<160000xf32, #tpu.memory_space<vmem_shared>>)
        %dma_wait3A_1092 = arith.constant 0 : i32
        %dma_wait3A_1093 = tpu.memref_slice %arg41[%dma_wait3A_1092] : memref<160000xf32, #tpu.memory_space<vmem_shared>> -> memref<160000xf32, #tpu.memory_space<vmem_shared>>
        tpu.wait_indirect_dma semaphore(%arg43 : memref<!tpu.dma_semaphore, #tpu.memory_space<semaphore_mem>>) src(%arg33 : memref<128xf32, #tpu.memory_space<vmem>>) dst(%dma_wait3A_1093 : memref<160000xf32, #tpu.memory_space<vmem_shared>>)
        %dma_wait3A_1094 = arith.constant 0 : i32
        %dma_wait3A_1095 = tpu.memref_slice %arg41[%dma_wait3A_1094] : memref<160000xf32, #tpu.memory_space<vmem_shared>> -> memref<160000xf32, #tpu.memory_space<vmem_shared>>
        tpu.wait_indirect_dma semaphore(%arg43 : memref<!tpu.dma_semaphore, #tpu.memory_space<semaphore_mem>>) src(%arg34 : memref<128xf32, #tpu.memory_space<vmem>>) dst(%dma_wait3A_1095 : memref<160000xf32, #tpu.memory_space<vmem_shared>>)
        %dma_wait3A_1096 = arith.constant 0 : i32
        %dma_wait3A_1097 = tpu.memref_slice %arg41[%dma_wait3A_1096] : memref<160000xf32, #tpu.memory_space<vmem_shared>> -> memref<160000xf32, #tpu.memory_space<vmem_shared>>
        tpu.wait_indirect_dma semaphore(%arg43 : memref<!tpu.dma_semaphore, #tpu.memory_space<semaphore_mem>>) src(%arg35 : memref<128xf32, #tpu.memory_space<vmem>>) dst(%dma_wait3A_1097 : memref<160000xf32, #tpu.memory_space<vmem_shared>>)
        %dma_wait3A_1098 = arith.constant 0 : i32
        %dma_wait3A_1099 = tpu.memref_slice %arg41[%dma_wait3A_1098] : memref<160000xf32, #tpu.memory_space<vmem_shared>> -> memref<160000xf32, #tpu.memory_space<vmem_shared>>
        tpu.wait_indirect_dma semaphore(%arg43 : memref<!tpu.dma_semaphore, #tpu.memory_space<semaphore_mem>>) src(%arg36 : memref<128xf32, #tpu.memory_space<vmem>>) dst(%dma_wait3A_1099 : memref<160000xf32, #tpu.memory_space<vmem_shared>>)
        %dma_wait3A_1100 = arith.constant 0 : i32
        %dma_wait3A_1101 = tpu.memref_slice %arg41[%dma_wait3A_1100] : memref<160000xf32, #tpu.memory_space<vmem_shared>> -> memref<160000xf32, #tpu.memory_space<vmem_shared>>
        tpu.wait_indirect_dma semaphore(%arg43 : memref<!tpu.dma_semaphore, #tpu.memory_space<semaphore_mem>>) src(%arg37 : memref<128xf32, #tpu.memory_space<vmem>>) dst(%dma_wait3A_1101 : memref<160000xf32, #tpu.memory_space<vmem_shared>>)
        %dma_wait3A_1102 = arith.constant 0 : i32
        %dma_wait3A_1103 = tpu.memref_slice %arg41[%dma_wait3A_1102] : memref<160000xf32, #tpu.memory_space<vmem_shared>> -> memref<160000xf32, #tpu.memory_space<vmem_shared>>
        tpu.wait_indirect_dma semaphore(%arg43 : memref<!tpu.dma_semaphore, #tpu.memory_space<semaphore_mem>>) src(%arg38 : memref<128xf32, #tpu.memory_space<vmem>>) dst(%dma_wait3A_1103 : memref<160000xf32, #tpu.memory_space<vmem_shared>>)
      } else {
      }
    }
    %scan3A_11 = arith.constant 79 : i32
    %barrier3A_12 = arith.constant 0 : index
    tpu.barrier barrier_id(%barrier3A_12)
    %mul3A_13 = arith.constant 10000 : i32
    %mul3A_14 = arith.muli %arg1, %mul3A_13 : i32
    "tpu.region"() ({
      %run_scoped3A = tpu.sem_alloc : memref<!tpu.dma_semaphore, #tpu.memory_space<semaphore_mem>>
      %dma_start3A = tpu.memref_slice %arg41[%mul3A_14] : memref<160000xf32, #tpu.memory_space<vmem_shared>> -> memref<10000xf32, #tpu.memory_space<vmem_shared>>
      %dma_start3A_21 = tpu.memref_slice %arg41[%mul3A_14] : memref<160000xf32, #tpu.memory_space<vmem_shared>> -> memref<10000xf32, #tpu.memory_space<vmem_shared>>
      tpu.enqueue_dma source(%dma_start3A_21 : memref<10000xf32, #tpu.memory_space<vmem_shared>>) target(%arg39 : memref<10000xf32, #tpu.memory_space<vmem>>) target_semaphore(%run_scoped3A : memref<!tpu.dma_semaphore, #tpu.memory_space<semaphore_mem>>)
      %dma_wait3A = tpu.memref_slice %arg41[%mul3A_14] : memref<160000xf32, #tpu.memory_space<vmem_shared>> -> memref<10000xf32, #tpu.memory_space<vmem_shared>>
      %dma_wait3A_22 = tpu.memref_slice %arg41[%mul3A_14] : memref<160000xf32, #tpu.memory_space<vmem_shared>> -> memref<10000xf32, #tpu.memory_space<vmem_shared>>
      tpu.wait_dma2 semaphore(%run_scoped3A : memref<!tpu.dma_semaphore, #tpu.memory_space<semaphore_mem>>) src(%dma_wait3A_22 : memref<10000xf32, #tpu.memory_space<vmem_shared>>) dst(%arg39 : memref<10000xf32, #tpu.memory_space<vmem>>)
      tpu.yield
    }) : () -> ()
    "tpu.region"() ({
      %run_scoped3A = tpu.sem_alloc : memref<!tpu.dma_semaphore, #tpu.memory_space<semaphore_mem>>
      %dma_start3A = tpu.memref_slice %arg4[%mul3A_14] : memref<160000xf32, #tpu.memory_space<hbm>> -> memref<10000xf32, #tpu.memory_space<hbm>>
      %dma_start3A_21 = tpu.memref_slice %arg4[%mul3A_14] : memref<160000xf32, #tpu.memory_space<hbm>> -> memref<10000xf32, #tpu.memory_space<hbm>>
      tpu.enqueue_dma source(%dma_start3A_21 : memref<10000xf32, #tpu.memory_space<hbm>>) target(%arg40 : memref<10000xf32, #tpu.memory_space<vmem>>) target_semaphore(%run_scoped3A : memref<!tpu.dma_semaphore, #tpu.memory_space<semaphore_mem>>)
      %dma_wait3A = tpu.memref_slice %arg4[%mul3A_14] : memref<160000xf32, #tpu.memory_space<hbm>> -> memref<10000xf32, #tpu.memory_space<hbm>>
      %dma_wait3A_22 = tpu.memref_slice %arg4[%mul3A_14] : memref<160000xf32, #tpu.memory_space<hbm>> -> memref<10000xf32, #tpu.memory_space<hbm>>
      tpu.wait_dma2 semaphore(%run_scoped3A : memref<!tpu.dma_semaphore, #tpu.memory_space<semaphore_mem>>) src(%dma_wait3A_22 : memref<10000xf32, #tpu.memory_space<hbm>>) dst(%arg40 : memref<10000xf32, #tpu.memory_space<vmem>>)
      tpu.yield
    }) : () -> ()
    %scan3A_15 = arith.constant 0 : i32
    %scan3A_16 = arith.constant 0 : i32
    %scan3A_17 = arith.constant 625 : i32
    %scan3A_18 = arith.addi %scan3A_16, %scan3A_17 : i32
    %scan3A_19 = arith.constant 1 : i32
    scf.for %scan3A_21 = %scan3A_16 to %scan3A_18 step %scan3A_19  : i32 {
      %mul3A_22 = arith.constant 16 : i32
      %mul3A_23 = arith.muli %scan3A_21, %mul3A_22 : i32
      %get3A = arith.index_cast %mul3A_23 : i32 to index
      %get3A_24 = tpu.vector_load %arg39[%get3A] {strides = array<i32>} : memref<10000xf32, #tpu.memory_space<vmem>>, vector<16xf32>,
      %get3A_25 = vector.shape_cast %get3A_24 : vector<16xf32> to vector<16xf32>
      %mul3A_26 = arith.constant 16 : i32
      %mul3A_27 = arith.muli %scan3A_21, %mul3A_26 : i32
      %get3A_28 = arith.index_cast %mul3A_27 : i32 to index
      %get3A_29 = tpu.vector_load %arg40[%get3A_28] {strides = array<i32>} : memref<10000xf32, #tpu.memory_space<vmem>>, vector<16xf32>,
      %get3A_30 = vector.shape_cast %get3A_29 : vector<16xf32> to vector<16xf32>
      %add3A = arith.addf %get3A_25, %get3A_30 : vector<16xf32>
      %max3A = arith.constant 0.000000e+00 : f32
      %max3A_31 = vector.broadcast %max3A : f32 to vector<16xf32>
      %max3A_32 = arith.maximumf %add3A, %max3A_31 : vector<16xf32>
      %mul3A_33 = arith.constant 16 : i32
      %mul3A_34 = arith.muli %scan3A_21, %mul3A_33 : i32
      %swap3A = arith.index_cast %mul3A_34 : i32 to index
      %swap3A_35 = tpu.vector_load %arg39[%swap3A] {strides = array<i32>} : memref<10000xf32, #tpu.memory_space<vmem>>, vector<16xf32>,
      %swap3A_36 = vector.shape_cast %swap3A_35 : vector<16xf32> to vector<16xf32>
      %swap3A_37 = vector.shape_cast %max3A_32 : vector<16xf32> to vector<16xf32>
      tpu.vector_store %arg39[%swap3A], %swap3A_37 {strides = array<i32>} : memref<10000xf32, #tpu.memory_space<vmem>>, vector<16xf32>,
    }
    %scan3A_20 = arith.constant 625 : i32
    "tpu.region"() ({
      %run_scoped3A = tpu.sem_alloc : memref<!tpu.dma_semaphore, #tpu.memory_space<semaphore_mem>>
      %dma_start3A = tpu.memref_slice %arg5[%mul3A_14] : memref<160000xf32, #tpu.memory_space<hbm>> -> memref<10000xf32, #tpu.memory_space<hbm>>
      %dma_start3A_21 = tpu.memref_slice %arg5[%mul3A_14] : memref<160000xf32, #tpu.memory_space<hbm>> -> memref<10000xf32, #tpu.memory_space<hbm>>
      tpu.enqueue_dma source(%arg39 : memref<10000xf32, #tpu.memory_space<vmem>>) target(%dma_start3A_21 : memref<10000xf32, #tpu.memory_space<hbm>>) target_semaphore(%run_scoped3A : memref<!tpu.dma_semaphore, #tpu.memory_space<semaphore_mem>>)
      %dma_wait3A = tpu.memref_slice %arg5[%mul3A_14] : memref<160000xf32, #tpu.memory_space<hbm>> -> memref<10000xf32, #tpu.memory_space<hbm>>
      %dma_wait3A_22 = tpu.memref_slice %arg5[%mul3A_14] : memref<160000xf32, #tpu.memory_space<hbm>> -> memref<10000xf32, #tpu.memory_space<hbm>>
      tpu.wait_dma2 semaphore(%run_scoped3A : memref<!tpu.dma_semaphore, #tpu.memory_space<semaphore_mem>>) src(%arg39 : memref<10000xf32, #tpu.memory_space<vmem>>) dst(%dma_wait3A_22 : memref<10000xf32, #tpu.memory_space<hbm>>)
      tpu.yield
    }) : () -> ()
    return
  }
}

#map = affine_map<(d0, d1) -> (0)>
module attributes {stable_mosaic.version = 14 : i64} {
  func.func @k(%arg0: i32, %arg1: i32, %arg2: memref<160000xf32, #tpu.memory_space<hbm>>, %arg3: memref<160000xi32, #tpu.memory_space<hbm>>, %arg4: memref<2560000xf32, #tpu.memory_space<hbm>>, %arg5: memref<128xi32, #tpu.memory_space<vmem>>, %arg6: memref<128xi32, #tpu.memory_space<vmem>>, %arg7: memref<128xi32, #tpu.memory_space<vmem>>, %arg8: memref<128xi32, #tpu.memory_space<vmem>>, %arg9: memref<128xi32, #tpu.memory_space<vmem>>, %arg10: memref<128xi32, #tpu.memory_space<vmem>>, %arg11: memref<128xi32, #tpu.memory_space<vmem>>, %arg12: memref<128xi32, #tpu.memory_space<vmem>>, %arg13: memref<128xi32, #tpu.memory_space<vmem>>, %arg14: memref<128xi32, #tpu.memory_space<vmem>>, %arg15: memref<128xi32, #tpu.memory_space<vmem>>, %arg16: memref<128xi32, #tpu.memory_space<vmem>>, %arg17: memref<128xi32, #tpu.memory_space<vmem>>, %arg18: memref<128xi32, #tpu.memory_space<vmem>>, %arg19: memref<128xi32, #tpu.memory_space<vmem>>, %arg20: memref<128xi32, #tpu.memory_space<vmem>>, %arg21: memref<128xi32, #tpu.memory_space<vmem>>, %arg22: memref<128xf32, #tpu.memory_space<vmem>>, %arg23: memref<128xf32, #tpu.memory_space<vmem>>, %arg24: memref<128xf32, #tpu.memory_space<vmem>>, %arg25: memref<128xf32, #tpu.memory_space<vmem>>, %arg26: memref<128xf32, #tpu.memory_space<vmem>>, %arg27: memref<128xf32, #tpu.memory_space<vmem>>, %arg28: memref<128xf32, #tpu.memory_space<vmem>>, %arg29: memref<128xf32, #tpu.memory_space<vmem>>, %arg30: memref<128xf32, #tpu.memory_space<vmem>>, %arg31: memref<128xf32, #tpu.memory_space<vmem>>, %arg32: memref<128xf32, #tpu.memory_space<vmem>>, %arg33: memref<128xf32, #tpu.memory_space<vmem>>, %arg34: memref<128xf32, #tpu.memory_space<vmem>>, %arg35: memref<128xf32, #tpu.memory_space<vmem>>, %arg36: memref<128xf32, #tpu.memory_space<vmem>>, %arg37: memref<128xf32, #tpu.memory_space<vmem>>, %arg38: memref<!tpu.dma_semaphore, #tpu.memory_space<semaphore_mem>>, %arg39: memref<!tpu.dma_semaphore, #tpu.memory_space<semaphore_mem>>) attributes {dimension_semantics = [#tpu.dimension_semantics<core_parallel>, #tpu.dimension_semantics<subcore_parallel>], iteration_bounds = array<i64: 2, 16>, scalar_prefetch = 0 : i64, scratch_operands = 35 : i64, tpu.core_type = #tpu.core_type<sc_vector_subcore>, window_params = [{transform_indices = #map}, {transform_indices = #map}, {transform_indices = #map}]} {
    %mul3A = arith.constant 2 : i32
    %mul3A_0 = arith.muli %arg1, %mul3A : i32
    %add3A = arith.addi %mul3A_0, %arg0 : i32
    %scan3A = arith.constant 0 : i32
    %scan3A_1 = arith.constant 0 : i32
    %scan3A_2 = arith.constant 40 : i32
    %scan3A_3 = arith.addi %scan3A_1, %scan3A_2 : i32
    %scan3A_4 = arith.constant 1 : i32
    scf.for %scan3A_6 = %scan3A_1 to %scan3A_3 step %scan3A_4  : i32 {
      %mul3A_7 = arith.constant 32 : i32
      %mul3A_8 = arith.muli %scan3A_6, %mul3A_7 : i32
      %add3A_9 = arith.addi %mul3A_8, %add3A : i32
      %lt3A = arith.constant 1250 : i32
      %lt3A_10 = arith.cmpi slt, %add3A_9, %lt3A : i32
      %convert_element_type3A = arith.extui %lt3A_10 : i1 to i32
      %cond3A = arith.constant 0 : i32
      %cond3A_11 = arith.cmpi ne, %convert_element_type3A, %cond3A : i32
      scf.if %cond3A_11 {
        %mul3A_12 = arith.constant 128 : i32
        %mul3A_13 = arith.muli %add3A_9, %mul3A_12 : i32
        "tpu.region"() ({
          %run_scoped3A = tpu.sem_alloc : memref<!tpu.dma_semaphore, #tpu.memory_space<semaphore_mem>>
          %dma_start3A_1090 = tpu.memref_slice %arg3[%mul3A_13] : memref<160000xi32, #tpu.memory_space<hbm>> -> memref<128xi32, #tpu.memory_space<hbm>>
          %dma_start3A_1091 = tpu.memref_slice %arg3[%mul3A_13] : memref<160000xi32, #tpu.memory_space<hbm>> -> memref<128xi32, #tpu.memory_space<hbm>>
          tpu.enqueue_dma source(%dma_start3A_1091 : memref<128xi32, #tpu.memory_space<hbm>>) target(%arg5 : memref<128xi32, #tpu.memory_space<vmem>>) target_semaphore(%run_scoped3A : memref<!tpu.dma_semaphore, #tpu.memory_space<semaphore_mem>>)
          %dma_wait3A_1092 = tpu.memref_slice %arg3[%mul3A_13] : memref<160000xi32, #tpu.memory_space<hbm>> -> memref<128xi32, #tpu.memory_space<hbm>>
          %dma_wait3A_1093 = tpu.memref_slice %arg3[%mul3A_13] : memref<160000xi32, #tpu.memory_space<hbm>> -> memref<128xi32, #tpu.memory_space<hbm>>
          tpu.wait_dma2 semaphore(%run_scoped3A : memref<!tpu.dma_semaphore, #tpu.memory_space<semaphore_mem>>) src(%dma_wait3A_1093 : memref<128xi32, #tpu.memory_space<hbm>>) dst(%arg5 : memref<128xi32, #tpu.memory_space<vmem>>)
          tpu.yield
        }) : () -> ()
        %get3A = arith.constant 0 : index
        %get3A_14 = tpu.vector_load %arg5[%get3A] {strides = array<i32>} : memref<128xi32, #tpu.memory_space<vmem>>, vector<16xi32>,
        %get3A_15 = vector.shape_cast %get3A_14 : vector<16xi32> to vector<16xi32>
        %add3A_16 = arith.constant 0 : i32
        %add3A_17 = vector.broadcast %add3A_16 : i32 to vector<16xi32>
        %add3A_18 = arith.addi %get3A_15, %add3A_17 : vector<16xi32>
        %swap3A = arith.constant 0 : index
        %swap3A_19 = tpu.vector_load %arg6[%swap3A] {strides = array<i32>} : memref<128xi32, #tpu.memory_space<vmem>>, vector<16xi32>,
        %swap3A_20 = vector.shape_cast %swap3A_19 : vector<16xi32> to vector<16xi32>
        %swap3A_21 = vector.shape_cast %add3A_18 : vector<16xi32> to vector<16xi32>
        tpu.vector_store %arg6[%swap3A], %swap3A_21 {strides = array<i32>} : memref<128xi32, #tpu.memory_space<vmem>>, vector<16xi32>,
        %add3A_22 = arith.constant 10000 : i32
        %add3A_23 = vector.broadcast %add3A_22 : i32 to vector<16xi32>
        %add3A_24 = arith.addi %get3A_15, %add3A_23 : vector<16xi32>
        %swap3A_25 = arith.constant 0 : index
        %swap3A_26 = tpu.vector_load %arg7[%swap3A_25] {strides = array<i32>} : memref<128xi32, #tpu.memory_space<vmem>>, vector<16xi32>,
        %swap3A_27 = vector.shape_cast %swap3A_26 : vector<16xi32> to vector<16xi32>
        %swap3A_28 = vector.shape_cast %add3A_24 : vector<16xi32> to vector<16xi32>
        tpu.vector_store %arg7[%swap3A_25], %swap3A_28 {strides = array<i32>} : memref<128xi32, #tpu.memory_space<vmem>>, vector<16xi32>,
        %add3A_29 = arith.constant 20000 : i32
        %add3A_30 = vector.broadcast %add3A_29 : i32 to vector<16xi32>
        %add3A_31 = arith.addi %get3A_15, %add3A_30 : vector<16xi32>
        %swap3A_32 = arith.constant 0 : index
        %swap3A_33 = tpu.vector_load %arg8[%swap3A_32] {strides = array<i32>} : memref<128xi32, #tpu.memory_space<vmem>>, vector<16xi32>,
        %swap3A_34 = vector.shape_cast %swap3A_33 : vector<16xi32> to vector<16xi32>
        %swap3A_35 = vector.shape_cast %add3A_31 : vector<16xi32> to vector<16xi32>
        tpu.vector_store %arg8[%swap3A_32], %swap3A_35 {strides = array<i32>} : memref<128xi32, #tpu.memory_space<vmem>>, vector<16xi32>,
        %add3A_36 = arith.constant 30000 : i32
        %add3A_37 = vector.broadcast %add3A_36 : i32 to vector<16xi32>
        %add3A_38 = arith.addi %get3A_15, %add3A_37 : vector<16xi32>
        %swap3A_39 = arith.constant 0 : index
        %swap3A_40 = tpu.vector_load %arg9[%swap3A_39] {strides = array<i32>} : memref<128xi32, #tpu.memory_space<vmem>>, vector<16xi32>,
        %swap3A_41 = vector.shape_cast %swap3A_40 : vector<16xi32> to vector<16xi32>
        %swap3A_42 = vector.shape_cast %add3A_38 : vector<16xi32> to vector<16xi32>
        tpu.vector_store %arg9[%swap3A_39], %swap3A_42 {strides = array<i32>} : memref<128xi32, #tpu.memory_space<vmem>>, vector<16xi32>,
        %add3A_43 = arith.constant 40000 : i32
        %add3A_44 = vector.broadcast %add3A_43 : i32 to vector<16xi32>
        %add3A_45 = arith.addi %get3A_15, %add3A_44 : vector<16xi32>
        %swap3A_46 = arith.constant 0 : index
        %swap3A_47 = tpu.vector_load %arg10[%swap3A_46] {strides = array<i32>} : memref<128xi32, #tpu.memory_space<vmem>>, vector<16xi32>,
        %swap3A_48 = vector.shape_cast %swap3A_47 : vector<16xi32> to vector<16xi32>
        %swap3A_49 = vector.shape_cast %add3A_45 : vector<16xi32> to vector<16xi32>
        tpu.vector_store %arg10[%swap3A_46], %swap3A_49 {strides = array<i32>} : memref<128xi32, #tpu.memory_space<vmem>>, vector<16xi32>,
        %add3A_50 = arith.constant 50000 : i32
        %add3A_51 = vector.broadcast %add3A_50 : i32 to vector<16xi32>
        %add3A_52 = arith.addi %get3A_15, %add3A_51 : vector<16xi32>
        %swap3A_53 = arith.constant 0 : index
        %swap3A_54 = tpu.vector_load %arg11[%swap3A_53] {strides = array<i32>} : memref<128xi32, #tpu.memory_space<vmem>>, vector<16xi32>,
        %swap3A_55 = vector.shape_cast %swap3A_54 : vector<16xi32> to vector<16xi32>
        %swap3A_56 = vector.shape_cast %add3A_52 : vector<16xi32> to vector<16xi32>
        tpu.vector_store %arg11[%swap3A_53], %swap3A_56 {strides = array<i32>} : memref<128xi32, #tpu.memory_space<vmem>>, vector<16xi32>,
        %add3A_57 = arith.constant 60000 : i32
        %add3A_58 = vector.broadcast %add3A_57 : i32 to vector<16xi32>
        %add3A_59 = arith.addi %get3A_15, %add3A_58 : vector<16xi32>
        %swap3A_60 = arith.constant 0 : index
        %swap3A_61 = tpu.vector_load %arg12[%swap3A_60] {strides = array<i32>} : memref<128xi32, #tpu.memory_space<vmem>>, vector<16xi32>,
        %swap3A_62 = vector.shape_cast %swap3A_61 : vector<16xi32> to vector<16xi32>
        %swap3A_63 = vector.shape_cast %add3A_59 : vector<16xi32> to vector<16xi32>
        tpu.vector_store %arg12[%swap3A_60], %swap3A_63 {strides = array<i32>} : memref<128xi32, #tpu.memory_space<vmem>>, vector<16xi32>,
        %add3A_64 = arith.constant 70000 : i32
        %add3A_65 = vector.broadcast %add3A_64 : i32 to vector<16xi32>
        %add3A_66 = arith.addi %get3A_15, %add3A_65 : vector<16xi32>
        %swap3A_67 = arith.constant 0 : index
        %swap3A_68 = tpu.vector_load %arg13[%swap3A_67] {strides = array<i32>} : memref<128xi32, #tpu.memory_space<vmem>>, vector<16xi32>,
        %swap3A_69 = vector.shape_cast %swap3A_68 : vector<16xi32> to vector<16xi32>
        %swap3A_70 = vector.shape_cast %add3A_66 : vector<16xi32> to vector<16xi32>
        tpu.vector_store %arg13[%swap3A_67], %swap3A_70 {strides = array<i32>} : memref<128xi32, #tpu.memory_space<vmem>>, vector<16xi32>,
        %add3A_71 = arith.constant 80000 : i32
        %add3A_72 = vector.broadcast %add3A_71 : i32 to vector<16xi32>
        %add3A_73 = arith.addi %get3A_15, %add3A_72 : vector<16xi32>
        %swap3A_74 = arith.constant 0 : index
        %swap3A_75 = tpu.vector_load %arg14[%swap3A_74] {strides = array<i32>} : memref<128xi32, #tpu.memory_space<vmem>>, vector<16xi32>,
        %swap3A_76 = vector.shape_cast %swap3A_75 : vector<16xi32> to vector<16xi32>
        %swap3A_77 = vector.shape_cast %add3A_73 : vector<16xi32> to vector<16xi32>
        tpu.vector_store %arg14[%swap3A_74], %swap3A_77 {strides = array<i32>} : memref<128xi32, #tpu.memory_space<vmem>>, vector<16xi32>,
        %add3A_78 = arith.constant 90000 : i32
        %add3A_79 = vector.broadcast %add3A_78 : i32 to vector<16xi32>
        %add3A_80 = arith.addi %get3A_15, %add3A_79 : vector<16xi32>
        %swap3A_81 = arith.constant 0 : index
        %swap3A_82 = tpu.vector_load %arg15[%swap3A_81] {strides = array<i32>} : memref<128xi32, #tpu.memory_space<vmem>>, vector<16xi32>,
        %swap3A_83 = vector.shape_cast %swap3A_82 : vector<16xi32> to vector<16xi32>
        %swap3A_84 = vector.shape_cast %add3A_80 : vector<16xi32> to vector<16xi32>
        tpu.vector_store %arg15[%swap3A_81], %swap3A_84 {strides = array<i32>} : memref<128xi32, #tpu.memory_space<vmem>>, vector<16xi32>,
        %add3A_85 = arith.constant 100000 : i32
        %add3A_86 = vector.broadcast %add3A_85 : i32 to vector<16xi32>
        %add3A_87 = arith.addi %get3A_15, %add3A_86 : vector<16xi32>
        %swap3A_88 = arith.constant 0 : index
        %swap3A_89 = tpu.vector_load %arg16[%swap3A_88] {strides = array<i32>} : memref<128xi32, #tpu.memory_space<vmem>>, vector<16xi32>,
        %swap3A_90 = vector.shape_cast %swap3A_89 : vector<16xi32> to vector<16xi32>
        %swap3A_91 = vector.shape_cast %add3A_87 : vector<16xi32> to vector<16xi32>
        tpu.vector_store %arg16[%swap3A_88], %swap3A_91 {strides = array<i32>} : memref<128xi32, #tpu.memory_space<vmem>>, vector<16xi32>,
        %add3A_92 = arith.constant 110000 : i32
        %add3A_93 = vector.broadcast %add3A_92 : i32 to vector<16xi32>
        %add3A_94 = arith.addi %get3A_15, %add3A_93 : vector<16xi32>
        %swap3A_95 = arith.constant 0 : index
        %swap3A_96 = tpu.vector_load %arg17[%swap3A_95] {strides = array<i32>} : memref<128xi32, #tpu.memory_space<vmem>>, vector<16xi32>,
        %swap3A_97 = vector.shape_cast %swap3A_96 : vector<16xi32> to vector<16xi32>
        %swap3A_98 = vector.shape_cast %add3A_94 : vector<16xi32> to vector<16xi32>
        tpu.vector_store %arg17[%swap3A_95], %swap3A_98 {strides = array<i32>} : memref<128xi32, #tpu.memory_space<vmem>>, vector<16xi32>,
        %add3A_99 = arith.constant 120000 : i32
        %add3A_100 = vector.broadcast %add3A_99 : i32 to vector<16xi32>
        %add3A_101 = arith.addi %get3A_15, %add3A_100 : vector<16xi32>
        %swap3A_102 = arith.constant 0 : index
        %swap3A_103 = tpu.vector_load %arg18[%swap3A_102] {strides = array<i32>} : memref<128xi32, #tpu.memory_space<vmem>>, vector<16xi32>,
        %swap3A_104 = vector.shape_cast %swap3A_103 : vector<16xi32> to vector<16xi32>
        %swap3A_105 = vector.shape_cast %add3A_101 : vector<16xi32> to vector<16xi32>
        tpu.vector_store %arg18[%swap3A_102], %swap3A_105 {strides = array<i32>} : memref<128xi32, #tpu.memory_space<vmem>>, vector<16xi32>,
        %add3A_106 = arith.constant 130000 : i32
        %add3A_107 = vector.broadcast %add3A_106 : i32 to vector<16xi32>
        %add3A_108 = arith.addi %get3A_15, %add3A_107 : vector<16xi32>
        %swap3A_109 = arith.constant 0 : index
        %swap3A_110 = tpu.vector_load %arg19[%swap3A_109] {strides = array<i32>} : memref<128xi32, #tpu.memory_space<vmem>>, vector<16xi32>,
        %swap3A_111 = vector.shape_cast %swap3A_110 : vector<16xi32> to vector<16xi32>
        %swap3A_112 = vector.shape_cast %add3A_108 : vector<16xi32> to vector<16xi32>
        tpu.vector_store %arg19[%swap3A_109], %swap3A_112 {strides = array<i32>} : memref<128xi32, #tpu.memory_space<vmem>>, vector<16xi32>,
        %add3A_113 = arith.constant 140000 : i32
        %add3A_114 = vector.broadcast %add3A_113 : i32 to vector<16xi32>
        %add3A_115 = arith.addi %get3A_15, %add3A_114 : vector<16xi32>
        %swap3A_116 = arith.constant 0 : index
        %swap3A_117 = tpu.vector_load %arg20[%swap3A_116] {strides = array<i32>} : memref<128xi32, #tpu.memory_space<vmem>>, vector<16xi32>,
        %swap3A_118 = vector.shape_cast %swap3A_117 : vector<16xi32> to vector<16xi32>
        %swap3A_119 = vector.shape_cast %add3A_115 : vector<16xi32> to vector<16xi32>
        tpu.vector_store %arg20[%swap3A_116], %swap3A_119 {strides = array<i32>} : memref<128xi32, #tpu.memory_space<vmem>>, vector<16xi32>,
        %add3A_120 = arith.constant 150000 : i32
        %add3A_121 = vector.broadcast %add3A_120 : i32 to vector<16xi32>
        %add3A_122 = arith.addi %get3A_15, %add3A_121 : vector<16xi32>
        %swap3A_123 = arith.constant 0 : index
        %swap3A_124 = tpu.vector_load %arg21[%swap3A_123] {strides = array<i32>} : memref<128xi32, #tpu.memory_space<vmem>>, vector<16xi32>,
        %swap3A_125 = vector.shape_cast %swap3A_124 : vector<16xi32> to vector<16xi32>
        %swap3A_126 = vector.shape_cast %add3A_122 : vector<16xi32> to vector<16xi32>
        tpu.vector_store %arg21[%swap3A_123], %swap3A_126 {strides = array<i32>} : memref<128xi32, #tpu.memory_space<vmem>>, vector<16xi32>,
        %get3A_127 = arith.constant 16 : index
        %get3A_128 = tpu.vector_load %arg5[%get3A_127] {strides = array<i32>} : memref<128xi32, #tpu.memory_space<vmem>>, vector<16xi32>,
        %get3A_129 = vector.shape_cast %get3A_128 : vector<16xi32> to vector<16xi32>
        %add3A_130 = arith.constant 0 : i32
        %add3A_131 = vector.broadcast %add3A_130 : i32 to vector<16xi32>
        %add3A_132 = arith.addi %get3A_129, %add3A_131 : vector<16xi32>
        %swap3A_133 = arith.constant 16 : index
        %swap3A_134 = tpu.vector_load %arg6[%swap3A_133] {strides = array<i32>} : memref<128xi32, #tpu.memory_space<vmem>>, vector<16xi32>,
        %swap3A_135 = vector.shape_cast %swap3A_134 : vector<16xi32> to vector<16xi32>
        %swap3A_136 = vector.shape_cast %add3A_132 : vector<16xi32> to vector<16xi32>
        tpu.vector_store %arg6[%swap3A_133], %swap3A_136 {strides = array<i32>} : memref<128xi32, #tpu.memory_space<vmem>>, vector<16xi32>,
        %add3A_137 = arith.constant 10000 : i32
        %add3A_138 = vector.broadcast %add3A_137 : i32 to vector<16xi32>
        %add3A_139 = arith.addi %get3A_129, %add3A_138 : vector<16xi32>
        %swap3A_140 = arith.constant 16 : index
        %swap3A_141 = tpu.vector_load %arg7[%swap3A_140] {strides = array<i32>} : memref<128xi32, #tpu.memory_space<vmem>>, vector<16xi32>,
        %swap3A_142 = vector.shape_cast %swap3A_141 : vector<16xi32> to vector<16xi32>
        %swap3A_143 = vector.shape_cast %add3A_139 : vector<16xi32> to vector<16xi32>
        tpu.vector_store %arg7[%swap3A_140], %swap3A_143 {strides = array<i32>} : memref<128xi32, #tpu.memory_space<vmem>>, vector<16xi32>,
        %add3A_144 = arith.constant 20000 : i32
        %add3A_145 = vector.broadcast %add3A_144 : i32 to vector<16xi32>
        %add3A_146 = arith.addi %get3A_129, %add3A_145 : vector<16xi32>
        %swap3A_147 = arith.constant 16 : index
        %swap3A_148 = tpu.vector_load %arg8[%swap3A_147] {strides = array<i32>} : memref<128xi32, #tpu.memory_space<vmem>>, vector<16xi32>,
        %swap3A_149 = vector.shape_cast %swap3A_148 : vector<16xi32> to vector<16xi32>
        %swap3A_150 = vector.shape_cast %add3A_146 : vector<16xi32> to vector<16xi32>
        tpu.vector_store %arg8[%swap3A_147], %swap3A_150 {strides = array<i32>} : memref<128xi32, #tpu.memory_space<vmem>>, vector<16xi32>,
        %add3A_151 = arith.constant 30000 : i32
        %add3A_152 = vector.broadcast %add3A_151 : i32 to vector<16xi32>
        %add3A_153 = arith.addi %get3A_129, %add3A_152 : vector<16xi32>
        %swap3A_154 = arith.constant 16 : index
        %swap3A_155 = tpu.vector_load %arg9[%swap3A_154] {strides = array<i32>} : memref<128xi32, #tpu.memory_space<vmem>>, vector<16xi32>,
        %swap3A_156 = vector.shape_cast %swap3A_155 : vector<16xi32> to vector<16xi32>
        %swap3A_157 = vector.shape_cast %add3A_153 : vector<16xi32> to vector<16xi32>
        tpu.vector_store %arg9[%swap3A_154], %swap3A_157 {strides = array<i32>} : memref<128xi32, #tpu.memory_space<vmem>>, vector<16xi32>,
        %add3A_158 = arith.constant 40000 : i32
        %add3A_159 = vector.broadcast %add3A_158 : i32 to vector<16xi32>
        %add3A_160 = arith.addi %get3A_129, %add3A_159 : vector<16xi32>
        %swap3A_161 = arith.constant 16 : index
        %swap3A_162 = tpu.vector_load %arg10[%swap3A_161] {strides = array<i32>} : memref<128xi32, #tpu.memory_space<vmem>>, vector<16xi32>,
        %swap3A_163 = vector.shape_cast %swap3A_162 : vector<16xi32> to vector<16xi32>
        %swap3A_164 = vector.shape_cast %add3A_160 : vector<16xi32> to vector<16xi32>
        tpu.vector_store %arg10[%swap3A_161], %swap3A_164 {strides = array<i32>} : memref<128xi32, #tpu.memory_space<vmem>>, vector<16xi32>,
        %add3A_165 = arith.constant 50000 : i32
        %add3A_166 = vector.broadcast %add3A_165 : i32 to vector<16xi32>
        %add3A_167 = arith.addi %get3A_129, %add3A_166 : vector<16xi32>
        %swap3A_168 = arith.constant 16 : index
        %swap3A_169 = tpu.vector_load %arg11[%swap3A_168] {strides = array<i32>} : memref<128xi32, #tpu.memory_space<vmem>>, vector<16xi32>,
        %swap3A_170 = vector.shape_cast %swap3A_169 : vector<16xi32> to vector<16xi32>
        %swap3A_171 = vector.shape_cast %add3A_167 : vector<16xi32> to vector<16xi32>
        tpu.vector_store %arg11[%swap3A_168], %swap3A_171 {strides = array<i32>} : memref<128xi32, #tpu.memory_space<vmem>>, vector<16xi32>,
        %add3A_172 = arith.constant 60000 : i32
        %add3A_173 = vector.broadcast %add3A_172 : i32 to vector<16xi32>
        %add3A_174 = arith.addi %get3A_129, %add3A_173 : vector<16xi32>
        %swap3A_175 = arith.constant 16 : index
        %swap3A_176 = tpu.vector_load %arg12[%swap3A_175] {strides = array<i32>} : memref<128xi32, #tpu.memory_space<vmem>>, vector<16xi32>,
        %swap3A_177 = vector.shape_cast %swap3A_176 : vector<16xi32> to vector<16xi32>
        %swap3A_178 = vector.shape_cast %add3A_174 : vector<16xi32> to vector<16xi32>
        tpu.vector_store %arg12[%swap3A_175], %swap3A_178 {strides = array<i32>} : memref<128xi32, #tpu.memory_space<vmem>>, vector<16xi32>,
        %add3A_179 = arith.constant 70000 : i32
        %add3A_180 = vector.broadcast %add3A_179 : i32 to vector<16xi32>
        %add3A_181 = arith.addi %get3A_129, %add3A_180 : vector<16xi32>
        %swap3A_182 = arith.constant 16 : index
        %swap3A_183 = tpu.vector_load %arg13[%swap3A_182] {strides = array<i32>} : memref<128xi32, #tpu.memory_space<vmem>>, vector<16xi32>,
        %swap3A_184 = vector.shape_cast %swap3A_183 : vector<16xi32> to vector<16xi32>
        %swap3A_185 = vector.shape_cast %add3A_181 : vector<16xi32> to vector<16xi32>
        tpu.vector_store %arg13[%swap3A_182], %swap3A_185 {strides = array<i32>} : memref<128xi32, #tpu.memory_space<vmem>>, vector<16xi32>,
        %add3A_186 = arith.constant 80000 : i32
        %add3A_187 = vector.broadcast %add3A_186 : i32 to vector<16xi32>
        %add3A_188 = arith.addi %get3A_129, %add3A_187 : vector<16xi32>
        %swap3A_189 = arith.constant 16 : index
        %swap3A_190 = tpu.vector_load %arg14[%swap3A_189] {strides = array<i32>} : memref<128xi32, #tpu.memory_space<vmem>>, vector<16xi32>,
        %swap3A_191 = vector.shape_cast %swap3A_190 : vector<16xi32> to vector<16xi32>
        %swap3A_192 = vector.shape_cast %add3A_188 : vector<16xi32> to vector<16xi32>
        tpu.vector_store %arg14[%swap3A_189], %swap3A_192 {strides = array<i32>} : memref<128xi32, #tpu.memory_space<vmem>>, vector<16xi32>,
        %add3A_193 = arith.constant 90000 : i32
        %add3A_194 = vector.broadcast %add3A_193 : i32 to vector<16xi32>
        %add3A_195 = arith.addi %get3A_129, %add3A_194 : vector<16xi32>
        %swap3A_196 = arith.constant 16 : index
        %swap3A_197 = tpu.vector_load %arg15[%swap3A_196] {strides = array<i32>} : memref<128xi32, #tpu.memory_space<vmem>>, vector<16xi32>,
        %swap3A_198 = vector.shape_cast %swap3A_197 : vector<16xi32> to vector<16xi32>
        %swap3A_199 = vector.shape_cast %add3A_195 : vector<16xi32> to vector<16xi32>
        tpu.vector_store %arg15[%swap3A_196], %swap3A_199 {strides = array<i32>} : memref<128xi32, #tpu.memory_space<vmem>>, vector<16xi32>,
        %add3A_200 = arith.constant 100000 : i32
        %add3A_201 = vector.broadcast %add3A_200 : i32 to vector<16xi32>
        %add3A_202 = arith.addi %get3A_129, %add3A_201 : vector<16xi32>
        %swap3A_203 = arith.constant 16 : index
        %swap3A_204 = tpu.vector_load %arg16[%swap3A_203] {strides = array<i32>} : memref<128xi32, #tpu.memory_space<vmem>>, vector<16xi32>,
        %swap3A_205 = vector.shape_cast %swap3A_204 : vector<16xi32> to vector<16xi32>
        %swap3A_206 = vector.shape_cast %add3A_202 : vector<16xi32> to vector<16xi32>
        tpu.vector_store %arg16[%swap3A_203], %swap3A_206 {strides = array<i32>} : memref<128xi32, #tpu.memory_space<vmem>>, vector<16xi32>,
        %add3A_207 = arith.constant 110000 : i32
        %add3A_208 = vector.broadcast %add3A_207 : i32 to vector<16xi32>
        %add3A_209 = arith.addi %get3A_129, %add3A_208 : vector<16xi32>
        %swap3A_210 = arith.constant 16 : index
        %swap3A_211 = tpu.vector_load %arg17[%swap3A_210] {strides = array<i32>} : memref<128xi32, #tpu.memory_space<vmem>>, vector<16xi32>,
        %swap3A_212 = vector.shape_cast %swap3A_211 : vector<16xi32> to vector<16xi32>
        %swap3A_213 = vector.shape_cast %add3A_209 : vector<16xi32> to vector<16xi32>
        tpu.vector_store %arg17[%swap3A_210], %swap3A_213 {strides = array<i32>} : memref<128xi32, #tpu.memory_space<vmem>>, vector<16xi32>,
        %add3A_214 = arith.constant 120000 : i32
        %add3A_215 = vector.broadcast %add3A_214 : i32 to vector<16xi32>
        %add3A_216 = arith.addi %get3A_129, %add3A_215 : vector<16xi32>
        %swap3A_217 = arith.constant 16 : index
        %swap3A_218 = tpu.vector_load %arg18[%swap3A_217] {strides = array<i32>} : memref<128xi32, #tpu.memory_space<vmem>>, vector<16xi32>,
        %swap3A_219 = vector.shape_cast %swap3A_218 : vector<16xi32> to vector<16xi32>
        %swap3A_220 = vector.shape_cast %add3A_216 : vector<16xi32> to vector<16xi32>
        tpu.vector_store %arg18[%swap3A_217], %swap3A_220 {strides = array<i32>} : memref<128xi32, #tpu.memory_space<vmem>>, vector<16xi32>,
        %add3A_221 = arith.constant 130000 : i32
        %add3A_222 = vector.broadcast %add3A_221 : i32 to vector<16xi32>
        %add3A_223 = arith.addi %get3A_129, %add3A_222 : vector<16xi32>
        %swap3A_224 = arith.constant 16 : index
        %swap3A_225 = tpu.vector_load %arg19[%swap3A_224] {strides = array<i32>} : memref<128xi32, #tpu.memory_space<vmem>>, vector<16xi32>,
        %swap3A_226 = vector.shape_cast %swap3A_225 : vector<16xi32> to vector<16xi32>
        %swap3A_227 = vector.shape_cast %add3A_223 : vector<16xi32> to vector<16xi32>
        tpu.vector_store %arg19[%swap3A_224], %swap3A_227 {strides = array<i32>} : memref<128xi32, #tpu.memory_space<vmem>>, vector<16xi32>,
        %add3A_228 = arith.constant 140000 : i32
        %add3A_229 = vector.broadcast %add3A_228 : i32 to vector<16xi32>
        %add3A_230 = arith.addi %get3A_129, %add3A_229 : vector<16xi32>
        %swap3A_231 = arith.constant 16 : index
        %swap3A_232 = tpu.vector_load %arg20[%swap3A_231] {strides = array<i32>} : memref<128xi32, #tpu.memory_space<vmem>>, vector<16xi32>,
        %swap3A_233 = vector.shape_cast %swap3A_232 : vector<16xi32> to vector<16xi32>
        %swap3A_234 = vector.shape_cast %add3A_230 : vector<16xi32> to vector<16xi32>
        tpu.vector_store %arg20[%swap3A_231], %swap3A_234 {strides = array<i32>} : memref<128xi32, #tpu.memory_space<vmem>>, vector<16xi32>,
        %add3A_235 = arith.constant 150000 : i32
        %add3A_236 = vector.broadcast %add3A_235 : i32 to vector<16xi32>
        %add3A_237 = arith.addi %get3A_129, %add3A_236 : vector<16xi32>
        %swap3A_238 = arith.constant 16 : index
        %swap3A_239 = tpu.vector_load %arg21[%swap3A_238] {strides = array<i32>} : memref<128xi32, #tpu.memory_space<vmem>>, vector<16xi32>,
        %swap3A_240 = vector.shape_cast %swap3A_239 : vector<16xi32> to vector<16xi32>
        %swap3A_241 = vector.shape_cast %add3A_237 : vector<16xi32> to vector<16xi32>
        tpu.vector_store %arg21[%swap3A_238], %swap3A_241 {strides = array<i32>} : memref<128xi32, #tpu.memory_space<vmem>>, vector<16xi32>,
        %get3A_242 = arith.constant 32 : index
        %get3A_243 = tpu.vector_load %arg5[%get3A_242] {strides = array<i32>} : memref<128xi32, #tpu.memory_space<vmem>>, vector<16xi32>,
        %get3A_244 = vector.shape_cast %get3A_243 : vector<16xi32> to vector<16xi32>
        %add3A_245 = arith.constant 0 : i32
        %add3A_246 = vector.broadcast %add3A_245 : i32 to vector<16xi32>
        %add3A_247 = arith.addi %get3A_244, %add3A_246 : vector<16xi32>
        %swap3A_248 = arith.constant 32 : index
        %swap3A_249 = tpu.vector_load %arg6[%swap3A_248] {strides = array<i32>} : memref<128xi32, #tpu.memory_space<vmem>>, vector<16xi32>,
        %swap3A_250 = vector.shape_cast %swap3A_249 : vector<16xi32> to vector<16xi32>
        %swap3A_251 = vector.shape_cast %add3A_247 : vector<16xi32> to vector<16xi32>
        tpu.vector_store %arg6[%swap3A_248], %swap3A_251 {strides = array<i32>} : memref<128xi32, #tpu.memory_space<vmem>>, vector<16xi32>,
        %add3A_252 = arith.constant 10000 : i32
        %add3A_253 = vector.broadcast %add3A_252 : i32 to vector<16xi32>
        %add3A_254 = arith.addi %get3A_244, %add3A_253 : vector<16xi32>
        %swap3A_255 = arith.constant 32 : index
        %swap3A_256 = tpu.vector_load %arg7[%swap3A_255] {strides = array<i32>} : memref<128xi32, #tpu.memory_space<vmem>>, vector<16xi32>,
        %swap3A_257 = vector.shape_cast %swap3A_256 : vector<16xi32> to vector<16xi32>
        %swap3A_258 = vector.shape_cast %add3A_254 : vector<16xi32> to vector<16xi32>
        tpu.vector_store %arg7[%swap3A_255], %swap3A_258 {strides = array<i32>} : memref<128xi32, #tpu.memory_space<vmem>>, vector<16xi32>,
        %add3A_259 = arith.constant 20000 : i32
        %add3A_260 = vector.broadcast %add3A_259 : i32 to vector<16xi32>
        %add3A_261 = arith.addi %get3A_244, %add3A_260 : vector<16xi32>
        %swap3A_262 = arith.constant 32 : index
        %swap3A_263 = tpu.vector_load %arg8[%swap3A_262] {strides = array<i32>} : memref<128xi32, #tpu.memory_space<vmem>>, vector<16xi32>,
        %swap3A_264 = vector.shape_cast %swap3A_263 : vector<16xi32> to vector<16xi32>
        %swap3A_265 = vector.shape_cast %add3A_261 : vector<16xi32> to vector<16xi32>
        tpu.vector_store %arg8[%swap3A_262], %swap3A_265 {strides = array<i32>} : memref<128xi32, #tpu.memory_space<vmem>>, vector<16xi32>,
        %add3A_266 = arith.constant 30000 : i32
        %add3A_267 = vector.broadcast %add3A_266 : i32 to vector<16xi32>
        %add3A_268 = arith.addi %get3A_244, %add3A_267 : vector<16xi32>
        %swap3A_269 = arith.constant 32 : index
        %swap3A_270 = tpu.vector_load %arg9[%swap3A_269] {strides = array<i32>} : memref<128xi32, #tpu.memory_space<vmem>>, vector<16xi32>,
        %swap3A_271 = vector.shape_cast %swap3A_270 : vector<16xi32> to vector<16xi32>
        %swap3A_272 = vector.shape_cast %add3A_268 : vector<16xi32> to vector<16xi32>
        tpu.vector_store %arg9[%swap3A_269], %swap3A_272 {strides = array<i32>} : memref<128xi32, #tpu.memory_space<vmem>>, vector<16xi32>,
        %add3A_273 = arith.constant 40000 : i32
        %add3A_274 = vector.broadcast %add3A_273 : i32 to vector<16xi32>
        %add3A_275 = arith.addi %get3A_244, %add3A_274 : vector<16xi32>
        %swap3A_276 = arith.constant 32 : index
        %swap3A_277 = tpu.vector_load %arg10[%swap3A_276] {strides = array<i32>} : memref<128xi32, #tpu.memory_space<vmem>>, vector<16xi32>,
        %swap3A_278 = vector.shape_cast %swap3A_277 : vector<16xi32> to vector<16xi32>
        %swap3A_279 = vector.shape_cast %add3A_275 : vector<16xi32> to vector<16xi32>
        tpu.vector_store %arg10[%swap3A_276], %swap3A_279 {strides = array<i32>} : memref<128xi32, #tpu.memory_space<vmem>>, vector<16xi32>,
        %add3A_280 = arith.constant 50000 : i32
        %add3A_281 = vector.broadcast %add3A_280 : i32 to vector<16xi32>
        %add3A_282 = arith.addi %get3A_244, %add3A_281 : vector<16xi32>
        %swap3A_283 = arith.constant 32 : index
        %swap3A_284 = tpu.vector_load %arg11[%swap3A_283] {strides = array<i32>} : memref<128xi32, #tpu.memory_space<vmem>>, vector<16xi32>,
        %swap3A_285 = vector.shape_cast %swap3A_284 : vector<16xi32> to vector<16xi32>
        %swap3A_286 = vector.shape_cast %add3A_282 : vector<16xi32> to vector<16xi32>
        tpu.vector_store %arg11[%swap3A_283], %swap3A_286 {strides = array<i32>} : memref<128xi32, #tpu.memory_space<vmem>>, vector<16xi32>,
        %add3A_287 = arith.constant 60000 : i32
        %add3A_288 = vector.broadcast %add3A_287 : i32 to vector<16xi32>
        %add3A_289 = arith.addi %get3A_244, %add3A_288 : vector<16xi32>
        %swap3A_290 = arith.constant 32 : index
        %swap3A_291 = tpu.vector_load %arg12[%swap3A_290] {strides = array<i32>} : memref<128xi32, #tpu.memory_space<vmem>>, vector<16xi32>,
        %swap3A_292 = vector.shape_cast %swap3A_291 : vector<16xi32> to vector<16xi32>
        %swap3A_293 = vector.shape_cast %add3A_289 : vector<16xi32> to vector<16xi32>
        tpu.vector_store %arg12[%swap3A_290], %swap3A_293 {strides = array<i32>} : memref<128xi32, #tpu.memory_space<vmem>>, vector<16xi32>,
        %add3A_294 = arith.constant 70000 : i32
        %add3A_295 = vector.broadcast %add3A_294 : i32 to vector<16xi32>
        %add3A_296 = arith.addi %get3A_244, %add3A_295 : vector<16xi32>
        %swap3A_297 = arith.constant 32 : index
        %swap3A_298 = tpu.vector_load %arg13[%swap3A_297] {strides = array<i32>} : memref<128xi32, #tpu.memory_space<vmem>>, vector<16xi32>,
        %swap3A_299 = vector.shape_cast %swap3A_298 : vector<16xi32> to vector<16xi32>
        %swap3A_300 = vector.shape_cast %add3A_296 : vector<16xi32> to vector<16xi32>
        tpu.vector_store %arg13[%swap3A_297], %swap3A_300 {strides = array<i32>} : memref<128xi32, #tpu.memory_space<vmem>>, vector<16xi32>,
        %add3A_301 = arith.constant 80000 : i32
        %add3A_302 = vector.broadcast %add3A_301 : i32 to vector<16xi32>
        %add3A_303 = arith.addi %get3A_244, %add3A_302 : vector<16xi32>
        %swap3A_304 = arith.constant 32 : index
        %swap3A_305 = tpu.vector_load %arg14[%swap3A_304] {strides = array<i32>} : memref<128xi32, #tpu.memory_space<vmem>>, vector<16xi32>,
        %swap3A_306 = vector.shape_cast %swap3A_305 : vector<16xi32> to vector<16xi32>
        %swap3A_307 = vector.shape_cast %add3A_303 : vector<16xi32> to vector<16xi32>
        tpu.vector_store %arg14[%swap3A_304], %swap3A_307 {strides = array<i32>} : memref<128xi32, #tpu.memory_space<vmem>>, vector<16xi32>,
        %add3A_308 = arith.constant 90000 : i32
        %add3A_309 = vector.broadcast %add3A_308 : i32 to vector<16xi32>
        %add3A_310 = arith.addi %get3A_244, %add3A_309 : vector<16xi32>
        %swap3A_311 = arith.constant 32 : index
        %swap3A_312 = tpu.vector_load %arg15[%swap3A_311] {strides = array<i32>} : memref<128xi32, #tpu.memory_space<vmem>>, vector<16xi32>,
        %swap3A_313 = vector.shape_cast %swap3A_312 : vector<16xi32> to vector<16xi32>
        %swap3A_314 = vector.shape_cast %add3A_310 : vector<16xi32> to vector<16xi32>
        tpu.vector_store %arg15[%swap3A_311], %swap3A_314 {strides = array<i32>} : memref<128xi32, #tpu.memory_space<vmem>>, vector<16xi32>,
        %add3A_315 = arith.constant 100000 : i32
        %add3A_316 = vector.broadcast %add3A_315 : i32 to vector<16xi32>
        %add3A_317 = arith.addi %get3A_244, %add3A_316 : vector<16xi32>
        %swap3A_318 = arith.constant 32 : index
        %swap3A_319 = tpu.vector_load %arg16[%swap3A_318] {strides = array<i32>} : memref<128xi32, #tpu.memory_space<vmem>>, vector<16xi32>,
        %swap3A_320 = vector.shape_cast %swap3A_319 : vector<16xi32> to vector<16xi32>
        %swap3A_321 = vector.shape_cast %add3A_317 : vector<16xi32> to vector<16xi32>
        tpu.vector_store %arg16[%swap3A_318], %swap3A_321 {strides = array<i32>} : memref<128xi32, #tpu.memory_space<vmem>>, vector<16xi32>,
        %add3A_322 = arith.constant 110000 : i32
        %add3A_323 = vector.broadcast %add3A_322 : i32 to vector<16xi32>
        %add3A_324 = arith.addi %get3A_244, %add3A_323 : vector<16xi32>
        %swap3A_325 = arith.constant 32 : index
        %swap3A_326 = tpu.vector_load %arg17[%swap3A_325] {strides = array<i32>} : memref<128xi32, #tpu.memory_space<vmem>>, vector<16xi32>,
        %swap3A_327 = vector.shape_cast %swap3A_326 : vector<16xi32> to vector<16xi32>
        %swap3A_328 = vector.shape_cast %add3A_324 : vector<16xi32> to vector<16xi32>
        tpu.vector_store %arg17[%swap3A_325], %swap3A_328 {strides = array<i32>} : memref<128xi32, #tpu.memory_space<vmem>>, vector<16xi32>,
        %add3A_329 = arith.constant 120000 : i32
        %add3A_330 = vector.broadcast %add3A_329 : i32 to vector<16xi32>
        %add3A_331 = arith.addi %get3A_244, %add3A_330 : vector<16xi32>
        %swap3A_332 = arith.constant 32 : index
        %swap3A_333 = tpu.vector_load %arg18[%swap3A_332] {strides = array<i32>} : memref<128xi32, #tpu.memory_space<vmem>>, vector<16xi32>,
        %swap3A_334 = vector.shape_cast %swap3A_333 : vector<16xi32> to vector<16xi32>
        %swap3A_335 = vector.shape_cast %add3A_331 : vector<16xi32> to vector<16xi32>
        tpu.vector_store %arg18[%swap3A_332], %swap3A_335 {strides = array<i32>} : memref<128xi32, #tpu.memory_space<vmem>>, vector<16xi32>,
        %add3A_336 = arith.constant 130000 : i32
        %add3A_337 = vector.broadcast %add3A_336 : i32 to vector<16xi32>
        %add3A_338 = arith.addi %get3A_244, %add3A_337 : vector<16xi32>
        %swap3A_339 = arith.constant 32 : index
        %swap3A_340 = tpu.vector_load %arg19[%swap3A_339] {strides = array<i32>} : memref<128xi32, #tpu.memory_space<vmem>>, vector<16xi32>,
        %swap3A_341 = vector.shape_cast %swap3A_340 : vector<16xi32> to vector<16xi32>
        %swap3A_342 = vector.shape_cast %add3A_338 : vector<16xi32> to vector<16xi32>
        tpu.vector_store %arg19[%swap3A_339], %swap3A_342 {strides = array<i32>} : memref<128xi32, #tpu.memory_space<vmem>>, vector<16xi32>,
        %add3A_343 = arith.constant 140000 : i32
        %add3A_344 = vector.broadcast %add3A_343 : i32 to vector<16xi32>
        %add3A_345 = arith.addi %get3A_244, %add3A_344 : vector<16xi32>
        %swap3A_346 = arith.constant 32 : index
        %swap3A_347 = tpu.vector_load %arg20[%swap3A_346] {strides = array<i32>} : memref<128xi32, #tpu.memory_space<vmem>>, vector<16xi32>,
        %swap3A_348 = vector.shape_cast %swap3A_347 : vector<16xi32> to vector<16xi32>
        %swap3A_349 = vector.shape_cast %add3A_345 : vector<16xi32> to vector<16xi32>
        tpu.vector_store %arg20[%swap3A_346], %swap3A_349 {strides = array<i32>} : memref<128xi32, #tpu.memory_space<vmem>>, vector<16xi32>,
        %add3A_350 = arith.constant 150000 : i32
        %add3A_351 = vector.broadcast %add3A_350 : i32 to vector<16xi32>
        %add3A_352 = arith.addi %get3A_244, %add3A_351 : vector<16xi32>
        %swap3A_353 = arith.constant 32 : index
        %swap3A_354 = tpu.vector_load %arg21[%swap3A_353] {strides = array<i32>} : memref<128xi32, #tpu.memory_space<vmem>>, vector<16xi32>,
        %swap3A_355 = vector.shape_cast %swap3A_354 : vector<16xi32> to vector<16xi32>
        %swap3A_356 = vector.shape_cast %add3A_352 : vector<16xi32> to vector<16xi32>
        tpu.vector_store %arg21[%swap3A_353], %swap3A_356 {strides = array<i32>} : memref<128xi32, #tpu.memory_space<vmem>>, vector<16xi32>,
        %get3A_357 = arith.constant 48 : index
        %get3A_358 = tpu.vector_load %arg5[%get3A_357] {strides = array<i32>} : memref<128xi32, #tpu.memory_space<vmem>>, vector<16xi32>,
        %get3A_359 = vector.shape_cast %get3A_358 : vector<16xi32> to vector<16xi32>
        %add3A_360 = arith.constant 0 : i32
        %add3A_361 = vector.broadcast %add3A_360 : i32 to vector<16xi32>
        %add3A_362 = arith.addi %get3A_359, %add3A_361 : vector<16xi32>
        %swap3A_363 = arith.constant 48 : index
        %swap3A_364 = tpu.vector_load %arg6[%swap3A_363] {strides = array<i32>} : memref<128xi32, #tpu.memory_space<vmem>>, vector<16xi32>,
        %swap3A_365 = vector.shape_cast %swap3A_364 : vector<16xi32> to vector<16xi32>
        %swap3A_366 = vector.shape_cast %add3A_362 : vector<16xi32> to vector<16xi32>
        tpu.vector_store %arg6[%swap3A_363], %swap3A_366 {strides = array<i32>} : memref<128xi32, #tpu.memory_space<vmem>>, vector<16xi32>,
        %add3A_367 = arith.constant 10000 : i32
        %add3A_368 = vector.broadcast %add3A_367 : i32 to vector<16xi32>
        %add3A_369 = arith.addi %get3A_359, %add3A_368 : vector<16xi32>
        %swap3A_370 = arith.constant 48 : index
        %swap3A_371 = tpu.vector_load %arg7[%swap3A_370] {strides = array<i32>} : memref<128xi32, #tpu.memory_space<vmem>>, vector<16xi32>,
        %swap3A_372 = vector.shape_cast %swap3A_371 : vector<16xi32> to vector<16xi32>
        %swap3A_373 = vector.shape_cast %add3A_369 : vector<16xi32> to vector<16xi32>
        tpu.vector_store %arg7[%swap3A_370], %swap3A_373 {strides = array<i32>} : memref<128xi32, #tpu.memory_space<vmem>>, vector<16xi32>,
        %add3A_374 = arith.constant 20000 : i32
        %add3A_375 = vector.broadcast %add3A_374 : i32 to vector<16xi32>
        %add3A_376 = arith.addi %get3A_359, %add3A_375 : vector<16xi32>
        %swap3A_377 = arith.constant 48 : index
        %swap3A_378 = tpu.vector_load %arg8[%swap3A_377] {strides = array<i32>} : memref<128xi32, #tpu.memory_space<vmem>>, vector<16xi32>,
        %swap3A_379 = vector.shape_cast %swap3A_378 : vector<16xi32> to vector<16xi32>
        %swap3A_380 = vector.shape_cast %add3A_376 : vector<16xi32> to vector<16xi32>
        tpu.vector_store %arg8[%swap3A_377], %swap3A_380 {strides = array<i32>} : memref<128xi32, #tpu.memory_space<vmem>>, vector<16xi32>,
        %add3A_381 = arith.constant 30000 : i32
        %add3A_382 = vector.broadcast %add3A_381 : i32 to vector<16xi32>
        %add3A_383 = arith.addi %get3A_359, %add3A_382 : vector<16xi32>
        %swap3A_384 = arith.constant 48 : index
        %swap3A_385 = tpu.vector_load %arg9[%swap3A_384] {strides = array<i32>} : memref<128xi32, #tpu.memory_space<vmem>>, vector<16xi32>,
        %swap3A_386 = vector.shape_cast %swap3A_385 : vector<16xi32> to vector<16xi32>
        %swap3A_387 = vector.shape_cast %add3A_383 : vector<16xi32> to vector<16xi32>
        tpu.vector_store %arg9[%swap3A_384], %swap3A_387 {strides = array<i32>} : memref<128xi32, #tpu.memory_space<vmem>>, vector<16xi32>,
        %add3A_388 = arith.constant 40000 : i32
        %add3A_389 = vector.broadcast %add3A_388 : i32 to vector<16xi32>
        %add3A_390 = arith.addi %get3A_359, %add3A_389 : vector<16xi32>
        %swap3A_391 = arith.constant 48 : index
        %swap3A_392 = tpu.vector_load %arg10[%swap3A_391] {strides = array<i32>} : memref<128xi32, #tpu.memory_space<vmem>>, vector<16xi32>,
        %swap3A_393 = vector.shape_cast %swap3A_392 : vector<16xi32> to vector<16xi32>
        %swap3A_394 = vector.shape_cast %add3A_390 : vector<16xi32> to vector<16xi32>
        tpu.vector_store %arg10[%swap3A_391], %swap3A_394 {strides = array<i32>} : memref<128xi32, #tpu.memory_space<vmem>>, vector<16xi32>,
        %add3A_395 = arith.constant 50000 : i32
        %add3A_396 = vector.broadcast %add3A_395 : i32 to vector<16xi32>
        %add3A_397 = arith.addi %get3A_359, %add3A_396 : vector<16xi32>
        %swap3A_398 = arith.constant 48 : index
        %swap3A_399 = tpu.vector_load %arg11[%swap3A_398] {strides = array<i32>} : memref<128xi32, #tpu.memory_space<vmem>>, vector<16xi32>,
        %swap3A_400 = vector.shape_cast %swap3A_399 : vector<16xi32> to vector<16xi32>
        %swap3A_401 = vector.shape_cast %add3A_397 : vector<16xi32> to vector<16xi32>
        tpu.vector_store %arg11[%swap3A_398], %swap3A_401 {strides = array<i32>} : memref<128xi32, #tpu.memory_space<vmem>>, vector<16xi32>,
        %add3A_402 = arith.constant 60000 : i32
        %add3A_403 = vector.broadcast %add3A_402 : i32 to vector<16xi32>
        %add3A_404 = arith.addi %get3A_359, %add3A_403 : vector<16xi32>
        %swap3A_405 = arith.constant 48 : index
        %swap3A_406 = tpu.vector_load %arg12[%swap3A_405] {strides = array<i32>} : memref<128xi32, #tpu.memory_space<vmem>>, vector<16xi32>,
        %swap3A_407 = vector.shape_cast %swap3A_406 : vector<16xi32> to vector<16xi32>
        %swap3A_408 = vector.shape_cast %add3A_404 : vector<16xi32> to vector<16xi32>
        tpu.vector_store %arg12[%swap3A_405], %swap3A_408 {strides = array<i32>} : memref<128xi32, #tpu.memory_space<vmem>>, vector<16xi32>,
        %add3A_409 = arith.constant 70000 : i32
        %add3A_410 = vector.broadcast %add3A_409 : i32 to vector<16xi32>
        %add3A_411 = arith.addi %get3A_359, %add3A_410 : vector<16xi32>
        %swap3A_412 = arith.constant 48 : index
        %swap3A_413 = tpu.vector_load %arg13[%swap3A_412] {strides = array<i32>} : memref<128xi32, #tpu.memory_space<vmem>>, vector<16xi32>,
        %swap3A_414 = vector.shape_cast %swap3A_413 : vector<16xi32> to vector<16xi32>
        %swap3A_415 = vector.shape_cast %add3A_411 : vector<16xi32> to vector<16xi32>
        tpu.vector_store %arg13[%swap3A_412], %swap3A_415 {strides = array<i32>} : memref<128xi32, #tpu.memory_space<vmem>>, vector<16xi32>,
        %add3A_416 = arith.constant 80000 : i32
        %add3A_417 = vector.broadcast %add3A_416 : i32 to vector<16xi32>
        %add3A_418 = arith.addi %get3A_359, %add3A_417 : vector<16xi32>
        %swap3A_419 = arith.constant 48 : index
        %swap3A_420 = tpu.vector_load %arg14[%swap3A_419] {strides = array<i32>} : memref<128xi32, #tpu.memory_space<vmem>>, vector<16xi32>,
        %swap3A_421 = vector.shape_cast %swap3A_420 : vector<16xi32> to vector<16xi32>
        %swap3A_422 = vector.shape_cast %add3A_418 : vector<16xi32> to vector<16xi32>
        tpu.vector_store %arg14[%swap3A_419], %swap3A_422 {strides = array<i32>} : memref<128xi32, #tpu.memory_space<vmem>>, vector<16xi32>,
        %add3A_423 = arith.constant 90000 : i32
        %add3A_424 = vector.broadcast %add3A_423 : i32 to vector<16xi32>
        %add3A_425 = arith.addi %get3A_359, %add3A_424 : vector<16xi32>
        %swap3A_426 = arith.constant 48 : index
        %swap3A_427 = tpu.vector_load %arg15[%swap3A_426] {strides = array<i32>} : memref<128xi32, #tpu.memory_space<vmem>>, vector<16xi32>,
        %swap3A_428 = vector.shape_cast %swap3A_427 : vector<16xi32> to vector<16xi32>
        %swap3A_429 = vector.shape_cast %add3A_425 : vector<16xi32> to vector<16xi32>
        tpu.vector_store %arg15[%swap3A_426], %swap3A_429 {strides = array<i32>} : memref<128xi32, #tpu.memory_space<vmem>>, vector<16xi32>,
        %add3A_430 = arith.constant 100000 : i32
        %add3A_431 = vector.broadcast %add3A_430 : i32 to vector<16xi32>
        %add3A_432 = arith.addi %get3A_359, %add3A_431 : vector<16xi32>
        %swap3A_433 = arith.constant 48 : index
        %swap3A_434 = tpu.vector_load %arg16[%swap3A_433] {strides = array<i32>} : memref<128xi32, #tpu.memory_space<vmem>>, vector<16xi32>,
        %swap3A_435 = vector.shape_cast %swap3A_434 : vector<16xi32> to vector<16xi32>
        %swap3A_436 = vector.shape_cast %add3A_432 : vector<16xi32> to vector<16xi32>
        tpu.vector_store %arg16[%swap3A_433], %swap3A_436 {strides = array<i32>} : memref<128xi32, #tpu.memory_space<vmem>>, vector<16xi32>,
        %add3A_437 = arith.constant 110000 : i32
        %add3A_438 = vector.broadcast %add3A_437 : i32 to vector<16xi32>
        %add3A_439 = arith.addi %get3A_359, %add3A_438 : vector<16xi32>
        %swap3A_440 = arith.constant 48 : index
        %swap3A_441 = tpu.vector_load %arg17[%swap3A_440] {strides = array<i32>} : memref<128xi32, #tpu.memory_space<vmem>>, vector<16xi32>,
        %swap3A_442 = vector.shape_cast %swap3A_441 : vector<16xi32> to vector<16xi32>
        %swap3A_443 = vector.shape_cast %add3A_439 : vector<16xi32> to vector<16xi32>
        tpu.vector_store %arg17[%swap3A_440], %swap3A_443 {strides = array<i32>} : memref<128xi32, #tpu.memory_space<vmem>>, vector<16xi32>,
        %add3A_444 = arith.constant 120000 : i32
        %add3A_445 = vector.broadcast %add3A_444 : i32 to vector<16xi32>
        %add3A_446 = arith.addi %get3A_359, %add3A_445 : vector<16xi32>
        %swap3A_447 = arith.constant 48 : index
        %swap3A_448 = tpu.vector_load %arg18[%swap3A_447] {strides = array<i32>} : memref<128xi32, #tpu.memory_space<vmem>>, vector<16xi32>,
        %swap3A_449 = vector.shape_cast %swap3A_448 : vector<16xi32> to vector<16xi32>
        %swap3A_450 = vector.shape_cast %add3A_446 : vector<16xi32> to vector<16xi32>
        tpu.vector_store %arg18[%swap3A_447], %swap3A_450 {strides = array<i32>} : memref<128xi32, #tpu.memory_space<vmem>>, vector<16xi32>,
        %add3A_451 = arith.constant 130000 : i32
        %add3A_452 = vector.broadcast %add3A_451 : i32 to vector<16xi32>
        %add3A_453 = arith.addi %get3A_359, %add3A_452 : vector<16xi32>
        %swap3A_454 = arith.constant 48 : index
        %swap3A_455 = tpu.vector_load %arg19[%swap3A_454] {strides = array<i32>} : memref<128xi32, #tpu.memory_space<vmem>>, vector<16xi32>,
        %swap3A_456 = vector.shape_cast %swap3A_455 : vector<16xi32> to vector<16xi32>
        %swap3A_457 = vector.shape_cast %add3A_453 : vector<16xi32> to vector<16xi32>
        tpu.vector_store %arg19[%swap3A_454], %swap3A_457 {strides = array<i32>} : memref<128xi32, #tpu.memory_space<vmem>>, vector<16xi32>,
        %add3A_458 = arith.constant 140000 : i32
        %add3A_459 = vector.broadcast %add3A_458 : i32 to vector<16xi32>
        %add3A_460 = arith.addi %get3A_359, %add3A_459 : vector<16xi32>
        %swap3A_461 = arith.constant 48 : index
        %swap3A_462 = tpu.vector_load %arg20[%swap3A_461] {strides = array<i32>} : memref<128xi32, #tpu.memory_space<vmem>>, vector<16xi32>,
        %swap3A_463 = vector.shape_cast %swap3A_462 : vector<16xi32> to vector<16xi32>
        %swap3A_464 = vector.shape_cast %add3A_460 : vector<16xi32> to vector<16xi32>
        tpu.vector_store %arg20[%swap3A_461], %swap3A_464 {strides = array<i32>} : memref<128xi32, #tpu.memory_space<vmem>>, vector<16xi32>,
        %add3A_465 = arith.constant 150000 : i32
        %add3A_466 = vector.broadcast %add3A_465 : i32 to vector<16xi32>
        %add3A_467 = arith.addi %get3A_359, %add3A_466 : vector<16xi32>
        %swap3A_468 = arith.constant 48 : index
        %swap3A_469 = tpu.vector_load %arg21[%swap3A_468] {strides = array<i32>} : memref<128xi32, #tpu.memory_space<vmem>>, vector<16xi32>,
        %swap3A_470 = vector.shape_cast %swap3A_469 : vector<16xi32> to vector<16xi32>
        %swap3A_471 = vector.shape_cast %add3A_467 : vector<16xi32> to vector<16xi32>
        tpu.vector_store %arg21[%swap3A_468], %swap3A_471 {strides = array<i32>} : memref<128xi32, #tpu.memory_space<vmem>>, vector<16xi32>,
        %get3A_472 = arith.constant 64 : index
        %get3A_473 = tpu.vector_load %arg5[%get3A_472] {strides = array<i32>} : memref<128xi32, #tpu.memory_space<vmem>>, vector<16xi32>,
        %get3A_474 = vector.shape_cast %get3A_473 : vector<16xi32> to vector<16xi32>
        %add3A_475 = arith.constant 0 : i32
        %add3A_476 = vector.broadcast %add3A_475 : i32 to vector<16xi32>
        %add3A_477 = arith.addi %get3A_474, %add3A_476 : vector<16xi32>
        %swap3A_478 = arith.constant 64 : index
        %swap3A_479 = tpu.vector_load %arg6[%swap3A_478] {strides = array<i32>} : memref<128xi32, #tpu.memory_space<vmem>>, vector<16xi32>,
        %swap3A_480 = vector.shape_cast %swap3A_479 : vector<16xi32> to vector<16xi32>
        %swap3A_481 = vector.shape_cast %add3A_477 : vector<16xi32> to vector<16xi32>
        tpu.vector_store %arg6[%swap3A_478], %swap3A_481 {strides = array<i32>} : memref<128xi32, #tpu.memory_space<vmem>>, vector<16xi32>,
        %add3A_482 = arith.constant 10000 : i32
        %add3A_483 = vector.broadcast %add3A_482 : i32 to vector<16xi32>
        %add3A_484 = arith.addi %get3A_474, %add3A_483 : vector<16xi32>
        %swap3A_485 = arith.constant 64 : index
        %swap3A_486 = tpu.vector_load %arg7[%swap3A_485] {strides = array<i32>} : memref<128xi32, #tpu.memory_space<vmem>>, vector<16xi32>,
        %swap3A_487 = vector.shape_cast %swap3A_486 : vector<16xi32> to vector<16xi32>
        %swap3A_488 = vector.shape_cast %add3A_484 : vector<16xi32> to vector<16xi32>
        tpu.vector_store %arg7[%swap3A_485], %swap3A_488 {strides = array<i32>} : memref<128xi32, #tpu.memory_space<vmem>>, vector<16xi32>,
        %add3A_489 = arith.constant 20000 : i32
        %add3A_490 = vector.broadcast %add3A_489 : i32 to vector<16xi32>
        %add3A_491 = arith.addi %get3A_474, %add3A_490 : vector<16xi32>
        %swap3A_492 = arith.constant 64 : index
        %swap3A_493 = tpu.vector_load %arg8[%swap3A_492] {strides = array<i32>} : memref<128xi32, #tpu.memory_space<vmem>>, vector<16xi32>,
        %swap3A_494 = vector.shape_cast %swap3A_493 : vector<16xi32> to vector<16xi32>
        %swap3A_495 = vector.shape_cast %add3A_491 : vector<16xi32> to vector<16xi32>
        tpu.vector_store %arg8[%swap3A_492], %swap3A_495 {strides = array<i32>} : memref<128xi32, #tpu.memory_space<vmem>>, vector<16xi32>,
        %add3A_496 = arith.constant 30000 : i32
        %add3A_497 = vector.broadcast %add3A_496 : i32 to vector<16xi32>
        %add3A_498 = arith.addi %get3A_474, %add3A_497 : vector<16xi32>
        %swap3A_499 = arith.constant 64 : index
        %swap3A_500 = tpu.vector_load %arg9[%swap3A_499] {strides = array<i32>} : memref<128xi32, #tpu.memory_space<vmem>>, vector<16xi32>,
        %swap3A_501 = vector.shape_cast %swap3A_500 : vector<16xi32> to vector<16xi32>
        %swap3A_502 = vector.shape_cast %add3A_498 : vector<16xi32> to vector<16xi32>
        tpu.vector_store %arg9[%swap3A_499], %swap3A_502 {strides = array<i32>} : memref<128xi32, #tpu.memory_space<vmem>>, vector<16xi32>,
        %add3A_503 = arith.constant 40000 : i32
        %add3A_504 = vector.broadcast %add3A_503 : i32 to vector<16xi32>
        %add3A_505 = arith.addi %get3A_474, %add3A_504 : vector<16xi32>
        %swap3A_506 = arith.constant 64 : index
        %swap3A_507 = tpu.vector_load %arg10[%swap3A_506] {strides = array<i32>} : memref<128xi32, #tpu.memory_space<vmem>>, vector<16xi32>,
        %swap3A_508 = vector.shape_cast %swap3A_507 : vector<16xi32> to vector<16xi32>
        %swap3A_509 = vector.shape_cast %add3A_505 : vector<16xi32> to vector<16xi32>
        tpu.vector_store %arg10[%swap3A_506], %swap3A_509 {strides = array<i32>} : memref<128xi32, #tpu.memory_space<vmem>>, vector<16xi32>,
        %add3A_510 = arith.constant 50000 : i32
        %add3A_511 = vector.broadcast %add3A_510 : i32 to vector<16xi32>
        %add3A_512 = arith.addi %get3A_474, %add3A_511 : vector<16xi32>
        %swap3A_513 = arith.constant 64 : index
        %swap3A_514 = tpu.vector_load %arg11[%swap3A_513] {strides = array<i32>} : memref<128xi32, #tpu.memory_space<vmem>>, vector<16xi32>,
        %swap3A_515 = vector.shape_cast %swap3A_514 : vector<16xi32> to vector<16xi32>
        %swap3A_516 = vector.shape_cast %add3A_512 : vector<16xi32> to vector<16xi32>
        tpu.vector_store %arg11[%swap3A_513], %swap3A_516 {strides = array<i32>} : memref<128xi32, #tpu.memory_space<vmem>>, vector<16xi32>,
        %add3A_517 = arith.constant 60000 : i32
        %add3A_518 = vector.broadcast %add3A_517 : i32 to vector<16xi32>
        %add3A_519 = arith.addi %get3A_474, %add3A_518 : vector<16xi32>
        %swap3A_520 = arith.constant 64 : index
        %swap3A_521 = tpu.vector_load %arg12[%swap3A_520] {strides = array<i32>} : memref<128xi32, #tpu.memory_space<vmem>>, vector<16xi32>,
        %swap3A_522 = vector.shape_cast %swap3A_521 : vector<16xi32> to vector<16xi32>
        %swap3A_523 = vector.shape_cast %add3A_519 : vector<16xi32> to vector<16xi32>
        tpu.vector_store %arg12[%swap3A_520], %swap3A_523 {strides = array<i32>} : memref<128xi32, #tpu.memory_space<vmem>>, vector<16xi32>,
        %add3A_524 = arith.constant 70000 : i32
        %add3A_525 = vector.broadcast %add3A_524 : i32 to vector<16xi32>
        %add3A_526 = arith.addi %get3A_474, %add3A_525 : vector<16xi32>
        %swap3A_527 = arith.constant 64 : index
        %swap3A_528 = tpu.vector_load %arg13[%swap3A_527] {strides = array<i32>} : memref<128xi32, #tpu.memory_space<vmem>>, vector<16xi32>,
        %swap3A_529 = vector.shape_cast %swap3A_528 : vector<16xi32> to vector<16xi32>
        %swap3A_530 = vector.shape_cast %add3A_526 : vector<16xi32> to vector<16xi32>
        tpu.vector_store %arg13[%swap3A_527], %swap3A_530 {strides = array<i32>} : memref<128xi32, #tpu.memory_space<vmem>>, vector<16xi32>,
        %add3A_531 = arith.constant 80000 : i32
        %add3A_532 = vector.broadcast %add3A_531 : i32 to vector<16xi32>
        %add3A_533 = arith.addi %get3A_474, %add3A_532 : vector<16xi32>
        %swap3A_534 = arith.constant 64 : index
        %swap3A_535 = tpu.vector_load %arg14[%swap3A_534] {strides = array<i32>} : memref<128xi32, #tpu.memory_space<vmem>>, vector<16xi32>,
        %swap3A_536 = vector.shape_cast %swap3A_535 : vector<16xi32> to vector<16xi32>
        %swap3A_537 = vector.shape_cast %add3A_533 : vector<16xi32> to vector<16xi32>
        tpu.vector_store %arg14[%swap3A_534], %swap3A_537 {strides = array<i32>} : memref<128xi32, #tpu.memory_space<vmem>>, vector<16xi32>,
        %add3A_538 = arith.constant 90000 : i32
        %add3A_539 = vector.broadcast %add3A_538 : i32 to vector<16xi32>
        %add3A_540 = arith.addi %get3A_474, %add3A_539 : vector<16xi32>
        %swap3A_541 = arith.constant 64 : index
        %swap3A_542 = tpu.vector_load %arg15[%swap3A_541] {strides = array<i32>} : memref<128xi32, #tpu.memory_space<vmem>>, vector<16xi32>,
        %swap3A_543 = vector.shape_cast %swap3A_542 : vector<16xi32> to vector<16xi32>
        %swap3A_544 = vector.shape_cast %add3A_540 : vector<16xi32> to vector<16xi32>
        tpu.vector_store %arg15[%swap3A_541], %swap3A_544 {strides = array<i32>} : memref<128xi32, #tpu.memory_space<vmem>>, vector<16xi32>,
        %add3A_545 = arith.constant 100000 : i32
        %add3A_546 = vector.broadcast %add3A_545 : i32 to vector<16xi32>
        %add3A_547 = arith.addi %get3A_474, %add3A_546 : vector<16xi32>
        %swap3A_548 = arith.constant 64 : index
        %swap3A_549 = tpu.vector_load %arg16[%swap3A_548] {strides = array<i32>} : memref<128xi32, #tpu.memory_space<vmem>>, vector<16xi32>,
        %swap3A_550 = vector.shape_cast %swap3A_549 : vector<16xi32> to vector<16xi32>
        %swap3A_551 = vector.shape_cast %add3A_547 : vector<16xi32> to vector<16xi32>
        tpu.vector_store %arg16[%swap3A_548], %swap3A_551 {strides = array<i32>} : memref<128xi32, #tpu.memory_space<vmem>>, vector<16xi32>,
        %add3A_552 = arith.constant 110000 : i32
        %add3A_553 = vector.broadcast %add3A_552 : i32 to vector<16xi32>
        %add3A_554 = arith.addi %get3A_474, %add3A_553 : vector<16xi32>
        %swap3A_555 = arith.constant 64 : index
        %swap3A_556 = tpu.vector_load %arg17[%swap3A_555] {strides = array<i32>} : memref<128xi32, #tpu.memory_space<vmem>>, vector<16xi32>,
        %swap3A_557 = vector.shape_cast %swap3A_556 : vector<16xi32> to vector<16xi32>
        %swap3A_558 = vector.shape_cast %add3A_554 : vector<16xi32> to vector<16xi32>
        tpu.vector_store %arg17[%swap3A_555], %swap3A_558 {strides = array<i32>} : memref<128xi32, #tpu.memory_space<vmem>>, vector<16xi32>,
        %add3A_559 = arith.constant 120000 : i32
        %add3A_560 = vector.broadcast %add3A_559 : i32 to vector<16xi32>
        %add3A_561 = arith.addi %get3A_474, %add3A_560 : vector<16xi32>
        %swap3A_562 = arith.constant 64 : index
        %swap3A_563 = tpu.vector_load %arg18[%swap3A_562] {strides = array<i32>} : memref<128xi32, #tpu.memory_space<vmem>>, vector<16xi32>,
        %swap3A_564 = vector.shape_cast %swap3A_563 : vector<16xi32> to vector<16xi32>
        %swap3A_565 = vector.shape_cast %add3A_561 : vector<16xi32> to vector<16xi32>
        tpu.vector_store %arg18[%swap3A_562], %swap3A_565 {strides = array<i32>} : memref<128xi32, #tpu.memory_space<vmem>>, vector<16xi32>,
        %add3A_566 = arith.constant 130000 : i32
        %add3A_567 = vector.broadcast %add3A_566 : i32 to vector<16xi32>
        %add3A_568 = arith.addi %get3A_474, %add3A_567 : vector<16xi32>
        %swap3A_569 = arith.constant 64 : index
        %swap3A_570 = tpu.vector_load %arg19[%swap3A_569] {strides = array<i32>} : memref<128xi32, #tpu.memory_space<vmem>>, vector<16xi32>,
        %swap3A_571 = vector.shape_cast %swap3A_570 : vector<16xi32> to vector<16xi32>
        %swap3A_572 = vector.shape_cast %add3A_568 : vector<16xi32> to vector<16xi32>
        tpu.vector_store %arg19[%swap3A_569], %swap3A_572 {strides = array<i32>} : memref<128xi32, #tpu.memory_space<vmem>>, vector<16xi32>,
        %add3A_573 = arith.constant 140000 : i32
        %add3A_574 = vector.broadcast %add3A_573 : i32 to vector<16xi32>
        %add3A_575 = arith.addi %get3A_474, %add3A_574 : vector<16xi32>
        %swap3A_576 = arith.constant 64 : index
        %swap3A_577 = tpu.vector_load %arg20[%swap3A_576] {strides = array<i32>} : memref<128xi32, #tpu.memory_space<vmem>>, vector<16xi32>,
        %swap3A_578 = vector.shape_cast %swap3A_577 : vector<16xi32> to vector<16xi32>
        %swap3A_579 = vector.shape_cast %add3A_575 : vector<16xi32> to vector<16xi32>
        tpu.vector_store %arg20[%swap3A_576], %swap3A_579 {strides = array<i32>} : memref<128xi32, #tpu.memory_space<vmem>>, vector<16xi32>,
        %add3A_580 = arith.constant 150000 : i32
        %add3A_581 = vector.broadcast %add3A_580 : i32 to vector<16xi32>
        %add3A_582 = arith.addi %get3A_474, %add3A_581 : vector<16xi32>
        %swap3A_583 = arith.constant 64 : index
        %swap3A_584 = tpu.vector_load %arg21[%swap3A_583] {strides = array<i32>} : memref<128xi32, #tpu.memory_space<vmem>>, vector<16xi32>,
        %swap3A_585 = vector.shape_cast %swap3A_584 : vector<16xi32> to vector<16xi32>
        %swap3A_586 = vector.shape_cast %add3A_582 : vector<16xi32> to vector<16xi32>
        tpu.vector_store %arg21[%swap3A_583], %swap3A_586 {strides = array<i32>} : memref<128xi32, #tpu.memory_space<vmem>>, vector<16xi32>,
        %get3A_587 = arith.constant 80 : index
        %get3A_588 = tpu.vector_load %arg5[%get3A_587] {strides = array<i32>} : memref<128xi32, #tpu.memory_space<vmem>>, vector<16xi32>,
        %get3A_589 = vector.shape_cast %get3A_588 : vector<16xi32> to vector<16xi32>
        %add3A_590 = arith.constant 0 : i32
        %add3A_591 = vector.broadcast %add3A_590 : i32 to vector<16xi32>
        %add3A_592 = arith.addi %get3A_589, %add3A_591 : vector<16xi32>
        %swap3A_593 = arith.constant 80 : index
        %swap3A_594 = tpu.vector_load %arg6[%swap3A_593] {strides = array<i32>} : memref<128xi32, #tpu.memory_space<vmem>>, vector<16xi32>,
        %swap3A_595 = vector.shape_cast %swap3A_594 : vector<16xi32> to vector<16xi32>
        %swap3A_596 = vector.shape_cast %add3A_592 : vector<16xi32> to vector<16xi32>
        tpu.vector_store %arg6[%swap3A_593], %swap3A_596 {strides = array<i32>} : memref<128xi32, #tpu.memory_space<vmem>>, vector<16xi32>,
        %add3A_597 = arith.constant 10000 : i32
        %add3A_598 = vector.broadcast %add3A_597 : i32 to vector<16xi32>
        %add3A_599 = arith.addi %get3A_589, %add3A_598 : vector<16xi32>
        %swap3A_600 = arith.constant 80 : index
        %swap3A_601 = tpu.vector_load %arg7[%swap3A_600] {strides = array<i32>} : memref<128xi32, #tpu.memory_space<vmem>>, vector<16xi32>,
        %swap3A_602 = vector.shape_cast %swap3A_601 : vector<16xi32> to vector<16xi32>
        %swap3A_603 = vector.shape_cast %add3A_599 : vector<16xi32> to vector<16xi32>
        tpu.vector_store %arg7[%swap3A_600], %swap3A_603 {strides = array<i32>} : memref<128xi32, #tpu.memory_space<vmem>>, vector<16xi32>,
        %add3A_604 = arith.constant 20000 : i32
        %add3A_605 = vector.broadcast %add3A_604 : i32 to vector<16xi32>
        %add3A_606 = arith.addi %get3A_589, %add3A_605 : vector<16xi32>
        %swap3A_607 = arith.constant 80 : index
        %swap3A_608 = tpu.vector_load %arg8[%swap3A_607] {strides = array<i32>} : memref<128xi32, #tpu.memory_space<vmem>>, vector<16xi32>,
        %swap3A_609 = vector.shape_cast %swap3A_608 : vector<16xi32> to vector<16xi32>
        %swap3A_610 = vector.shape_cast %add3A_606 : vector<16xi32> to vector<16xi32>
        tpu.vector_store %arg8[%swap3A_607], %swap3A_610 {strides = array<i32>} : memref<128xi32, #tpu.memory_space<vmem>>, vector<16xi32>,
        %add3A_611 = arith.constant 30000 : i32
        %add3A_612 = vector.broadcast %add3A_611 : i32 to vector<16xi32>
        %add3A_613 = arith.addi %get3A_589, %add3A_612 : vector<16xi32>
        %swap3A_614 = arith.constant 80 : index
        %swap3A_615 = tpu.vector_load %arg9[%swap3A_614] {strides = array<i32>} : memref<128xi32, #tpu.memory_space<vmem>>, vector<16xi32>,
        %swap3A_616 = vector.shape_cast %swap3A_615 : vector<16xi32> to vector<16xi32>
        %swap3A_617 = vector.shape_cast %add3A_613 : vector<16xi32> to vector<16xi32>
        tpu.vector_store %arg9[%swap3A_614], %swap3A_617 {strides = array<i32>} : memref<128xi32, #tpu.memory_space<vmem>>, vector<16xi32>,
        %add3A_618 = arith.constant 40000 : i32
        %add3A_619 = vector.broadcast %add3A_618 : i32 to vector<16xi32>
        %add3A_620 = arith.addi %get3A_589, %add3A_619 : vector<16xi32>
        %swap3A_621 = arith.constant 80 : index
        %swap3A_622 = tpu.vector_load %arg10[%swap3A_621] {strides = array<i32>} : memref<128xi32, #tpu.memory_space<vmem>>, vector<16xi32>,
        %swap3A_623 = vector.shape_cast %swap3A_622 : vector<16xi32> to vector<16xi32>
        %swap3A_624 = vector.shape_cast %add3A_620 : vector<16xi32> to vector<16xi32>
        tpu.vector_store %arg10[%swap3A_621], %swap3A_624 {strides = array<i32>} : memref<128xi32, #tpu.memory_space<vmem>>, vector<16xi32>,
        %add3A_625 = arith.constant 50000 : i32
        %add3A_626 = vector.broadcast %add3A_625 : i32 to vector<16xi32>
        %add3A_627 = arith.addi %get3A_589, %add3A_626 : vector<16xi32>
        %swap3A_628 = arith.constant 80 : index
        %swap3A_629 = tpu.vector_load %arg11[%swap3A_628] {strides = array<i32>} : memref<128xi32, #tpu.memory_space<vmem>>, vector<16xi32>,
        %swap3A_630 = vector.shape_cast %swap3A_629 : vector<16xi32> to vector<16xi32>
        %swap3A_631 = vector.shape_cast %add3A_627 : vector<16xi32> to vector<16xi32>
        tpu.vector_store %arg11[%swap3A_628], %swap3A_631 {strides = array<i32>} : memref<128xi32, #tpu.memory_space<vmem>>, vector<16xi32>,
        %add3A_632 = arith.constant 60000 : i32
        %add3A_633 = vector.broadcast %add3A_632 : i32 to vector<16xi32>
        %add3A_634 = arith.addi %get3A_589, %add3A_633 : vector<16xi32>
        %swap3A_635 = arith.constant 80 : index
        %swap3A_636 = tpu.vector_load %arg12[%swap3A_635] {strides = array<i32>} : memref<128xi32, #tpu.memory_space<vmem>>, vector<16xi32>,
        %swap3A_637 = vector.shape_cast %swap3A_636 : vector<16xi32> to vector<16xi32>
        %swap3A_638 = vector.shape_cast %add3A_634 : vector<16xi32> to vector<16xi32>
        tpu.vector_store %arg12[%swap3A_635], %swap3A_638 {strides = array<i32>} : memref<128xi32, #tpu.memory_space<vmem>>, vector<16xi32>,
        %add3A_639 = arith.constant 70000 : i32
        %add3A_640 = vector.broadcast %add3A_639 : i32 to vector<16xi32>
        %add3A_641 = arith.addi %get3A_589, %add3A_640 : vector<16xi32>
        %swap3A_642 = arith.constant 80 : index
        %swap3A_643 = tpu.vector_load %arg13[%swap3A_642] {strides = array<i32>} : memref<128xi32, #tpu.memory_space<vmem>>, vector<16xi32>,
        %swap3A_644 = vector.shape_cast %swap3A_643 : vector<16xi32> to vector<16xi32>
        %swap3A_645 = vector.shape_cast %add3A_641 : vector<16xi32> to vector<16xi32>
        tpu.vector_store %arg13[%swap3A_642], %swap3A_645 {strides = array<i32>} : memref<128xi32, #tpu.memory_space<vmem>>, vector<16xi32>,
        %add3A_646 = arith.constant 80000 : i32
        %add3A_647 = vector.broadcast %add3A_646 : i32 to vector<16xi32>
        %add3A_648 = arith.addi %get3A_589, %add3A_647 : vector<16xi32>
        %swap3A_649 = arith.constant 80 : index
        %swap3A_650 = tpu.vector_load %arg14[%swap3A_649] {strides = array<i32>} : memref<128xi32, #tpu.memory_space<vmem>>, vector<16xi32>,
        %swap3A_651 = vector.shape_cast %swap3A_650 : vector<16xi32> to vector<16xi32>
        %swap3A_652 = vector.shape_cast %add3A_648 : vector<16xi32> to vector<16xi32>
        tpu.vector_store %arg14[%swap3A_649], %swap3A_652 {strides = array<i32>} : memref<128xi32, #tpu.memory_space<vmem>>, vector<16xi32>,
        %add3A_653 = arith.constant 90000 : i32
        %add3A_654 = vector.broadcast %add3A_653 : i32 to vector<16xi32>
        %add3A_655 = arith.addi %get3A_589, %add3A_654 : vector<16xi32>
        %swap3A_656 = arith.constant 80 : index
        %swap3A_657 = tpu.vector_load %arg15[%swap3A_656] {strides = array<i32>} : memref<128xi32, #tpu.memory_space<vmem>>, vector<16xi32>,
        %swap3A_658 = vector.shape_cast %swap3A_657 : vector<16xi32> to vector<16xi32>
        %swap3A_659 = vector.shape_cast %add3A_655 : vector<16xi32> to vector<16xi32>
        tpu.vector_store %arg15[%swap3A_656], %swap3A_659 {strides = array<i32>} : memref<128xi32, #tpu.memory_space<vmem>>, vector<16xi32>,
        %add3A_660 = arith.constant 100000 : i32
        %add3A_661 = vector.broadcast %add3A_660 : i32 to vector<16xi32>
        %add3A_662 = arith.addi %get3A_589, %add3A_661 : vector<16xi32>
        %swap3A_663 = arith.constant 80 : index
        %swap3A_664 = tpu.vector_load %arg16[%swap3A_663] {strides = array<i32>} : memref<128xi32, #tpu.memory_space<vmem>>, vector<16xi32>,
        %swap3A_665 = vector.shape_cast %swap3A_664 : vector<16xi32> to vector<16xi32>
        %swap3A_666 = vector.shape_cast %add3A_662 : vector<16xi32> to vector<16xi32>
        tpu.vector_store %arg16[%swap3A_663], %swap3A_666 {strides = array<i32>} : memref<128xi32, #tpu.memory_space<vmem>>, vector<16xi32>,
        %add3A_667 = arith.constant 110000 : i32
        %add3A_668 = vector.broadcast %add3A_667 : i32 to vector<16xi32>
        %add3A_669 = arith.addi %get3A_589, %add3A_668 : vector<16xi32>
        %swap3A_670 = arith.constant 80 : index
        %swap3A_671 = tpu.vector_load %arg17[%swap3A_670] {strides = array<i32>} : memref<128xi32, #tpu.memory_space<vmem>>, vector<16xi32>,
        %swap3A_672 = vector.shape_cast %swap3A_671 : vector<16xi32> to vector<16xi32>
        %swap3A_673 = vector.shape_cast %add3A_669 : vector<16xi32> to vector<16xi32>
        tpu.vector_store %arg17[%swap3A_670], %swap3A_673 {strides = array<i32>} : memref<128xi32, #tpu.memory_space<vmem>>, vector<16xi32>,
        %add3A_674 = arith.constant 120000 : i32
        %add3A_675 = vector.broadcast %add3A_674 : i32 to vector<16xi32>
        %add3A_676 = arith.addi %get3A_589, %add3A_675 : vector<16xi32>
        %swap3A_677 = arith.constant 80 : index
        %swap3A_678 = tpu.vector_load %arg18[%swap3A_677] {strides = array<i32>} : memref<128xi32, #tpu.memory_space<vmem>>, vector<16xi32>,
        %swap3A_679 = vector.shape_cast %swap3A_678 : vector<16xi32> to vector<16xi32>
        %swap3A_680 = vector.shape_cast %add3A_676 : vector<16xi32> to vector<16xi32>
        tpu.vector_store %arg18[%swap3A_677], %swap3A_680 {strides = array<i32>} : memref<128xi32, #tpu.memory_space<vmem>>, vector<16xi32>,
        %add3A_681 = arith.constant 130000 : i32
        %add3A_682 = vector.broadcast %add3A_681 : i32 to vector<16xi32>
        %add3A_683 = arith.addi %get3A_589, %add3A_682 : vector<16xi32>
        %swap3A_684 = arith.constant 80 : index
        %swap3A_685 = tpu.vector_load %arg19[%swap3A_684] {strides = array<i32>} : memref<128xi32, #tpu.memory_space<vmem>>, vector<16xi32>,
        %swap3A_686 = vector.shape_cast %swap3A_685 : vector<16xi32> to vector<16xi32>
        %swap3A_687 = vector.shape_cast %add3A_683 : vector<16xi32> to vector<16xi32>
        tpu.vector_store %arg19[%swap3A_684], %swap3A_687 {strides = array<i32>} : memref<128xi32, #tpu.memory_space<vmem>>, vector<16xi32>,
        %add3A_688 = arith.constant 140000 : i32
        %add3A_689 = vector.broadcast %add3A_688 : i32 to vector<16xi32>
        %add3A_690 = arith.addi %get3A_589, %add3A_689 : vector<16xi32>
        %swap3A_691 = arith.constant 80 : index
        %swap3A_692 = tpu.vector_load %arg20[%swap3A_691] {strides = array<i32>} : memref<128xi32, #tpu.memory_space<vmem>>, vector<16xi32>,
        %swap3A_693 = vector.shape_cast %swap3A_692 : vector<16xi32> to vector<16xi32>
        %swap3A_694 = vector.shape_cast %add3A_690 : vector<16xi32> to vector<16xi32>
        tpu.vector_store %arg20[%swap3A_691], %swap3A_694 {strides = array<i32>} : memref<128xi32, #tpu.memory_space<vmem>>, vector<16xi32>,
        %add3A_695 = arith.constant 150000 : i32
        %add3A_696 = vector.broadcast %add3A_695 : i32 to vector<16xi32>
        %add3A_697 = arith.addi %get3A_589, %add3A_696 : vector<16xi32>
        %swap3A_698 = arith.constant 80 : index
        %swap3A_699 = tpu.vector_load %arg21[%swap3A_698] {strides = array<i32>} : memref<128xi32, #tpu.memory_space<vmem>>, vector<16xi32>,
        %swap3A_700 = vector.shape_cast %swap3A_699 : vector<16xi32> to vector<16xi32>
        %swap3A_701 = vector.shape_cast %add3A_697 : vector<16xi32> to vector<16xi32>
        tpu.vector_store %arg21[%swap3A_698], %swap3A_701 {strides = array<i32>} : memref<128xi32, #tpu.memory_space<vmem>>, vector<16xi32>,
        %get3A_702 = arith.constant 96 : index
        %get3A_703 = tpu.vector_load %arg5[%get3A_702] {strides = array<i32>} : memref<128xi32, #tpu.memory_space<vmem>>, vector<16xi32>,
        %get3A_704 = vector.shape_cast %get3A_703 : vector<16xi32> to vector<16xi32>
        %add3A_705 = arith.constant 0 : i32
        %add3A_706 = vector.broadcast %add3A_705 : i32 to vector<16xi32>
        %add3A_707 = arith.addi %get3A_704, %add3A_706 : vector<16xi32>
        %swap3A_708 = arith.constant 96 : index
        %swap3A_709 = tpu.vector_load %arg6[%swap3A_708] {strides = array<i32>} : memref<128xi32, #tpu.memory_space<vmem>>, vector<16xi32>,
        %swap3A_710 = vector.shape_cast %swap3A_709 : vector<16xi32> to vector<16xi32>
        %swap3A_711 = vector.shape_cast %add3A_707 : vector<16xi32> to vector<16xi32>
        tpu.vector_store %arg6[%swap3A_708], %swap3A_711 {strides = array<i32>} : memref<128xi32, #tpu.memory_space<vmem>>, vector<16xi32>,
        %add3A_712 = arith.constant 10000 : i32
        %add3A_713 = vector.broadcast %add3A_712 : i32 to vector<16xi32>
        %add3A_714 = arith.addi %get3A_704, %add3A_713 : vector<16xi32>
        %swap3A_715 = arith.constant 96 : index
        %swap3A_716 = tpu.vector_load %arg7[%swap3A_715] {strides = array<i32>} : memref<128xi32, #tpu.memory_space<vmem>>, vector<16xi32>,
        %swap3A_717 = vector.shape_cast %swap3A_716 : vector<16xi32> to vector<16xi32>
        %swap3A_718 = vector.shape_cast %add3A_714 : vector<16xi32> to vector<16xi32>
        tpu.vector_store %arg7[%swap3A_715], %swap3A_718 {strides = array<i32>} : memref<128xi32, #tpu.memory_space<vmem>>, vector<16xi32>,
        %add3A_719 = arith.constant 20000 : i32
        %add3A_720 = vector.broadcast %add3A_719 : i32 to vector<16xi32>
        %add3A_721 = arith.addi %get3A_704, %add3A_720 : vector<16xi32>
        %swap3A_722 = arith.constant 96 : index
        %swap3A_723 = tpu.vector_load %arg8[%swap3A_722] {strides = array<i32>} : memref<128xi32, #tpu.memory_space<vmem>>, vector<16xi32>,
        %swap3A_724 = vector.shape_cast %swap3A_723 : vector<16xi32> to vector<16xi32>
        %swap3A_725 = vector.shape_cast %add3A_721 : vector<16xi32> to vector<16xi32>
        tpu.vector_store %arg8[%swap3A_722], %swap3A_725 {strides = array<i32>} : memref<128xi32, #tpu.memory_space<vmem>>, vector<16xi32>,
        %add3A_726 = arith.constant 30000 : i32
        %add3A_727 = vector.broadcast %add3A_726 : i32 to vector<16xi32>
        %add3A_728 = arith.addi %get3A_704, %add3A_727 : vector<16xi32>
        %swap3A_729 = arith.constant 96 : index
        %swap3A_730 = tpu.vector_load %arg9[%swap3A_729] {strides = array<i32>} : memref<128xi32, #tpu.memory_space<vmem>>, vector<16xi32>,
        %swap3A_731 = vector.shape_cast %swap3A_730 : vector<16xi32> to vector<16xi32>
        %swap3A_732 = vector.shape_cast %add3A_728 : vector<16xi32> to vector<16xi32>
        tpu.vector_store %arg9[%swap3A_729], %swap3A_732 {strides = array<i32>} : memref<128xi32, #tpu.memory_space<vmem>>, vector<16xi32>,
        %add3A_733 = arith.constant 40000 : i32
        %add3A_734 = vector.broadcast %add3A_733 : i32 to vector<16xi32>
        %add3A_735 = arith.addi %get3A_704, %add3A_734 : vector<16xi32>
        %swap3A_736 = arith.constant 96 : index
        %swap3A_737 = tpu.vector_load %arg10[%swap3A_736] {strides = array<i32>} : memref<128xi32, #tpu.memory_space<vmem>>, vector<16xi32>,
        %swap3A_738 = vector.shape_cast %swap3A_737 : vector<16xi32> to vector<16xi32>
        %swap3A_739 = vector.shape_cast %add3A_735 : vector<16xi32> to vector<16xi32>
        tpu.vector_store %arg10[%swap3A_736], %swap3A_739 {strides = array<i32>} : memref<128xi32, #tpu.memory_space<vmem>>, vector<16xi32>,
        %add3A_740 = arith.constant 50000 : i32
        %add3A_741 = vector.broadcast %add3A_740 : i32 to vector<16xi32>
        %add3A_742 = arith.addi %get3A_704, %add3A_741 : vector<16xi32>
        %swap3A_743 = arith.constant 96 : index
        %swap3A_744 = tpu.vector_load %arg11[%swap3A_743] {strides = array<i32>} : memref<128xi32, #tpu.memory_space<vmem>>, vector<16xi32>,
        %swap3A_745 = vector.shape_cast %swap3A_744 : vector<16xi32> to vector<16xi32>
        %swap3A_746 = vector.shape_cast %add3A_742 : vector<16xi32> to vector<16xi32>
        tpu.vector_store %arg11[%swap3A_743], %swap3A_746 {strides = array<i32>} : memref<128xi32, #tpu.memory_space<vmem>>, vector<16xi32>,
        %add3A_747 = arith.constant 60000 : i32
        %add3A_748 = vector.broadcast %add3A_747 : i32 to vector<16xi32>
        %add3A_749 = arith.addi %get3A_704, %add3A_748 : vector<16xi32>
        %swap3A_750 = arith.constant 96 : index
        %swap3A_751 = tpu.vector_load %arg12[%swap3A_750] {strides = array<i32>} : memref<128xi32, #tpu.memory_space<vmem>>, vector<16xi32>,
        %swap3A_752 = vector.shape_cast %swap3A_751 : vector<16xi32> to vector<16xi32>
        %swap3A_753 = vector.shape_cast %add3A_749 : vector<16xi32> to vector<16xi32>
        tpu.vector_store %arg12[%swap3A_750], %swap3A_753 {strides = array<i32>} : memref<128xi32, #tpu.memory_space<vmem>>, vector<16xi32>,
        %add3A_754 = arith.constant 70000 : i32
        %add3A_755 = vector.broadcast %add3A_754 : i32 to vector<16xi32>
        %add3A_756 = arith.addi %get3A_704, %add3A_755 : vector<16xi32>
        %swap3A_757 = arith.constant 96 : index
        %swap3A_758 = tpu.vector_load %arg13[%swap3A_757] {strides = array<i32>} : memref<128xi32, #tpu.memory_space<vmem>>, vector<16xi32>,
        %swap3A_759 = vector.shape_cast %swap3A_758 : vector<16xi32> to vector<16xi32>
        %swap3A_760 = vector.shape_cast %add3A_756 : vector<16xi32> to vector<16xi32>
        tpu.vector_store %arg13[%swap3A_757], %swap3A_760 {strides = array<i32>} : memref<128xi32, #tpu.memory_space<vmem>>, vector<16xi32>,
        %add3A_761 = arith.constant 80000 : i32
        %add3A_762 = vector.broadcast %add3A_761 : i32 to vector<16xi32>
        %add3A_763 = arith.addi %get3A_704, %add3A_762 : vector<16xi32>
        %swap3A_764 = arith.constant 96 : index
        %swap3A_765 = tpu.vector_load %arg14[%swap3A_764] {strides = array<i32>} : memref<128xi32, #tpu.memory_space<vmem>>, vector<16xi32>,
        %swap3A_766 = vector.shape_cast %swap3A_765 : vector<16xi32> to vector<16xi32>
        %swap3A_767 = vector.shape_cast %add3A_763 : vector<16xi32> to vector<16xi32>
        tpu.vector_store %arg14[%swap3A_764], %swap3A_767 {strides = array<i32>} : memref<128xi32, #tpu.memory_space<vmem>>, vector<16xi32>,
        %add3A_768 = arith.constant 90000 : i32
        %add3A_769 = vector.broadcast %add3A_768 : i32 to vector<16xi32>
        %add3A_770 = arith.addi %get3A_704, %add3A_769 : vector<16xi32>
        %swap3A_771 = arith.constant 96 : index
        %swap3A_772 = tpu.vector_load %arg15[%swap3A_771] {strides = array<i32>} : memref<128xi32, #tpu.memory_space<vmem>>, vector<16xi32>,
        %swap3A_773 = vector.shape_cast %swap3A_772 : vector<16xi32> to vector<16xi32>
        %swap3A_774 = vector.shape_cast %add3A_770 : vector<16xi32> to vector<16xi32>
        tpu.vector_store %arg15[%swap3A_771], %swap3A_774 {strides = array<i32>} : memref<128xi32, #tpu.memory_space<vmem>>, vector<16xi32>,
        %add3A_775 = arith.constant 100000 : i32
        %add3A_776 = vector.broadcast %add3A_775 : i32 to vector<16xi32>
        %add3A_777 = arith.addi %get3A_704, %add3A_776 : vector<16xi32>
        %swap3A_778 = arith.constant 96 : index
        %swap3A_779 = tpu.vector_load %arg16[%swap3A_778] {strides = array<i32>} : memref<128xi32, #tpu.memory_space<vmem>>, vector<16xi32>,
        %swap3A_780 = vector.shape_cast %swap3A_779 : vector<16xi32> to vector<16xi32>
        %swap3A_781 = vector.shape_cast %add3A_777 : vector<16xi32> to vector<16xi32>
        tpu.vector_store %arg16[%swap3A_778], %swap3A_781 {strides = array<i32>} : memref<128xi32, #tpu.memory_space<vmem>>, vector<16xi32>,
        %add3A_782 = arith.constant 110000 : i32
        %add3A_783 = vector.broadcast %add3A_782 : i32 to vector<16xi32>
        %add3A_784 = arith.addi %get3A_704, %add3A_783 : vector<16xi32>
        %swap3A_785 = arith.constant 96 : index
        %swap3A_786 = tpu.vector_load %arg17[%swap3A_785] {strides = array<i32>} : memref<128xi32, #tpu.memory_space<vmem>>, vector<16xi32>,
        %swap3A_787 = vector.shape_cast %swap3A_786 : vector<16xi32> to vector<16xi32>
        %swap3A_788 = vector.shape_cast %add3A_784 : vector<16xi32> to vector<16xi32>
        tpu.vector_store %arg17[%swap3A_785], %swap3A_788 {strides = array<i32>} : memref<128xi32, #tpu.memory_space<vmem>>, vector<16xi32>,
        %add3A_789 = arith.constant 120000 : i32
        %add3A_790 = vector.broadcast %add3A_789 : i32 to vector<16xi32>
        %add3A_791 = arith.addi %get3A_704, %add3A_790 : vector<16xi32>
        %swap3A_792 = arith.constant 96 : index
        %swap3A_793 = tpu.vector_load %arg18[%swap3A_792] {strides = array<i32>} : memref<128xi32, #tpu.memory_space<vmem>>, vector<16xi32>,
        %swap3A_794 = vector.shape_cast %swap3A_793 : vector<16xi32> to vector<16xi32>
        %swap3A_795 = vector.shape_cast %add3A_791 : vector<16xi32> to vector<16xi32>
        tpu.vector_store %arg18[%swap3A_792], %swap3A_795 {strides = array<i32>} : memref<128xi32, #tpu.memory_space<vmem>>, vector<16xi32>,
        %add3A_796 = arith.constant 130000 : i32
        %add3A_797 = vector.broadcast %add3A_796 : i32 to vector<16xi32>
        %add3A_798 = arith.addi %get3A_704, %add3A_797 : vector<16xi32>
        %swap3A_799 = arith.constant 96 : index
        %swap3A_800 = tpu.vector_load %arg19[%swap3A_799] {strides = array<i32>} : memref<128xi32, #tpu.memory_space<vmem>>, vector<16xi32>,
        %swap3A_801 = vector.shape_cast %swap3A_800 : vector<16xi32> to vector<16xi32>
        %swap3A_802 = vector.shape_cast %add3A_798 : vector<16xi32> to vector<16xi32>
        tpu.vector_store %arg19[%swap3A_799], %swap3A_802 {strides = array<i32>} : memref<128xi32, #tpu.memory_space<vmem>>, vector<16xi32>,
        %add3A_803 = arith.constant 140000 : i32
        %add3A_804 = vector.broadcast %add3A_803 : i32 to vector<16xi32>
        %add3A_805 = arith.addi %get3A_704, %add3A_804 : vector<16xi32>
        %swap3A_806 = arith.constant 96 : index
        %swap3A_807 = tpu.vector_load %arg20[%swap3A_806] {strides = array<i32>} : memref<128xi32, #tpu.memory_space<vmem>>, vector<16xi32>,
        %swap3A_808 = vector.shape_cast %swap3A_807 : vector<16xi32> to vector<16xi32>
        %swap3A_809 = vector.shape_cast %add3A_805 : vector<16xi32> to vector<16xi32>
        tpu.vector_store %arg20[%swap3A_806], %swap3A_809 {strides = array<i32>} : memref<128xi32, #tpu.memory_space<vmem>>, vector<16xi32>,
        %add3A_810 = arith.constant 150000 : i32
        %add3A_811 = vector.broadcast %add3A_810 : i32 to vector<16xi32>
        %add3A_812 = arith.addi %get3A_704, %add3A_811 : vector<16xi32>
        %swap3A_813 = arith.constant 96 : index
        %swap3A_814 = tpu.vector_load %arg21[%swap3A_813] {strides = array<i32>} : memref<128xi32, #tpu.memory_space<vmem>>, vector<16xi32>,
        %swap3A_815 = vector.shape_cast %swap3A_814 : vector<16xi32> to vector<16xi32>
        %swap3A_816 = vector.shape_cast %add3A_812 : vector<16xi32> to vector<16xi32>
        tpu.vector_store %arg21[%swap3A_813], %swap3A_816 {strides = array<i32>} : memref<128xi32, #tpu.memory_space<vmem>>, vector<16xi32>,
        %get3A_817 = arith.constant 112 : index
        %get3A_818 = tpu.vector_load %arg5[%get3A_817] {strides = array<i32>} : memref<128xi32, #tpu.memory_space<vmem>>, vector<16xi32>,
        %get3A_819 = vector.shape_cast %get3A_818 : vector<16xi32> to vector<16xi32>
        %add3A_820 = arith.constant 0 : i32
        %add3A_821 = vector.broadcast %add3A_820 : i32 to vector<16xi32>
        %add3A_822 = arith.addi %get3A_819, %add3A_821 : vector<16xi32>
        %swap3A_823 = arith.constant 112 : index
        %swap3A_824 = tpu.vector_load %arg6[%swap3A_823] {strides = array<i32>} : memref<128xi32, #tpu.memory_space<vmem>>, vector<16xi32>,
        %swap3A_825 = vector.shape_cast %swap3A_824 : vector<16xi32> to vector<16xi32>
        %swap3A_826 = vector.shape_cast %add3A_822 : vector<16xi32> to vector<16xi32>
        tpu.vector_store %arg6[%swap3A_823], %swap3A_826 {strides = array<i32>} : memref<128xi32, #tpu.memory_space<vmem>>, vector<16xi32>,
        %add3A_827 = arith.constant 10000 : i32
        %add3A_828 = vector.broadcast %add3A_827 : i32 to vector<16xi32>
        %add3A_829 = arith.addi %get3A_819, %add3A_828 : vector<16xi32>
        %swap3A_830 = arith.constant 112 : index
        %swap3A_831 = tpu.vector_load %arg7[%swap3A_830] {strides = array<i32>} : memref<128xi32, #tpu.memory_space<vmem>>, vector<16xi32>,
        %swap3A_832 = vector.shape_cast %swap3A_831 : vector<16xi32> to vector<16xi32>
        %swap3A_833 = vector.shape_cast %add3A_829 : vector<16xi32> to vector<16xi32>
        tpu.vector_store %arg7[%swap3A_830], %swap3A_833 {strides = array<i32>} : memref<128xi32, #tpu.memory_space<vmem>>, vector<16xi32>,
        %add3A_834 = arith.constant 20000 : i32
        %add3A_835 = vector.broadcast %add3A_834 : i32 to vector<16xi32>
        %add3A_836 = arith.addi %get3A_819, %add3A_835 : vector<16xi32>
        %swap3A_837 = arith.constant 112 : index
        %swap3A_838 = tpu.vector_load %arg8[%swap3A_837] {strides = array<i32>} : memref<128xi32, #tpu.memory_space<vmem>>, vector<16xi32>,
        %swap3A_839 = vector.shape_cast %swap3A_838 : vector<16xi32> to vector<16xi32>
        %swap3A_840 = vector.shape_cast %add3A_836 : vector<16xi32> to vector<16xi32>
        tpu.vector_store %arg8[%swap3A_837], %swap3A_840 {strides = array<i32>} : memref<128xi32, #tpu.memory_space<vmem>>, vector<16xi32>,
        %add3A_841 = arith.constant 30000 : i32
        %add3A_842 = vector.broadcast %add3A_841 : i32 to vector<16xi32>
        %add3A_843 = arith.addi %get3A_819, %add3A_842 : vector<16xi32>
        %swap3A_844 = arith.constant 112 : index
        %swap3A_845 = tpu.vector_load %arg9[%swap3A_844] {strides = array<i32>} : memref<128xi32, #tpu.memory_space<vmem>>, vector<16xi32>,
        %swap3A_846 = vector.shape_cast %swap3A_845 : vector<16xi32> to vector<16xi32>
        %swap3A_847 = vector.shape_cast %add3A_843 : vector<16xi32> to vector<16xi32>
        tpu.vector_store %arg9[%swap3A_844], %swap3A_847 {strides = array<i32>} : memref<128xi32, #tpu.memory_space<vmem>>, vector<16xi32>,
        %add3A_848 = arith.constant 40000 : i32
        %add3A_849 = vector.broadcast %add3A_848 : i32 to vector<16xi32>
        %add3A_850 = arith.addi %get3A_819, %add3A_849 : vector<16xi32>
        %swap3A_851 = arith.constant 112 : index
        %swap3A_852 = tpu.vector_load %arg10[%swap3A_851] {strides = array<i32>} : memref<128xi32, #tpu.memory_space<vmem>>, vector<16xi32>,
        %swap3A_853 = vector.shape_cast %swap3A_852 : vector<16xi32> to vector<16xi32>
        %swap3A_854 = vector.shape_cast %add3A_850 : vector<16xi32> to vector<16xi32>
        tpu.vector_store %arg10[%swap3A_851], %swap3A_854 {strides = array<i32>} : memref<128xi32, #tpu.memory_space<vmem>>, vector<16xi32>,
        %add3A_855 = arith.constant 50000 : i32
        %add3A_856 = vector.broadcast %add3A_855 : i32 to vector<16xi32>
        %add3A_857 = arith.addi %get3A_819, %add3A_856 : vector<16xi32>
        %swap3A_858 = arith.constant 112 : index
        %swap3A_859 = tpu.vector_load %arg11[%swap3A_858] {strides = array<i32>} : memref<128xi32, #tpu.memory_space<vmem>>, vector<16xi32>,
        %swap3A_860 = vector.shape_cast %swap3A_859 : vector<16xi32> to vector<16xi32>
        %swap3A_861 = vector.shape_cast %add3A_857 : vector<16xi32> to vector<16xi32>
        tpu.vector_store %arg11[%swap3A_858], %swap3A_861 {strides = array<i32>} : memref<128xi32, #tpu.memory_space<vmem>>, vector<16xi32>,
        %add3A_862 = arith.constant 60000 : i32
        %add3A_863 = vector.broadcast %add3A_862 : i32 to vector<16xi32>
        %add3A_864 = arith.addi %get3A_819, %add3A_863 : vector<16xi32>
        %swap3A_865 = arith.constant 112 : index
        %swap3A_866 = tpu.vector_load %arg12[%swap3A_865] {strides = array<i32>} : memref<128xi32, #tpu.memory_space<vmem>>, vector<16xi32>,
        %swap3A_867 = vector.shape_cast %swap3A_866 : vector<16xi32> to vector<16xi32>
        %swap3A_868 = vector.shape_cast %add3A_864 : vector<16xi32> to vector<16xi32>
        tpu.vector_store %arg12[%swap3A_865], %swap3A_868 {strides = array<i32>} : memref<128xi32, #tpu.memory_space<vmem>>, vector<16xi32>,
        %add3A_869 = arith.constant 70000 : i32
        %add3A_870 = vector.broadcast %add3A_869 : i32 to vector<16xi32>
        %add3A_871 = arith.addi %get3A_819, %add3A_870 : vector<16xi32>
        %swap3A_872 = arith.constant 112 : index
        %swap3A_873 = tpu.vector_load %arg13[%swap3A_872] {strides = array<i32>} : memref<128xi32, #tpu.memory_space<vmem>>, vector<16xi32>,
        %swap3A_874 = vector.shape_cast %swap3A_873 : vector<16xi32> to vector<16xi32>
        %swap3A_875 = vector.shape_cast %add3A_871 : vector<16xi32> to vector<16xi32>
        tpu.vector_store %arg13[%swap3A_872], %swap3A_875 {strides = array<i32>} : memref<128xi32, #tpu.memory_space<vmem>>, vector<16xi32>,
        %add3A_876 = arith.constant 80000 : i32
        %add3A_877 = vector.broadcast %add3A_876 : i32 to vector<16xi32>
        %add3A_878 = arith.addi %get3A_819, %add3A_877 : vector<16xi32>
        %swap3A_879 = arith.constant 112 : index
        %swap3A_880 = tpu.vector_load %arg14[%swap3A_879] {strides = array<i32>} : memref<128xi32, #tpu.memory_space<vmem>>, vector<16xi32>,
        %swap3A_881 = vector.shape_cast %swap3A_880 : vector<16xi32> to vector<16xi32>
        %swap3A_882 = vector.shape_cast %add3A_878 : vector<16xi32> to vector<16xi32>
        tpu.vector_store %arg14[%swap3A_879], %swap3A_882 {strides = array<i32>} : memref<128xi32, #tpu.memory_space<vmem>>, vector<16xi32>,
        %add3A_883 = arith.constant 90000 : i32
        %add3A_884 = vector.broadcast %add3A_883 : i32 to vector<16xi32>
        %add3A_885 = arith.addi %get3A_819, %add3A_884 : vector<16xi32>
        %swap3A_886 = arith.constant 112 : index
        %swap3A_887 = tpu.vector_load %arg15[%swap3A_886] {strides = array<i32>} : memref<128xi32, #tpu.memory_space<vmem>>, vector<16xi32>,
        %swap3A_888 = vector.shape_cast %swap3A_887 : vector<16xi32> to vector<16xi32>
        %swap3A_889 = vector.shape_cast %add3A_885 : vector<16xi32> to vector<16xi32>
        tpu.vector_store %arg15[%swap3A_886], %swap3A_889 {strides = array<i32>} : memref<128xi32, #tpu.memory_space<vmem>>, vector<16xi32>,
        %add3A_890 = arith.constant 100000 : i32
        %add3A_891 = vector.broadcast %add3A_890 : i32 to vector<16xi32>
        %add3A_892 = arith.addi %get3A_819, %add3A_891 : vector<16xi32>
        %swap3A_893 = arith.constant 112 : index
        %swap3A_894 = tpu.vector_load %arg16[%swap3A_893] {strides = array<i32>} : memref<128xi32, #tpu.memory_space<vmem>>, vector<16xi32>,
        %swap3A_895 = vector.shape_cast %swap3A_894 : vector<16xi32> to vector<16xi32>
        %swap3A_896 = vector.shape_cast %add3A_892 : vector<16xi32> to vector<16xi32>
        tpu.vector_store %arg16[%swap3A_893], %swap3A_896 {strides = array<i32>} : memref<128xi32, #tpu.memory_space<vmem>>, vector<16xi32>,
        %add3A_897 = arith.constant 110000 : i32
        %add3A_898 = vector.broadcast %add3A_897 : i32 to vector<16xi32>
        %add3A_899 = arith.addi %get3A_819, %add3A_898 : vector<16xi32>
        %swap3A_900 = arith.constant 112 : index
        %swap3A_901 = tpu.vector_load %arg17[%swap3A_900] {strides = array<i32>} : memref<128xi32, #tpu.memory_space<vmem>>, vector<16xi32>,
        %swap3A_902 = vector.shape_cast %swap3A_901 : vector<16xi32> to vector<16xi32>
        %swap3A_903 = vector.shape_cast %add3A_899 : vector<16xi32> to vector<16xi32>
        tpu.vector_store %arg17[%swap3A_900], %swap3A_903 {strides = array<i32>} : memref<128xi32, #tpu.memory_space<vmem>>, vector<16xi32>,
        %add3A_904 = arith.constant 120000 : i32
        %add3A_905 = vector.broadcast %add3A_904 : i32 to vector<16xi32>
        %add3A_906 = arith.addi %get3A_819, %add3A_905 : vector<16xi32>
        %swap3A_907 = arith.constant 112 : index
        %swap3A_908 = tpu.vector_load %arg18[%swap3A_907] {strides = array<i32>} : memref<128xi32, #tpu.memory_space<vmem>>, vector<16xi32>,
        %swap3A_909 = vector.shape_cast %swap3A_908 : vector<16xi32> to vector<16xi32>
        %swap3A_910 = vector.shape_cast %add3A_906 : vector<16xi32> to vector<16xi32>
        tpu.vector_store %arg18[%swap3A_907], %swap3A_910 {strides = array<i32>} : memref<128xi32, #tpu.memory_space<vmem>>, vector<16xi32>,
        %add3A_911 = arith.constant 130000 : i32
        %add3A_912 = vector.broadcast %add3A_911 : i32 to vector<16xi32>
        %add3A_913 = arith.addi %get3A_819, %add3A_912 : vector<16xi32>
        %swap3A_914 = arith.constant 112 : index
        %swap3A_915 = tpu.vector_load %arg19[%swap3A_914] {strides = array<i32>} : memref<128xi32, #tpu.memory_space<vmem>>, vector<16xi32>,
        %swap3A_916 = vector.shape_cast %swap3A_915 : vector<16xi32> to vector<16xi32>
        %swap3A_917 = vector.shape_cast %add3A_913 : vector<16xi32> to vector<16xi32>
        tpu.vector_store %arg19[%swap3A_914], %swap3A_917 {strides = array<i32>} : memref<128xi32, #tpu.memory_space<vmem>>, vector<16xi32>,
        %add3A_918 = arith.constant 140000 : i32
        %add3A_919 = vector.broadcast %add3A_918 : i32 to vector<16xi32>
        %add3A_920 = arith.addi %get3A_819, %add3A_919 : vector<16xi32>
        %swap3A_921 = arith.constant 112 : index
        %swap3A_922 = tpu.vector_load %arg20[%swap3A_921] {strides = array<i32>} : memref<128xi32, #tpu.memory_space<vmem>>, vector<16xi32>,
        %swap3A_923 = vector.shape_cast %swap3A_922 : vector<16xi32> to vector<16xi32>
        %swap3A_924 = vector.shape_cast %add3A_920 : vector<16xi32> to vector<16xi32>
        tpu.vector_store %arg20[%swap3A_921], %swap3A_924 {strides = array<i32>} : memref<128xi32, #tpu.memory_space<vmem>>, vector<16xi32>,
        %add3A_925 = arith.constant 150000 : i32
        %add3A_926 = vector.broadcast %add3A_925 : i32 to vector<16xi32>
        %add3A_927 = arith.addi %get3A_819, %add3A_926 : vector<16xi32>
        %swap3A_928 = arith.constant 112 : index
        %swap3A_929 = tpu.vector_load %arg21[%swap3A_928] {strides = array<i32>} : memref<128xi32, #tpu.memory_space<vmem>>, vector<16xi32>,
        %swap3A_930 = vector.shape_cast %swap3A_929 : vector<16xi32> to vector<16xi32>
        %swap3A_931 = vector.shape_cast %add3A_927 : vector<16xi32> to vector<16xi32>
        tpu.vector_store %arg21[%swap3A_928], %swap3A_931 {strides = array<i32>} : memref<128xi32, #tpu.memory_space<vmem>>, vector<16xi32>,
        %dma_start3A = arith.constant 0 : i32
        %dma_start3A_932 = tpu.memref_slice %arg2[%dma_start3A] : memref<160000xf32, #tpu.memory_space<hbm>> -> memref<160000xf32, #tpu.memory_space<hbm>>
        tpu.enqueue_indirect_dma source(%dma_start3A_932 : memref<160000xf32, #tpu.memory_space<hbm>>) target(%arg22 : memref<128xf32, #tpu.memory_space<vmem>>) offsets(%arg6 : memref<128xi32, #tpu.memory_space<vmem>>) semaphore(%arg38 : memref<!tpu.dma_semaphore, #tpu.memory_space<semaphore_mem>>)
        %dma_start3A_933 = arith.constant 0 : i32
        %dma_start3A_934 = tpu.memref_slice %arg2[%dma_start3A_933] : memref<160000xf32, #tpu.memory_space<hbm>> -> memref<160000xf32, #tpu.memory_space<hbm>>
        tpu.enqueue_indirect_dma source(%dma_start3A_934 : memref<160000xf32, #tpu.memory_space<hbm>>) target(%arg23 : memref<128xf32, #tpu.memory_space<vmem>>) offsets(%arg7 : memref<128xi32, #tpu.memory_space<vmem>>) semaphore(%arg38 : memref<!tpu.dma_semaphore, #tpu.memory_space<semaphore_mem>>)
        %dma_start3A_935 = arith.constant 0 : i32
        %dma_start3A_936 = tpu.memref_slice %arg2[%dma_start3A_935] : memref<160000xf32, #tpu.memory_space<hbm>> -> memref<160000xf32, #tpu.memory_space<hbm>>
        tpu.enqueue_indirect_dma source(%dma_start3A_936 : memref<160000xf32, #tpu.memory_space<hbm>>) target(%arg24 : memref<128xf32, #tpu.memory_space<vmem>>) offsets(%arg8 : memref<128xi32, #tpu.memory_space<vmem>>) semaphore(%arg38 : memref<!tpu.dma_semaphore, #tpu.memory_space<semaphore_mem>>)
        %dma_start3A_937 = arith.constant 0 : i32
        %dma_start3A_938 = tpu.memref_slice %arg2[%dma_start3A_937] : memref<160000xf32, #tpu.memory_space<hbm>> -> memref<160000xf32, #tpu.memory_space<hbm>>
        tpu.enqueue_indirect_dma source(%dma_start3A_938 : memref<160000xf32, #tpu.memory_space<hbm>>) target(%arg25 : memref<128xf32, #tpu.memory_space<vmem>>) offsets(%arg9 : memref<128xi32, #tpu.memory_space<vmem>>) semaphore(%arg38 : memref<!tpu.dma_semaphore, #tpu.memory_space<semaphore_mem>>)
        %dma_start3A_939 = arith.constant 0 : i32
        %dma_start3A_940 = tpu.memref_slice %arg2[%dma_start3A_939] : memref<160000xf32, #tpu.memory_space<hbm>> -> memref<160000xf32, #tpu.memory_space<hbm>>
        tpu.enqueue_indirect_dma source(%dma_start3A_940 : memref<160000xf32, #tpu.memory_space<hbm>>) target(%arg26 : memref<128xf32, #tpu.memory_space<vmem>>) offsets(%arg10 : memref<128xi32, #tpu.memory_space<vmem>>) semaphore(%arg38 : memref<!tpu.dma_semaphore, #tpu.memory_space<semaphore_mem>>)
        %dma_start3A_941 = arith.constant 0 : i32
        %dma_start3A_942 = tpu.memref_slice %arg2[%dma_start3A_941] : memref<160000xf32, #tpu.memory_space<hbm>> -> memref<160000xf32, #tpu.memory_space<hbm>>
        tpu.enqueue_indirect_dma source(%dma_start3A_942 : memref<160000xf32, #tpu.memory_space<hbm>>) target(%arg27 : memref<128xf32, #tpu.memory_space<vmem>>) offsets(%arg11 : memref<128xi32, #tpu.memory_space<vmem>>) semaphore(%arg38 : memref<!tpu.dma_semaphore, #tpu.memory_space<semaphore_mem>>)
        %dma_start3A_943 = arith.constant 0 : i32
        %dma_start3A_944 = tpu.memref_slice %arg2[%dma_start3A_943] : memref<160000xf32, #tpu.memory_space<hbm>> -> memref<160000xf32, #tpu.memory_space<hbm>>
        tpu.enqueue_indirect_dma source(%dma_start3A_944 : memref<160000xf32, #tpu.memory_space<hbm>>) target(%arg28 : memref<128xf32, #tpu.memory_space<vmem>>) offsets(%arg12 : memref<128xi32, #tpu.memory_space<vmem>>) semaphore(%arg38 : memref<!tpu.dma_semaphore, #tpu.memory_space<semaphore_mem>>)
        %dma_start3A_945 = arith.constant 0 : i32
        %dma_start3A_946 = tpu.memref_slice %arg2[%dma_start3A_945] : memref<160000xf32, #tpu.memory_space<hbm>> -> memref<160000xf32, #tpu.memory_space<hbm>>
        tpu.enqueue_indirect_dma source(%dma_start3A_946 : memref<160000xf32, #tpu.memory_space<hbm>>) target(%arg29 : memref<128xf32, #tpu.memory_space<vmem>>) offsets(%arg13 : memref<128xi32, #tpu.memory_space<vmem>>) semaphore(%arg38 : memref<!tpu.dma_semaphore, #tpu.memory_space<semaphore_mem>>)
        %dma_start3A_947 = arith.constant 0 : i32
        %dma_start3A_948 = tpu.memref_slice %arg2[%dma_start3A_947] : memref<160000xf32, #tpu.memory_space<hbm>> -> memref<160000xf32, #tpu.memory_space<hbm>>
        tpu.enqueue_indirect_dma source(%dma_start3A_948 : memref<160000xf32, #tpu.memory_space<hbm>>) target(%arg30 : memref<128xf32, #tpu.memory_space<vmem>>) offsets(%arg14 : memref<128xi32, #tpu.memory_space<vmem>>) semaphore(%arg38 : memref<!tpu.dma_semaphore, #tpu.memory_space<semaphore_mem>>)
        %dma_start3A_949 = arith.constant 0 : i32
        %dma_start3A_950 = tpu.memref_slice %arg2[%dma_start3A_949] : memref<160000xf32, #tpu.memory_space<hbm>> -> memref<160000xf32, #tpu.memory_space<hbm>>
        tpu.enqueue_indirect_dma source(%dma_start3A_950 : memref<160000xf32, #tpu.memory_space<hbm>>) target(%arg31 : memref<128xf32, #tpu.memory_space<vmem>>) offsets(%arg15 : memref<128xi32, #tpu.memory_space<vmem>>) semaphore(%arg38 : memref<!tpu.dma_semaphore, #tpu.memory_space<semaphore_mem>>)
        %dma_start3A_951 = arith.constant 0 : i32
        %dma_start3A_952 = tpu.memref_slice %arg2[%dma_start3A_951] : memref<160000xf32, #tpu.memory_space<hbm>> -> memref<160000xf32, #tpu.memory_space<hbm>>
        tpu.enqueue_indirect_dma source(%dma_start3A_952 : memref<160000xf32, #tpu.memory_space<hbm>>) target(%arg32 : memref<128xf32, #tpu.memory_space<vmem>>) offsets(%arg16 : memref<128xi32, #tpu.memory_space<vmem>>) semaphore(%arg38 : memref<!tpu.dma_semaphore, #tpu.memory_space<semaphore_mem>>)
        %dma_start3A_953 = arith.constant 0 : i32
        %dma_start3A_954 = tpu.memref_slice %arg2[%dma_start3A_953] : memref<160000xf32, #tpu.memory_space<hbm>> -> memref<160000xf32, #tpu.memory_space<hbm>>
        tpu.enqueue_indirect_dma source(%dma_start3A_954 : memref<160000xf32, #tpu.memory_space<hbm>>) target(%arg33 : memref<128xf32, #tpu.memory_space<vmem>>) offsets(%arg17 : memref<128xi32, #tpu.memory_space<vmem>>) semaphore(%arg38 : memref<!tpu.dma_semaphore, #tpu.memory_space<semaphore_mem>>)
        %dma_start3A_955 = arith.constant 0 : i32
        %dma_start3A_956 = tpu.memref_slice %arg2[%dma_start3A_955] : memref<160000xf32, #tpu.memory_space<hbm>> -> memref<160000xf32, #tpu.memory_space<hbm>>
        tpu.enqueue_indirect_dma source(%dma_start3A_956 : memref<160000xf32, #tpu.memory_space<hbm>>) target(%arg34 : memref<128xf32, #tpu.memory_space<vmem>>) offsets(%arg18 : memref<128xi32, #tpu.memory_space<vmem>>) semaphore(%arg38 : memref<!tpu.dma_semaphore, #tpu.memory_space<semaphore_mem>>)
        %dma_start3A_957 = arith.constant 0 : i32
        %dma_start3A_958 = tpu.memref_slice %arg2[%dma_start3A_957] : memref<160000xf32, #tpu.memory_space<hbm>> -> memref<160000xf32, #tpu.memory_space<hbm>>
        tpu.enqueue_indirect_dma source(%dma_start3A_958 : memref<160000xf32, #tpu.memory_space<hbm>>) target(%arg35 : memref<128xf32, #tpu.memory_space<vmem>>) offsets(%arg19 : memref<128xi32, #tpu.memory_space<vmem>>) semaphore(%arg38 : memref<!tpu.dma_semaphore, #tpu.memory_space<semaphore_mem>>)
        %dma_start3A_959 = arith.constant 0 : i32
        %dma_start3A_960 = tpu.memref_slice %arg2[%dma_start3A_959] : memref<160000xf32, #tpu.memory_space<hbm>> -> memref<160000xf32, #tpu.memory_space<hbm>>
        tpu.enqueue_indirect_dma source(%dma_start3A_960 : memref<160000xf32, #tpu.memory_space<hbm>>) target(%arg36 : memref<128xf32, #tpu.memory_space<vmem>>) offsets(%arg20 : memref<128xi32, #tpu.memory_space<vmem>>) semaphore(%arg38 : memref<!tpu.dma_semaphore, #tpu.memory_space<semaphore_mem>>)
        %dma_start3A_961 = arith.constant 0 : i32
        %dma_start3A_962 = tpu.memref_slice %arg2[%dma_start3A_961] : memref<160000xf32, #tpu.memory_space<hbm>> -> memref<160000xf32, #tpu.memory_space<hbm>>
        tpu.enqueue_indirect_dma source(%dma_start3A_962 : memref<160000xf32, #tpu.memory_space<hbm>>) target(%arg37 : memref<128xf32, #tpu.memory_space<vmem>>) offsets(%arg21 : memref<128xi32, #tpu.memory_space<vmem>>) semaphore(%arg38 : memref<!tpu.dma_semaphore, #tpu.memory_space<semaphore_mem>>)
        %dma_wait3A = arith.constant 0 : i32
        %dma_wait3A_963 = tpu.memref_slice %arg2[%dma_wait3A] : memref<160000xf32, #tpu.memory_space<hbm>> -> memref<160000xf32, #tpu.memory_space<hbm>>
        tpu.wait_indirect_dma semaphore(%arg38 : memref<!tpu.dma_semaphore, #tpu.memory_space<semaphore_mem>>) src(%dma_wait3A_963 : memref<160000xf32, #tpu.memory_space<hbm>>) dst(%arg22 : memref<128xf32, #tpu.memory_space<vmem>>)
        %dma_wait3A_964 = arith.constant 0 : i32
        %dma_wait3A_965 = tpu.memref_slice %arg2[%dma_wait3A_964] : memref<160000xf32, #tpu.memory_space<hbm>> -> memref<160000xf32, #tpu.memory_space<hbm>>
        tpu.wait_indirect_dma semaphore(%arg38 : memref<!tpu.dma_semaphore, #tpu.memory_space<semaphore_mem>>) src(%dma_wait3A_965 : memref<160000xf32, #tpu.memory_space<hbm>>) dst(%arg23 : memref<128xf32, #tpu.memory_space<vmem>>)
        %dma_wait3A_966 = arith.constant 0 : i32
        %dma_wait3A_967 = tpu.memref_slice %arg2[%dma_wait3A_966] : memref<160000xf32, #tpu.memory_space<hbm>> -> memref<160000xf32, #tpu.memory_space<hbm>>
        tpu.wait_indirect_dma semaphore(%arg38 : memref<!tpu.dma_semaphore, #tpu.memory_space<semaphore_mem>>) src(%dma_wait3A_967 : memref<160000xf32, #tpu.memory_space<hbm>>) dst(%arg24 : memref<128xf32, #tpu.memory_space<vmem>>)
        %dma_wait3A_968 = arith.constant 0 : i32
        %dma_wait3A_969 = tpu.memref_slice %arg2[%dma_wait3A_968] : memref<160000xf32, #tpu.memory_space<hbm>> -> memref<160000xf32, #tpu.memory_space<hbm>>
        tpu.wait_indirect_dma semaphore(%arg38 : memref<!tpu.dma_semaphore, #tpu.memory_space<semaphore_mem>>) src(%dma_wait3A_969 : memref<160000xf32, #tpu.memory_space<hbm>>) dst(%arg25 : memref<128xf32, #tpu.memory_space<vmem>>)
        %dma_wait3A_970 = arith.constant 0 : i32
        %dma_wait3A_971 = tpu.memref_slice %arg2[%dma_wait3A_970] : memref<160000xf32, #tpu.memory_space<hbm>> -> memref<160000xf32, #tpu.memory_space<hbm>>
        tpu.wait_indirect_dma semaphore(%arg38 : memref<!tpu.dma_semaphore, #tpu.memory_space<semaphore_mem>>) src(%dma_wait3A_971 : memref<160000xf32, #tpu.memory_space<hbm>>) dst(%arg26 : memref<128xf32, #tpu.memory_space<vmem>>)
        %dma_wait3A_972 = arith.constant 0 : i32
        %dma_wait3A_973 = tpu.memref_slice %arg2[%dma_wait3A_972] : memref<160000xf32, #tpu.memory_space<hbm>> -> memref<160000xf32, #tpu.memory_space<hbm>>
        tpu.wait_indirect_dma semaphore(%arg38 : memref<!tpu.dma_semaphore, #tpu.memory_space<semaphore_mem>>) src(%dma_wait3A_973 : memref<160000xf32, #tpu.memory_space<hbm>>) dst(%arg27 : memref<128xf32, #tpu.memory_space<vmem>>)
        %dma_wait3A_974 = arith.constant 0 : i32
        %dma_wait3A_975 = tpu.memref_slice %arg2[%dma_wait3A_974] : memref<160000xf32, #tpu.memory_space<hbm>> -> memref<160000xf32, #tpu.memory_space<hbm>>
        tpu.wait_indirect_dma semaphore(%arg38 : memref<!tpu.dma_semaphore, #tpu.memory_space<semaphore_mem>>) src(%dma_wait3A_975 : memref<160000xf32, #tpu.memory_space<hbm>>) dst(%arg28 : memref<128xf32, #tpu.memory_space<vmem>>)
        %dma_wait3A_976 = arith.constant 0 : i32
        %dma_wait3A_977 = tpu.memref_slice %arg2[%dma_wait3A_976] : memref<160000xf32, #tpu.memory_space<hbm>> -> memref<160000xf32, #tpu.memory_space<hbm>>
        tpu.wait_indirect_dma semaphore(%arg38 : memref<!tpu.dma_semaphore, #tpu.memory_space<semaphore_mem>>) src(%dma_wait3A_977 : memref<160000xf32, #tpu.memory_space<hbm>>) dst(%arg29 : memref<128xf32, #tpu.memory_space<vmem>>)
        %dma_wait3A_978 = arith.constant 0 : i32
        %dma_wait3A_979 = tpu.memref_slice %arg2[%dma_wait3A_978] : memref<160000xf32, #tpu.memory_space<hbm>> -> memref<160000xf32, #tpu.memory_space<hbm>>
        tpu.wait_indirect_dma semaphore(%arg38 : memref<!tpu.dma_semaphore, #tpu.memory_space<semaphore_mem>>) src(%dma_wait3A_979 : memref<160000xf32, #tpu.memory_space<hbm>>) dst(%arg30 : memref<128xf32, #tpu.memory_space<vmem>>)
        %dma_wait3A_980 = arith.constant 0 : i32
        %dma_wait3A_981 = tpu.memref_slice %arg2[%dma_wait3A_980] : memref<160000xf32, #tpu.memory_space<hbm>> -> memref<160000xf32, #tpu.memory_space<hbm>>
        tpu.wait_indirect_dma semaphore(%arg38 : memref<!tpu.dma_semaphore, #tpu.memory_space<semaphore_mem>>) src(%dma_wait3A_981 : memref<160000xf32, #tpu.memory_space<hbm>>) dst(%arg31 : memref<128xf32, #tpu.memory_space<vmem>>)
        %dma_wait3A_982 = arith.constant 0 : i32
        %dma_wait3A_983 = tpu.memref_slice %arg2[%dma_wait3A_982] : memref<160000xf32, #tpu.memory_space<hbm>> -> memref<160000xf32, #tpu.memory_space<hbm>>
        tpu.wait_indirect_dma semaphore(%arg38 : memref<!tpu.dma_semaphore, #tpu.memory_space<semaphore_mem>>) src(%dma_wait3A_983 : memref<160000xf32, #tpu.memory_space<hbm>>) dst(%arg32 : memref<128xf32, #tpu.memory_space<vmem>>)
        %dma_wait3A_984 = arith.constant 0 : i32
        %dma_wait3A_985 = tpu.memref_slice %arg2[%dma_wait3A_984] : memref<160000xf32, #tpu.memory_space<hbm>> -> memref<160000xf32, #tpu.memory_space<hbm>>
        tpu.wait_indirect_dma semaphore(%arg38 : memref<!tpu.dma_semaphore, #tpu.memory_space<semaphore_mem>>) src(%dma_wait3A_985 : memref<160000xf32, #tpu.memory_space<hbm>>) dst(%arg33 : memref<128xf32, #tpu.memory_space<vmem>>)
        %dma_wait3A_986 = arith.constant 0 : i32
        %dma_wait3A_987 = tpu.memref_slice %arg2[%dma_wait3A_986] : memref<160000xf32, #tpu.memory_space<hbm>> -> memref<160000xf32, #tpu.memory_space<hbm>>
        tpu.wait_indirect_dma semaphore(%arg38 : memref<!tpu.dma_semaphore, #tpu.memory_space<semaphore_mem>>) src(%dma_wait3A_987 : memref<160000xf32, #tpu.memory_space<hbm>>) dst(%arg34 : memref<128xf32, #tpu.memory_space<vmem>>)
        %dma_wait3A_988 = arith.constant 0 : i32
        %dma_wait3A_989 = tpu.memref_slice %arg2[%dma_wait3A_988] : memref<160000xf32, #tpu.memory_space<hbm>> -> memref<160000xf32, #tpu.memory_space<hbm>>
        tpu.wait_indirect_dma semaphore(%arg38 : memref<!tpu.dma_semaphore, #tpu.memory_space<semaphore_mem>>) src(%dma_wait3A_989 : memref<160000xf32, #tpu.memory_space<hbm>>) dst(%arg35 : memref<128xf32, #tpu.memory_space<vmem>>)
        %dma_wait3A_990 = arith.constant 0 : i32
        %dma_wait3A_991 = tpu.memref_slice %arg2[%dma_wait3A_990] : memref<160000xf32, #tpu.memory_space<hbm>> -> memref<160000xf32, #tpu.memory_space<hbm>>
        tpu.wait_indirect_dma semaphore(%arg38 : memref<!tpu.dma_semaphore, #tpu.memory_space<semaphore_mem>>) src(%dma_wait3A_991 : memref<160000xf32, #tpu.memory_space<hbm>>) dst(%arg36 : memref<128xf32, #tpu.memory_space<vmem>>)
        %dma_wait3A_992 = arith.constant 0 : i32
        %dma_wait3A_993 = tpu.memref_slice %arg2[%dma_wait3A_992] : memref<160000xf32, #tpu.memory_space<hbm>> -> memref<160000xf32, #tpu.memory_space<hbm>>
        tpu.wait_indirect_dma semaphore(%arg38 : memref<!tpu.dma_semaphore, #tpu.memory_space<semaphore_mem>>) src(%dma_wait3A_993 : memref<160000xf32, #tpu.memory_space<hbm>>) dst(%arg37 : memref<128xf32, #tpu.memory_space<vmem>>)
        %add3A_994 = arith.constant 0 : i32
        %add3A_995 = arith.addi %add3A_994, %mul3A_13 : i32
        %dma_start3A_996 = tpu.memref_slice %arg4[%add3A_995] : memref<2560000xf32, #tpu.memory_space<hbm>> -> memref<128xf32, #tpu.memory_space<hbm>>
        %dma_start3A_997 = tpu.memref_slice %arg4[%add3A_995] : memref<2560000xf32, #tpu.memory_space<hbm>> -> memref<128xf32, #tpu.memory_space<hbm>>
        tpu.enqueue_dma source(%arg22 : memref<128xf32, #tpu.memory_space<vmem>>) target(%dma_start3A_997 : memref<128xf32, #tpu.memory_space<hbm>>) target_semaphore(%arg39 : memref<!tpu.dma_semaphore, #tpu.memory_space<semaphore_mem>>)
        %add3A_998 = arith.constant 160000 : i32
        %add3A_999 = arith.addi %add3A_998, %mul3A_13 : i32
        %dma_start3A_1000 = tpu.memref_slice %arg4[%add3A_999] : memref<2560000xf32, #tpu.memory_space<hbm>> -> memref<128xf32, #tpu.memory_space<hbm>>
        %dma_start3A_1001 = tpu.memref_slice %arg4[%add3A_999] : memref<2560000xf32, #tpu.memory_space<hbm>> -> memref<128xf32, #tpu.memory_space<hbm>>
        tpu.enqueue_dma source(%arg23 : memref<128xf32, #tpu.memory_space<vmem>>) target(%dma_start3A_1001 : memref<128xf32, #tpu.memory_space<hbm>>) target_semaphore(%arg39 : memref<!tpu.dma_semaphore, #tpu.memory_space<semaphore_mem>>)
        %add3A_1002 = arith.constant 320000 : i32
        %add3A_1003 = arith.addi %add3A_1002, %mul3A_13 : i32
        %dma_start3A_1004 = tpu.memref_slice %arg4[%add3A_1003] : memref<2560000xf32, #tpu.memory_space<hbm>> -> memref<128xf32, #tpu.memory_space<hbm>>
        %dma_start3A_1005 = tpu.memref_slice %arg4[%add3A_1003] : memref<2560000xf32, #tpu.memory_space<hbm>> -> memref<128xf32, #tpu.memory_space<hbm>>
        tpu.enqueue_dma source(%arg24 : memref<128xf32, #tpu.memory_space<vmem>>) target(%dma_start3A_1005 : memref<128xf32, #tpu.memory_space<hbm>>) target_semaphore(%arg39 : memref<!tpu.dma_semaphore, #tpu.memory_space<semaphore_mem>>)
        %add3A_1006 = arith.constant 480000 : i32
        %add3A_1007 = arith.addi %add3A_1006, %mul3A_13 : i32
        %dma_start3A_1008 = tpu.memref_slice %arg4[%add3A_1007] : memref<2560000xf32, #tpu.memory_space<hbm>> -> memref<128xf32, #tpu.memory_space<hbm>>
        %dma_start3A_1009 = tpu.memref_slice %arg4[%add3A_1007] : memref<2560000xf32, #tpu.memory_space<hbm>> -> memref<128xf32, #tpu.memory_space<hbm>>
        tpu.enqueue_dma source(%arg25 : memref<128xf32, #tpu.memory_space<vmem>>) target(%dma_start3A_1009 : memref<128xf32, #tpu.memory_space<hbm>>) target_semaphore(%arg39 : memref<!tpu.dma_semaphore, #tpu.memory_space<semaphore_mem>>)
        %add3A_1010 = arith.constant 640000 : i32
        %add3A_1011 = arith.addi %add3A_1010, %mul3A_13 : i32
        %dma_start3A_1012 = tpu.memref_slice %arg4[%add3A_1011] : memref<2560000xf32, #tpu.memory_space<hbm>> -> memref<128xf32, #tpu.memory_space<hbm>>
        %dma_start3A_1013 = tpu.memref_slice %arg4[%add3A_1011] : memref<2560000xf32, #tpu.memory_space<hbm>> -> memref<128xf32, #tpu.memory_space<hbm>>
        tpu.enqueue_dma source(%arg26 : memref<128xf32, #tpu.memory_space<vmem>>) target(%dma_start3A_1013 : memref<128xf32, #tpu.memory_space<hbm>>) target_semaphore(%arg39 : memref<!tpu.dma_semaphore, #tpu.memory_space<semaphore_mem>>)
        %add3A_1014 = arith.constant 800000 : i32
        %add3A_1015 = arith.addi %add3A_1014, %mul3A_13 : i32
        %dma_start3A_1016 = tpu.memref_slice %arg4[%add3A_1015] : memref<2560000xf32, #tpu.memory_space<hbm>> -> memref<128xf32, #tpu.memory_space<hbm>>
        %dma_start3A_1017 = tpu.memref_slice %arg4[%add3A_1015] : memref<2560000xf32, #tpu.memory_space<hbm>> -> memref<128xf32, #tpu.memory_space<hbm>>
        tpu.enqueue_dma source(%arg27 : memref<128xf32, #tpu.memory_space<vmem>>) target(%dma_start3A_1017 : memref<128xf32, #tpu.memory_space<hbm>>) target_semaphore(%arg39 : memref<!tpu.dma_semaphore, #tpu.memory_space<semaphore_mem>>)
        %add3A_1018 = arith.constant 960000 : i32
        %add3A_1019 = arith.addi %add3A_1018, %mul3A_13 : i32
        %dma_start3A_1020 = tpu.memref_slice %arg4[%add3A_1019] : memref<2560000xf32, #tpu.memory_space<hbm>> -> memref<128xf32, #tpu.memory_space<hbm>>
        %dma_start3A_1021 = tpu.memref_slice %arg4[%add3A_1019] : memref<2560000xf32, #tpu.memory_space<hbm>> -> memref<128xf32, #tpu.memory_space<hbm>>
        tpu.enqueue_dma source(%arg28 : memref<128xf32, #tpu.memory_space<vmem>>) target(%dma_start3A_1021 : memref<128xf32, #tpu.memory_space<hbm>>) target_semaphore(%arg39 : memref<!tpu.dma_semaphore, #tpu.memory_space<semaphore_mem>>)
        %add3A_1022 = arith.constant 1120000 : i32
        %add3A_1023 = arith.addi %add3A_1022, %mul3A_13 : i32
        %dma_start3A_1024 = tpu.memref_slice %arg4[%add3A_1023] : memref<2560000xf32, #tpu.memory_space<hbm>> -> memref<128xf32, #tpu.memory_space<hbm>>
        %dma_start3A_1025 = tpu.memref_slice %arg4[%add3A_1023] : memref<2560000xf32, #tpu.memory_space<hbm>> -> memref<128xf32, #tpu.memory_space<hbm>>
        tpu.enqueue_dma source(%arg29 : memref<128xf32, #tpu.memory_space<vmem>>) target(%dma_start3A_1025 : memref<128xf32, #tpu.memory_space<hbm>>) target_semaphore(%arg39 : memref<!tpu.dma_semaphore, #tpu.memory_space<semaphore_mem>>)
        %add3A_1026 = arith.constant 1280000 : i32
        %add3A_1027 = arith.addi %add3A_1026, %mul3A_13 : i32
        %dma_start3A_1028 = tpu.memref_slice %arg4[%add3A_1027] : memref<2560000xf32, #tpu.memory_space<hbm>> -> memref<128xf32, #tpu.memory_space<hbm>>
        %dma_start3A_1029 = tpu.memref_slice %arg4[%add3A_1027] : memref<2560000xf32, #tpu.memory_space<hbm>> -> memref<128xf32, #tpu.memory_space<hbm>>
        tpu.enqueue_dma source(%arg30 : memref<128xf32, #tpu.memory_space<vmem>>) target(%dma_start3A_1029 : memref<128xf32, #tpu.memory_space<hbm>>) target_semaphore(%arg39 : memref<!tpu.dma_semaphore, #tpu.memory_space<semaphore_mem>>)
        %add3A_1030 = arith.constant 1440000 : i32
        %add3A_1031 = arith.addi %add3A_1030, %mul3A_13 : i32
        %dma_start3A_1032 = tpu.memref_slice %arg4[%add3A_1031] : memref<2560000xf32, #tpu.memory_space<hbm>> -> memref<128xf32, #tpu.memory_space<hbm>>
        %dma_start3A_1033 = tpu.memref_slice %arg4[%add3A_1031] : memref<2560000xf32, #tpu.memory_space<hbm>> -> memref<128xf32, #tpu.memory_space<hbm>>
        tpu.enqueue_dma source(%arg31 : memref<128xf32, #tpu.memory_space<vmem>>) target(%dma_start3A_1033 : memref<128xf32, #tpu.memory_space<hbm>>) target_semaphore(%arg39 : memref<!tpu.dma_semaphore, #tpu.memory_space<semaphore_mem>>)
        %add3A_1034 = arith.constant 1600000 : i32
        %add3A_1035 = arith.addi %add3A_1034, %mul3A_13 : i32
        %dma_start3A_1036 = tpu.memref_slice %arg4[%add3A_1035] : memref<2560000xf32, #tpu.memory_space<hbm>> -> memref<128xf32, #tpu.memory_space<hbm>>
        %dma_start3A_1037 = tpu.memref_slice %arg4[%add3A_1035] : memref<2560000xf32, #tpu.memory_space<hbm>> -> memref<128xf32, #tpu.memory_space<hbm>>
        tpu.enqueue_dma source(%arg32 : memref<128xf32, #tpu.memory_space<vmem>>) target(%dma_start3A_1037 : memref<128xf32, #tpu.memory_space<hbm>>) target_semaphore(%arg39 : memref<!tpu.dma_semaphore, #tpu.memory_space<semaphore_mem>>)
        %add3A_1038 = arith.constant 1760000 : i32
        %add3A_1039 = arith.addi %add3A_1038, %mul3A_13 : i32
        %dma_start3A_1040 = tpu.memref_slice %arg4[%add3A_1039] : memref<2560000xf32, #tpu.memory_space<hbm>> -> memref<128xf32, #tpu.memory_space<hbm>>
        %dma_start3A_1041 = tpu.memref_slice %arg4[%add3A_1039] : memref<2560000xf32, #tpu.memory_space<hbm>> -> memref<128xf32, #tpu.memory_space<hbm>>
        tpu.enqueue_dma source(%arg33 : memref<128xf32, #tpu.memory_space<vmem>>) target(%dma_start3A_1041 : memref<128xf32, #tpu.memory_space<hbm>>) target_semaphore(%arg39 : memref<!tpu.dma_semaphore, #tpu.memory_space<semaphore_mem>>)
        %add3A_1042 = arith.constant 1920000 : i32
        %add3A_1043 = arith.addi %add3A_1042, %mul3A_13 : i32
        %dma_start3A_1044 = tpu.memref_slice %arg4[%add3A_1043] : memref<2560000xf32, #tpu.memory_space<hbm>> -> memref<128xf32, #tpu.memory_space<hbm>>
        %dma_start3A_1045 = tpu.memref_slice %arg4[%add3A_1043] : memref<2560000xf32, #tpu.memory_space<hbm>> -> memref<128xf32, #tpu.memory_space<hbm>>
        tpu.enqueue_dma source(%arg34 : memref<128xf32, #tpu.memory_space<vmem>>) target(%dma_start3A_1045 : memref<128xf32, #tpu.memory_space<hbm>>) target_semaphore(%arg39 : memref<!tpu.dma_semaphore, #tpu.memory_space<semaphore_mem>>)
        %add3A_1046 = arith.constant 2080000 : i32
        %add3A_1047 = arith.addi %add3A_1046, %mul3A_13 : i32
        %dma_start3A_1048 = tpu.memref_slice %arg4[%add3A_1047] : memref<2560000xf32, #tpu.memory_space<hbm>> -> memref<128xf32, #tpu.memory_space<hbm>>
        %dma_start3A_1049 = tpu.memref_slice %arg4[%add3A_1047] : memref<2560000xf32, #tpu.memory_space<hbm>> -> memref<128xf32, #tpu.memory_space<hbm>>
        tpu.enqueue_dma source(%arg35 : memref<128xf32, #tpu.memory_space<vmem>>) target(%dma_start3A_1049 : memref<128xf32, #tpu.memory_space<hbm>>) target_semaphore(%arg39 : memref<!tpu.dma_semaphore, #tpu.memory_space<semaphore_mem>>)
        %add3A_1050 = arith.constant 2240000 : i32
        %add3A_1051 = arith.addi %add3A_1050, %mul3A_13 : i32
        %dma_start3A_1052 = tpu.memref_slice %arg4[%add3A_1051] : memref<2560000xf32, #tpu.memory_space<hbm>> -> memref<128xf32, #tpu.memory_space<hbm>>
        %dma_start3A_1053 = tpu.memref_slice %arg4[%add3A_1051] : memref<2560000xf32, #tpu.memory_space<hbm>> -> memref<128xf32, #tpu.memory_space<hbm>>
        tpu.enqueue_dma source(%arg36 : memref<128xf32, #tpu.memory_space<vmem>>) target(%dma_start3A_1053 : memref<128xf32, #tpu.memory_space<hbm>>) target_semaphore(%arg39 : memref<!tpu.dma_semaphore, #tpu.memory_space<semaphore_mem>>)
        %add3A_1054 = arith.constant 2400000 : i32
        %add3A_1055 = arith.addi %add3A_1054, %mul3A_13 : i32
        %dma_start3A_1056 = tpu.memref_slice %arg4[%add3A_1055] : memref<2560000xf32, #tpu.memory_space<hbm>> -> memref<128xf32, #tpu.memory_space<hbm>>
        %dma_start3A_1057 = tpu.memref_slice %arg4[%add3A_1055] : memref<2560000xf32, #tpu.memory_space<hbm>> -> memref<128xf32, #tpu.memory_space<hbm>>
        tpu.enqueue_dma source(%arg37 : memref<128xf32, #tpu.memory_space<vmem>>) target(%dma_start3A_1057 : memref<128xf32, #tpu.memory_space<hbm>>) target_semaphore(%arg39 : memref<!tpu.dma_semaphore, #tpu.memory_space<semaphore_mem>>)
        %dma_wait3A_1058 = tpu.memref_slice %arg4[%add3A_995] : memref<2560000xf32, #tpu.memory_space<hbm>> -> memref<128xf32, #tpu.memory_space<hbm>>
        %dma_wait3A_1059 = tpu.memref_slice %arg4[%add3A_995] : memref<2560000xf32, #tpu.memory_space<hbm>> -> memref<128xf32, #tpu.memory_space<hbm>>
        tpu.wait_dma2 semaphore(%arg39 : memref<!tpu.dma_semaphore, #tpu.memory_space<semaphore_mem>>) src(%arg22 : memref<128xf32, #tpu.memory_space<vmem>>) dst(%dma_wait3A_1059 : memref<128xf32, #tpu.memory_space<hbm>>)
        %dma_wait3A_1060 = tpu.memref_slice %arg4[%add3A_999] : memref<2560000xf32, #tpu.memory_space<hbm>> -> memref<128xf32, #tpu.memory_space<hbm>>
        %dma_wait3A_1061 = tpu.memref_slice %arg4[%add3A_999] : memref<2560000xf32, #tpu.memory_space<hbm>> -> memref<128xf32, #tpu.memory_space<hbm>>
        tpu.wait_dma2 semaphore(%arg39 : memref<!tpu.dma_semaphore, #tpu.memory_space<semaphore_mem>>) src(%arg23 : memref<128xf32, #tpu.memory_space<vmem>>) dst(%dma_wait3A_1061 : memref<128xf32, #tpu.memory_space<hbm>>)
        %dma_wait3A_1062 = tpu.memref_slice %arg4[%add3A_1003] : memref<2560000xf32, #tpu.memory_space<hbm>> -> memref<128xf32, #tpu.memory_space<hbm>>
        %dma_wait3A_1063 = tpu.memref_slice %arg4[%add3A_1003] : memref<2560000xf32, #tpu.memory_space<hbm>> -> memref<128xf32, #tpu.memory_space<hbm>>
        tpu.wait_dma2 semaphore(%arg39 : memref<!tpu.dma_semaphore, #tpu.memory_space<semaphore_mem>>) src(%arg24 : memref<128xf32, #tpu.memory_space<vmem>>) dst(%dma_wait3A_1063 : memref<128xf32, #tpu.memory_space<hbm>>)
        %dma_wait3A_1064 = tpu.memref_slice %arg4[%add3A_1007] : memref<2560000xf32, #tpu.memory_space<hbm>> -> memref<128xf32, #tpu.memory_space<hbm>>
        %dma_wait3A_1065 = tpu.memref_slice %arg4[%add3A_1007] : memref<2560000xf32, #tpu.memory_space<hbm>> -> memref<128xf32, #tpu.memory_space<hbm>>
        tpu.wait_dma2 semaphore(%arg39 : memref<!tpu.dma_semaphore, #tpu.memory_space<semaphore_mem>>) src(%arg25 : memref<128xf32, #tpu.memory_space<vmem>>) dst(%dma_wait3A_1065 : memref<128xf32, #tpu.memory_space<hbm>>)
        %dma_wait3A_1066 = tpu.memref_slice %arg4[%add3A_1011] : memref<2560000xf32, #tpu.memory_space<hbm>> -> memref<128xf32, #tpu.memory_space<hbm>>
        %dma_wait3A_1067 = tpu.memref_slice %arg4[%add3A_1011] : memref<2560000xf32, #tpu.memory_space<hbm>> -> memref<128xf32, #tpu.memory_space<hbm>>
        tpu.wait_dma2 semaphore(%arg39 : memref<!tpu.dma_semaphore, #tpu.memory_space<semaphore_mem>>) src(%arg26 : memref<128xf32, #tpu.memory_space<vmem>>) dst(%dma_wait3A_1067 : memref<128xf32, #tpu.memory_space<hbm>>)
        %dma_wait3A_1068 = tpu.memref_slice %arg4[%add3A_1015] : memref<2560000xf32, #tpu.memory_space<hbm>> -> memref<128xf32, #tpu.memory_space<hbm>>
        %dma_wait3A_1069 = tpu.memref_slice %arg4[%add3A_1015] : memref<2560000xf32, #tpu.memory_space<hbm>> -> memref<128xf32, #tpu.memory_space<hbm>>
        tpu.wait_dma2 semaphore(%arg39 : memref<!tpu.dma_semaphore, #tpu.memory_space<semaphore_mem>>) src(%arg27 : memref<128xf32, #tpu.memory_space<vmem>>) dst(%dma_wait3A_1069 : memref<128xf32, #tpu.memory_space<hbm>>)
        %dma_wait3A_1070 = tpu.memref_slice %arg4[%add3A_1019] : memref<2560000xf32, #tpu.memory_space<hbm>> -> memref<128xf32, #tpu.memory_space<hbm>>
        %dma_wait3A_1071 = tpu.memref_slice %arg4[%add3A_1019] : memref<2560000xf32, #tpu.memory_space<hbm>> -> memref<128xf32, #tpu.memory_space<hbm>>
        tpu.wait_dma2 semaphore(%arg39 : memref<!tpu.dma_semaphore, #tpu.memory_space<semaphore_mem>>) src(%arg28 : memref<128xf32, #tpu.memory_space<vmem>>) dst(%dma_wait3A_1071 : memref<128xf32, #tpu.memory_space<hbm>>)
        %dma_wait3A_1072 = tpu.memref_slice %arg4[%add3A_1023] : memref<2560000xf32, #tpu.memory_space<hbm>> -> memref<128xf32, #tpu.memory_space<hbm>>
        %dma_wait3A_1073 = tpu.memref_slice %arg4[%add3A_1023] : memref<2560000xf32, #tpu.memory_space<hbm>> -> memref<128xf32, #tpu.memory_space<hbm>>
        tpu.wait_dma2 semaphore(%arg39 : memref<!tpu.dma_semaphore, #tpu.memory_space<semaphore_mem>>) src(%arg29 : memref<128xf32, #tpu.memory_space<vmem>>) dst(%dma_wait3A_1073 : memref<128xf32, #tpu.memory_space<hbm>>)
        %dma_wait3A_1074 = tpu.memref_slice %arg4[%add3A_1027] : memref<2560000xf32, #tpu.memory_space<hbm>> -> memref<128xf32, #tpu.memory_space<hbm>>
        %dma_wait3A_1075 = tpu.memref_slice %arg4[%add3A_1027] : memref<2560000xf32, #tpu.memory_space<hbm>> -> memref<128xf32, #tpu.memory_space<hbm>>
        tpu.wait_dma2 semaphore(%arg39 : memref<!tpu.dma_semaphore, #tpu.memory_space<semaphore_mem>>) src(%arg30 : memref<128xf32, #tpu.memory_space<vmem>>) dst(%dma_wait3A_1075 : memref<128xf32, #tpu.memory_space<hbm>>)
        %dma_wait3A_1076 = tpu.memref_slice %arg4[%add3A_1031] : memref<2560000xf32, #tpu.memory_space<hbm>> -> memref<128xf32, #tpu.memory_space<hbm>>
        %dma_wait3A_1077 = tpu.memref_slice %arg4[%add3A_1031] : memref<2560000xf32, #tpu.memory_space<hbm>> -> memref<128xf32, #tpu.memory_space<hbm>>
        tpu.wait_dma2 semaphore(%arg39 : memref<!tpu.dma_semaphore, #tpu.memory_space<semaphore_mem>>) src(%arg31 : memref<128xf32, #tpu.memory_space<vmem>>) dst(%dma_wait3A_1077 : memref<128xf32, #tpu.memory_space<hbm>>)
        %dma_wait3A_1078 = tpu.memref_slice %arg4[%add3A_1035] : memref<2560000xf32, #tpu.memory_space<hbm>> -> memref<128xf32, #tpu.memory_space<hbm>>
        %dma_wait3A_1079 = tpu.memref_slice %arg4[%add3A_1035] : memref<2560000xf32, #tpu.memory_space<hbm>> -> memref<128xf32, #tpu.memory_space<hbm>>
        tpu.wait_dma2 semaphore(%arg39 : memref<!tpu.dma_semaphore, #tpu.memory_space<semaphore_mem>>) src(%arg32 : memref<128xf32, #tpu.memory_space<vmem>>) dst(%dma_wait3A_1079 : memref<128xf32, #tpu.memory_space<hbm>>)
        %dma_wait3A_1080 = tpu.memref_slice %arg4[%add3A_1039] : memref<2560000xf32, #tpu.memory_space<hbm>> -> memref<128xf32, #tpu.memory_space<hbm>>
        %dma_wait3A_1081 = tpu.memref_slice %arg4[%add3A_1039] : memref<2560000xf32, #tpu.memory_space<hbm>> -> memref<128xf32, #tpu.memory_space<hbm>>
        tpu.wait_dma2 semaphore(%arg39 : memref<!tpu.dma_semaphore, #tpu.memory_space<semaphore_mem>>) src(%arg33 : memref<128xf32, #tpu.memory_space<vmem>>) dst(%dma_wait3A_1081 : memref<128xf32, #tpu.memory_space<hbm>>)
        %dma_wait3A_1082 = tpu.memref_slice %arg4[%add3A_1043] : memref<2560000xf32, #tpu.memory_space<hbm>> -> memref<128xf32, #tpu.memory_space<hbm>>
        %dma_wait3A_1083 = tpu.memref_slice %arg4[%add3A_1043] : memref<2560000xf32, #tpu.memory_space<hbm>> -> memref<128xf32, #tpu.memory_space<hbm>>
        tpu.wait_dma2 semaphore(%arg39 : memref<!tpu.dma_semaphore, #tpu.memory_space<semaphore_mem>>) src(%arg34 : memref<128xf32, #tpu.memory_space<vmem>>) dst(%dma_wait3A_1083 : memref<128xf32, #tpu.memory_space<hbm>>)
        %dma_wait3A_1084 = tpu.memref_slice %arg4[%add3A_1047] : memref<2560000xf32, #tpu.memory_space<hbm>> -> memref<128xf32, #tpu.memory_space<hbm>>
        %dma_wait3A_1085 = tpu.memref_slice %arg4[%add3A_1047] : memref<2560000xf32, #tpu.memory_space<hbm>> -> memref<128xf32, #tpu.memory_space<hbm>>
        tpu.wait_dma2 semaphore(%arg39 : memref<!tpu.dma_semaphore, #tpu.memory_space<semaphore_mem>>) src(%arg35 : memref<128xf32, #tpu.memory_space<vmem>>) dst(%dma_wait3A_1085 : memref<128xf32, #tpu.memory_space<hbm>>)
        %dma_wait3A_1086 = tpu.memref_slice %arg4[%add3A_1051] : memref<2560000xf32, #tpu.memory_space<hbm>> -> memref<128xf32, #tpu.memory_space<hbm>>
        %dma_wait3A_1087 = tpu.memref_slice %arg4[%add3A_1051] : memref<2560000xf32, #tpu.memory_space<hbm>> -> memref<128xf32, #tpu.memory_space<hbm>>
        tpu.wait_dma2 semaphore(%arg39 : memref<!tpu.dma_semaphore, #tpu.memory_space<semaphore_mem>>) src(%arg36 : memref<128xf32, #tpu.memory_space<vmem>>) dst(%dma_wait3A_1087 : memref<128xf32, #tpu.memory_space<hbm>>)
        %dma_wait3A_1088 = tpu.memref_slice %arg4[%add3A_1055] : memref<2560000xf32, #tpu.memory_space<hbm>> -> memref<128xf32, #tpu.memory_space<hbm>>
        %dma_wait3A_1089 = tpu.memref_slice %arg4[%add3A_1055] : memref<2560000xf32, #tpu.memory_space<hbm>> -> memref<128xf32, #tpu.memory_space<hbm>>
        tpu.wait_dma2 semaphore(%arg39 : memref<!tpu.dma_semaphore, #tpu.memory_space<semaphore_mem>>) src(%arg37 : memref<128xf32, #tpu.memory_space<vmem>>) dst(%dma_wait3A_1089 : memref<128xf32, #tpu.memory_space<hbm>>)
      } else {
      }
    }
    %scan3A_5 = arith.constant 40 : i32
    return
  }
}

module attributes {stable_mosaic.version = 14 : i64} {
  func.func @body(%arg0: i32, %arg1: memref<256x10000xf32, #tpu.memory_space<vmem>>, %arg2: memref<16x10000xf32, #tpu.memory_space<vmem>>, %arg3: memref<16x10000xf32, #tpu.memory_space<vmem>>, %arg4: memref<16x10000xf32, #tpu.memory_space<vmem>>) attributes {dimension_semantics = [#tpu.dimension_semantics<arbitrary>], iteration_bounds = array<i64: 1>, scalar_prefetch = 0 : i64, scratch_operands = 0 : i64, tpu.core_type = #tpu.core_type<tc>, window_params = [{pipeline_mode = #tpu.pipeline_mode<synchronous>, transform_indices = @transform_0, window_bounds = array<i64: 256, 10000>}, {pipeline_mode = #tpu.pipeline_mode<synchronous>, transform_indices = @transform_1, window_bounds = array<i64: 16, 10000>}, {pipeline_mode = #tpu.pipeline_mode<synchronous>, transform_indices = @transform_2, window_bounds = array<i64: 16, 10000>}, {pipeline_mode = #tpu.pipeline_mode<synchronous>, transform_indices = @transform_3, window_bounds = array<i64: 16, 10000>}]} {
    %get3A = arith.constant 0 : index
    %get3A_0 = arith.constant 0 : index
    %get3A_1 = vector.load %arg1[%get3A, %get3A_0] : memref<256x10000xf32, #tpu.memory_space<vmem>>, vector<256x10000xf32>
    %reshape3A = vector.shape_cast %get3A_1 : vector<256x10000xf32> to vector<16x16x10000xf32>
    %get3A_2 = arith.constant 0 : index
    %get3A_3 = arith.constant 0 : index
    %get3A_4 = vector.load %arg2[%get3A_2, %get3A_3] : memref<16x10000xf32, #tpu.memory_space<vmem>>, vector<16x10000xf32>
    %broadcast_in_dim3A = vector.shape_cast %get3A_4 : vector<16x10000xf32> to vector<1x16x10000xf32>
    %mul3A = vector.broadcast %broadcast_in_dim3A : vector<1x16x10000xf32> to vector<16x16x10000xf32>
    %mul3A_5 = arith.mulf %reshape3A, %mul3A : vector<16x16x10000xf32>
    %reduce_sum3A = arith.constant dense<0.000000e+00> : vector<16x10000xf32>
    %reduce_sum3A_6 = vector.multi_reduction <add>, %mul3A_5, %reduce_sum3A [1] : vector<16x16x10000xf32> to vector<16x10000xf32>
    %get3A_7 = arith.constant 0 : index
    %get3A_8 = arith.constant 0 : index
    %get3A_9 = vector.load %arg3[%get3A_7, %get3A_8] : memref<16x10000xf32, #tpu.memory_space<vmem>>, vector<16x10000xf32>
    %add3A = arith.addf %reduce_sum3A_6, %get3A_9 : vector<16x10000xf32>
    %swap3A = arith.constant 0 : index
    %swap3A_10 = arith.constant 0 : index
    %swap3A_11 = vector.load %arg4[%swap3A, %swap3A_10] : memref<16x10000xf32, #tpu.memory_space<vmem>>, vector<16x10000xf32>
    tpu.vector_store %arg4[%swap3A, %swap3A_10], %add3A {strides = array<i32>} : memref<16x10000xf32, #tpu.memory_space<vmem>>, vector<16x10000xf32>,
    return
  }
  func.func @transform_0(%arg0: i32) -> (i32, i32) {
    %c0_i32 = arith.constant 0 : i32
    %c0_i32_0 = arith.constant 0 : i32
    %c0_i32_1 = arith.constant 0 : i32
    return %c0_i32, %c0_i32_0 : i32, i32
  }
  func.func @transform_1(%arg0: i32) -> (i32, i32) {
    %c0_i32 = arith.constant 0 : i32
    %c0_i32_0 = arith.constant 0 : i32
    %c0_i32_1 = arith.constant 0 : i32
    return %c0_i32, %c0_i32_0 : i32, i32
  }
  func.func @transform_2(%arg0: i32) -> (i32, i32) {
    %c0_i32 = arith.constant 0 : i32
    %c0_i32_0 = arith.constant 0 : i32
    %c0_i32_1 = arith.constant 0 : i32
    return %c0_i32, %c0_i32_0 : i32, i32
  }
  func.func @transform_3(%arg0: i32) -> (i32, i32) {
    %c0_i32 = arith.constant 0 : i32
    %c0_i32_0 = arith.constant 0 : i32
    %c0_i32_1 = arith.constant 0 : i32
    return %c0_i32, %c0_i32_0 : i32, i32
  }
}

module attributes {stable_mosaic.version = 14 : i64} {
  func.func @body(%arg0: i32, %arg1: memref<256x6400xf32, #tpu.memory_space<vmem>>, %arg2: memref<16x6400xf32, #tpu.memory_space<vmem>>, %arg3: memref<16x6400xf32, #tpu.memory_space<vmem>>, %arg4: memref<16x6400xf32, #tpu.memory_space<vmem>>) attributes {dimension_semantics = [#tpu.dimension_semantics<arbitrary>], iteration_bounds = array<i64: 25>, scalar_prefetch = 0 : i64, scratch_operands = 0 : i64, tpu.core_type = #tpu.core_type<tc>, window_params = [{transform_indices = @transform_0, window_bounds = array<i64: 256, 6400>}, {transform_indices = @transform_1, window_bounds = array<i64: 16, 6400>}, {transform_indices = @transform_2, window_bounds = array<i64: 16, 6400>}, {transform_indices = @transform_3, window_bounds = array<i64: 16, 6400>}]} {
    %get3A = arith.constant 0 : index
    %get3A_0 = arith.constant 0 : index
    %get3A_1 = vector.load %arg1[%get3A, %get3A_0] : memref<256x6400xf32, #tpu.memory_space<vmem>>, vector<256x6400xf32>
    %reshape3A = vector.shape_cast %get3A_1 : vector<256x6400xf32> to vector<16x16x6400xf32>
    %get3A_2 = arith.constant 0 : index
    %get3A_3 = arith.constant 0 : index
    %get3A_4 = vector.load %arg2[%get3A_2, %get3A_3] : memref<16x6400xf32, #tpu.memory_space<vmem>>, vector<16x6400xf32>
    %broadcast_in_dim3A = vector.shape_cast %get3A_4 : vector<16x6400xf32> to vector<1x16x6400xf32>
    %mul3A = vector.broadcast %broadcast_in_dim3A : vector<1x16x6400xf32> to vector<16x16x6400xf32>
    %mul3A_5 = arith.mulf %reshape3A, %mul3A : vector<16x16x6400xf32>
    %reduce_sum3A = arith.constant dense<0.000000e+00> : vector<16x6400xf32>
    %reduce_sum3A_6 = vector.multi_reduction <add>, %mul3A_5, %reduce_sum3A [1] : vector<16x16x6400xf32> to vector<16x6400xf32>
    %get3A_7 = arith.constant 0 : index
    %get3A_8 = arith.constant 0 : index
    %get3A_9 = vector.load %arg3[%get3A_7, %get3A_8] : memref<16x6400xf32, #tpu.memory_space<vmem>>, vector<16x6400xf32>
    %add3A = arith.addf %reduce_sum3A_6, %get3A_9 : vector<16x6400xf32>
    %swap3A = arith.constant 0 : index
    %swap3A_10 = arith.constant 0 : index
    %swap3A_11 = vector.load %arg4[%swap3A, %swap3A_10] : memref<16x6400xf32, #tpu.memory_space<vmem>>, vector<16x6400xf32>
    tpu.vector_store %arg4[%swap3A, %swap3A_10], %add3A {strides = array<i32>} : memref<16x6400xf32, #tpu.memory_space<vmem>>, vector<16x6400xf32>,
    return
  }
  func.func @transform_0(%arg0: i32) -> (i32, i32) {
    %c0_i32 = arith.constant 0 : i32
    %c0_i32_0 = arith.constant 0 : i32
    return %c0_i32, %arg0 : i32, i32
  }
  func.func @transform_1(%arg0: i32) -> (i32, i32) {
    %c0_i32 = arith.constant 0 : i32
    %c0_i32_0 = arith.constant 0 : i32
    return %c0_i32, %arg0 : i32, i32
  }
  func.func @transform_2(%arg0: i32) -> (i32, i32) {
    %c0_i32 = arith.constant 0 : i32
    %c0_i32_0 = arith.constant 0 : i32
    return %c0_i32, %arg0 : i32, i32
  }
  func.func @transform_3(%arg0: i32) -> (i32, i32) {
    %c0_i32 = arith.constant 0 : i32
    %c0_i32_0 = arith.constant 0 : i32
    return %c0_i32, %arg0 : i32, i32
  }
}

</mosaic_0001>

<sc_bundles>
// kernel: kernel.6.cloned.1.call-start
scs
__scs_entry_jumppad:
0x0: {  	(pc) =	sbr.rel $0x88, $3  }
0x1: {  	(tag) =	ssettag $0x0;
	lr =	simm.s32 $0x1  }
0x2: {  	[smem:$0x3F9B] =	sst lr;
	_ =	strace $0xD0000000  }
0x3: {  	_ = 	snop  }
0x4: {  	_ = 	snop  }
0x5: {  	_ = 	snop  }
0x6: {  	_ = 	snop  }
0x7: {  	_ = 	snop  }
__scs_overlays_trampoline_lowered:
0x8: {  	[smem:$0x3FAA] =	sst s0  }
0x9: {  	[smem:$0x3FAB] =	sst s1  }
0xa: {  	[smem:$0x3FAC] =	sst s2  }
0xb: {  	[smem:$0x3FAD] =	sst s3  }
0xc: {  	[smem:$0x3FAE] =	sst s4  }
0xd: {  	[smem:$0x3FAF] =	sst s5  }
0xe: {  	[smem:$0x3FB0] =	sst s6  }
0xf: {  	[smem:$0x3FB1] =	sst s7  }
0x10: {  	[smem:$0x3FB2] =	sst s8  }
0x11: {  	[smem:$0x3FB3] =	sst s9;
	s0 =	simm.s32 @!p0 $0x0  }
0x12: {  	s1 =	sld [smem:$0x3F99];
	s0 =	simm.s32 @p0 $0x1  }
0x13: {  	[smem:$0x3FB4] =	sst s0;
	s0 =	simm.s32 @!p1 $0x0  }
0x14: {  	s2 =	sld [smem:$0x3F98];
	s0 =	simm.s32 @p1 $0x1  }
0x15: {  	[smem:$0x3FB5] =	sst s0;
	s0 =	simm.s32 @!p2 $0x0  }
0x16: {  	s3 =	sld [smem:$0x3FDB];
	s0 =	simm.s32 @p2 $0x1  }
0x17: {  	s4 =	simm.s32 $0x1BF5;
	[smem:$0x3FB7] =	sst s0  }
0x18: {  	s0 =	sld [smem:$0x3F9A];
	_ =	swait.ge [sflag:s4], $0x0  }
0x19: {  	s7 =	sld [smem:$0x3F9B]  }
0x1a: {  	s8 =	sadd.s32 $0xFFFFE003, lr  }
0x1b: {  	s9 =	sadd.s32 $0xFFFFFEF7, lr;
	s5 =	simm.s32 $0xFFFFFFFF;
	p2 =	slt.u32 s8, $0xFFFFF086  }
0x1c: {  	p1 =	slt.u32 s9, $0xF7A;
	s5 =	simm.s32 @!p2 $0x0  }
0x1d: {  	s5 =	simm.s32 @p1 $0x1;
	p0 =	seq.s32 s7, s2  }
0x1e: {  	s7 =	smul.u32 @!p0 $0xF7A, s2;
	p2 =	seq.s32 @!p0 s5, $0x0  }
0x1f: {  	s9 =	smul.u32 $0xF7A, s1;
	s8 =	simm.s32 @!p0 $0x1BF5;
	p2 =	por !p2, p0  }
0x20: {  	[sflag:s8] =	ssyncset.s32 @!p0 $0xFFFFF086;
	s6 =	sadd.s32 @!p0 s3, s7;
	s7 =	simm.s32 @!p0 $0x108  }
0x21: {  	s3 =	sadd.s32 s3, s9;
	s6 =	sadd.s32 @!p0 $0x88, s6;
	s7 =	simm.s32 @p2 $0x1082  }
0x22: {  	[simem:s7], [sflag:s8] =	dma.local @!p0 [hbm:s6], $0xF7A  }
0x23: {  	s9 =	sor.u32 $0xD0000000, s2;
	s6 =	simm.s32 $0x108;
	_ =	swait.ge @!p0 [sflag:s8], $0x0  }
0x24: {  	s3 =	sadd.s32 $0x88, s3;
	s6 =	simm.s32 @!p1 $0x1082;
	[sflag:s4] =	ssyncset.s32 $0xFFFFF086  }
0x25: {  	[simem:s6], [sflag:s4] =	dma.local [hbm:s3], $0xF7A  }
0x26: {  	[smem:$0x3F9B] =	sst s1;
	(tag) =	ssettag s2;
	_ =	strace s9  }
0x27: {  	s1 =	sld [smem:$0x3FAB]  }
0x28: {  	s2 =	sld [smem:$0x3FAC]  }
0x29: {  	s4 =	sld [smem:$0x3FAE]  }
0x2a: {  	p0 =	seq.s32 s5, $0x0;
	s5 =	sld [smem:$0x3FAF]  }
0x2b: {  	s6 =	sld [smem:$0x3FB0]  }
0x2c: {  	s7 =	sld [smem:$0x3FB1]  }
0x2d: {  	s3 =	simm.s32 $0x108;
	s8 =	sld [smem:$0x3FB2]  }
0x2e: {  	s3 =	simm.s32 @!p0 $0x1082;
	s9 =	sld [smem:$0x3FB3]  }
0x2f: {  	lr =	sadd.s32 s0, s3;
	s0 =	sld [smem:$0x3FAA]  }
0x30: {  	s3 =	sld [smem:$0x3FAD]  }
0x31: {  	[smem:$0x3FB6] =	sst s10  }
0x32: {  	s10 =	sld [smem:$0x3FB4];
	_ =	sdelay $0x3  }
0x33: {  	p0 =	seq.s32 s10, $0x1;
	s10 =	sld [smem:$0x3FB6];
	_ =	sdelay $0x3  }
0x34: {  	[smem:$0x3FB6] =	sst s10  }
0x35: {  	s10 =	sld [smem:$0x3FB5];
	_ =	sdelay $0x3  }
0x36: {  	p1 =	seq.s32 s10, $0x1;
	s10 =	sld [smem:$0x3FB6];
	_ =	sdelay $0x3  }
0x37: {  	[smem:$0x3FB6] =	sst s10  }
0x38: {  	s10 =	sld [smem:$0x3FB7]  }
0x39: {  	_ = 	snop;
	(pc) =	sbr.ind lr, $3  }
0x3a: {  	_ = 	snop  }
0x3b: {  	_ = 	snop  }
0x3c: {  	p2 =	seq.s32 s10, $0x1;
	s10 =	sld [smem:$0x3FB6]  }
0x3d: {  	_ =	shalt  }
0x3e: {  	_ =	shalt  }
0x3f: {  	_ =	shalt  }
0x40: {  	_ =	shalt  }
0x41: {  	_ =	shalt  }
0x42: {  	_ =	shalt  }
0x43: {  	_ =	shalt  }
0x44: {  	_ =	shalt  }
0x45: {  	_ =	shalt  }
0x46: {  	_ =	shalt  }
0x47: {  	_ =	shalt  }
0x48: {  	_ =	shalt  }
0x49: {  	_ =	shalt  }
0x4a: {  	_ =	shalt  }
0x4b: {  	_ =	shalt  }
0x4c: {  	_ =	shalt  }
0x4d: {  	_ =	shalt  }
0x4e: {  	_ =	shalt  }
0x4f: {  	_ =	shalt  }
0x50: {  	_ =	shalt  }
0x51: {  	_ =	shalt  }
0x52: {  	_ =	shalt  }
0x53: {  	_ =	shalt  }
0x54: {  	_ =	shalt  }
0x55: {  	_ =	shalt  }
0x56: {  	_ =	shalt  }
0x57: {  	_ =	shalt  }
0x58: {  	_ =	shalt  }
0x59: {  	_ =	shalt  }
0x5a: {  	_ =	shalt  }
0x5b: {  	_ =	shalt  }
0x5c: {  	_ =	shalt  }
0x5d: {  	_ =	shalt  }
0x5e: {  	_ =	shalt  }
0x5f: {  	_ =	shalt  }
0x60: {  	_ =	shalt  }
0x61: {  	_ =	shalt  }
0x62: {  	_ =	shalt  }
0x63: {  	_ =	shalt  }
0x64: {  	_ =	shalt  }
0x65: {  	_ =	shalt  }
0x66: {  	_ =	shalt  }
0x67: {  	_ =	shalt  }
0x68: {  	_ =	shalt  }
0x69: {  	_ =	shalt  }
0x6a: {  	_ =	shalt  }
0x6b: {  	_ =	shalt  }
0x6c: {  	_ =	shalt  }
0x6d: {  	_ =	shalt  }
0x6e: {  	_ =	shalt  }
0x6f: {  	_ =	shalt  }
0x70: {  	_ =	shalt  }
0x71: {  	_ =	shalt  }
0x72: {  	_ =	shalt  }
0x73: {  	_ =	shalt  }
0x74: {  	_ =	shalt  }
0x75: {  	_ =	shalt  }
0x76: {  	_ =	shalt  }
0x77: {  	_ =	shalt  }
0x78: {  	_ =	shalt  }
0x79: {  	_ =	shalt  }
0x7a: {  	_ =	shalt  }
0x7b: {  	_ =	shalt  }
0x7c: {  	_ =	shalt  }
0x7d: {  	_ =	shalt  }
0x7e: {  	_ =	shalt  }
0x7f: {  	_ =	shalt  }
0x80: {  	_ =	shalt  }
0x81: {  	_ =	shalt  }
0x82: {  	_ =	shalt  }
0x83: {  	_ =	shalt  }
0x84: {  	_ =	shalt  }
0x85: {  	_ =	shalt  }
0x86: {  	_ =	shalt  }
0x87: {  	_ =	shalt  }
.Lfunc_end0:
.L_simem_size_0:
called_computation_lowered:
.L_overlay_start_0:
0x88: {  	s2 =	sld [smem:$0x3FD9]  }
0x89: {  	s3 =	sld [smem:$0x3FFE];
	_ =	sdelay $0x1  }
0x8a: {  	s1 =	srdreg.scid  }
0x8b: {  	s0 =	sand.u32 $0x1, s1  }
0x8c: {  	s17 =	sshll.u32 s0, $0xA;
	s2 =	sadd.s32 s3, s2  }
0x8d: {  	s2 =	sadd.s32 s2, s17  }
0x8e: {  	[smem:$0x3FC2] =	sst s2  }
0x8f: {  	_ = 	snop  }
0x90: {  	s2 =	sld [smem:$0x3FD0];
	(tm) =	ssettm $0x1  }
0x91: {  	s18 =	sld [smem:$0x3FFB];
	_ =	sdelay $0x3  }
0x92: {  	_ =	strace s18  }
0x93: {  	s3 =	sld [smem:$0x3FFC];
	_ =	sdelay $0x3  }
0x94: {  	_ =	strace s3  }
0x95: {  	s3 =	sld [smem:$0x3FFD];
	_ =	sdelay $0x3  }
0x96: {  	_ =	strace s3  }
0x97: {  	_ =	strace $0x8FFFFFFF  }
0x98: {  	s19 =	sld [smem:$0x3FDB];
	_ =	sdelay $0x1  }
0x99: {  	s4 =	simm.s32 $_scs_section_size  }
0x9a: {  	s5 =	simm.s32 $_size__tile_overlayer_lowered;
	s6 =	simm.s32 $_tile_overlayer_lowered  }
0x9b: {  	s22 =	simm.s32 $0x1BFF;
	s21 =	sshll.u32 s6, $0x1;
	s3 =	sadd.s32 s4, s19  }
0x9c: {  	s7 =	simm.s32 $0x0;
	s20 =	sshll.u32 s5, $0x1;
	s5 =	sadd.s32 s21, s3  }
0x9d: {  	[timem:s7], [sflag:s22] =	dma.local [hbm:s5], s20  }
0x9e: {  	_ =	swait.ge [sflag:s22], s20  }
0x9f: {  	s4 =	ssub.s32 $0x0, s20;
	[sflag:s22] =	ssyncset.done $0x0  }
0xa0: {  	[sflag:s22] =	ssyncadd.s32 s4;
	_ =	sdelay $0x1  }
0xa1: {  	s23 =	simm.s32 $0x1B8B  }
0xa2: {  	_ =	swait.ge [sflag:s23], $0x1  }
0xa3: {  	[sflag:s23] =	ssyncset.done $0x0  }
0xa4: {  	s25 =	simm.s32 $0x1B8E;
	s24 =	sld [smem:$0x3FFE];
	[sflag:s23] =	ssyncadd.s32 $0xFFFFFFFF  }
0xa5: {  	s26 =	simm.s32 $execute0_lowered;
	[smem:$0x3FD2] =	sst s25  }
0xa6: {  	s5 =	sshll.u32 s26, $0x1;
	_ =	strace $0x80000046;
	[dreg:$0x1] =	wrdreg $0xFFFFFFFF  }
0xa7: {  	s28 =	simm.s32 $_size_execute0_lowered;
	s3 =	sadd.s32 s3, s5;
	[dreg:$0x0] =	wrdreg $0x0  }
0xa8: {  	s5 =	sshll.u32 s28, $0x1;
	[dreg:$0x2] =	wrdreg s3  }
0xa9: {  	[dreg:$0x3] =	wrdreg s5  }
0xaa: {  	[dreg:$0x4] =	wrdreg $0xC0  }
0xab: {  	_ =	task [dreg:s7], $0x5FFFF  }
0xac: {  	[dreg:$0x1] =	wrdreg $0xFFFFFFFF  }
0xad: {  	[dreg:$0x0] =	wrdreg $0x60  }
0xae: {  	[dreg:$0x2] =	wrdreg s2  }
0xaf: {  	[dreg:$0x3] =	wrdreg s24  }
0xb0: {  	[dreg:$0x4] =	wrdreg $0x9  }
0xb1: {  	_ =	task.clear_ibuf [dreg:s7], $0x5FFFF;
	_ =	strace $0x90000046  }
0xb2: {  	s29 =	simm.s32 $0x9;
	_ =	strace $0x80000048  }
0xb3: {  	_ =	swait.ge [sflag:s29], $0x1  }
0xb4: {  	[sflag:s29] =	ssyncadd.s32 $0xFFFFFFFF  }
0xb5: {  	_ =	strace $0x90000048  }
0xb6: {  	_ =	sfence  }
0xb7: {  	s30 =	sld [smem:$0x0];
	_ =	sdelay $0x2  }
0xb8: {  	s31 =	sshll.u32 s1, $0xD;
	s1 =	sshrl.u32 s1, $0x2  }
0xb9: {  	s3 =	sand.u32 $0x4000, s31;
	s1 =	sadd.s32 s1, s30  }
0xba: {  	s0 =	sor.u32 s3, s0;
	s1 =	sshll.u32 s1, $0x11  }
0xbb: {  	s0 =	sor.u32 s1, s0  }
0xbc: {  	s0 =	sadd.s32 $0x8F2B, s0  }
0xbd: {  	[sflag:s0] =	ssyncadd.remote.s32 $0x1  }
0xbe: {  	_ =	sfence.sel $0xFFFF  }
0xbf: {  	[dreg:$0x0] =	wrdreg $0xFFFFFFFF;
	(pc) =	sbr.abs _section_cstart, $3  }
0xc0: {  	[dreg:$0x1] =	wrdreg $0xFFFFFFFF  }
0xc1: {  	_ =	task.clear_ibuf [dreg:s7], $0x2FFFF;
	_ =	strace $0x9FFFFFFF  }
0xc2: {  	(tm) =	ssettm $0x7FFFFFFF  }
0xc3: {  	_ =	shalt  }
tec
execute0_lowered:
.L_overlay_start_1:
0x0: {  	(tag) =	ssettag $0x1  }
0x1: {  	s1 =	rddreg [dreg:$0x0]  }
0x2: {  	s0 =	rddreg [dreg:$0x1]  }
0x3: {  	s3 =	simm.s32 $0x0;
	s10 =	stileid.u32;
	s2 =	srdreg.scid  }
0x4: {  	s28 =	simm.s32 $0x900;
	s30 =	simm.s32 $0x980;
	s31 =	simm.s32 $0xB80  }
0x5: {  	s29 =	simm.s32 $0xD00;
	[smem:$0x7FF] =	sst s3;
	s4 =	sshll.u32 s10, $0x5  }
0x6: {  	s2 =	sand.u32 $0x1, s2;
	s6 =	sshll.u32 s10, $0x8;
	s20 =	sshll.u32 s10, $0x1  }
0x7: {  	_ =	strace $0x80000047;
	s5 =	ssub.s32 $0x2, s2;
	s7 =	sshll.u32 s2, $0x7  }
0x8: {  	s8 =	sadd.s32 s4, s0;
	s0 =	sadd.s32 $0xB000, s0;
	[dreg:$0x3] =	wrdreg s20  }
0x9: {  	s2 =	sshll.u32 s2, $0x4;
	s9 =	sshrl.u32 s5, $0x1;
	s6 =	sor.u32 s7, s6  }
0xa: {  	s7 =	sadd.s32 $0x27100, s6;
	s21 =	sadd.s32 $0x4E200, s6;
	s24 =	sadd.s32 $0x75300, s6  }
0xb: {  	s25 =	sadd.s32 $0x9C400, s6;
	s26 =	sadd.s32 $0xC3500, s6;
	s11 =	sadd.s32 $0xEA600, s6  }
0xc: {  	s4 =	sadd.s32 s4, s0;
	s12 =	sadd.s32 $0x111700, s6;
	s13 =	sadd.s32 $0x138800, s6  }
0xd: {  	s5 =	ssub.s32 s5, s9;
	s16 =	sadd.s32 $0x15F900, s6;
	s17 =	sadd.s32 $0x186A00, s6  }
0xe: {  	s18 =	sadd.s32 $0x1ADB00, s6;
	s9 =	simm.s32 $0xF00;
	s7 =	sshrl.u32 s7, $0x3  }
0xf: {  	s5 =	smax.u32 s5, $0x1;
	s23 =	sshrl.u32 s21, $0x3;
	s10 =	sshrl.u32 s26, $0x3  }
0x10: {  	s15 =	sshrl.u32 s13, $0x3;
	s20 =	sshrl.u32 s18, $0x3;
	s21 =	sadd.s32 $0x1D4C00, s6  }
0x11: {  	s26 =	sadd.s32 s2, s8;
	s8 =	simm.s32 $0xE80;
	s13 =	simm.s32 $0x2  }
0x12: {  	[dreg:$0x4] =	wrdreg s5;
	s22 =	sadd.s32 s7, s0;
	s5 =	sadd.s32 s23, s0  }
0x13: {  	s7 =	sshrl.u32 s25, $0x3;
	s23 =	sadd.s32 $0x222E00, s6;
	[dreg:$0x5] =	wrdreg s22  }
0x14: {  	s25 =	sadd.s32 $0x249F00, s6;
	[dreg:$0x6] =	wrdreg s5;
	s5 =	sshrl.u32 s24, $0x3  }
0x15: {  	s7 =	sadd.s32 s7, s0;
	s22 =	sadd.s32 $0x1FBD00, s6;
	s24 =	sshrl.u32 s23, $0x3  }
0x16: {  	s23 =	simm.s32 $0x3;
	s6 =	simm.s32 $0xD80;
	s5 =	sadd.s32 s5, s0  }
0x17: {  	[dreg:$0x8] =	wrdreg s7;
	s7 =	sshrl.u32 s12, $0x3;
	s12 =	simm.s32 $0x1  }
0x18: {  	[dreg:$0x7] =	wrdreg s5;
	s5 =	sadd.s32 s10, s0;
	s14 =	sadd.s32 s7, s0  }
0x19: {  	s7 =	sshrl.u32 s17, $0x3;
	s10 =	simm.s32 $0xF80;
	[dreg:$0x9] =	wrdreg s5  }
0x1a: {  	s5 =	sshrl.u32 s11, $0x3;
	[dreg:$0xb] =	wrdreg s14;
	s19 =	sadd.s32 s7, s0  }
0x1b: {  	s7 =	sshrl.u32 s22, $0x3;
	s22 =	sadd.s32 $0x1000, s26;
	s26 =	simm.s32 $0xB00  }
0x1c: {  	s11 =	simm.s32 $0x1000;
	s5 =	sadd.s32 s5, s0;
	[dreg:$0xe] =	wrdreg s19  }
0x1d: {  	s18 =	sadd.s32 s7, s0;
	[dreg:$0xa] =	wrdreg s5;
	s5 =	sadd.s32 s15, s0  }
0x1e: {  	s19 =	sadd.s32 s24, s0;
	[dreg:$0xc] =	wrdreg s5;
	s5 =	sshrl.u32 s16, $0x3  }
0x1f: {  	s24 =	simm.s32 $0x80;
	s7 =	simm.s32 $0xE00;
	s5 =	sadd.s32 s5, s0  }
.Ltmp0:
0x20: {  	[dreg:$0xd] =	wrdreg s5;
	s5 =	sadd.s32 s20, s0;
	(pc) =	sbr.rel .LBB2_1-.Ltmp0, $4  }
0x21: {  	s15 =	simm.s32 $0x0;
	[dreg:$0xf] =	wrdreg s5;
	s5 =	sshrl.u32 s21, $0x3  }
0x22: {  	s21 =	sadd.s32 s2, s4;
	s4 =	simm.s32 $0xC00;
	s2 =	simm.s32 $0xC80  }
0x23: {  	s17 =	sadd.s32 s5, s0;
	s5 =	sshrl.u32 s25, $0x3;
	s25 =	simm.s32 $0x880  }
0x24: {  	s20 =	sadd.s32 s5, s0;
	s0 =	simm.s32 $0xA00;
	s5 =	simm.s32 $0xA80  }
.LBB2_5:
0x25: {  	s15 =	rddreg [dreg:$0x10]  }
0x26: {  	s14 =	rddreg [dreg:$0x4];
	s15 =	sadd.s32 $0x1, s15  }
0x27: {  	p0 =	sne.s32 s15, s14  }
.Ltmp1:
0x28: {  	_ = 	snop;
	(pc) =	sbr.rel @!p0 .LBB2_6-.Ltmp1, $1  }
0x29: {  	_ =	sdelay $0x3  }
.LBB2_1:
.Ltmp2:
0x2a: {  	(pc) =	sbr.rel .LBB2_2-.Ltmp2, $3  }
0x2b: {  	_ =	sdelay $0x1  }
0x2c: {  	[dreg:$0x10] =	wrdreg s15  }
0x2d: {  	s14 =	rddreg [dreg:$0x3];
	s15 =	simm.s32 $0x0  }
.LBB2_4:
0x2e: {  	s15 =	sadd.s32 $0x200, s15  }
0x2f: {  	p0 =	sne.s32 s15, $0x5000  }
.Ltmp3:
0x30: {  	_ = 	snop;
	(pc) =	sbr.rel @!p0 .LBB2_5-.Ltmp3, $2  }
0x31: {  	_ =	sdelay $0x2  }
0x32: {  	s14 =	sadd.s32 $0x20, s14  }
.LBB2_2:
0x33: {  	p0 =	sgt.u32 s14, $0x4E1  }
.Ltmp4:
0x34: {  	_ = 	snop;
	(pc) =	sbr.rel @p0 .LBB2_4-.Ltmp4, $1  }
0x35: {  	_ =	sdelay $0x3  }
0x36: {  	s16 =	sadd.s32 s15, s22  }
0x37: {  	[tilespmem:s3], [sflag:$0x3] =	stream.linear.gather [hbm4b:s16+s3], $0x80, $0x38;
	[tilespmem:$0x1080] =	vst v63  }
0x38: {  	_ =	swait.ge [sflag:s23], $0x80  }
0x39: {  	[sflag:s23] =	ssyncset.done $0x0  }
0x3a: {  	[sflag:s23] =	ssyncadd.s32 $0xFFFFFF80  }
0x3b: {  	v0 =	vld [tilespmem:$0x0]  }
0x3c: {  	v2 =	vld [tilespmem:$0x10]  }
0x3d: {  	v25 =	vld [tilespmem:$0x20]  }
0x3e: {  	v41 =	vld [tilespmem:$0x30]  }
0x3f: {  	v57 =	vld [tilespmem:$0x40]  }
0x40: {  	[tilespmem:$0x80] =	vst v0  }
0x41: {  	[tilespmem:$0x90] =	vst v2  }
0x42: {  	[tilespmem:$0xA0] =	vst v25  }
0x43: {  	[tilespmem:$0xB0] =	vst v41  }
0x44: {  	v1 =	vadd.s32 $0x2710, v0;
	[tilespmem:$0xC0] =	vst v57  }
0x45: {  	v60 =	vadd.s32 $0x4E20, v0;
	[tilespmem:$0x100] =	vst v1  }
0x46: {  	v61 =	vadd.s32 $0x7530, v0;
	[tilespmem:$0x180] =	vst v60  }
0x47: {  	v62 =	vadd.s32 $0x9C40, v0;
	[tilespmem:$0x200] =	vst v61  }
0x48: {  	v63 =	vadd.s32 $0xC350, v0;
	[tilespmem:$0x280] =	vst v62  }
0x49: {  	v4 =	vadd.s32 $0xEA60, v0;
	[tilespmem:$0x300] =	vst v63  }
0x4a: {  	v5 =	vadd.s32 $0x11170, v0;
	[tilespmem:$0x380] =	vst v4  }
0x4b: {  	v6 =	vadd.s32 $0x13880, v0;
	[tilespmem:$0x400] =	vst v5  }
0x4c: {  	v7 =	vadd.s32 $0x15F90, v0;
	[tilespmem:$0x480] =	vst v6  }
0x4d: {  	v8 =	vadd.s32 $0x186A0, v0;
	[tilespmem:$0x500] =	vst v7  }
0x4e: {  	v9 =	vadd.s32 $0x1ADB0, v0;
	[tilespmem:$0x580] =	vst v8  }
0x4f: {  	v10 =	vadd.s32 $0x1D4C0, v0;
	[tilespmem:$0x600] =	vst v9  }
0x50: {  	v11 =	vadd.s32 $0x1FBD0, v0;
	[tilespmem:$0x680] =	vst v10  }
0x51: {  	v12 =	vadd.s32 $0x222E0, v0;
	[tilespmem:$0x700] =	vst v11  }
0x52: {  	v0 =	vadd.s32 $0x249F0, v0;
	[tilespmem:$0x780] =	vst v12  }
0x53: {  	v13 =	vadd.s32 $0x2710, v2;
	[tilespmem:$0x800] =	vst v0  }
0x54: {  	v14 =	vadd.s32 $0x4E20, v2;
	[tilespmem:$0x110] =	vst v13  }
0x55: {  	v15 =	vadd.s32 $0x7530, v2;
	[tilespmem:$0x190] =	vst v14  }
0x56: {  	v16 =	vadd.s32 $0x9C40, v2;
	[tilespmem:$0x210] =	vst v15  }
0x57: {  	v17 =	vadd.s32 $0xC350, v2;
	[tilespmem:$0x290] =	vst v16  }
0x58: {  	v18 =	vadd.s32 $0xEA60, v2;
	[tilespmem:$0x310] =	vst v17  }
0x59: {  	v19 =	vadd.s32 $0x11170, v2;
	[tilespmem:$0x390] =	vst v18  }
0x5a: {  	v20 =	vadd.s32 $0x13880, v2;
	[tilespmem:$0x410] =	vst v19  }
0x5b: {  	v21 =	vadd.s32 $0x15F90, v2;
	[tilespmem:$0x490] =	vst v20  }
0x5c: {  	v22 =	vadd.s32 $0x186A0, v2;
	[tilespmem:$0x510] =	vst v21  }
0x5d: {  	v23 =	vadd.s32 $0x1ADB0, v2;
	[tilespmem:$0x590] =	vst v22  }
0x5e: {  	v24 =	vadd.s32 $0x1D4C0, v2;
	[tilespmem:$0x610] =	vst v23  }
0x5f: {  	v26 =	vadd.s32 $0x1FBD0, v2;
	[tilespmem:$0x690] =	vst v24  }
0x60: {  	v27 =	vadd.s32 $0x222E0, v2;
	[tilespmem:$0x710] =	vst v26  }
0x61: {  	v28 =	vadd.s32 $0x249F0, v2;
	[tilespmem:$0x790] =	vst v27  }
0x62: {  	v29 =	vadd.s32 $0x2710, v25;
	[tilespmem:$0x810] =	vst v28  }
0x63: {  	v30 =	vadd.s32 $0x4E20, v25;
	[tilespmem:$0x120] =	vst v29  }
0x64: {  	v31 =	vadd.s32 $0x7530, v25;
	[tilespmem:$0x1A0] =	vst v30  }
0x65: {  	v32 =	vadd.s32 $0x9C40, v25;
	[tilespmem:$0x220] =	vst v31  }
0x66: {  	v33 =	vadd.s32 $0xC350, v25;
	[tilespmem:$0x2A0] =	vst v32  }
0x67: {  	v34 =	vadd.s32 $0xEA60, v25;
	[tilespmem:$0x320] =	vst v33  }
0x68: {  	v35 =	vadd.s32 $0x11170, v25;
	[tilespmem:$0x3A0] =	vst v34  }
0x69: {  	v36 =	vadd.s32 $0x13880, v25;
	[tilespmem:$0x420] =	vst v35  }
0x6a: {  	v37 =	vadd.s32 $0x15F90, v25;
	[tilespmem:$0x4A0] =	vst v36  }
0x6b: {  	v38 =	vadd.s32 $0x186A0, v25;
	[tilespmem:$0x520] =	vst v37  }
0x6c: {  	v39 =	vadd.s32 $0x1ADB0, v25;
	[tilespmem:$0x5A0] =	vst v38  }
0x6d: {  	v40 =	vadd.s32 $0x1D4C0, v25;
	[tilespmem:$0x620] =	vst v39  }
0x6e: {  	v42 =	vadd.s32 $0x1FBD0, v25;
	[tilespmem:$0x6A0] =	vst v40  }
0x6f: {  	v43 =	vadd.s32 $0x222E0, v25;
	[tilespmem:$0x720] =	vst v42  }
0x70: {  	v44 =	vadd.s32 $0x249F0, v25;
	[tilespmem:$0x7A0] =	vst v43  }
0x71: {  	v45 =	vadd.s32 $0x2710, v41;
	[tilespmem:$0x820] =	vst v44  }
0x72: {  	v46 =	vadd.s32 $0x4E20, v41;
	[tilespmem:$0x130] =	vst v45  }
0x73: {  	v47 =	vadd.s32 $0x7530, v41;
	[tilespmem:$0x1B0] =	vst v46  }
0x74: {  	v48 =	vadd.s32 $0x9C40, v41;
	[tilespmem:$0x230] =	vst v47  }
0x75: {  	v49 =	vadd.s32 $0xC350, v41;
	[tilespmem:$0x2B0] =	vst v48  }
0x76: {  	v50 =	vadd.s32 $0xEA60, v41;
	[tilespmem:$0x330] =	vst v49  }
0x77: {  	v51 =	vadd.s32 $0x11170, v41;
	[tilespmem:$0x3B0] =	vst v50  }
0x78: {  	v52 =	vadd.s32 $0x13880, v41;
	[tilespmem:$0x430] =	vst v51  }
0x79: {  	v53 =	vadd.s32 $0x15F90, v41;
	[tilespmem:$0x4B0] =	vst v52  }
0x7a: {  	v54 =	vadd.s32 $0x186A0, v41;
	[tilespmem:$0x530] =	vst v53  }
0x7b: {  	v55 =	vadd.s32 $0x1ADB0, v41;
	[tilespmem:$0x5B0] =	vst v54  }
0x7c: {  	v56 =	vadd.s32 $0x1D4C0, v41;
	[tilespmem:$0x630] =	vst v55  }
0x7d: {  	v58 =	vadd.s32 $0x1FBD0, v41;
	[tilespmem:$0x6B0] =	vst v56  }
0x7e: {  	v59 =	vadd.s32 $0x222E0, v41;
	[tilespmem:$0x730] =	vst v58  }
0x7f: {  	[tilespmem:$0x7B0] =	vst v59;
	v60 =	vadd.s32 $0x249F0, v41  }
0x80: {  	v61 =	vadd.s32 $0x2710, v57;
	[tilespmem:$0x830] =	vst v60  }
0x81: {  	v62 =	vadd.s32 $0x4E20, v57;
	[tilespmem:$0x140] =	vst v61  }
0x82: {  	v63 =	vadd.s32 $0x7530, v57;
	[tilespmem:$0x1C0] =	vst v62  }
0x83: {  	v4 =	vadd.s32 $0x9C40, v57;
	[tilespmem:$0x240] =	vst v63  }
0x84: {  	v5 =	vadd.s32 $0xC350, v57;
	[tilespmem:$0x2C0] =	vst v4  }
0x85: {  	v6 =	vadd.s32 $0xEA60, v57;
	[tilespmem:$0x340] =	vst v5  }
0x86: {  	v7 =	vadd.s32 $0x11170, v57;
	[tilespmem:$0x3C0] =	vst v6  }
0x87: {  	v8 =	vadd.s32 $0x13880, v57;
	[tilespmem:$0x440] =	vst v7  }
0x88: {  	v9 =	vadd.s32 $0x15F90, v57;
	[tilespmem:$0x4C0] =	vst v8  }
0x89: {  	v10 =	vadd.s32 $0x186A0, v57;
	[tilespmem:$0x540] =	vst v9  }
0x8a: {  	v11 =	vadd.s32 $0x1ADB0, v57;
	[tilespmem:$0x5C0] =	vst v10  }
0x8b: {  	v12 =	vadd.s32 $0x1D4C0, v57;
	v13 =	vld [tilespmem:$0x50];
	[tilespmem:$0x640] =	vst v11  }
0x8c: {  	v14 =	vadd.s32 $0x1FBD0, v57;
	v28 =	vld [tilespmem:$0x60];
	[tilespmem:$0x6C0] =	vst v12  }
0x8d: {  	v15 =	vadd.s32 $0x222E0, v57;
	v46 =	vld [tilespmem:$0x70];
	[tilespmem:$0x740] =	vst v14  }
0x8e: {  	v16 =	vadd.s32 $0x249F0, v57;
	[tilespmem:$0x7C0] =	vst v15  }
0x8f: {  	[tilespmem:$0x840] =	vst v16  }
0x90: {  	[tilespmem:$0xD0] =	vst v13  }
0x91: {  	[tilespmem:$0xE0] =	vst v28  }
0x92: {  	v17 =	vadd.s32 $0x2710, v13;
	[tilespmem:$0xF0] =	vst v46  }
0x93: {  	v18 =	vadd.s32 $0x4E20, v13;
	[tilespmem:$0x150] =	vst v17  }
0x94: {  	v19 =	vadd.s32 $0x7530, v13;
	[tilespmem:$0x1D0] =	vst v18  }
0x95: {  	v20 =	vadd.s32 $0x9C40, v13;
	[tilespmem:$0x250] =	vst v19  }
0x96: {  	v21 =	vadd.s32 $0xC350, v13;
	[tilespmem:$0x2D0] =	vst v20  }
0x97: {  	v22 =	vadd.s32 $0xEA60, v13;
	[tilespmem:$0x350] =	vst v21  }
0x98: {  	v23 =	vadd.s32 $0x11170, v13;
	[tilespmem:$0x3D0] =	vst v22  }
0x99: {  	v24 =	vadd.s32 $0x13880, v13;
	[tilespmem:$0x450] =	vst v23  }
0x9a: {  	v25 =	vadd.s32 $0x15F90, v13;
	[tilespmem:$0x4D0] =	vst v24  }
0x9b: {  	v26 =	vadd.s32 $0x186A0, v13;
	[tilespmem:$0x550] =	vst v25  }
0x9c: {  	v27 =	vadd.s32 $0x1ADB0, v13;
	[tilespmem:$0x5D0] =	vst v26  }
0x9d: {  	v29 =	vadd.s32 $0x1D4C0, v13;
	[tilespmem:$0x650] =	vst v27  }
0x9e: {  	v30 =	vadd.s32 $0x1FBD0, v13;
	[tilespmem:$0x6D0] =	vst v29  }
0x9f: {  	v31 =	vadd.s32 $0x222E0, v13;
	[tilespmem:$0x750] =	vst v30  }
0xa0: {  	v32 =	vadd.s32 $0x249F0, v13;
	[tilespmem:$0x7D0] =	vst v31  }
0xa1: {  	v33 =	vadd.s32 $0x2710, v28;
	[tilespmem:$0x850] =	vst v32  }
0xa2: {  	v34 =	vadd.s32 $0x4E20, v28;
	[tilespmem:$0x160] =	vst v33  }
0xa3: {  	v35 =	vadd.s32 $0x7530, v28;
	[tilespmem:$0x1E0] =	vst v34  }
0xa4: {  	v36 =	vadd.s32 $0x9C40, v28;
	[tilespmem:$0x260] =	vst v35  }
0xa5: {  	v37 =	vadd.s32 $0xC350, v28;
	[tilespmem:$0x2E0] =	vst v36  }
0xa6: {  	v38 =	vadd.s32 $0xEA60, v28;
	[tilespmem:$0x360] =	vst v37  }
0xa7: {  	v39 =	vadd.s32 $0x11170, v28;
	[tilespmem:$0x3E0] =	vst v38  }
0xa8: {  	v40 =	vadd.s32 $0x13880, v28;
	[tilespmem:$0x460] =	vst v39  }
0xa9: {  	v41 =	vadd.s32 $0x15F90, v28;
	[tilespmem:$0x4E0] =	vst v40  }
0xaa: {  	v42 =	vadd.s32 $0x186A0, v28;
	[tilespmem:$0x560] =	vst v41  }
0xab: {  	v43 =	vadd.s32 $0x1ADB0, v28;
	[tilespmem:$0x5E0] =	vst v42  }
0xac: {  	v44 =	vadd.s32 $0x1D4C0, v28;
	[tilespmem:$0x660] =	vst v43  }
0xad: {  	v45 =	vadd.s32 $0x1FBD0, v28;
	[tilespmem:$0x6E0] =	vst v44  }
0xae: {  	v47 =	vadd.s32 $0x222E0, v28;
	[tilespmem:$0x760] =	vst v45  }
0xaf: {  	v48 =	vadd.s32 $0x249F0, v28;
	[tilespmem:$0x7E0] =	vst v47  }
0xb0: {  	v49 =	vadd.s32 $0x2710, v46;
	[tilespmem:$0x860] =	vst v48  }
0xb1: {  	v50 =	vadd.s32 $0x4E20, v46;
	[tilespmem:$0x170] =	vst v49  }
0xb2: {  	v51 =	vadd.s32 $0x7530, v46;
	[tilespmem:$0x1F0] =	vst v50  }
0xb3: {  	v52 =	vadd.s32 $0x9C40, v46;
	[tilespmem:$0x270] =	vst v51  }
0xb4: {  	v53 =	vadd.s32 $0xC350, v46;
	[tilespmem:$0x2F0] =	vst v52  }
0xb5: {  	v54 =	vadd.s32 $0xEA60, v46;
	[tilespmem:$0x370] =	vst v53  }
0xb6: {  	v55 =	vadd.s32 $0x11170, v46;
	[tilespmem:$0x3F0] =	vst v54  }
0xb7: {  	v56 =	vadd.s32 $0x13880, v46;
	[tilespmem:$0x470] =	vst v55  }
0xb8: {  	v57 =	vadd.s32 $0x15F90, v46;
	[tilespmem:$0x4F0] =	vst v56  }
0xb9: {  	v58 =	vadd.s32 $0x186A0, v46;
	[tilespmem:$0x570] =	vst v57  }
0xba: {  	v59 =	vadd.s32 $0x1ADB0, v46;
	[tilespmem:$0x5F0] =	vst v58  }
0xbb: {  	v60 =	vadd.s32 $0x1D4C0, v46;
	[tilespmem:$0x670] =	vst v59  }
0xbc: {  	v61 =	vadd.s32 $0x1FBD0, v46;
	[tilespmem:$0x6F0] =	vst v60  }
0xbd: {  	v62 =	vadd.s32 $0x222E0, v46;
	[tilespmem:$0x770] =	vst v61  }
0xbe: {  	v63 =	vadd.s32 $0x249F0, v46;
	[tilespmem:$0x7F0] =	vst v62  }
0xbf: {  	[tilespmem:$0x870] =	vst v63  }
0xc0: {  	[tilespmem:s25], [sflag:$0x1] =	stream.indirect.gather [hbm4b:s1+s24], $0x1, s24, s24, $0xb8;
	[tilespmem:$0x1080] =	vst v63  }
0xc1: {  	s16 =	simm.s32 $0x100  }
0xc2: {  	[tilespmem:s28], [sflag:$0x1] =	stream.indirect.gather [hbm4b:s1+s24], $0x1, s16, s24, $0xb8;
	[tilespmem:$0x1080] =	vst v63  }
0xc3: {  	s16 =	simm.s32 $0x180  }
0xc4: {  	[tilespmem:s30], [sflag:$0x1] =	stream.indirect.gather [hbm4b:s1+s24], $0x1, s16, s24, $0xb8;
	[tilespmem:$0x1080] =	vst v63  }
0xc5: {  	s16 =	simm.s32 $0x200  }
0xc6: {  	[tilespmem:s0], [sflag:$0x1] =	stream.indirect.gather [hbm4b:s1+s24], $0x1, s16, s24, $0xb8;
	[tilespmem:$0x1080] =	vst v63  }
0xc7: {  	s16 =	simm.s32 $0x280  }
0xc8: {  	[tilespmem:s5], [sflag:$0x1] =	stream.indirect.gather [hbm4b:s1+s24], $0x1, s16, s24, $0xb8;
	[tilespmem:$0x1080] =	vst v63  }
0xc9: {  	s16 =	simm.s32 $0x300  }
0xca: {  	[tilespmem:s26], [sflag:$0x1] =	stream.indirect.gather [hbm4b:s1+s24], $0x1, s16, s24, $0xb8;
	[tilespmem:$0x1080] =	vst v63  }
0xcb: {  	s16 =	simm.s32 $0x380  }
0xcc: {  	[tilespmem:s31], [sflag:$0x1] =	stream.indirect.gather [hbm4b:s1+s24], $0x1, s16, s24, $0xb8;
	[tilespmem:$0x1080] =	vst v63  }
0xcd: {  	s16 =	simm.s32 $0x400  }
0xce: {  	[tilespmem:s4], [sflag:$0x1] =	stream.indirect.gather [hbm4b:s1+s24], $0x1, s16, s24, $0xb8;
	[tilespmem:$0x1080] =	vst v63  }
0xcf: {  	s16 =	simm.s32 $0x480  }
0xd0: {  	[tilespmem:s2], [sflag:$0x1] =	stream.indirect.gather [hbm4b:s1+s24], $0x1, s16, s24, $0xb8;
	[tilespmem:$0x1080] =	vst v63  }
0xd1: {  	s16 =	simm.s32 $0x500  }
0xd2: {  	[tilespmem:s29], [sflag:$0x1] =	stream.indirect.gather [hbm4b:s1+s24], $0x1, s16, s24, $0xb8;
	[tilespmem:$0x1080] =	vst v63  }
0xd3: {  	s16 =	simm.s32 $0x580  }
0xd4: {  	[tilespmem:s6], [sflag:$0x1] =	stream.indirect.gather [hbm4b:s1+s24], $0x1, s16, s24, $0xb8;
	[tilespmem:$0x1080] =	vst v63  }
0xd5: {  	s16 =	simm.s32 $0x600  }
0xd6: {  	[tilespmem:s7], [sflag:$0x1] =	stream.indirect.gather [hbm4b:s1+s24], $0x1, s16, s24, $0xb8;
	[tilespmem:$0x1080] =	vst v63  }
0xd7: {  	s16 =	simm.s32 $0x680  }
0xd8: {  	[tilespmem:s8], [sflag:$0x1] =	stream.indirect.gather [hbm4b:s1+s24], $0x1, s16, s24, $0xb8;
	[tilespmem:$0x1080] =	vst v63  }
0xd9: {  	s16 =	simm.s32 $0x700  }
0xda: {  	[tilespmem:s9], [sflag:$0x1] =	stream.indirect.gather [hbm4b:s1+s24], $0x1, s16, s24, $0xb8;
	[tilespmem:$0x1080] =	vst v63  }
0xdb: {  	s16 =	simm.s32 $0x780  }
0xdc: {  	[tilespmem:s10], [sflag:$0x1] =	stream.indirect.gather [hbm4b:s1+s24], $0x1, s16, s24, $0xb8;
	[tilespmem:$0x1080] =	vst v63  }
0xdd: {  	s16 =	simm.s32 $0x800  }
0xde: {  	[tilespmem:s11], [sflag:$0x1] =	stream.indirect.gather [hbm4b:s1+s24], $0x1, s16, s24, $0xb8;
	[tilespmem:$0x1080] =	vst v63  }
0xdf: {  	_ =	swait.ge [sflag:s12], $0x80  }
0xe0: {  	[sflag:s12] =	ssyncset.done $0x0  }
0xe1: {  	[sflag:s12] =	ssyncadd.s32 $0xFFFFFF80  }
0xe2: {  	_ =	swait.ge [sflag:s12], $0x80  }
0xe3: {  	[sflag:s12] =	ssyncset.done $0x0  }
0xe4: {  	[sflag:s12] =	ssyncadd.s32 $0xFFFFFF80  }
0xe5: {  	_ =	swait.ge [sflag:s12], $0x80  }
0xe6: {  	[sflag:s12] =	ssyncset.done $0x0  }
0xe7: {  	[sflag:s12] =	ssyncadd.s32 $0xFFFFFF80  }
0xe8: {  	_ =	swait.ge [sflag:s12], $0x80  }
0xe9: {  	[sflag:s12] =	ssyncset.done $0x0  }
0xea: {  	[sflag:s12] =	ssyncadd.s32 $0xFFFFFF80  }
0xeb: {  	_ =	swait.ge [sflag:s12], $0x80  }
0xec: {  	[sflag:s12] =	ssyncset.done $0x0  }
0xed: {  	[sflag:s12] =	ssyncadd.s32 $0xFFFFFF80  }
0xee: {  	_ =	swait.ge [sflag:s12], $0x80  }
0xef: {  	[sflag:s12] =	ssyncset.done $0x0  }
0xf0: {  	[sflag:s12] =	ssyncadd.s32 $0xFFFFFF80  }
0xf1: {  	_ =	swait.ge [sflag:s12], $0x80  }
0xf2: {  	[sflag:s12] =	ssyncset.done $0x0  }
0xf3: {  	[sflag:s12] =	ssyncadd.s32 $0xFFFFFF80  }
0xf4: {  	_ =	swait.ge [sflag:s12], $0x80  }
0xf5: {  	[sflag:s12] =	ssyncset.done $0x0  }
0xf6: {  	[sflag:s12] =	ssyncadd.s32 $0xFFFFFF80  }
0xf7: {  	_ =	swait.ge [sflag:s12], $0x80  }
0xf8: {  	[sflag:s12] =	ssyncset.done $0x0  }
0xf9: {  	[sflag:s12] =	ssyncadd.s32 $0xFFFFFF80  }
0xfa: {  	_ =	swait.ge [sflag:s12], $0x80  }
0xfb: {  	[sflag:s12] =	ssyncset.done $0x0  }
0xfc: {  	[sflag:s12] =	ssyncadd.s32 $0xFFFFFF80  }
0xfd: {  	_ =	swait.ge [sflag:s12], $0x80  }
0xfe: {  	[sflag:s12] =	ssyncset.done $0x0  }
0xff: {  	[sflag:s12] =	ssyncadd.s32 $0xFFFFFF80  }
0x100: {  	_ =	swait.ge [sflag:s12], $0x80  }
0x101: {  	[sflag:s12] =	ssyncset.done $0x0  }
0x102: {  	[sflag:s12] =	ssyncadd.s32 $0xFFFFFF80  }
0x103: {  	_ =	swait.ge [sflag:s12], $0x80  }
0x104: {  	[sflag:s12] =	ssyncset.done $0x0  }
0x105: {  	[sflag:s12] =	ssyncadd.s32 $0xFFFFFF80  }
0x106: {  	_ =	swait.ge [sflag:s12], $0x80  }
0x107: {  	[sflag:s12] =	ssyncset.done $0x0  }
0x108: {  	[sflag:s12] =	ssyncadd.s32 $0xFFFFFF80  }
0x109: {  	_ =	swait.ge [sflag:s12], $0x80  }
0x10a: {  	[sflag:s12] =	ssyncset.done $0x0  }
0x10b: {  	[sflag:s12] =	ssyncadd.s32 $0xFFFFFF80  }
0x10c: {  	_ =	swait.ge [sflag:s12], $0x80  }
0x10d: {  	[sflag:s12] =	ssyncset.done $0x0  }
0x10e: {  	s16 =	sadd.s32 s15, s21;
	[sflag:s12] =	ssyncadd.s32 $0xFFFFFF80  }
0x10f: {  	[hbm4b:s16+s3] =	stream.linear.scatter [tilespmem:s25], [sflag:$0x2], $0x80, $0x38;
	[tilespmem:$0x1080] =	vst v63  }
0x110: {  	s16 =	rddreg [dreg:$0x5]  }
0x111: {  	s16 =	sadd.s32 s15, s16  }
0x112: {  	[hbm4b:s16+s3] =	stream.linear.scatter [tilespmem:s28], [sflag:$0x2], $0x80, $0x38;
	[tilespmem:$0x1080] =	vst v63  }
0x113: {  	s16 =	rddreg [dreg:$0x6]  }
0x114: {  	s16 =	sadd.s32 s15, s16  }
0x115: {  	[hbm4b:s16+s3] =	stream.linear.scatter [tilespmem:s30], [sflag:$0x2], $0x80, $0x38;
	[tilespmem:$0x1080] =	vst v63  }
0x116: {  	s16 =	rddreg [dreg:$0x7]  }
0x117: {  	s16 =	sadd.s32 s15, s16  }
0x118: {  	[hbm4b:s16+s3] =	stream.linear.scatter [tilespmem:s0], [sflag:$0x2], $0x80, $0x38;
	[tilespmem:$0x1080] =	vst v63  }
0x119: {  	s16 =	rddreg [dreg:$0x8]  }
0x11a: {  	s16 =	sadd.s32 s15, s16  }
0x11b: {  	[hbm4b:s16+s3] =	stream.linear.scatter [tilespmem:s5], [sflag:$0x2], $0x80, $0x38;
	[tilespmem:$0x1080] =	vst v63  }
0x11c: {  	s16 =	rddreg [dreg:$0x9]  }
0x11d: {  	s16 =	sadd.s32 s15, s16  }
0x11e: {  	[hbm4b:s16+s3] =	stream.linear.scatter [tilespmem:s26], [sflag:$0x2], $0x80, $0x38;
	[tilespmem:$0x1080] =	vst v63  }
0x11f: {  	s16 =	rddreg [dreg:$0xa]  }
0x120: {  	s16 =	sadd.s32 s15, s16  }
0x121: {  	[hbm4b:s16+s3] =	stream.linear.scatter [tilespmem:s31], [sflag:$0x2], $0x80, $0x38;
	[tilespmem:$0x1080] =	vst v63  }
0x122: {  	s16 =	rddreg [dreg:$0xb]  }
0x123: {  	s16 =	sadd.s32 s15, s16  }
0x124: {  	[hbm4b:s16+s3] =	stream.linear.scatter [tilespmem:s4], [sflag:$0x2], $0x80, $0x38;
	[tilespmem:$0x1080] =	vst v63  }
0x125: {  	s16 =	rddreg [dreg:$0xc]  }
0x126: {  	s16 =	sadd.s32 s15, s16  }
0x127: {  	[hbm4b:s16+s3] =	stream.linear.scatter [tilespmem:s2], [sflag:$0x2], $0x80, $0x38;
	[tilespmem:$0x1080] =	vst v63  }
0x128: {  	s16 =	rddreg [dreg:$0xd]  }
0x129: {  	s16 =	sadd.s32 s15, s16  }
0x12a: {  	[hbm4b:s16+s3] =	stream.linear.scatter [tilespmem:s29], [sflag:$0x2], $0x80, $0x38;
	[tilespmem:$0x1080] =	vst v63  }
0x12b: {  	s16 =	rddreg [dreg:$0xe]  }
0x12c: {  	s16 =	sadd.s32 s15, s16  }
0x12d: {  	[hbm4b:s16+s3] =	stream.linear.scatter [tilespmem:s6], [sflag:$0x2], $0x80, $0x38;
	[tilespmem:$0x1080] =	vst v63  }
0x12e: {  	s16 =	rddreg [dreg:$0xf]  }
0x12f: {  	s16 =	sadd.s32 s15, s16  }
0x130: {  	[hbm4b:s16+s3] =	stream.linear.scatter [tilespmem:s7], [sflag:$0x2], $0x80, $0x38;
	[tilespmem:$0x1080] =	vst v63  }
0x131: {  	s16 =	sadd.s32 s15, s17  }
0x132: {  	[hbm4b:s16+s3] =	stream.linear.scatter [tilespmem:s8], [sflag:$0x2], $0x80, $0x38;
	[tilespmem:$0x1080] =	vst v63  }
0x133: {  	s16 =	sadd.s32 s15, s18  }
0x134: {  	[hbm4b:s16+s3] =	stream.linear.scatter [tilespmem:s9], [sflag:$0x2], $0x80, $0x38;
	[tilespmem:$0x1080] =	vst v63  }
0x135: {  	s16 =	sadd.s32 s15, s19  }
0x136: {  	[hbm4b:s16+s3] =	stream.linear.scatter [tilespmem:s10], [sflag:$0x2], $0x80, $0x38;
	[tilespmem:$0x1080] =	vst v63  }
0x137: {  	s16 =	sadd.s32 s15, s20  }
0x138: {  	[hbm4b:s16+s3] =	stream.linear.scatter [tilespmem:s11], [sflag:$0x2], $0x80, $0x38;
	[tilespmem:$0x1080] =	vst v63  }
0x139: {  	_ =	swait.ge [sflag:s13], $0x80  }
0x13a: {  	[sflag:s13] =	ssyncset.done $0x0  }
0x13b: {  	[sflag:s13] =	ssyncadd.s32 $0xFFFFFF80  }
0x13c: {  	_ =	swait.ge [sflag:s13], $0x80  }
0x13d: {  	[sflag:s13] =	ssyncset.done $0x0  }
0x13e: {  	[sflag:s13] =	ssyncadd.s32 $0xFFFFFF80  }
0x13f: {  	_ =	swait.ge [sflag:s13], $0x80  }
0x140: {  	[sflag:s13] =	ssyncset.done $0x0  }
0x141: {  	[sflag:s13] =	ssyncadd.s32 $0xFFFFFF80  }
0x142: {  	_ =	swait.ge [sflag:s13], $0x80  }
0x143: {  	[sflag:s13] =	ssyncset.done $0x0  }
0x144: {  	[sflag:s13] =	ssyncadd.s32 $0xFFFFFF80  }
0x145: {  	_ =	swait.ge [sflag:s13], $0x80  }
0x146: {  	[sflag:s13] =	ssyncset.done $0x0  }
0x147: {  	[sflag:s13] =	ssyncadd.s32 $0xFFFFFF80  }
0x148: {  	_ =	swait.ge [sflag:s13], $0x80  }
0x149: {  	[sflag:s13] =	ssyncset.done $0x0  }
0x14a: {  	[sflag:s13] =	ssyncadd.s32 $0xFFFFFF80  }
0x14b: {  	_ =	swait.ge [sflag:s13], $0x80  }
0x14c: {  	[sflag:s13] =	ssyncset.done $0x0  }
0x14d: {  	[sflag:s13] =	ssyncadd.s32 $0xFFFFFF80  }
0x14e: {  	_ =	swait.ge [sflag:s13], $0x80  }
0x14f: {  	[sflag:s13] =	ssyncset.done $0x0  }
0x150: {  	[sflag:s13] =	ssyncadd.s32 $0xFFFFFF80  }
0x151: {  	_ =	swait.ge [sflag:s13], $0x80  }
0x152: {  	[sflag:s13] =	ssyncset.done $0x0  }
0x153: {  	[sflag:s13] =	ssyncadd.s32 $0xFFFFFF80  }
0x154: {  	_ =	swait.ge [sflag:s13], $0x80  }
0x155: {  	[sflag:s13] =	ssyncset.done $0x0  }
0x156: {  	[sflag:s13] =	ssyncadd.s32 $0xFFFFFF80  }
0x157: {  	_ =	swait.ge [sflag:s13], $0x80  }
0x158: {  	[sflag:s13] =	ssyncset.done $0x0  }
0x159: {  	[sflag:s13] =	ssyncadd.s32 $0xFFFFFF80  }
0x15a: {  	_ =	swait.ge [sflag:s13], $0x80  }
0x15b: {  	[sflag:s13] =	ssyncset.done $0x0  }
0x15c: {  	[sflag:s13] =	ssyncadd.s32 $0xFFFFFF80  }
0x15d: {  	_ =	swait.ge [sflag:s13], $0x80  }
0x15e: {  	[sflag:s13] =	ssyncset.done $0x0  }
0x15f: {  	[sflag:s13] =	ssyncadd.s32 $0xFFFFFF80  }
0x160: {  	_ =	swait.ge [sflag:s13], $0x80  }
0x161: {  	[sflag:s13] =	ssyncset.done $0x0  }
0x162: {  	[sflag:s13] =	ssyncadd.s32 $0xFFFFFF80  }
0x163: {  	_ =	swait.ge [sflag:s13], $0x80  }
.Ltmp5:
0x164: {  	[sflag:s13] =	ssyncset.done $0x0;
	(pc) =	sbr.rel .LBB2_4-.Ltmp5, $4  }
0x165: {  	[sflag:s13] =	ssyncadd.s32 $0xFFFFFF80  }
0x166: {  	_ =	swait.ge [sflag:s13], $0x80  }
0x167: {  	[sflag:s13] =	ssyncset.done $0x0  }
0x168: {  	[sflag:s13] =	ssyncadd.s32 $0xFFFFFF80  }
.LBB2_6:
0x169: {  	_ =	sfence.sel $0x180000  }
0x16a: {  	[bflag:$0x0] =	sbarrier.arrive $0xFFFF  }
0x16b: {  	_ =	strace $0x90000047  }
0x16c: {  	s0 =	stileid.u32;
	[bflag:$0x2] =	sbarrier.arrive $0xFFFF  }
0x16d: {  	p0 =	sne.s32 s0, $0x0;
	s0 =	rddreg [dreg:$0x2]  }
0x16e: {  	s0 =	sadd.s32 @!p0 $0x100000, s0  }
0x16f: {  	[sflag:s0] =	ssyncadd.tile.s32 @!p0 $0x1;
	_ =	shalt  }
.Lfunc_end2:
_tile_overlayer_lowered:
.L_overlay_start_2:
0x170: {  	(tag) =	ssettag $0x2  }
0x171: {  	s0 =	rddreg [dreg:$0x0];
	s2 =	stileid.u32  }
0x172: {  	s1 =	rddreg [dreg:$0x1];
	p0 =	sne.s32 s2, $0x0  }
0x173: {  	s3 =	rddreg [dreg:$0x2];
	[bflag:$0x3] =	sbarrier.arrive $0xFFFF;
	s2 =	simm.s32 @!p0 $0x1C03  }
0x174: {  	[timem:s3], [sflag:s2] =	dma.local @!p0 [hbm:s0], s1  }
0x175: {  	s0 =	simm.s32 @!p0 $0x3  }
0x176: {  	_ =	swait.ge @!p0 [sflag:s0], s1  }
0x177: {  	s1 =	ssub.s32 @!p0 $0x0, s1;
	[sflag:s0] =	ssyncset.done @!p0 $0x0  }
0x178: {  	[sflag:s0] =	ssyncadd.s32 @!p0 s1  }
0x179: {  	[bflag:$0x3] =	sbarrier.arrive $0xFFFF  }
0x17a: {  	_ =	shalt  }

// kernel: kernel.9.cloned.1.call-start
scs
__scs_entry_jumppad:
0x0: {  	(pc) =	sbr.rel $0x88, $3  }
0x1: {  	(tag) =	ssettag $0x0;
	lr =	simm.s32 $0x1  }
0x2: {  	[smem:$0x3F9B] =	sst lr;
	_ =	strace $0xD0000000  }
0x3: {  	_ = 	snop  }
0x4: {  	_ = 	snop  }
0x5: {  	_ = 	snop  }
0x6: {  	_ = 	snop  }
0x7: {  	_ = 	snop  }
__scs_overlays_trampoline_lowered:
0x8: {  	[smem:$0x3FAA] =	sst s0  }
0x9: {  	[smem:$0x3FAB] =	sst s1  }
0xa: {  	[smem:$0x3FAC] =	sst s2  }
0xb: {  	[smem:$0x3FAD] =	sst s3  }
0xc: {  	[smem:$0x3FAE] =	sst s4  }
0xd: {  	[smem:$0x3FAF] =	sst s5  }
0xe: {  	[smem:$0x3FB0] =	sst s6  }
0xf: {  	[smem:$0x3FB1] =	sst s7  }
0x10: {  	[smem:$0x3FB2] =	sst s8  }
0x11: {  	[smem:$0x3FB3] =	sst s9;
	s0 =	simm.s32 @!p0 $0x0  }
0x12: {  	s1 =	sld [smem:$0x3F99];
	s0 =	simm.s32 @p0 $0x1  }
0x13: {  	[smem:$0x3FB4] =	sst s0;
	s0 =	simm.s32 @!p1 $0x0  }
0x14: {  	s2 =	sld [smem:$0x3F98];
	s0 =	simm.s32 @p1 $0x1  }
0x15: {  	[smem:$0x3FB5] =	sst s0;
	s0 =	simm.s32 @!p2 $0x0  }
0x16: {  	s3 =	sld [smem:$0x3FDB];
	s0 =	simm.s32 @p2 $0x1  }
0x17: {  	s4 =	simm.s32 $0x1BF5;
	[smem:$0x3FB7] =	sst s0  }
0x18: {  	s0 =	sld [smem:$0x3F9A];
	_ =	swait.ge [sflag:s4], $0x0  }
0x19: {  	s7 =	sld [smem:$0x3F9B]  }
0x1a: {  	s8 =	sadd.s32 $0xFFFFE003, lr  }
0x1b: {  	s9 =	sadd.s32 $0xFFFFFEF7, lr;
	s5 =	simm.s32 $0xFFFFFFFF;
	p2 =	slt.u32 s8, $0xFFFFF086  }
0x1c: {  	p1 =	slt.u32 s9, $0xF7A;
	s5 =	simm.s32 @!p2 $0x0  }
0x1d: {  	s5 =	simm.s32 @p1 $0x1;
	p0 =	seq.s32 s7, s2  }
0x1e: {  	s7 =	smul.u32 @!p0 $0xF7A, s2;
	p2 =	seq.s32 @!p0 s5, $0x0  }
0x1f: {  	s9 =	smul.u32 $0xF7A, s1;
	s8 =	simm.s32 @!p0 $0x1BF5;
	p2 =	por !p2, p0  }
0x20: {  	[sflag:s8] =	ssyncset.s32 @!p0 $0xFFFFF086;
	s6 =	sadd.s32 @!p0 s3, s7;
	s7 =	simm.s32 @!p0 $0x108  }
0x21: {  	s3 =	sadd.s32 s3, s9;
	s6 =	sadd.s32 @!p0 $0x88, s6;
	s7 =	simm.s32 @p2 $0x1082  }
0x22: {  	[simem:s7], [sflag:s8] =	dma.local @!p0 [hbm:s6], $0xF7A  }
0x23: {  	s9 =	sor.u32 $0xD0000000, s2;
	s6 =	simm.s32 $0x108;
	_ =	swait.ge @!p0 [sflag:s8], $0x0  }
0x24: {  	s3 =	sadd.s32 $0x88, s3;
	s6 =	simm.s32 @!p1 $0x1082;
	[sflag:s4] =	ssyncset.s32 $0xFFFFF086  }
0x25: {  	[simem:s6], [sflag:s4] =	dma.local [hbm:s3], $0xF7A  }
0x26: {  	[smem:$0x3F9B] =	sst s1;
	(tag) =	ssettag s2;
	_ =	strace s9  }
0x27: {  	s1 =	sld [smem:$0x3FAB]  }
0x28: {  	s2 =	sld [smem:$0x3FAC]  }
0x29: {  	s4 =	sld [smem:$0x3FAE]  }
0x2a: {  	p0 =	seq.s32 s5, $0x0;
	s5 =	sld [smem:$0x3FAF]  }
0x2b: {  	s6 =	sld [smem:$0x3FB0]  }
0x2c: {  	s7 =	sld [smem:$0x3FB1]  }
0x2d: {  	s3 =	simm.s32 $0x108;
	s8 =	sld [smem:$0x3FB2]  }
0x2e: {  	s3 =	simm.s32 @!p0 $0x1082;
	s9 =	sld [smem:$0x3FB3]  }
0x2f: {  	lr =	sadd.s32 s0, s3;
	s0 =	sld [smem:$0x3FAA]  }
0x30: {  	s3 =	sld [smem:$0x3FAD]  }
0x31: {  	[smem:$0x3FB6] =	sst s10  }
0x32: {  	s10 =	sld [smem:$0x3FB4];
	_ =	sdelay $0x3  }
0x33: {  	p0 =	seq.s32 s10, $0x1;
	s10 =	sld [smem:$0x3FB6];
	_ =	sdelay $0x3  }
0x34: {  	[smem:$0x3FB6] =	sst s10  }
0x35: {  	s10 =	sld [smem:$0x3FB5];
	_ =	sdelay $0x3  }
0x36: {  	p1 =	seq.s32 s10, $0x1;
	s10 =	sld [smem:$0x3FB6];
	_ =	sdelay $0x3  }
0x37: {  	[smem:$0x3FB6] =	sst s10  }
0x38: {  	s10 =	sld [smem:$0x3FB7]  }
0x39: {  	_ = 	snop;
	(pc) =	sbr.ind lr, $3  }
0x3a: {  	_ = 	snop  }
0x3b: {  	_ = 	snop  }
0x3c: {  	p2 =	seq.s32 s10, $0x1;
	s10 =	sld [smem:$0x3FB6]  }
0x3d: {  	_ =	shalt  }
0x3e: {  	_ =	shalt  }
0x3f: {  	_ =	shalt  }
0x40: {  	_ =	shalt  }
0x41: {  	_ =	shalt  }
0x42: {  	_ =	shalt  }
0x43: {  	_ =	shalt  }
0x44: {  	_ =	shalt  }
0x45: {  	_ =	shalt  }
0x46: {  	_ =	shalt  }
0x47: {  	_ =	shalt  }
0x48: {  	_ =	shalt  }
0x49: {  	_ =	shalt  }
0x4a: {  	_ =	shalt  }
0x4b: {  	_ =	shalt  }
0x4c: {  	_ =	shalt  }
0x4d: {  	_ =	shalt  }
0x4e: {  	_ =	shalt  }
0x4f: {  	_ =	shalt  }
0x50: {  	_ =	shalt  }
0x51: {  	_ =	shalt  }
0x52: {  	_ =	shalt  }
0x53: {  	_ =	shalt  }
0x54: {  	_ =	shalt  }
0x55: {  	_ =	shalt  }
0x56: {  	_ =	shalt  }
0x57: {  	_ =	shalt  }
0x58: {  	_ =	shalt  }
0x59: {  	_ =	shalt  }
0x5a: {  	_ =	shalt  }
0x5b: {  	_ =	shalt  }
0x5c: {  	_ =	shalt  }
0x5d: {  	_ =	shalt  }
0x5e: {  	_ =	shalt  }
0x5f: {  	_ =	shalt  }
0x60: {  	_ =	shalt  }
0x61: {  	_ =	shalt  }
0x62: {  	_ =	shalt  }
0x63: {  	_ =	shalt  }
0x64: {  	_ =	shalt  }
0x65: {  	_ =	shalt  }
0x66: {  	_ =	shalt  }
0x67: {  	_ =	shalt  }
0x68: {  	_ =	shalt  }
0x69: {  	_ =	shalt  }
0x6a: {  	_ =	shalt  }
0x6b: {  	_ =	shalt  }
0x6c: {  	_ =	shalt  }
0x6d: {  	_ =	shalt  }
0x6e: {  	_ =	shalt  }
0x6f: {  	_ =	shalt  }
0x70: {  	_ =	shalt  }
0x71: {  	_ =	shalt  }
0x72: {  	_ =	shalt  }
0x73: {  	_ =	shalt  }
0x74: {  	_ =	shalt  }
0x75: {  	_ =	shalt  }
0x76: {  	_ =	shalt  }
0x77: {  	_ =	shalt  }
0x78: {  	_ =	shalt  }
0x79: {  	_ =	shalt  }
0x7a: {  	_ =	shalt  }
0x7b: {  	_ =	shalt  }
0x7c: {  	_ =	shalt  }
0x7d: {  	_ =	shalt  }
0x7e: {  	_ =	shalt  }
0x7f: {  	_ =	shalt  }
0x80: {  	_ =	shalt  }
0x81: {  	_ =	shalt  }
0x82: {  	_ =	shalt  }
0x83: {  	_ =	shalt  }
0x84: {  	_ =	shalt  }
0x85: {  	_ =	shalt  }
0x86: {  	_ =	shalt  }
0x87: {  	_ =	shalt  }
.Lfunc_end0:
.L_simem_size_0:
called_computation.1_lowered:
.L_overlay_start_0:
0x88: {  	s0 =	sld [smem:$0x3FD9]  }
0x89: {  	s1 =	sld [smem:$0x3FFE];
	_ =	sdelay $0x3  }
0x8a: {  	s0 =	sadd.s32 s1, s0  }
0x8b: {  	[smem:$0x3FC2] =	sst s0  }
0x8c: {  	_ = 	snop  }
0x8d: {  	(tm) =	ssettm $0x1  }
0x8e: {  	s15 =	sld [smem:$0x3FFB];
	_ =	sdelay $0x3  }
0x8f: {  	_ =	strace s15  }
0x90: {  	s0 =	sld [smem:$0x3FFC];
	_ =	sdelay $0x3  }
0x91: {  	_ =	strace s0  }
0x92: {  	s0 =	sld [smem:$0x3FFD];
	_ =	sdelay $0x3  }
0x93: {  	_ =	strace s0  }
0x94: {  	_ =	strace $0x8FFFFFFF  }
0x95: {  	s16 =	sld [smem:$0x3FDB];
	_ =	sdelay $0x1  }
0x96: {  	s17 =	simm.s32 $_scs_section_size  }
0x97: {  	s2 =	simm.s32 $_size__tile_overlayer_lowered;
	s3 =	simm.s32 $_tile_overlayer_lowered  }
0x98: {  	s20 =	simm.s32 $0x1BFF;
	s19 =	sshll.u32 s3, $0x1;
	s0 =	sadd.s32 s17, s16  }
0x99: {  	s4 =	simm.s32 $0x0;
	s18 =	sshll.u32 s2, $0x1;
	s2 =	sadd.s32 s19, s0  }
0x9a: {  	[timem:s4], [sflag:s20] =	dma.local [hbm:s2], s18  }
0x9b: {  	_ =	swait.ge [sflag:s20], s18  }
0x9c: {  	s1 =	ssub.s32 $0x0, s18;
	[sflag:s20] =	ssyncset.done $0x0  }
0x9d: {  	[sflag:s20] =	ssyncadd.s32 s1;
	_ =	sdelay $0x1  }
0x9e: {  	s21 =	simm.s32 $0x1B8B  }
0x9f: {  	_ =	swait.ge [sflag:s21], $0x1  }
0xa0: {  	[sflag:s21] =	ssyncset.done $0x0  }
0xa1: {  	s23 =	simm.s32 $0x1B8E;
	s22 =	sld [smem:$0x3FFE];
	[sflag:s21] =	ssyncadd.s32 $0xFFFFFFFF  }
0xa2: {  	s24 =	simm.s32 $execute0_lowered;
	[smem:$0x3FD2] =	sst s23  }
0xa3: {  	s2 =	sshll.u32 s24, $0x1;
	_ =	strace $0x80000049;
	[dreg:$0x1] =	wrdreg $0xFFFFFFFF  }
0xa4: {  	s25 =	simm.s32 $_size_execute0_lowered;
	s0 =	sadd.s32 s0, s2;
	[dreg:$0x0] =	wrdreg $0x0  }
0xa5: {  	s2 =	sshll.u32 s25, $0x1;
	[dreg:$0x2] =	wrdreg s0  }
0xa6: {  	[dreg:$0x3] =	wrdreg s2  }
0xa7: {  	[dreg:$0x4] =	wrdreg $0xC0  }
0xa8: {  	_ =	task [dreg:s4], $0x5FFFF  }
0xa9: {  	[dreg:$0x1] =	wrdreg $0xFFFFFFFF  }
0xaa: {  	[dreg:$0x0] =	wrdreg $0x60  }
0xab: {  	[dreg:$0x2] =	wrdreg s22  }
0xac: {  	[dreg:$0x3] =	wrdreg $0x5F800  }
0xad: {  	[dreg:$0x4] =	wrdreg $0x9  }
0xae: {  	_ =	task.clear_ibuf [dreg:s4], $0x5FFFF;
	_ =	strace $0x90000049  }
0xaf: {  	s26 =	simm.s32 $0x9;
	_ =	strace $0x8000004B  }
0xb0: {  	_ =	swait.ge [sflag:s26], $0x1  }
0xb1: {  	[sflag:s26] =	ssyncadd.s32 $0xFFFFFFFF  }
0xb2: {  	_ =	strace $0x9000004B  }
0xb3: {  	_ =	sfence  }
0xb4: {  	s28 =	sld [smem:$0x0];
	_ =	sdelay $0x1  }
0xb5: {  	s29 =	srdreg.scid  }
0xb6: {  	s30 =	sshll.u32 s29, $0xD;
	s31 =	sshrl.u32 s29, $0x2  }
0xb7: {  	s1 =	sand.u32 $0x1, s29;
	s2 =	sand.u32 $0x4000, s30;
	s0 =	sadd.s32 s31, s28  }
0xb8: {  	s1 =	sor.u32 s2, s1;
	s0 =	sshll.u32 s0, $0x11  }
0xb9: {  	s0 =	sor.u32 s0, s1  }
0xba: {  	s0 =	sadd.s32 $0x8F2B, s0  }
0xbb: {  	[sflag:s0] =	ssyncadd.remote.s32 $0x1  }
0xbc: {  	_ =	sfence.sel $0xFFFF  }
0xbd: {  	[dreg:$0x0] =	wrdreg $0xFFFFFFFF;
	(pc) =	sbr.abs _section_cstart, $3  }
0xbe: {  	[dreg:$0x1] =	wrdreg $0xFFFFFFFF  }
0xbf: {  	_ =	task.clear_ibuf [dreg:s4], $0x2FFFF;
	_ =	strace $0x9FFFFFFF  }
0xc0: {  	(tm) =	ssettm $0x7FFFFFFF  }
0xc1: {  	_ =	shalt  }
tec
execute0_lowered:
.L_overlay_start_1:
0x0: {  	(tag) =	ssettag $0x1  }
0x1: {  	s2 =	rddreg [dreg:$0x0]  }
0x2: {  	s4 =	rddreg [dreg:$0x1];
	s0 =	simm.s32 $0x0  }
0x3: {  	s5 =	stileid.u32;
	[smem:$0x7FF] =	sst s0  }
0x4: {  	s0 =	sadd.s32 $0xB000, s2;
	s1 =	sadd.s32 $0x6000, s2;
	s3 =	sadd.s32 $0x59200, s2  }
0x5: {  	s2 =	sadd.s32 $0x1000, s2;
	_ =	strace $0x8000004A;
	[dreg:$0x4] =	wrdreg s3  }
0x6: {  	v0 =	vimm.f32 $0.0e+00;
	[dreg:$0x3] =	wrdreg s2;
	s2 =	simm.s32 $0x40;
	s3 =	simm.s32 $0x0  }
.LBB2_1:
0x7: {  	p0 =	sne.s32 s2, $0x9C00;
	[tilespmem:s3+$0x1080] =	vst v0;
	s3 =	smov.u32 s2;
	s2 =	sadd.s32 $0x40, s2  }
.Ltmp0:
0x8: {  	(pc) =	sbr.rel @p0 .LBB2_1-.Ltmp0, $2  }
0x9: {  	_ =	sdelay $0x2  }
0xa: {  	s3 =	sshra.s32 s3, $0x2  }
0xb: {  	s2 =	smul.u32 $0x2710, s5;
	s25 =	simm.s32 $0x1080;
	s7 =	simm.s32 $0x3  }
0xc: {  	s26 =	sshll.u32 s5, $0x4;
	s10 =	simm.s32 $0x0;
	s11 =	simm.s32 $0x880  }
0xd: {  	s12 =	simm.s32 $0x900;
	s13 =	simm.s32 $0x980;
	s14 =	simm.s32 $0xA00  }
0xe: {  	s15 =	simm.s32 $0xA80;
	s16 =	simm.s32 $0xB00;
	s17 =	simm.s32 $0xB80  }
0xf: {  	s18 =	simm.s32 $0xC00;
	s19 =	simm.s32 $0xC80;
	s20 =	simm.s32 $0xD00  }
0x10: {  	s21 =	simm.s32 $0xD80;
	s22 =	simm.s32 $0xE00;
	s23 =	simm.s32 $0xE80  }
0x11: {  	s28 =	simm.s32 $0x1;
	[dreg:$0x5] =	wrdreg s2;
	s24 =	sadd.s32 s2, s4  }
0x12: {  	[tilespmem:s3+$0x1080] =	vst v0;
	s29 =	simm.s32 $0x80;
	s3 =	simm.s32 $0x780;
	[dreg:$0x6] =	wrdreg s24  }
0x13: {  	[spmem:s24] =	stream.linear.scatter [tilespmem:s25], [sflag:$0x3], $0x2710, $0x38;
	[tilespmem:$0x8690] =	vst v63  }
.Ltmp1:
0x14: {  	s5 =	simm.s32 $0x800;
	_ =	swait.ge [sflag:s7], $0x2710;
	(pc) =	sbr.rel .LBB2_3-.Ltmp1, $4  }
0x15: {  	s6 =	simm.s32 $0x2;
	s30 =	stileid.u32;
	[sflag:s7] =	ssyncset.done $0x0  }
0x16: {  	s31 =	simm.s32 $0x0;
	s8 =	sadd.s32 s26, s0;
	[sflag:s7] =	ssyncadd.s32 $0xFFFFD8F0  }
0x17: {  	s9 =	sadd.s32 s26, s1;
	s26 =	simm.s32 $0x1000;
	[bflag:$0x0] =	sbarrier.arrive $0xFFFF  }
0x18: {  	s2 =	simm.s32 $0x700;
	s24 =	simm.s32 $0xF00;
	s25 =	simm.s32 $0xF80  }
.LBB2_5:
0x19: {  	s31 =	sadd.s32 $0x100, s31  }
0x1a: {  	p0 =	sne.s32 s31, $0x4F00  }
.Ltmp2:
0x1b: {  	_ = 	snop;
	(pc) =	sbr.rel @!p0 .LBB2_6-.Ltmp2, $2  }
0x1c: {  	_ =	sdelay $0x2  }
0x1d: {  	s30 =	sadd.s32 $0x10, s30  }
.LBB2_3:
0x1e: {  	p0 =	sgt.u32 s30, $0x4E1  }
.Ltmp3:
0x1f: {  	_ = 	snop;
	(pc) =	sbr.rel @p0 .LBB2_5-.Ltmp3, $1  }
0x20: {  	_ =	sdelay $0x3  }
0x21: {  	s0 =	sadd.s32 s31, s8  }
0x22: {  	[tilespmem:s11], [sflag:$0x1] =	stream.linear.gather [hbm4b:s0+s10], $0x80, $0x38;
	[tilespmem:$0x8690] =	vst v63  }
0x23: {  	s1 =	sadd.s32 $0x4E20, s0  }
0x24: {  	[tilespmem:s12], [sflag:$0x1] =	stream.linear.gather [hbm4b:s1+s10], $0x80, $0x38;
	[tilespmem:$0x8690] =	vst v63  }
0x25: {  	s1 =	sadd.s32 $0x9C40, s0  }
0x26: {  	[tilespmem:s13], [sflag:$0x1] =	stream.linear.gather [hbm4b:s1+s10], $0x80, $0x38;
	[tilespmem:$0x8690] =	vst v63  }
0x27: {  	s1 =	sadd.s32 $0xEA60, s0  }
0x28: {  	[tilespmem:s14], [sflag:$0x1] =	stream.linear.gather [hbm4b:s1+s10], $0x80, $0x38;
	[tilespmem:$0x8690] =	vst v63  }
0x29: {  	s1 =	sadd.s32 $0x13880, s0  }
0x2a: {  	[tilespmem:s15], [sflag:$0x1] =	stream.linear.gather [hbm4b:s1+s10], $0x80, $0x38;
	[tilespmem:$0x8690] =	vst v63  }
0x2b: {  	s1 =	sadd.s32 $0x186A0, s0  }
0x2c: {  	[tilespmem:s16], [sflag:$0x1] =	stream.linear.gather [hbm4b:s1+s10], $0x80, $0x38;
	[tilespmem:$0x8690] =	vst v63  }
0x2d: {  	s1 =	sadd.s32 $0x1D4C0, s0  }
0x2e: {  	[tilespmem:s17], [sflag:$0x1] =	stream.linear.gather [hbm4b:s1+s10], $0x80, $0x38;
	[tilespmem:$0x8690] =	vst v63  }
0x2f: {  	s1 =	sadd.s32 $0x222E0, s0  }
0x30: {  	[tilespmem:s18], [sflag:$0x1] =	stream.linear.gather [hbm4b:s1+s10], $0x80, $0x38;
	[tilespmem:$0x8690] =	vst v63  }
0x31: {  	s1 =	sadd.s32 $0x27100, s0  }
0x32: {  	[tilespmem:s19], [sflag:$0x1] =	stream.linear.gather [hbm4b:s1+s10], $0x80, $0x38;
	[tilespmem:$0x8690] =	vst v63  }
0x33: {  	s1 =	sadd.s32 $0x2BF20, s0  }
0x34: {  	[tilespmem:s20], [sflag:$0x1] =	stream.linear.gather [hbm4b:s1+s10], $0x80, $0x38;
	[tilespmem:$0x8690] =	vst v63  }
0x35: {  	s1 =	sadd.s32 $0x30D40, s0  }
0x36: {  	[tilespmem:s21], [sflag:$0x1] =	stream.linear.gather [hbm4b:s1+s10], $0x80, $0x38;
	[tilespmem:$0x8690] =	vst v63  }
0x37: {  	s1 =	sadd.s32 $0x35B60, s0  }
0x38: {  	[tilespmem:s22], [sflag:$0x1] =	stream.linear.gather [hbm4b:s1+s10], $0x80, $0x38;
	[tilespmem:$0x8690] =	vst v63  }
0x39: {  	s1 =	sadd.s32 $0x3A980, s0  }
0x3a: {  	[tilespmem:s23], [sflag:$0x1] =	stream.linear.gather [hbm4b:s1+s10], $0x80, $0x38;
	[tilespmem:$0x8690] =	vst v63  }
0x3b: {  	s1 =	sadd.s32 $0x3F7A0, s0  }
0x3c: {  	[tilespmem:s24], [sflag:$0x1] =	stream.linear.gather [hbm4b:s1+s10], $0x80, $0x38;
	[tilespmem:$0x8690] =	vst v63  }
0x3d: {  	s1 =	sadd.s32 $0x445C0, s0  }
0x3e: {  	[tilespmem:s25], [sflag:$0x1] =	stream.linear.gather [hbm4b:s1+s10], $0x80, $0x38;
	[tilespmem:$0x8690] =	vst v63  }
0x3f: {  	s0 =	sadd.s32 $0x493E0, s0  }
0x40: {  	[tilespmem:s26], [sflag:$0x1] =	stream.linear.gather [hbm4b:s0+s10], $0x80, $0x38;
	[tilespmem:$0x8690] =	vst v63  }
0x41: {  	s1 =	sadd.s32 s31, s9  }
0x42: {  	[tilespmem:s10], [sflag:$0x3] =	stream.linear.gather [hbm4b:s1+s10], $0x80, $0x38;
	[tilespmem:$0x8690] =	vst v63  }
0x43: {  	_ =	swait.ge [sflag:s7], $0x80  }
0x44: {  	[sflag:s7] =	ssyncset.done $0x0  }
0x45: {  	[sflag:s7] =	ssyncadd.s32 $0xFFFFFF80  }
0x46: {  	v0 =	vld [tilespmem:$0x0]  }
0x47: {  	v2 =	vld [tilespmem:$0x10]  }
0x48: {  	v25 =	vld [tilespmem:$0x20]  }
0x49: {  	v41 =	vld [tilespmem:$0x30]  }
0x4a: {  	v57 =	vld [tilespmem:$0x40]  }
0x4b: {  	[tilespmem:$0x80] =	vst v0  }
0x4c: {  	[tilespmem:$0x90] =	vst v2  }
0x4d: {  	[tilespmem:$0xA0] =	vst v25  }
0x4e: {  	[tilespmem:$0xB0] =	vst v41  }
0x4f: {  	v1 =	vadd.s32 $0x2710, v0;
	[tilespmem:$0xC0] =	vst v57  }
0x50: {  	v60 =	vadd.s32 $0x4E20, v0;
	[tilespmem:$0x100] =	vst v1  }
0x51: {  	v61 =	vadd.s32 $0x7530, v0;
	[tilespmem:$0x180] =	vst v60  }
0x52: {  	v62 =	vadd.s32 $0x9C40, v0;
	[tilespmem:$0x200] =	vst v61  }
0x53: {  	v63 =	vadd.s32 $0xC350, v0;
	[tilespmem:$0x280] =	vst v62  }
0x54: {  	v4 =	vadd.s32 $0xEA60, v0;
	[tilespmem:$0x300] =	vst v63  }
0x55: {  	v5 =	vadd.s32 $0x11170, v0;
	[tilespmem:$0x380] =	vst v4  }
0x56: {  	v6 =	vadd.s32 $0x13880, v0;
	[tilespmem:$0x400] =	vst v5  }
0x57: {  	v7 =	vadd.s32 $0x15F90, v0;
	[tilespmem:$0x480] =	vst v6  }
0x58: {  	v8 =	vadd.s32 $0x186A0, v0;
	[tilespmem:$0x500] =	vst v7  }
0x59: {  	v9 =	vadd.s32 $0x1ADB0, v0;
	[tilespmem:$0x580] =	vst v8  }
0x5a: {  	v10 =	vadd.s32 $0x1D4C0, v0;
	[tilespmem:$0x600] =	vst v9  }
0x5b: {  	v11 =	vadd.s32 $0x1FBD0, v0;
	[tilespmem:$0x680] =	vst v10  }
0x5c: {  	v12 =	vadd.s32 $0x222E0, v0;
	[tilespmem:$0x700] =	vst v11  }
0x5d: {  	v0 =	vadd.s32 $0x249F0, v0;
	[tilespmem:$0x780] =	vst v12  }
0x5e: {  	v13 =	vadd.s32 $0x2710, v2;
	[tilespmem:$0x800] =	vst v0  }
0x5f: {  	v14 =	vadd.s32 $0x4E20, v2;
	[tilespmem:$0x110] =	vst v13  }
0x60: {  	v15 =	vadd.s32 $0x7530, v2;
	[tilespmem:$0x190] =	vst v14  }
0x61: {  	v16 =	vadd.s32 $0x9C40, v2;
	[tilespmem:$0x210] =	vst v15  }
0x62: {  	v17 =	vadd.s32 $0xC350, v2;
	[tilespmem:$0x290] =	vst v16  }
0x63: {  	v18 =	vadd.s32 $0xEA60, v2;
	[tilespmem:$0x310] =	vst v17  }
0x64: {  	v19 =	vadd.s32 $0x11170, v2;
	[tilespmem:$0x390] =	vst v18  }
0x65: {  	v20 =	vadd.s32 $0x13880, v2;
	[tilespmem:$0x410] =	vst v19  }
0x66: {  	v21 =	vadd.s32 $0x15F90, v2;
	[tilespmem:$0x490] =	vst v20  }
0x67: {  	v22 =	vadd.s32 $0x186A0, v2;
	[tilespmem:$0x510] =	vst v21  }
0x68: {  	v23 =	vadd.s32 $0x1ADB0, v2;
	[tilespmem:$0x590] =	vst v22  }
0x69: {  	v24 =	vadd.s32 $0x1D4C0, v2;
	[tilespmem:$0x610] =	vst v23  }
0x6a: {  	v26 =	vadd.s32 $0x1FBD0, v2;
	[tilespmem:$0x690] =	vst v24  }
0x6b: {  	v27 =	vadd.s32 $0x222E0, v2;
	[tilespmem:$0x710] =	vst v26  }
0x6c: {  	v28 =	vadd.s32 $0x249F0, v2;
	[tilespmem:$0x790] =	vst v27  }
0x6d: {  	v29 =	vadd.s32 $0x2710, v25;
	[tilespmem:$0x810] =	vst v28  }
0x6e: {  	v30 =	vadd.s32 $0x4E20, v25;
	[tilespmem:$0x120] =	vst v29  }
0x6f: {  	v31 =	vadd.s32 $0x7530, v25;
	[tilespmem:$0x1A0] =	vst v30  }
0x70: {  	v32 =	vadd.s32 $0x9C40, v25;
	[tilespmem:$0x220] =	vst v31  }
0x71: {  	v33 =	vadd.s32 $0xC350, v25;
	[tilespmem:$0x2A0] =	vst v32  }
0x72: {  	v34 =	vadd.s32 $0xEA60, v25;
	[tilespmem:$0x320] =	vst v33  }
0x73: {  	v35 =	vadd.s32 $0x11170, v25;
	[tilespmem:$0x3A0] =	vst v34  }
0x74: {  	v36 =	vadd.s32 $0x13880, v25;
	[tilespmem:$0x420] =	vst v35  }
0x75: {  	v37 =	vadd.s32 $0x15F90, v25;
	[tilespmem:$0x4A0] =	vst v36  }
0x76: {  	v38 =	vadd.s32 $0x186A0, v25;
	[tilespmem:$0x520] =	vst v37  }
0x77: {  	v39 =	vadd.s32 $0x1ADB0, v25;
	[tilespmem:$0x5A0] =	vst v38  }
0x78: {  	v40 =	vadd.s32 $0x1D4C0, v25;
	[tilespmem:$0x620] =	vst v39  }
0x79: {  	v42 =	vadd.s32 $0x1FBD0, v25;
	[tilespmem:$0x6A0] =	vst v40  }
0x7a: {  	v43 =	vadd.s32 $0x222E0, v25;
	[tilespmem:$0x720] =	vst v42  }
0x7b: {  	v44 =	vadd.s32 $0x249F0, v25;
	[tilespmem:$0x7A0] =	vst v43  }
0x7c: {  	v45 =	vadd.s32 $0x2710, v41;
	[tilespmem:$0x820] =	vst v44  }
0x7d: {  	v46 =	vadd.s32 $0x4E20, v41;
	[tilespmem:$0x130] =	vst v45  }
0x7e: {  	v47 =	vadd.s32 $0x7530, v41;
	[tilespmem:$0x1B0] =	vst v46  }
0x7f: {  	v48 =	vadd.s32 $0x9C40, v41;
	[tilespmem:$0x230] =	vst v47  }
0x80: {  	v49 =	vadd.s32 $0xC350, v41;
	[tilespmem:$0x2B0] =	vst v48  }
0x81: {  	v50 =	vadd.s32 $0xEA60, v41;
	[tilespmem:$0x330] =	vst v49  }
0x82: {  	v51 =	vadd.s32 $0x11170, v41;
	[tilespmem:$0x3B0] =	vst v50  }
0x83: {  	v52 =	vadd.s32 $0x13880, v41;
	[tilespmem:$0x430] =	vst v51  }
0x84: {  	v53 =	vadd.s32 $0x15F90, v41;
	[tilespmem:$0x4B0] =	vst v52  }
0x85: {  	v54 =	vadd.s32 $0x186A0, v41;
	[tilespmem:$0x530] =	vst v53  }
0x86: {  	v55 =	vadd.s32 $0x1ADB0, v41;
	[tilespmem:$0x5B0] =	vst v54  }
0x87: {  	v56 =	vadd.s32 $0x1D4C0, v41;
	[tilespmem:$0x630] =	vst v55  }
0x88: {  	v58 =	vadd.s32 $0x1FBD0, v41;
	[tilespmem:$0x6B0] =	vst v56  }
0x89: {  	v59 =	vadd.s32 $0x222E0, v41;
	[tilespmem:$0x730] =	vst v58  }
0x8a: {  	[tilespmem:$0x7B0] =	vst v59;
	v60 =	vadd.s32 $0x249F0, v41  }
0x8b: {  	v61 =	vadd.s32 $0x2710, v57;
	[tilespmem:$0x830] =	vst v60  }
0x8c: {  	v62 =	vadd.s32 $0x4E20, v57;
	[tilespmem:$0x140] =	vst v61  }
0x8d: {  	v63 =	vadd.s32 $0x7530, v57;
	[tilespmem:$0x1C0] =	vst v62  }
0x8e: {  	v4 =	vadd.s32 $0x9C40, v57;
	[tilespmem:$0x240] =	vst v63  }
0x8f: {  	v5 =	vadd.s32 $0xC350, v57;
	[tilespmem:$0x2C0] =	vst v4  }
0x90: {  	v6 =	vadd.s32 $0xEA60, v57;
	[tilespmem:$0x340] =	vst v5  }
0x91: {  	v7 =	vadd.s32 $0x11170, v57;
	[tilespmem:$0x3C0] =	vst v6  }
0x92: {  	v8 =	vadd.s32 $0x13880, v57;
	[tilespmem:$0x440] =	vst v7  }
0x93: {  	v9 =	vadd.s32 $0x15F90, v57;
	[tilespmem:$0x4C0] =	vst v8  }
0x94: {  	v10 =	vadd.s32 $0x186A0, v57;
	[tilespmem:$0x540] =	vst v9  }
0x95: {  	v11 =	vadd.s32 $0x1ADB0, v57;
	[tilespmem:$0x5C0] =	vst v10  }
0x96: {  	v12 =	vadd.s32 $0x1D4C0, v57;
	v13 =	vld [tilespmem:$0x50];
	[tilespmem:$0x640] =	vst v11  }
0x97: {  	v14 =	vadd.s32 $0x1FBD0, v57;
	v28 =	vld [tilespmem:$0x60];
	[tilespmem:$0x6C0] =	vst v12  }
0x98: {  	v15 =	vadd.s32 $0x222E0, v57;
	v46 =	vld [tilespmem:$0x70];
	[tilespmem:$0x740] =	vst v14  }
0x99: {  	v16 =	vadd.s32 $0x249F0, v57;
	[tilespmem:$0x7C0] =	vst v15  }
0x9a: {  	[tilespmem:$0x840] =	vst v16  }
0x9b: {  	[tilespmem:$0xD0] =	vst v13  }
0x9c: {  	[tilespmem:$0xE0] =	vst v28  }
0x9d: {  	v17 =	vadd.s32 $0x2710, v13;
	[tilespmem:$0xF0] =	vst v46  }
0x9e: {  	v18 =	vadd.s32 $0x4E20, v13;
	[tilespmem:$0x150] =	vst v17  }
0x9f: {  	v19 =	vadd.s32 $0x7530, v13;
	[tilespmem:$0x1D0] =	vst v18  }
0xa0: {  	v20 =	vadd.s32 $0x9C40, v13;
	[tilespmem:$0x250] =	vst v19  }
0xa1: {  	v21 =	vadd.s32 $0xC350, v13;
	[tilespmem:$0x2D0] =	vst v20  }
0xa2: {  	v22 =	vadd.s32 $0xEA60, v13;
	[tilespmem:$0x350] =	vst v21  }
0xa3: {  	v23 =	vadd.s32 $0x11170, v13;
	[tilespmem:$0x3D0] =	vst v22  }
0xa4: {  	v24 =	vadd.s32 $0x13880, v13;
	[tilespmem:$0x450] =	vst v23  }
0xa5: {  	v25 =	vadd.s32 $0x15F90, v13;
	[tilespmem:$0x4D0] =	vst v24  }
0xa6: {  	v26 =	vadd.s32 $0x186A0, v13;
	[tilespmem:$0x550] =	vst v25  }
0xa7: {  	v27 =	vadd.s32 $0x1ADB0, v13;
	[tilespmem:$0x5D0] =	vst v26  }
0xa8: {  	v29 =	vadd.s32 $0x1D4C0, v13;
	[tilespmem:$0x650] =	vst v27  }
0xa9: {  	v30 =	vadd.s32 $0x1FBD0, v13;
	[tilespmem:$0x6D0] =	vst v29  }
0xaa: {  	v31 =	vadd.s32 $0x222E0, v13;
	[tilespmem:$0x750] =	vst v30  }
0xab: {  	v32 =	vadd.s32 $0x249F0, v13;
	[tilespmem:$0x7D0] =	vst v31  }
0xac: {  	v33 =	vadd.s32 $0x2710, v28;
	[tilespmem:$0x850] =	vst v32  }
0xad: {  	v34 =	vadd.s32 $0x4E20, v28;
	[tilespmem:$0x160] =	vst v33  }
0xae: {  	v35 =	vadd.s32 $0x7530, v28;
	[tilespmem:$0x1E0] =	vst v34  }
0xaf: {  	v36 =	vadd.s32 $0x9C40, v28;
	[tilespmem:$0x260] =	vst v35  }
0xb0: {  	v37 =	vadd.s32 $0xC350, v28;
	[tilespmem:$0x2E0] =	vst v36  }
0xb1: {  	v38 =	vadd.s32 $0xEA60, v28;
	[tilespmem:$0x360] =	vst v37  }
0xb2: {  	v39 =	vadd.s32 $0x11170, v28;
	[tilespmem:$0x3E0] =	vst v38  }
0xb3: {  	v40 =	vadd.s32 $0x13880, v28;
	[tilespmem:$0x460] =	vst v39  }
0xb4: {  	v41 =	vadd.s32 $0x15F90, v28;
	[tilespmem:$0x4E0] =	vst v40  }
0xb5: {  	v42 =	vadd.s32 $0x186A0, v28;
	[tilespmem:$0x560] =	vst v41  }
0xb6: {  	v43 =	vadd.s32 $0x1ADB0, v28;
	[tilespmem:$0x5E0] =	vst v42  }
0xb7: {  	v44 =	vadd.s32 $0x1D4C0, v28;
	[tilespmem:$0x660] =	vst v43  }
0xb8: {  	v45 =	vadd.s32 $0x1FBD0, v28;
	[tilespmem:$0x6E0] =	vst v44  }
0xb9: {  	v47 =	vadd.s32 $0x222E0, v28;
	[tilespmem:$0x760] =	vst v45  }
0xba: {  	v48 =	vadd.s32 $0x249F0, v28;
	[tilespmem:$0x7E0] =	vst v47  }
0xbb: {  	v49 =	vadd.s32 $0x2710, v46;
	[tilespmem:$0x860] =	vst v48  }
0xbc: {  	v50 =	vadd.s32 $0x4E20, v46;
	[tilespmem:$0x170] =	vst v49  }
0xbd: {  	v51 =	vadd.s32 $0x7530, v46;
	[tilespmem:$0x1F0] =	vst v50  }
0xbe: {  	v52 =	vadd.s32 $0x9C40, v46;
	[tilespmem:$0x270] =	vst v51  }
0xbf: {  	v53 =	vadd.s32 $0xC350, v46;
	[tilespmem:$0x2F0] =	vst v52  }
0xc0: {  	v54 =	vadd.s32 $0xEA60, v46;
	[tilespmem:$0x370] =	vst v53  }
0xc1: {  	v55 =	vadd.s32 $0x11170, v46;
	[tilespmem:$0x3F0] =	vst v54  }
0xc2: {  	v56 =	vadd.s32 $0x13880, v46;
	[tilespmem:$0x470] =	vst v55  }
0xc3: {  	v57 =	vadd.s32 $0x15F90, v46;
	[tilespmem:$0x4F0] =	vst v56  }
0xc4: {  	v58 =	vadd.s32 $0x186A0, v46;
	[tilespmem:$0x570] =	vst v57  }
0xc5: {  	v59 =	vadd.s32 $0x1ADB0, v46;
	[tilespmem:$0x5F0] =	vst v58  }
0xc6: {  	v60 =	vadd.s32 $0x1D4C0, v46;
	[tilespmem:$0x670] =	vst v59  }
0xc7: {  	v61 =	vadd.s32 $0x1FBD0, v46;
	[tilespmem:$0x6F0] =	vst v60  }
0xc8: {  	v62 =	vadd.s32 $0x222E0, v46;
	[tilespmem:$0x770] =	vst v61  }
0xc9: {  	v63 =	vadd.s32 $0x249F0, v46;
	[tilespmem:$0x7F0] =	vst v62  }
0xca: {  	[tilespmem:$0x870] =	vst v63  }
0xcb: {  	_ =	swait.ge [sflag:s28], $0x80  }
0xcc: {  	[sflag:s28] =	ssyncset.done $0x0  }
0xcd: {  	[sflag:s28] =	ssyncadd.s32 $0xFFFFFF80  }
0xce: {  	_ =	swait.ge [sflag:s28], $0x80  }
0xcf: {  	[sflag:s28] =	ssyncset.done $0x0  }
0xd0: {  	[sflag:s28] =	ssyncadd.s32 $0xFFFFFF80  }
0xd1: {  	_ =	swait.ge [sflag:s28], $0x80  }
0xd2: {  	[sflag:s28] =	ssyncset.done $0x0  }
0xd3: {  	[sflag:s28] =	ssyncadd.s32 $0xFFFFFF80  }
0xd4: {  	_ =	swait.ge [sflag:s28], $0x80  }
0xd5: {  	[sflag:s28] =	ssyncset.done $0x0  }
0xd6: {  	[sflag:s28] =	ssyncadd.s32 $0xFFFFFF80  }
0xd7: {  	_ =	swait.ge [sflag:s28], $0x80  }
0xd8: {  	[sflag:s28] =	ssyncset.done $0x0  }
0xd9: {  	[sflag:s28] =	ssyncadd.s32 $0xFFFFFF80  }
0xda: {  	_ =	swait.ge [sflag:s28], $0x80  }
0xdb: {  	[sflag:s28] =	ssyncset.done $0x0  }
0xdc: {  	[sflag:s28] =	ssyncadd.s32 $0xFFFFFF80  }
0xdd: {  	_ =	swait.ge [sflag:s28], $0x80  }
0xde: {  	[sflag:s28] =	ssyncset.done $0x0  }
0xdf: {  	[sflag:s28] =	ssyncadd.s32 $0xFFFFFF80  }
0xe0: {  	_ =	swait.ge [sflag:s28], $0x80  }
0xe1: {  	[sflag:s28] =	ssyncset.done $0x0  }
0xe2: {  	[sflag:s28] =	ssyncadd.s32 $0xFFFFFF80  }
0xe3: {  	_ =	swait.ge [sflag:s28], $0x80  }
0xe4: {  	[sflag:s28] =	ssyncset.done $0x0  }
0xe5: {  	[sflag:s28] =	ssyncadd.s32 $0xFFFFFF80  }
0xe6: {  	_ =	swait.ge [sflag:s28], $0x80  }
0xe7: {  	[sflag:s28] =	ssyncset.done $0x0  }
0xe8: {  	[sflag:s28] =	ssyncadd.s32 $0xFFFFFF80  }
0xe9: {  	_ =	swait.ge [sflag:s28], $0x80  }
0xea: {  	[sflag:s28] =	ssyncset.done $0x0  }
0xeb: {  	[sflag:s28] =	ssyncadd.s32 $0xFFFFFF80  }
0xec: {  	_ =	swait.ge [sflag:s28], $0x80  }
0xed: {  	[sflag:s28] =	ssyncset.done $0x0  }
0xee: {  	[sflag:s28] =	ssyncadd.s32 $0xFFFFFF80  }
0xef: {  	_ =	swait.ge [sflag:s28], $0x80  }
0xf0: {  	[sflag:s28] =	ssyncset.done $0x0  }
0xf1: {  	[sflag:s28] =	ssyncadd.s32 $0xFFFFFF80  }
0xf2: {  	_ =	swait.ge [sflag:s28], $0x80  }
0xf3: {  	[sflag:s28] =	ssyncset.done $0x0  }
0xf4: {  	[sflag:s28] =	ssyncadd.s32 $0xFFFFFF80  }
0xf5: {  	_ =	swait.ge [sflag:s28], $0x80  }
0xf6: {  	[sflag:s28] =	ssyncset.done $0x0  }
0xf7: {  	[sflag:s28] =	ssyncadd.s32 $0xFFFFFF80  }
0xf8: {  	_ =	swait.ge [sflag:s28], $0x80  }
0xf9: {  	[sflag:s28] =	ssyncset.done $0x0  }
0xfa: {  	[sflag:s28] =	ssyncadd.s32 $0xFFFFFF80  }
0xfb: {  	[spmem:s4] =	stream.indirect.scatter.add.f32 [tilespmem:s11], [sflag:$0x2], $0x1, s29, s29, $0xb8;
	[tilespmem:$0x8690] =	vst v63  }
0xfc: {  	s1 =	simm.s32 $0x100  }
0xfd: {  	[spmem:s4] =	stream.indirect.scatter.add.f32 [tilespmem:s12], [sflag:$0x2], $0x1, s1, s29, $0xb8;
	[tilespmem:$0x8690] =	vst v63  }
0xfe: {  	s1 =	simm.s32 $0x180  }
0xff: {  	[spmem:s4] =	stream.indirect.scatter.add.f32 [tilespmem:s13], [sflag:$0x2], $0x1, s1, s29, $0xb8;
	[tilespmem:$0x8690] =	vst v63  }
0x100: {  	s1 =	simm.s32 $0x200  }
0x101: {  	[spmem:s4] =	stream.indirect.scatter.add.f32 [tilespmem:s14], [sflag:$0x2], $0x1, s1, s29, $0xb8;
	[tilespmem:$0x8690] =	vst v63  }
0x102: {  	s1 =	simm.s32 $0x280  }
0x103: {  	[spmem:s4] =	stream.indirect.scatter.add.f32 [tilespmem:s15], [sflag:$0x2], $0x1, s1, s29, $0xb8;
	[tilespmem:$0x8690] =	vst v63  }
0x104: {  	s1 =	simm.s32 $0x300  }
0x105: {  	[spmem:s4] =	stream.indirect.scatter.add.f32 [tilespmem:s16], [sflag:$0x2], $0x1, s1, s29, $0xb8;
	[tilespmem:$0x8690] =	vst v63  }
0x106: {  	s1 =	simm.s32 $0x380  }
0x107: {  	[spmem:s4] =	stream.indirect.scatter.add.f32 [tilespmem:s17], [sflag:$0x2], $0x1, s1, s29, $0xb8;
	[tilespmem:$0x8690] =	vst v63  }
0x108: {  	s1 =	simm.s32 $0x400  }
0x109: {  	[spmem:s4] =	stream.indirect.scatter.add.f32 [tilespmem:s18], [sflag:$0x2], $0x1, s1, s29, $0xb8;
	[tilespmem:$0x8690] =	vst v63  }
0x10a: {  	s1 =	simm.s32 $0x480  }
0x10b: {  	[spmem:s4] =	stream.indirect.scatter.add.f32 [tilespmem:s19], [sflag:$0x2], $0x1, s1, s29, $0xb8;
	[tilespmem:$0x8690] =	vst v63  }
0x10c: {  	s1 =	simm.s32 $0x500  }
0x10d: {  	[spmem:s4] =	stream.indirect.scatter.add.f32 [tilespmem:s20], [sflag:$0x2], $0x1, s1, s29, $0xb8;
	[tilespmem:$0x8690] =	vst v63  }
0x10e: {  	s1 =	simm.s32 $0x580  }
0x10f: {  	[spmem:s4] =	stream.indirect.scatter.add.f32 [tilespmem:s21], [sflag:$0x2], $0x1, s1, s29, $0xb8;
	[tilespmem:$0x8690] =	vst v63  }
0x110: {  	s1 =	simm.s32 $0x600  }
0x111: {  	[spmem:s4] =	stream.indirect.scatter.add.f32 [tilespmem:s22], [sflag:$0x2], $0x1, s1, s29, $0xb8;
	[tilespmem:$0x8690] =	vst v63  }
0x112: {  	s1 =	simm.s32 $0x680  }
0x113: {  	[spmem:s4] =	stream.indirect.scatter.add.f32 [tilespmem:s23], [sflag:$0x2], $0x1, s1, s29, $0xb8;
	[tilespmem:$0x8690] =	vst v63  }
0x114: {  	_ = 	snop  }
0x115: {  	[spmem:s4] =	stream.indirect.scatter.add.f32 [tilespmem:s24], [sflag:$0x2], $0x1, s2, s29, $0xb8;
	[tilespmem:$0x8690] =	vst v63  }
0x116: {  	_ = 	snop  }
0x117: {  	[spmem:s4] =	stream.indirect.scatter.add.f32 [tilespmem:s25], [sflag:$0x2], $0x1, s3, s29, $0xb8;
	[tilespmem:$0x8690] =	vst v63  }
0x118: {  	_ = 	snop  }
0x119: {  	[spmem:s4] =	stream.indirect.scatter.add.f32 [tilespmem:s26], [sflag:$0x2], $0x1, s5, s29, $0xb8;
	[tilespmem:$0x8690] =	vst v63  }
0x11a: {  	_ =	swait.ge [sflag:s6], $0x80  }
0x11b: {  	[sflag:s6] =	ssyncset.done $0x0  }
0x11c: {  	[sflag:s6] =	ssyncadd.s32 $0xFFFFFF80  }
0x11d: {  	_ =	swait.ge [sflag:s6], $0x80  }
0x11e: {  	[sflag:s6] =	ssyncset.done $0x0  }
0x11f: {  	[sflag:s6] =	ssyncadd.s32 $0xFFFFFF80  }
0x120: {  	_ =	swait.ge [sflag:s6], $0x80  }
0x121: {  	[sflag:s6] =	ssyncset.done $0x0  }
0x122: {  	[sflag:s6] =	ssyncadd.s32 $0xFFFFFF80  }
0x123: {  	_ =	swait.ge [sflag:s6], $0x80  }
0x124: {  	[sflag:s6] =	ssyncset.done $0x0  }
0x125: {  	[sflag:s6] =	ssyncadd.s32 $0xFFFFFF80  }
0x126: {  	_ =	swait.ge [sflag:s6], $0x80  }
0x127: {  	[sflag:s6] =	ssyncset.done $0x0  }
0x128: {  	[sflag:s6] =	ssyncadd.s32 $0xFFFFFF80  }
0x129: {  	_ =	swait.ge [sflag:s6], $0x80  }
0x12a: {  	[sflag:s6] =	ssyncset.done $0x0  }
0x12b: {  	[sflag:s6] =	ssyncadd.s32 $0xFFFFFF80  }
0x12c: {  	_ =	swait.ge [sflag:s6], $0x80  }
0x12d: {  	[sflag:s6] =	ssyncset.done $0x0  }
0x12e: {  	[sflag:s6] =	ssyncadd.s32 $0xFFFFFF80  }
0x12f: {  	_ =	swait.ge [sflag:s6], $0x80  }
0x130: {  	[sflag:s6] =	ssyncset.done $0x0  }
0x131: {  	[sflag:s6] =	ssyncadd.s32 $0xFFFFFF80  }
0x132: {  	_ =	swait.ge [sflag:s6], $0x80  }
0x133: {  	[sflag:s6] =	ssyncset.done $0x0  }
0x134: {  	[sflag:s6] =	ssyncadd.s32 $0xFFFFFF80  }
0x135: {  	_ =	swait.ge [sflag:s6], $0x80  }
0x136: {  	[sflag:s6] =	ssyncset.done $0x0  }
0x137: {  	[sflag:s6] =	ssyncadd.s32 $0xFFFFFF80  }
0x138: {  	_ =	swait.ge [sflag:s6], $0x80  }
0x139: {  	[sflag:s6] =	ssyncset.done $0x0  }
0x13a: {  	[sflag:s6] =	ssyncadd.s32 $0xFFFFFF80  }
0x13b: {  	_ =	swait.ge [sflag:s6], $0x80  }
0x13c: {  	[sflag:s6] =	ssyncset.done $0x0  }
0x13d: {  	[sflag:s6] =	ssyncadd.s32 $0xFFFFFF80  }
0x13e: {  	_ =	swait.ge [sflag:s6], $0x80  }
0x13f: {  	[sflag:s6] =	ssyncset.done $0x0  }
0x140: {  	[sflag:s6] =	ssyncadd.s32 $0xFFFFFF80  }
0x141: {  	_ =	swait.ge [sflag:s6], $0x80  }
0x142: {  	[sflag:s6] =	ssyncset.done $0x0  }
0x143: {  	[sflag:s6] =	ssyncadd.s32 $0xFFFFFF80  }
0x144: {  	_ =	swait.ge [sflag:s6], $0x80  }
.Ltmp4:
0x145: {  	[sflag:s6] =	ssyncset.done $0x0;
	(pc) =	sbr.rel .LBB2_5-.Ltmp4, $4  }
0x146: {  	[sflag:s6] =	ssyncadd.s32 $0xFFFFFF80  }
0x147: {  	_ =	swait.ge [sflag:s6], $0x80  }
0x148: {  	[sflag:s6] =	ssyncset.done $0x0  }
0x149: {  	[sflag:s6] =	ssyncadd.s32 $0xFFFFFF80  }
.LBB2_6:
0x14a: {  	[bflag:$0x0] =	sbarrier.arrive $0xFFFF  }
0x14b: {  	s0 =	simm.s32 $0x1080;
	s30 =	simm.s32 $0x3;
	s1 =	rddreg [dreg:$0x6]  }
0x14c: {  	[tilespmem:s0], [sflag:$0x3] =	stream.linear.gather [spmem:s1], $0x2710, $0x38;
	[tilespmem:$0x8690] =	vst v63  }
0x14d: {  	s3 =	simm.s32 $0x0;
	s31 =	rddreg [dreg:$0x5];
	_ =	swait.ge [sflag:s30], $0x2710  }
0x14e: {  	s0 =	sshrl.u32 s31, $0x3;
	s2 =	rddreg [dreg:$0x4];
	[sflag:s30] =	ssyncset.done $0x0  }
0x14f: {  	s4 =	simm.s32 $0x3800;
	s2 =	sadd.s32 s2, s0;
	[sflag:s30] =	ssyncadd.s32 $0xFFFFD8F0  }
0x150: {  	[tilespmem:s4], [sflag:$0x3] =	stream.linear.gather [hbm4b:s2+s3], $0x2710, $0x38;
	[tilespmem:$0x8690] =	vst v63  }
0x151: {  	_ =	swait.ge [sflag:s30], $0x2710  }
0x152: {  	[sflag:s30] =	ssyncset.done $0x0  }
0x153: {  	s1 =	simm.s32 $0x0;
	[sflag:s30] =	ssyncadd.s32 $0xFFFFD8F0  }
0x154: {  	s2 =	simm.s32 $0x40;
	v0 =	vld [tilespmem:s1+$0x3800]  }
.LBB2_7:
0x155: {  	p0 =	sne.s32 s2, $0x9C00;
	v1 =	vld [tilespmem:s1+$0x1080];
	_ =	sdelay $0x3  }
.Ltmp5:
0x156: {  	(pc) =	sbr.rel @p0 .LBB2_7-.Ltmp5, $3  }
0x157: {  	v0 =	vadd.f32 v0, v1;
	_ =	sdelay $0x1  }
0x158: {  	s3 =	sshra.s32 s2, $0x2;
	v1 =	vmax.f32 v0, $0.0e+00  }
0x159: {  	s2 =	sadd.s32 $0x40, s2;
	v0 =	vld [tilespmem:s3+$0x3800];
	[tilespmem:s1+$0x1080] =	vst v1;
	s1 =	smov.u32 s3  }
0x15a: {  	v1 =	vld [tilespmem:s1+$0x1080];
	_ =	sdelay $0x4  }
0x15b: {  	v0 =	vadd.f32 v0, v1;
	_ =	sdelay $0x1  }
0x15c: {  	s28 =	rddreg [dreg:$0x3];
	s29 =	simm.s32 $0x0;
	v0 =	vmax.f32 v0, $0.0e+00  }
0x15d: {  	s2 =	simm.s32 $0x1080;
	s30 =	simm.s32 $0x3;
	s0 =	sadd.s32 s28, s0;
	[tilespmem:s1+$0x1080] =	vst v0  }
0x15e: {  	[hbm4b:s0+s29] =	stream.linear.scatter [tilespmem:s2], [sflag:$0x3], $0x2710, $0x38;
	[tilespmem:$0x8690] =	vst v63  }
0x15f: {  	_ =	swait.ge [sflag:s30], $0x2710  }
0x160: {  	[sflag:s30] =	ssyncset.done $0x0  }
0x161: {  	[sflag:s30] =	ssyncadd.s32 $0xFFFFD8F0  }
0x162: {  	_ =	sfence.sel $0x180000  }
0x163: {  	[bflag:$0x0] =	sbarrier.arrive $0xFFFF  }
0x164: {  	_ =	strace $0x9000004A  }
0x165: {  	s31 =	stileid.u32;
	[bflag:$0x2] =	sbarrier.arrive $0xFFFF  }
0x166: {  	p0 =	sne.s32 s31, $0x0;
	s0 =	rddreg [dreg:$0x2]  }
0x167: {  	s0 =	sadd.s32 @!p0 $0x100000, s0  }
0x168: {  	[sflag:s0] =	ssyncadd.tile.s32 @!p0 $0x1;
	_ =	shalt  }
.Lfunc_end2:
_tile_overlayer_lowered:
.L_overlay_start_2:
0x169: {  	(tag) =	ssettag $0x2  }
0x16a: {  	s0 =	rddreg [dreg:$0x0];
	s2 =	stileid.u32  }
0x16b: {  	s1 =	rddreg [dreg:$0x1];
	p0 =	sne.s32 s2, $0x0  }
0x16c: {  	s3 =	rddreg [dreg:$0x2];
	[bflag:$0x3] =	sbarrier.arrive $0xFFFF;
	s2 =	simm.s32 @!p0 $0x1C03  }
0x16d: {  	[timem:s3], [sflag:s2] =	dma.local @!p0 [hbm:s0], s1  }
0x16e: {  	s0 =	simm.s32 @!p0 $0x3  }
0x16f: {  	_ =	swait.ge @!p0 [sflag:s0], s1  }
0x170: {  	s1 =	ssub.s32 @!p0 $0x0, s1;
	[sflag:s0] =	ssyncset.done @!p0 $0x0  }
0x171: {  	[sflag:s0] =	ssyncadd.s32 @!p0 s1  }
0x172: {  	[bflag:$0x3] =	sbarrier.arrive $0xFFFF  }
0x173: {  	_ =	shalt  }

</sc_bundles>
